<compile_context>
chip_gen: v7x
topology: tpu7x:2x2x1
jax: 0.10.2.dev20260603
libtpu: 0.0.44.dev20260713+nightly
codegen_flags: <defaults>
</compile_context>

<pallas_src>
import functools

import jax
import jax.numpy as jnp
from jax import lax
from jax.experimental import pallas as pl
from jax.experimental.pallas import tpu as pltpu
from jax.experimental.pallas import tpu_sc as plsc

SEQ = 200
DIM = 64
LANES = 128
NWORKERS = 32
NBUF = 4


@functools.lru_cache(maxsize=None)
def _build(batch):
    bcols = batch // LANES
    mesh = plsc.VectorSubcoreMesh(core_axis_name="c", subcore_axis_name="s")
    info = plsc.get_sparse_core_info()
    nc = info.num_cores

    @functools.partial(
        pl.kernel,
        out_type=jax.ShapeDtypeStruct((SEQ, DIM, batch), jnp.float32),
        mesh=mesh,
        scratch_types=[
            pltpu.VMEM((NBUF, LANES), jnp.int32),
            pltpu.VMEM((NBUF, LANES, LANES), jnp.float32),
            pltpu.VMEM((NBUF, DIM, LANES), jnp.float32),
            pltpu.VMEM((SEQ * DIM,), jnp.float32),
            pltpu.VMEM((DIM * (LANES + 1),), jnp.float32),
            [pltpu.SemaphoreType.DMA] * NBUF,
            [pltpu.SemaphoreType.DMA] * NBUF,
            [pltpu.SemaphoreType.DMA] * NBUF,
        ],
        compiler_params=pltpu.CompilerParams(use_tc_tiling_on_sc=True,
                                             needs_layout_passes=False),
    )
    def emb(idx_hbm, tok_hbm, pos_hbm, out_hbm, idx_v, rows_v, out_v,
            pos_v, t_v, si, sg, sw):
        w = lax.axis_index("s") * nc + lax.axis_index("c")
        pltpu.sync_copy(pos_hbm, pos_v)
        lane = lax.iota(jnp.int32, 16)
        lane_pitch = lane * (LANES + 1)

        def fire_idx(s, b):
            pltpu.async_copy(idx_hbm.at[s // 8, w, s % 8], idx_v.at[b], si[b])

        def wait_idx(b):
            pltpu.make_async_copy(idx_hbm.at[0, w, 0], idx_v.at[b],
                                  si[b]).wait()

        def fire_gather(b):
            for q in range(4):
                pltpu.async_copy(tok_hbm.at[idx_v.at[b].at[pl.ds(q * 32, 32)]],
                                 rows_v.at[b].at[pl.ds(q * 32, 32)], sg[b])

        def drain_gather(b):
            for q in range(4):
                pltpu.make_async_copy(
                    tok_hbm.at[idx_v.at[b].at[pl.ds(q * 32, 32)]],
                    rows_v.at[b].at[pl.ds(q * 32, 32)], sg[b]).wait()

        def compute(s, b):
            pbase = s * DIM
            pvecs = tuple(pos_v[pl.ds(pbase + dg * 16, 16)]
                          for dg in range(DIM // 16))

            abases = tuple(lane_pitch + (dg * 16 * (LANES + 1))
                           for dg in range(DIM // 16))

            def brow(bi, cr):
                pv = cr[:DIM // 16]
                ab = cr[DIM // 16:]
                loads = [rows_v[b, bi, pl.ds(dg * 16, 16)]
                         for dg in range(DIM // 16)]
                addrs = [ab[dg] + bi for dg in range(DIM // 16)]
                sums = [loads[dg] + pv[dg] for dg in range(DIM // 16)]
                for dg in range(DIM // 16):
                    plsc.store_scatter(t_v, [addrs[dg]], sums[dg])
                return cr

            lax.fori_loop(0, LANES, brow, pvecs + abases, unroll=4)

            def tload(d):
                base = d * (LANES + 1)
                return tuple(t_v[pl.ds(base + bg * 16, 16)]
                             for bg in range(8))

            def drow(d, carried):
                for bg in range(8):
                    out_v[b, d, pl.ds(bg * 16, 16)] = carried[bg]
                return tload(d + 1)

            last = lax.fori_loop(0, DIM - 1, drow, tload(0), unroll=2)
            for bg in range(8):
                out_v[b, DIM - 1, pl.ds(bg * 16, 16)] = last[bg]

        def fire_wb(s, b):
            pltpu.async_copy(out_v.at[b],
                             out_hbm.at[s, :, pl.ds(w * LANES, LANES)], sw[b])

        def wait_wb(b):
            pltpu.make_async_copy(out_v.at[b],
                                  out_hbm.at[0, :, pl.ds(w * LANES, LANES)],
                                  sw[b]).wait()

        for b in range(NBUF - 1):
            fire_idx(b, b)
        for b in range(NBUF - 2):
            wait_idx(b)
            fire_gather(b)

        def body(k, carry):
            for b in range(NBUF):
                s = NBUF * k + b

                @pl.when(s + NBUF - 1 < SEQ)
                def _prefetch_idx():
                    fire_idx(s + NBUF - 1, (b + NBUF - 1) % NBUF)

                @pl.when(s + NBUF - 2 < SEQ)
                def _start_gather():
                    wait_idx((b + NBUF - 2) % NBUF)
                    fire_gather((b + NBUF - 2) % NBUF)

                @pl.when(s >= NBUF)
                def _reclaim_out():
                    wait_wb(b)

                drain_gather(b)
                compute(s, b)
                fire_wb(s, b)
            return carry

        lax.fori_loop(0, SEQ // NBUF, body, 0)
        for b in range(NBUF):
            wait_wb(b)

    return emb


def kernel(inputs, token_table, position_table):
    batch, seq = inputs.shape
    dim = token_table.shape[1]
    idx4 = (inputs.astype(jnp.int32).T
            .reshape(seq // 8, 8, batch // LANES, LANES)
            .transpose(0, 2, 1, 3))
    tok_p = jnp.pad(token_table, ((0, 0), (0, LANES - dim)))
    pos_flat = position_table.reshape(seq * dim)
    outt = _build(batch)(idx4, tok_p, pos_flat)
    return outt.transpose(2, 0, 1)

# --- scband reference (transcript-rebuilt; emitter-appended) ---
"""Pipeline reference for scband-token-and-position-embedding-61589831024768 (READ-ONLY COPY).

The authoritative reference and input builder live on the scoring server;
editing this copy changes nothing except your own understanding.
"""

import jax, jax.numpy as jnp
import numpy as np

VOCAB = 1000000
SEQ_LEN = 200
EMBED_DIM = 64
BATCH = 4096

def setup_inputs(seed: int = 0) -> dict:
    key = jax.random.key(seed)
    k1, k2, k3 = jax.random.split(key, 3)
    inputs = jax.random.randint(k1, (BATCH, SEQ_LEN), 0, VOCAB, dtype=jnp.int64 if jax.config.jax_enable_x64 else jnp.int32)
    # glorot_uniform-ish init for embedding tables
    limit_tok = float(np.sqrt(6.0 / (VOCAB + EMBED_DIM)))
    token_table = jax.random.uniform(k2, (VOCAB, EMBED_DIM), minval=-limit_tok, maxval=limit_tok, dtype=jnp.float32)
    limit_pos = float(np.sqrt(6.0 / (SEQ_LEN + EMBED_DIM)))
    position_table = jax.random.uniform(k3, (SEQ_LEN, EMBED_DIM), minval=-limit_pos, maxval=limit_pos, dtype=jnp.float32)
    return {"inputs": inputs, "token_table": token_table, "position_table": position_table}

def reference(inputs, token_table, position_table):
    # token embedding: gather rows from token table
    embedded_tokens = jnp.take(token_table, inputs, axis=0)  # [B, S, D]
    # position embedding: broadcast position table over batch (keras_nlp PositionEmbedding
    # returns the first seq_len rows of its table, broadcast against the input)
    embedded_positions = position_table[: inputs.shape[1]][None, :, :]  # [1, S, D]
    outputs = embedded_tokens + embedded_positions
    return outputs

if __name__ == "__main__":
    import jax
    _d = setup_inputs()
    print(jax.jit(kernel)(*tuple(_d.values())))

</pallas_src>

<mosaic_0001>
#map = affine_map<(d0, d1) -> (0, 0, 0, 0)>
#map1 = affine_map<(d0, d1) -> (0, 0)>
#map2 = affine_map<(d0, d1) -> (0)>
#map3 = affine_map<(d0, d1) -> (0, 0, 0)>
module attributes {stable_mosaic.version = 14 : i64} {
  func.func @emb(%arg0: i32, %arg1: i32, %arg2: memref<25x32x8x128xi32, #tpu.memory_space<hbm>>, %arg3: memref<1000000x128xf32, #tpu.memory_space<hbm>>, %arg4: memref<12800xf32, #tpu.memory_space<hbm>>, %arg5: memref<200x64x4096xf32, #tpu.memory_space<hbm>>, %arg6: memref<4x128xi32, #tpu.memory_space<vmem>>, %arg7: memref<4x128x128xf32, #tpu.memory_space<vmem>>, %arg8: memref<4x64x128xf32, #tpu.memory_space<vmem>>, %arg9: memref<12800xf32, #tpu.memory_space<vmem>>, %arg10: memref<8256xf32, #tpu.memory_space<vmem>>, %arg11: memref<!tpu.dma_semaphore, #tpu.memory_space<semaphore_mem>>, %arg12: memref<!tpu.dma_semaphore, #tpu.memory_space<semaphore_mem>>, %arg13: memref<!tpu.dma_semaphore, #tpu.memory_space<semaphore_mem>>, %arg14: memref<!tpu.dma_semaphore, #tpu.memory_space<semaphore_mem>>, %arg15: memref<!tpu.dma_semaphore, #tpu.memory_space<semaphore_mem>>, %arg16: memref<!tpu.dma_semaphore, #tpu.memory_space<semaphore_mem>>, %arg17: memref<!tpu.dma_semaphore, #tpu.memory_space<semaphore_mem>>, %arg18: memref<!tpu.dma_semaphore, #tpu.memory_space<semaphore_mem>>, %arg19: memref<!tpu.dma_semaphore, #tpu.memory_space<semaphore_mem>>, %arg20: memref<!tpu.dma_semaphore, #tpu.memory_space<semaphore_mem>>, %arg21: memref<!tpu.dma_semaphore, #tpu.memory_space<semaphore_mem>>, %arg22: memref<!tpu.dma_semaphore, #tpu.memory_space<semaphore_mem>>) attributes {dimension_semantics = [#tpu.dimension_semantics<core_parallel>, #tpu.dimension_semantics<subcore_parallel>], iteration_bounds = array<i64: 2, 16>, scalar_prefetch = 0 : i64, scratch_operands = 17 : i64, tpu.core_type = #tpu.core_type<sc_vector_subcore>, window_params = [{transform_indices = #map}, {transform_indices = #map1}, {transform_indices = #map2}, {transform_indices = #map3}]} {
    %mul3A = arith.constant 2 : i32
    %mul3A_0 = arith.muli %arg1, %mul3A : i32
    %add3A = arith.addi %mul3A_0, %arg0 : i32
    "tpu.region"() ({
      %run_scoped3A = tpu.sem_alloc : memref<!tpu.dma_semaphore, #tpu.memory_space<semaphore_mem>>
      tpu.enqueue_dma source(%arg4 : memref<12800xf32, #tpu.memory_space<hbm>>) target(%arg9 : memref<12800xf32, #tpu.memory_space<vmem>>) target_semaphore(%run_scoped3A : memref<!tpu.dma_semaphore, #tpu.memory_space<semaphore_mem>>)
      tpu.wait_dma2 semaphore(%run_scoped3A : memref<!tpu.dma_semaphore, #tpu.memory_space<semaphore_mem>>) src(%arg4 : memref<12800xf32, #tpu.memory_space<hbm>>) dst(%arg9 : memref<12800xf32, #tpu.memory_space<vmem>>)
      tpu.yield
    }) : () -> ()
    %iota3A = tpu.iota {dimensions = array<i32: 0>} : vector<16xi32>
    %mul3A_1 = arith.constant 129 : i32
    %mul3A_2 = vector.broadcast %mul3A_1 : i32 to vector<16xi32>
    %mul3A_3 = arith.muli %iota3A, %mul3A_2 : vector<16xi32>
    %dma_start3A = arith.constant 0 : i32
    %dma_start3A_4 = arith.constant 0 : i32
    %dma_start3A_5 = arith.constant 0 : i32
    %dma_start3A_6 = arith.constant 0 : i32
    %dma_start3A_7 = tpu.memref_slice %arg6[%dma_start3A_5, %dma_start3A_6] : memref<4x128xi32, #tpu.memory_space<vmem>> -> memref<1x128xi32, #tpu.memory_space<vmem>>
    %dma_start3A_8 = tpu.memref_squeeze %dma_start3A_7 : memref<1x128xi32, #tpu.memory_space<vmem>> -> memref<128xi32, #tpu.memory_space<vmem>>
    %dma_start3A_9 = arith.constant 0 : i32
    %dma_start3A_10 = tpu.memref_slice %arg2[%dma_start3A, %add3A, %dma_start3A_4, %dma_start3A_9] : memref<25x32x8x128xi32, #tpu.memory_space<hbm>> -> memref<1x1x1x128xi32, #tpu.memory_space<hbm>>
    %dma_start3A_11 = tpu.memref_squeeze %dma_start3A_10 : memref<1x1x1x128xi32, #tpu.memory_space<hbm>> -> memref<128xi32, #tpu.memory_space<hbm>>
    %dma_start3A_12 = arith.constant 0 : i32
    %dma_start3A_13 = tpu.memref_slice %arg6[%dma_start3A_5, %dma_start3A_12] : memref<4x128xi32, #tpu.memory_space<vmem>> -> memref<1x128xi32, #tpu.memory_space<vmem>>
    %dma_start3A_14 = tpu.memref_squeeze %dma_start3A_13 : memref<1x128xi32, #tpu.memory_space<vmem>> -> memref<128xi32, #tpu.memory_space<vmem>>
    %dma_start3A_15 = arith.constant 0 : i32
    %dma_start3A_16 = tpu.memref_slice %arg2[%dma_start3A, %add3A, %dma_start3A_4, %dma_start3A_15] : memref<25x32x8x128xi32, #tpu.memory_space<hbm>> -> memref<1x1x1x128xi32, #tpu.memory_space<hbm>>
    %dma_start3A_17 = tpu.memref_squeeze %dma_start3A_16 : memref<1x1x1x128xi32, #tpu.memory_space<hbm>> -> memref<128xi32, #tpu.memory_space<hbm>>
    tpu.enqueue_dma source(%dma_start3A_17 : memref<128xi32, #tpu.memory_space<hbm>>) target(%dma_start3A_14 : memref<128xi32, #tpu.memory_space<vmem>>) target_semaphore(%arg11 : memref<!tpu.dma_semaphore, #tpu.memory_space<semaphore_mem>>)
    %dma_start3A_18 = arith.constant 0 : i32
    %dma_start3A_19 = arith.constant 1 : i32
    %dma_start3A_20 = arith.constant 1 : i32
    %dma_start3A_21 = arith.constant 0 : i32
    %dma_start3A_22 = tpu.memref_slice %arg6[%dma_start3A_20, %dma_start3A_21] : memref<4x128xi32, #tpu.memory_space<vmem>> -> memref<1x128xi32, #tpu.memory_space<vmem>>
    %dma_start3A_23 = tpu.memref_squeeze %dma_start3A_22 : memref<1x128xi32, #tpu.memory_space<vmem>> -> memref<128xi32, #tpu.memory_space<vmem>>
    %dma_start3A_24 = arith.constant 0 : i32
    %dma_start3A_25 = tpu.memref_slice %arg2[%dma_start3A_18, %add3A, %dma_start3A_19, %dma_start3A_24] : memref<25x32x8x128xi32, #tpu.memory_space<hbm>> -> memref<1x1x1x128xi32, #tpu.memory_space<hbm>>
    %dma_start3A_26 = tpu.memref_squeeze %dma_start3A_25 : memref<1x1x1x128xi32, #tpu.memory_space<hbm>> -> memref<128xi32, #tpu.memory_space<hbm>>
    %dma_start3A_27 = arith.constant 0 : i32
    %dma_start3A_28 = tpu.memref_slice %arg6[%dma_start3A_20, %dma_start3A_27] : memref<4x128xi32, #tpu.memory_space<vmem>> -> memref<1x128xi32, #tpu.memory_space<vmem>>
    %dma_start3A_29 = tpu.memref_squeeze %dma_start3A_28 : memref<1x128xi32, #tpu.memory_space<vmem>> -> memref<128xi32, #tpu.memory_space<vmem>>
    %dma_start3A_30 = arith.constant 0 : i32
    %dma_start3A_31 = tpu.memref_slice %arg2[%dma_start3A_18, %add3A, %dma_start3A_19, %dma_start3A_30] : memref<25x32x8x128xi32, #tpu.memory_space<hbm>> -> memref<1x1x1x128xi32, #tpu.memory_space<hbm>>
    %dma_start3A_32 = tpu.memref_squeeze %dma_start3A_31 : memref<1x1x1x128xi32, #tpu.memory_space<hbm>> -> memref<128xi32, #tpu.memory_space<hbm>>
    tpu.enqueue_dma source(%dma_start3A_32 : memref<128xi32, #tpu.memory_space<hbm>>) target(%dma_start3A_29 : memref<128xi32, #tpu.memory_space<vmem>>) target_semaphore(%arg12 : memref<!tpu.dma_semaphore, #tpu.memory_space<semaphore_mem>>)
    %dma_start3A_33 = arith.constant 0 : i32
    %dma_start3A_34 = arith.constant 2 : i32
    %dma_start3A_35 = arith.constant 2 : i32
    %dma_start3A_36 = arith.constant 0 : i32
    %dma_start3A_37 = tpu.memref_slice %arg6[%dma_start3A_35, %dma_start3A_36] : memref<4x128xi32, #tpu.memory_space<vmem>> -> memref<1x128xi32, #tpu.memory_space<vmem>>
    %dma_start3A_38 = tpu.memref_squeeze %dma_start3A_37 : memref<1x128xi32, #tpu.memory_space<vmem>> -> memref<128xi32, #tpu.memory_space<vmem>>
    %dma_start3A_39 = arith.constant 0 : i32
    %dma_start3A_40 = tpu.memref_slice %arg2[%dma_start3A_33, %add3A, %dma_start3A_34, %dma_start3A_39] : memref<25x32x8x128xi32, #tpu.memory_space<hbm>> -> memref<1x1x1x128xi32, #tpu.memory_space<hbm>>
    %dma_start3A_41 = tpu.memref_squeeze %dma_start3A_40 : memref<1x1x1x128xi32, #tpu.memory_space<hbm>> -> memref<128xi32, #tpu.memory_space<hbm>>
    %dma_start3A_42 = arith.constant 0 : i32
    %dma_start3A_43 = tpu.memref_slice %arg6[%dma_start3A_35, %dma_start3A_42] : memref<4x128xi32, #tpu.memory_space<vmem>> -> memref<1x128xi32, #tpu.memory_space<vmem>>
    %dma_start3A_44 = tpu.memref_squeeze %dma_start3A_43 : memref<1x128xi32, #tpu.memory_space<vmem>> -> memref<128xi32, #tpu.memory_space<vmem>>
    %dma_start3A_45 = arith.constant 0 : i32
    %dma_start3A_46 = tpu.memref_slice %arg2[%dma_start3A_33, %add3A, %dma_start3A_34, %dma_start3A_45] : memref<25x32x8x128xi32, #tpu.memory_space<hbm>> -> memref<1x1x1x128xi32, #tpu.memory_space<hbm>>
    %dma_start3A_47 = tpu.memref_squeeze %dma_start3A_46 : memref<1x1x1x128xi32, #tpu.memory_space<hbm>> -> memref<128xi32, #tpu.memory_space<hbm>>
    tpu.enqueue_dma source(%dma_start3A_47 : memref<128xi32, #tpu.memory_space<hbm>>) target(%dma_start3A_44 : memref<128xi32, #tpu.memory_space<vmem>>) target_semaphore(%arg13 : memref<!tpu.dma_semaphore, #tpu.memory_space<semaphore_mem>>)
    %dma_wait3A = arith.constant 0 : i32
    %dma_wait3A_48 = arith.constant 0 : i32
    %dma_wait3A_49 = arith.constant 0 : i32
    %dma_wait3A_50 = arith.constant 0 : i32
    %dma_wait3A_51 = tpu.memref_slice %arg6[%dma_wait3A_49, %dma_wait3A_50] : memref<4x128xi32, #tpu.memory_space<vmem>> -> memref<1x128xi32, #tpu.memory_space<vmem>>
    %dma_wait3A_52 = tpu.memref_squeeze %dma_wait3A_51 : memref<1x128xi32, #tpu.memory_space<vmem>> -> memref<128xi32, #tpu.memory_space<vmem>>
    %dma_wait3A_53 = arith.constant 0 : i32
    %dma_wait3A_54 = tpu.memref_slice %arg2[%dma_wait3A, %add3A, %dma_wait3A_48, %dma_wait3A_53] : memref<25x32x8x128xi32, #tpu.memory_space<hbm>> -> memref<1x1x1x128xi32, #tpu.memory_space<hbm>>
    %dma_wait3A_55 = tpu.memref_squeeze %dma_wait3A_54 : memref<1x1x1x128xi32, #tpu.memory_space<hbm>> -> memref<128xi32, #tpu.memory_space<hbm>>
    %dma_wait3A_56 = arith.constant 0 : i32
    %dma_wait3A_57 = tpu.memref_slice %arg6[%dma_wait3A_49, %dma_wait3A_56] : memref<4x128xi32, #tpu.memory_space<vmem>> -> memref<1x128xi32, #tpu.memory_space<vmem>>
    %dma_wait3A_58 = tpu.memref_squeeze %dma_wait3A_57 : memref<1x128xi32, #tpu.memory_space<vmem>> -> memref<128xi32, #tpu.memory_space<vmem>>
    %dma_wait3A_59 = arith.constant 0 : i32
    %dma_wait3A_60 = tpu.memref_slice %arg2[%dma_wait3A, %add3A, %dma_wait3A_48, %dma_wait3A_59] : memref<25x32x8x128xi32, #tpu.memory_space<hbm>> -> memref<1x1x1x128xi32, #tpu.memory_space<hbm>>
    %dma_wait3A_61 = tpu.memref_squeeze %dma_wait3A_60 : memref<1x1x1x128xi32, #tpu.memory_space<hbm>> -> memref<128xi32, #tpu.memory_space<hbm>>
    tpu.wait_dma2 semaphore(%arg11 : memref<!tpu.dma_semaphore, #tpu.memory_space<semaphore_mem>>) src(%dma_wait3A_61 : memref<128xi32, #tpu.memory_space<hbm>>) dst(%dma_wait3A_58 : memref<128xi32, #tpu.memory_space<vmem>>)
    %dma_start3A_62 = arith.constant 0 : i32
    %dma_start3A_63 = arith.constant 0 : i32
    %dma_start3A_64 = arith.constant 0 : i32
    %dma_start3A_65 = arith.constant 0 : i32
    %dma_start3A_66 = tpu.memref_slice %arg7[%dma_start3A_63, %dma_start3A_64, %dma_start3A_65] : memref<4x128x128xf32, #tpu.memory_space<vmem>> -> memref<1x128x128xf32, #tpu.memory_space<vmem>>
    %dma_start3A_67 = tpu.memref_squeeze %dma_start3A_66 : memref<1x128x128xf32, #tpu.memory_space<vmem>> -> memref<128x128xf32, #tpu.memory_space<vmem>>
    %dma_start3A_68 = arith.constant 0 : i32
    %dma_start3A_69 = arith.constant 0 : i32
    %dma_start3A_70 = tpu.memref_slice %dma_start3A_67[%dma_start3A_68, %dma_start3A_69] : memref<128x128xf32, #tpu.memory_space<vmem>> -> memref<32x128xf32, #tpu.memory_space<vmem>>
    %dma_start3A_71 = arith.constant 0 : i32
    %dma_start3A_72 = tpu.memref_slice %arg6[%dma_start3A_62, %dma_start3A_71] : memref<4x128xi32, #tpu.memory_space<vmem>> -> memref<1x128xi32, #tpu.memory_space<vmem>>
    %dma_start3A_73 = tpu.memref_squeeze %dma_start3A_72 : memref<1x128xi32, #tpu.memory_space<vmem>> -> memref<128xi32, #tpu.memory_space<vmem>>
    %dma_start3A_74 = arith.constant 0 : i32
    %dma_start3A_75 = tpu.memref_slice %dma_start3A_73[%dma_start3A_74] : memref<128xi32, #tpu.memory_space<vmem>> -> memref<32xi32, #tpu.memory_space<vmem>>
    %dma_start3A_76 = arith.constant 0 : i32
    %dma_start3A_77 = arith.constant 0 : i32
    %dma_start3A_78 = tpu.memref_slice %arg3[%dma_start3A_76, %dma_start3A_77] : memref<1000000x128xf32, #tpu.memory_space<hbm>> -> memref<1000000x128xf32, #tpu.memory_space<hbm>>
    tpu.enqueue_indirect_dma source(%dma_start3A_78 : memref<1000000x128xf32, #tpu.memory_space<hbm>>) target(%dma_start3A_70 : memref<32x128xf32, #tpu.memory_space<vmem>>) offsets(%dma_start3A_75 : memref<32xi32, #tpu.memory_space<vmem>>) semaphore(%arg15 : memref<!tpu.dma_semaphore, #tpu.memory_space<semaphore_mem>>)
    %dma_start3A_79 = arith.constant 0 : i32
    %dma_start3A_80 = arith.constant 0 : i32
    %dma_start3A_81 = arith.constant 0 : i32
    %dma_start3A_82 = arith.constant 0 : i32
    %dma_start3A_83 = tpu.memref_slice %arg7[%dma_start3A_80, %dma_start3A_81, %dma_start3A_82] : memref<4x128x128xf32, #tpu.memory_space<vmem>> -> memref<1x128x128xf32, #tpu.memory_space<vmem>>
    %dma_start3A_84 = tpu.memref_squeeze %dma_start3A_83 : memref<1x128x128xf32, #tpu.memory_space<vmem>> -> memref<128x128xf32, #tpu.memory_space<vmem>>
    %dma_start3A_85 = arith.constant 32 : i32
    %dma_start3A_86 = arith.constant 0 : i32
    %dma_start3A_87 = tpu.memref_slice %dma_start3A_84[%dma_start3A_85, %dma_start3A_86] : memref<128x128xf32, #tpu.memory_space<vmem>> -> memref<32x128xf32, #tpu.memory_space<vmem>>
    %dma_start3A_88 = arith.constant 0 : i32
    %dma_start3A_89 = tpu.memref_slice %arg6[%dma_start3A_79, %dma_start3A_88] : memref<4x128xi32, #tpu.memory_space<vmem>> -> memref<1x128xi32, #tpu.memory_space<vmem>>
    %dma_start3A_90 = tpu.memref_squeeze %dma_start3A_89 : memref<1x128xi32, #tpu.memory_space<vmem>> -> memref<128xi32, #tpu.memory_space<vmem>>
    %dma_start3A_91 = arith.constant 32 : i32
    %dma_start3A_92 = tpu.memref_slice %dma_start3A_90[%dma_start3A_91] : memref<128xi32, #tpu.memory_space<vmem>> -> memref<32xi32, #tpu.memory_space<vmem>>
    %dma_start3A_93 = arith.constant 0 : i32
    %dma_start3A_94 = arith.constant 0 : i32
    %dma_start3A_95 = tpu.memref_slice %arg3[%dma_start3A_93, %dma_start3A_94] : memref<1000000x128xf32, #tpu.memory_space<hbm>> -> memref<1000000x128xf32, #tpu.memory_space<hbm>>
    tpu.enqueue_indirect_dma source(%dma_start3A_95 : memref<1000000x128xf32, #tpu.memory_space<hbm>>) target(%dma_start3A_87 : memref<32x128xf32, #tpu.memory_space<vmem>>) offsets(%dma_start3A_92 : memref<32xi32, #tpu.memory_space<vmem>>) semaphore(%arg15 : memref<!tpu.dma_semaphore, #tpu.memory_space<semaphore_mem>>)
    %dma_start3A_96 = arith.constant 0 : i32
    %dma_start3A_97 = arith.constant 0 : i32
    %dma_start3A_98 = arith.constant 0 : i32
    %dma_start3A_99 = arith.constant 0 : i32
    %dma_start3A_100 = tpu.memref_slice %arg7[%dma_start3A_97, %dma_start3A_98, %dma_start3A_99] : memref<4x128x128xf32, #tpu.memory_space<vmem>> -> memref<1x128x128xf32, #tpu.memory_space<vmem>>
    %dma_start3A_101 = tpu.memref_squeeze %dma_start3A_100 : memref<1x128x128xf32, #tpu.memory_space<vmem>> -> memref<128x128xf32, #tpu.memory_space<vmem>>
    %dma_start3A_102 = arith.constant 64 : i32
    %dma_start3A_103 = arith.constant 0 : i32
    %dma_start3A_104 = tpu.memref_slice %dma_start3A_101[%dma_start3A_102, %dma_start3A_103] : memref<128x128xf32, #tpu.memory_space<vmem>> -> memref<32x128xf32, #tpu.memory_space<vmem>>
    %dma_start3A_105 = arith.constant 0 : i32
    %dma_start3A_106 = tpu.memref_slice %arg6[%dma_start3A_96, %dma_start3A_105] : memref<4x128xi32, #tpu.memory_space<vmem>> -> memref<1x128xi32, #tpu.memory_space<vmem>>
    %dma_start3A_107 = tpu.memref_squeeze %dma_start3A_106 : memref<1x128xi32, #tpu.memory_space<vmem>> -> memref<128xi32, #tpu.memory_space<vmem>>
    %dma_start3A_108 = arith.constant 64 : i32
    %dma_start3A_109 = tpu.memref_slice %dma_start3A_107[%dma_start3A_108] : memref<128xi32, #tpu.memory_space<vmem>> -> memref<32xi32, #tpu.memory_space<vmem>>
    %dma_start3A_110 = arith.constant 0 : i32
    %dma_start3A_111 = arith.constant 0 : i32
    %dma_start3A_112 = tpu.memref_slice %arg3[%dma_start3A_110, %dma_start3A_111] : memref<1000000x128xf32, #tpu.memory_space<hbm>> -> memref<1000000x128xf32, #tpu.memory_space<hbm>>
    tpu.enqueue_indirect_dma source(%dma_start3A_112 : memref<1000000x128xf32, #tpu.memory_space<hbm>>) target(%dma_start3A_104 : memref<32x128xf32, #tpu.memory_space<vmem>>) offsets(%dma_start3A_109 : memref<32xi32, #tpu.memory_space<vmem>>) semaphore(%arg15 : memref<!tpu.dma_semaphore, #tpu.memory_space<semaphore_mem>>)
    %dma_start3A_113 = arith.constant 0 : i32
    %dma_start3A_114 = arith.constant 0 : i32
    %dma_start3A_115 = arith.constant 0 : i32
    %dma_start3A_116 = arith.constant 0 : i32
    %dma_start3A_117 = tpu.memref_slice %arg7[%dma_start3A_114, %dma_start3A_115, %dma_start3A_116] : memref<4x128x128xf32, #tpu.memory_space<vmem>> -> memref<1x128x128xf32, #tpu.memory_space<vmem>>
    %dma_start3A_118 = tpu.memref_squeeze %dma_start3A_117 : memref<1x128x128xf32, #tpu.memory_space<vmem>> -> memref<128x128xf32, #tpu.memory_space<vmem>>
    %dma_start3A_119 = arith.constant 96 : i32
    %dma_start3A_120 = arith.constant 0 : i32
    %dma_start3A_121 = tpu.memref_slice %dma_start3A_118[%dma_start3A_119, %dma_start3A_120] : memref<128x128xf32, #tpu.memory_space<vmem>> -> memref<32x128xf32, #tpu.memory_space<vmem>>
    %dma_start3A_122 = arith.constant 0 : i32
    %dma_start3A_123 = tpu.memref_slice %arg6[%dma_start3A_113, %dma_start3A_122] : memref<4x128xi32, #tpu.memory_space<vmem>> -> memref<1x128xi32, #tpu.memory_space<vmem>>
    %dma_start3A_124 = tpu.memref_squeeze %dma_start3A_123 : memref<1x128xi32, #tpu.memory_space<vmem>> -> memref<128xi32, #tpu.memory_space<vmem>>
    %dma_start3A_125 = arith.constant 96 : i32
    %dma_start3A_126 = tpu.memref_slice %dma_start3A_124[%dma_start3A_125] : memref<128xi32, #tpu.memory_space<vmem>> -> memref<32xi32, #tpu.memory_space<vmem>>
    %dma_start3A_127 = arith.constant 0 : i32
    %dma_start3A_128 = arith.constant 0 : i32
    %dma_start3A_129 = tpu.memref_slice %arg3[%dma_start3A_127, %dma_start3A_128] : memref<1000000x128xf32, #tpu.memory_space<hbm>> -> memref<1000000x128xf32, #tpu.memory_space<hbm>>
    tpu.enqueue_indirect_dma source(%dma_start3A_129 : memref<1000000x128xf32, #tpu.memory_space<hbm>>) target(%dma_start3A_121 : memref<32x128xf32, #tpu.memory_space<vmem>>) offsets(%dma_start3A_126 : memref<32xi32, #tpu.memory_space<vmem>>) semaphore(%arg15 : memref<!tpu.dma_semaphore, #tpu.memory_space<semaphore_mem>>)
    %dma_wait3A_130 = arith.constant 0 : i32
    %dma_wait3A_131 = arith.constant 0 : i32
    %dma_wait3A_132 = arith.constant 1 : i32
    %dma_wait3A_133 = arith.constant 0 : i32
    %dma_wait3A_134 = tpu.memref_slice %arg6[%dma_wait3A_132, %dma_wait3A_133] : memref<4x128xi32, #tpu.memory_space<vmem>> -> memref<1x128xi32, #tpu.memory_space<vmem>>
    %dma_wait3A_135 = tpu.memref_squeeze %dma_wait3A_134 : memref<1x128xi32, #tpu.memory_space<vmem>> -> memref<128xi32, #tpu.memory_space<vmem>>
    %dma_wait3A_136 = arith.constant 0 : i32
    %dma_wait3A_137 = tpu.memref_slice %arg2[%dma_wait3A_130, %add3A, %dma_wait3A_131, %dma_wait3A_136] : memref<25x32x8x128xi32, #tpu.memory_space<hbm>> -> memref<1x1x1x128xi32, #tpu.memory_space<hbm>>
    %dma_wait3A_138 = tpu.memref_squeeze %dma_wait3A_137 : memref<1x1x1x128xi32, #tpu.memory_space<hbm>> -> memref<128xi32, #tpu.memory_space<hbm>>
    %dma_wait3A_139 = arith.constant 0 : i32
    %dma_wait3A_140 = tpu.memref_slice %arg6[%dma_wait3A_132, %dma_wait3A_139] : memref<4x128xi32, #tpu.memory_space<vmem>> -> memref<1x128xi32, #tpu.memory_space<vmem>>
    %dma_wait3A_141 = tpu.memref_squeeze %dma_wait3A_140 : memref<1x128xi32, #tpu.memory_space<vmem>> -> memref<128xi32, #tpu.memory_space<vmem>>
    %dma_wait3A_142 = arith.constant 0 : i32
    %dma_wait3A_143 = tpu.memref_slice %arg2[%dma_wait3A_130, %add3A, %dma_wait3A_131, %dma_wait3A_142] : memref<25x32x8x128xi32, #tpu.memory_space<hbm>> -> memref<1x1x1x128xi32, #tpu.memory_space<hbm>>
    %dma_wait3A_144 = tpu.memref_squeeze %dma_wait3A_143 : memref<1x1x1x128xi32, #tpu.memory_space<hbm>> -> memref<128xi32, #tpu.memory_space<hbm>>
    tpu.wait_dma2 semaphore(%arg12 : memref<!tpu.dma_semaphore, #tpu.memory_space<semaphore_mem>>) src(%dma_wait3A_144 : memref<128xi32, #tpu.memory_space<hbm>>) dst(%dma_wait3A_141 : memref<128xi32, #tpu.memory_space<vmem>>)
    %dma_start3A_145 = arith.constant 1 : i32
    %dma_start3A_146 = arith.constant 1 : i32
    %dma_start3A_147 = arith.constant 0 : i32
    %dma_start3A_148 = arith.constant 0 : i32
    %dma_start3A_149 = tpu.memref_slice %arg7[%dma_start3A_146, %dma_start3A_147, %dma_start3A_148] : memref<4x128x128xf32, #tpu.memory_space<vmem>> -> memref<1x128x128xf32, #tpu.memory_space<vmem>>
    %dma_start3A_150 = tpu.memref_squeeze %dma_start3A_149 : memref<1x128x128xf32, #tpu.memory_space<vmem>> -> memref<128x128xf32, #tpu.memory_space<vmem>>
    %dma_start3A_151 = arith.constant 0 : i32
    %dma_start3A_152 = arith.constant 0 : i32
    %dma_start3A_153 = tpu.memref_slice %dma_start3A_150[%dma_start3A_151, %dma_start3A_152] : memref<128x128xf32, #tpu.memory_space<vmem>> -> memref<32x128xf32, #tpu.memory_space<vmem>>
    %dma_start3A_154 = arith.constant 0 : i32
    %dma_start3A_155 = tpu.memref_slice %arg6[%dma_start3A_145, %dma_start3A_154] : memref<4x128xi32, #tpu.memory_space<vmem>> -> memref<1x128xi32, #tpu.memory_space<vmem>>
    %dma_start3A_156 = tpu.memref_squeeze %dma_start3A_155 : memref<1x128xi32, #tpu.memory_space<vmem>> -> memref<128xi32, #tpu.memory_space<vmem>>
    %dma_start3A_157 = arith.constant 0 : i32
    %dma_start3A_158 = tpu.memref_slice %dma_start3A_156[%dma_start3A_157] : memref<128xi32, #tpu.memory_space<vmem>> -> memref<32xi32, #tpu.memory_space<vmem>>
    %dma_start3A_159 = arith.constant 0 : i32
    %dma_start3A_160 = arith.constant 0 : i32
    %dma_start3A_161 = tpu.memref_slice %arg3[%dma_start3A_159, %dma_start3A_160] : memref<1000000x128xf32, #tpu.memory_space<hbm>> -> memref<1000000x128xf32, #tpu.memory_space<hbm>>
    tpu.enqueue_indirect_dma source(%dma_start3A_161 : memref<1000000x128xf32, #tpu.memory_space<hbm>>) target(%dma_start3A_153 : memref<32x128xf32, #tpu.memory_space<vmem>>) offsets(%dma_start3A_158 : memref<32xi32, #tpu.memory_space<vmem>>) semaphore(%arg16 : memref<!tpu.dma_semaphore, #tpu.memory_space<semaphore_mem>>)
    %dma_start3A_162 = arith.constant 1 : i32
    %dma_start3A_163 = arith.constant 1 : i32
    %dma_start3A_164 = arith.constant 0 : i32
    %dma_start3A_165 = arith.constant 0 : i32
    %dma_start3A_166 = tpu.memref_slice %arg7[%dma_start3A_163, %dma_start3A_164, %dma_start3A_165] : memref<4x128x128xf32, #tpu.memory_space<vmem>> -> memref<1x128x128xf32, #tpu.memory_space<vmem>>
    %dma_start3A_167 = tpu.memref_squeeze %dma_start3A_166 : memref<1x128x128xf32, #tpu.memory_space<vmem>> -> memref<128x128xf32, #tpu.memory_space<vmem>>
    %dma_start3A_168 = arith.constant 32 : i32
    %dma_start3A_169 = arith.constant 0 : i32
    %dma_start3A_170 = tpu.memref_slice %dma_start3A_167[%dma_start3A_168, %dma_start3A_169] : memref<128x128xf32, #tpu.memory_space<vmem>> -> memref<32x128xf32, #tpu.memory_space<vmem>>
    %dma_start3A_171 = arith.constant 0 : i32
    %dma_start3A_172 = tpu.memref_slice %arg6[%dma_start3A_162, %dma_start3A_171] : memref<4x128xi32, #tpu.memory_space<vmem>> -> memref<1x128xi32, #tpu.memory_space<vmem>>
    %dma_start3A_173 = tpu.memref_squeeze %dma_start3A_172 : memref<1x128xi32, #tpu.memory_space<vmem>> -> memref<128xi32, #tpu.memory_space<vmem>>
    %dma_start3A_174 = arith.constant 32 : i32
    %dma_start3A_175 = tpu.memref_slice %dma_start3A_173[%dma_start3A_174] : memref<128xi32, #tpu.memory_space<vmem>> -> memref<32xi32, #tpu.memory_space<vmem>>
    %dma_start3A_176 = arith.constant 0 : i32
    %dma_start3A_177 = arith.constant 0 : i32
    %dma_start3A_178 = tpu.memref_slice %arg3[%dma_start3A_176, %dma_start3A_177] : memref<1000000x128xf32, #tpu.memory_space<hbm>> -> memref<1000000x128xf32, #tpu.memory_space<hbm>>
    tpu.enqueue_indirect_dma source(%dma_start3A_178 : memref<1000000x128xf32, #tpu.memory_space<hbm>>) target(%dma_start3A_170 : memref<32x128xf32, #tpu.memory_space<vmem>>) offsets(%dma_start3A_175 : memref<32xi32, #tpu.memory_space<vmem>>) semaphore(%arg16 : memref<!tpu.dma_semaphore, #tpu.memory_space<semaphore_mem>>)
    %dma_start3A_179 = arith.constant 1 : i32
    %dma_start3A_180 = arith.constant 1 : i32
    %dma_start3A_181 = arith.constant 0 : i32
    %dma_start3A_182 = arith.constant 0 : i32
    %dma_start3A_183 = tpu.memref_slice %arg7[%dma_start3A_180, %dma_start3A_181, %dma_start3A_182] : memref<4x128x128xf32, #tpu.memory_space<vmem>> -> memref<1x128x128xf32, #tpu.memory_space<vmem>>
    %dma_start3A_184 = tpu.memref_squeeze %dma_start3A_183 : memref<1x128x128xf32, #tpu.memory_space<vmem>> -> memref<128x128xf32, #tpu.memory_space<vmem>>
    %dma_start3A_185 = arith.constant 64 : i32
    %dma_start3A_186 = arith.constant 0 : i32
    %dma_start3A_187 = tpu.memref_slice %dma_start3A_184[%dma_start3A_185, %dma_start3A_186] : memref<128x128xf32, #tpu.memory_space<vmem>> -> memref<32x128xf32, #tpu.memory_space<vmem>>
    %dma_start3A_188 = arith.constant 0 : i32
    %dma_start3A_189 = tpu.memref_slice %arg6[%dma_start3A_179, %dma_start3A_188] : memref<4x128xi32, #tpu.memory_space<vmem>> -> memref<1x128xi32, #tpu.memory_space<vmem>>
    %dma_start3A_190 = tpu.memref_squeeze %dma_start3A_189 : memref<1x128xi32, #tpu.memory_space<vmem>> -> memref<128xi32, #tpu.memory_space<vmem>>
    %dma_start3A_191 = arith.constant 64 : i32
    %dma_start3A_192 = tpu.memref_slice %dma_start3A_190[%dma_start3A_191] : memref<128xi32, #tpu.memory_space<vmem>> -> memref<32xi32, #tpu.memory_space<vmem>>
    %dma_start3A_193 = arith.constant 0 : i32
    %dma_start3A_194 = arith.constant 0 : i32
    %dma_start3A_195 = tpu.memref_slice %arg3[%dma_start3A_193, %dma_start3A_194] : memref<1000000x128xf32, #tpu.memory_space<hbm>> -> memref<1000000x128xf32, #tpu.memory_space<hbm>>
    tpu.enqueue_indirect_dma source(%dma_start3A_195 : memref<1000000x128xf32, #tpu.memory_space<hbm>>) target(%dma_start3A_187 : memref<32x128xf32, #tpu.memory_space<vmem>>) offsets(%dma_start3A_192 : memref<32xi32, #tpu.memory_space<vmem>>) semaphore(%arg16 : memref<!tpu.dma_semaphore, #tpu.memory_space<semaphore_mem>>)
    %dma_start3A_196 = arith.constant 1 : i32
    %dma_start3A_197 = arith.constant 1 : i32
    %dma_start3A_198 = arith.constant 0 : i32
    %dma_start3A_199 = arith.constant 0 : i32
    %dma_start3A_200 = tpu.memref_slice %arg7[%dma_start3A_197, %dma_start3A_198, %dma_start3A_199] : memref<4x128x128xf32, #tpu.memory_space<vmem>> -> memref<1x128x128xf32, #tpu.memory_space<vmem>>
    %dma_start3A_201 = tpu.memref_squeeze %dma_start3A_200 : memref<1x128x128xf32, #tpu.memory_space<vmem>> -> memref<128x128xf32, #tpu.memory_space<vmem>>
    %dma_start3A_202 = arith.constant 96 : i32
    %dma_start3A_203 = arith.constant 0 : i32
    %dma_start3A_204 = tpu.memref_slice %dma_start3A_201[%dma_start3A_202, %dma_start3A_203] : memref<128x128xf32, #tpu.memory_space<vmem>> -> memref<32x128xf32, #tpu.memory_space<vmem>>
    %dma_start3A_205 = arith.constant 0 : i32
    %dma_start3A_206 = tpu.memref_slice %arg6[%dma_start3A_196, %dma_start3A_205] : memref<4x128xi32, #tpu.memory_space<vmem>> -> memref<1x128xi32, #tpu.memory_space<vmem>>
    %dma_start3A_207 = tpu.memref_squeeze %dma_start3A_206 : memref<1x128xi32, #tpu.memory_space<vmem>> -> memref<128xi32, #tpu.memory_space<vmem>>
    %dma_start3A_208 = arith.constant 96 : i32
    %dma_start3A_209 = tpu.memref_slice %dma_start3A_207[%dma_start3A_208] : memref<128xi32, #tpu.memory_space<vmem>> -> memref<32xi32, #tpu.memory_space<vmem>>
    %dma_start3A_210 = arith.constant 0 : i32
    %dma_start3A_211 = arith.constant 0 : i32
    %dma_start3A_212 = tpu.memref_slice %arg3[%dma_start3A_210, %dma_start3A_211] : memref<1000000x128xf32, #tpu.memory_space<hbm>> -> memref<1000000x128xf32, #tpu.memory_space<hbm>>
    tpu.enqueue_indirect_dma source(%dma_start3A_212 : memref<1000000x128xf32, #tpu.memory_space<hbm>>) target(%dma_start3A_204 : memref<32x128xf32, #tpu.memory_space<vmem>>) offsets(%dma_start3A_209 : memref<32xi32, #tpu.memory_space<vmem>>) semaphore(%arg16 : memref<!tpu.dma_semaphore, #tpu.memory_space<semaphore_mem>>)
    %scan3A = arith.constant 0 : i32
    %scan3A_213 = arith.constant 0 : i32
    %scan3A_214 = arith.constant 50 : i32
    %scan3A_215 = arith.addi %scan3A_213, %scan3A_214 : i32
    %scan3A_216 = arith.constant 1 : i32
    scf.for %scan3A_290 = %scan3A_213 to %scan3A_215 step %scan3A_216  : i32 {
      %mul3A_291 = arith.constant 4 : i32
      %mul3A_292 = arith.muli %mul3A_291, %scan3A_290 : i32
      %add3A_293 = arith.constant 0 : i32
      %add3A_294 = arith.addi %mul3A_292, %add3A_293 : i32
      %add3A_295 = arith.constant 4 : i32
      %add3A_296 = arith.addi %add3A_294, %add3A_295 : i32
      %sub3A = arith.constant 1 : i32
      %sub3A_297 = arith.subi %add3A_296, %sub3A : i32
      %lt3A = arith.constant 200 : i32
      %lt3A_298 = arith.cmpi slt, %sub3A_297, %lt3A : i32
      %convert_element_type3A = arith.extui %lt3A_298 : i1 to i32
      %cond3A = arith.constant 0 : i32
      %cond3A_299 = arith.cmpi ne, %convert_element_type3A, %cond3A : i32
      scf.if %cond3A_299 {
        %add3A_1464 = arith.constant 4 : i32
        %add3A_1465 = arith.addi %add3A_294, %add3A_1464 : i32
        %sub3A_1466 = arith.constant 1 : i32
        %sub3A_1467 = arith.subi %add3A_1465, %sub3A_1466 : i32
        %jit3A = arith.constant 8 : i32
        %div3A = arith.divsi %sub3A_1467, %jit3A : i32
        %sign3A = arith.constant 0 : i32
        %sign3A_1468 = arith.cmpi sgt, %sub3A_1467, %sign3A : i32
        %sign3A_1469 = arith.extui %sign3A_1468 : i1 to i32
        %sign3A_1470 = arith.constant 0 : i32
        %sign3A_1471 = arith.cmpi slt, %sub3A_1467, %sign3A_1470 : i32
        %sign3A_1472 = arith.extui %sign3A_1471 : i1 to i32
        %sign3A_1473 = arith.subi %sign3A_1469, %sign3A_1472 : i32
        %sign3A_1474 = arith.constant 0 : i32
        %sign3A_1475 = arith.cmpi sgt, %jit3A, %sign3A_1474 : i32
        %sign3A_1476 = arith.extui %sign3A_1475 : i1 to i32
        %sign3A_1477 = arith.constant 0 : i32
        %sign3A_1478 = arith.cmpi slt, %jit3A, %sign3A_1477 : i32
        %sign3A_1479 = arith.extui %sign3A_1478 : i1 to i32
        %sign3A_1480 = arith.subi %sign3A_1476, %sign3A_1479 : i32
        %ne3A = arith.cmpi ne, %sign3A_1473, %sign3A_1480 : i32
        %rem3A = arith.remsi %sub3A_1467, %jit3A : i32
        %ne3A_1481 = arith.constant 0 : i32
        %ne3A_1482 = arith.cmpi ne, %rem3A, %ne3A_1481 : i32
        %and3A = arith.andi %ne3A, %ne3A_1482 : i1
        %sub3A_1483 = arith.constant 1 : i32
        %sub3A_1484 = arith.subi %div3A, %sub3A_1483 : i32
        %select_n3A = arith.select %and3A, %sub3A_1484, %div3A : i32
        %jit3A_1485 = arith.constant 8 : i32
        %eq3A = arith.constant 0 : i32
        %eq3A_1486 = arith.cmpi eq, %jit3A_1485, %eq3A : i32
        %jit3A_1487 = arith.constant 1 : i32
        %select_n3A_1488 = arith.select %eq3A_1486, %jit3A_1487, %jit3A_1485 : i32
        %rem3A_1489 = arith.remsi %sub3A_1467, %select_n3A_1488 : i32
        %ne3A_1490 = arith.constant 0 : i32
        %ne3A_1491 = arith.cmpi ne, %rem3A_1489, %ne3A_1490 : i32
        %lt3A_1492 = arith.constant 0 : i32
        %lt3A_1493 = arith.cmpi slt, %rem3A_1489, %lt3A_1492 : i32
        %lt3A_1494 = arith.constant 0 : i32
        %lt3A_1495 = arith.cmpi slt, %select_n3A_1488, %lt3A_1494 : i32
        %ne3A_1496 = arith.xori %lt3A_1493, %lt3A_1495 : i1
        %and3A_1497 = arith.andi %ne3A_1496, %ne3A_1491 : i1
        %add3A_1498 = arith.addi %rem3A_1489, %select_n3A_1488 : i32
        %select_n3A_1499 = arith.select %and3A_1497, %add3A_1498, %rem3A_1489 : i32
        %dma_start3A_1500 = arith.constant 3 : i32
        %dma_start3A_1501 = arith.constant 0 : i32
        %dma_start3A_1502 = tpu.memref_slice %arg6[%dma_start3A_1500, %dma_start3A_1501] : memref<4x128xi32, #tpu.memory_space<vmem>> -> memref<1x128xi32, #tpu.memory_space<vmem>>
        %dma_start3A_1503 = tpu.memref_squeeze %dma_start3A_1502 : memref<1x128xi32, #tpu.memory_space<vmem>> -> memref<128xi32, #tpu.memory_space<vmem>>
        %dma_start3A_1504 = arith.constant 0 : i32
        %dma_start3A_1505 = tpu.memref_slice %arg2[%select_n3A, %add3A, %select_n3A_1499, %dma_start3A_1504] : memref<25x32x8x128xi32, #tpu.memory_space<hbm>> -> memref<1x1x1x128xi32, #tpu.memory_space<hbm>>
        %dma_start3A_1506 = tpu.memref_squeeze %dma_start3A_1505 : memref<1x1x1x128xi32, #tpu.memory_space<hbm>> -> memref<128xi32, #tpu.memory_space<hbm>>
        %dma_start3A_1507 = arith.constant 0 : i32
        %dma_start3A_1508 = tpu.memref_slice %arg6[%dma_start3A_1500, %dma_start3A_1507] : memref<4x128xi32, #tpu.memory_space<vmem>> -> memref<1x128xi32, #tpu.memory_space<vmem>>
        %dma_start3A_1509 = tpu.memref_squeeze %dma_start3A_1508 : memref<1x128xi32, #tpu.memory_space<vmem>> -> memref<128xi32, #tpu.memory_space<vmem>>
        %dma_start3A_1510 = arith.constant 0 : i32
        %dma_start3A_1511 = tpu.memref_slice %arg2[%select_n3A, %add3A, %select_n3A_1499, %dma_start3A_1510] : memref<25x32x8x128xi32, #tpu.memory_space<hbm>> -> memref<1x1x1x128xi32, #tpu.memory_space<hbm>>
        %dma_start3A_1512 = tpu.memref_squeeze %dma_start3A_1511 : memref<1x1x1x128xi32, #tpu.memory_space<hbm>> -> memref<128xi32, #tpu.memory_space<hbm>>
        tpu.enqueue_dma source(%dma_start3A_1512 : memref<128xi32, #tpu.memory_space<hbm>>) target(%dma_start3A_1509 : memref<128xi32, #tpu.memory_space<vmem>>) target_semaphore(%arg14 : memref<!tpu.dma_semaphore, #tpu.memory_space<semaphore_mem>>)
      } else {
      }
      %add3A_300 = arith.constant 4 : i32
      %add3A_301 = arith.addi %add3A_294, %add3A_300 : i32
      %sub3A_302 = arith.constant 2 : i32
      %sub3A_303 = arith.subi %add3A_301, %sub3A_302 : i32
      %lt3A_304 = arith.constant 200 : i32
      %lt3A_305 = arith.cmpi slt, %sub3A_303, %lt3A_304 : i32
      %convert_element_type3A_306 = arith.extui %lt3A_305 : i1 to i32
      %cond3A_307 = arith.constant 0 : i32
      %cond3A_308 = arith.cmpi ne, %convert_element_type3A_306, %cond3A_307 : i32
      scf.if %cond3A_308 {
        %dma_wait3A_1464 = arith.constant 0 : i32
        %dma_wait3A_1465 = arith.constant 0 : i32
        %dma_wait3A_1466 = arith.constant 2 : i32
        %dma_wait3A_1467 = arith.constant 0 : i32
        %dma_wait3A_1468 = tpu.memref_slice %arg6[%dma_wait3A_1466, %dma_wait3A_1467] : memref<4x128xi32, #tpu.memory_space<vmem>> -> memref<1x128xi32, #tpu.memory_space<vmem>>
        %dma_wait3A_1469 = tpu.memref_squeeze %dma_wait3A_1468 : memref<1x128xi32, #tpu.memory_space<vmem>> -> memref<128xi32, #tpu.memory_space<vmem>>
        %dma_wait3A_1470 = arith.constant 0 : i32
        %dma_wait3A_1471 = tpu.memref_slice %arg2[%dma_wait3A_1464, %add3A, %dma_wait3A_1465, %dma_wait3A_1470] : memref<25x32x8x128xi32, #tpu.memory_space<hbm>> -> memref<1x1x1x128xi32, #tpu.memory_space<hbm>>
        %dma_wait3A_1472 = tpu.memref_squeeze %dma_wait3A_1471 : memref<1x1x1x128xi32, #tpu.memory_space<hbm>> -> memref<128xi32, #tpu.memory_space<hbm>>
        %dma_wait3A_1473 = arith.constant 0 : i32
        %dma_wait3A_1474 = tpu.memref_slice %arg6[%dma_wait3A_1466, %dma_wait3A_1473] : memref<4x128xi32, #tpu.memory_space<vmem>> -> memref<1x128xi32, #tpu.memory_space<vmem>>
        %dma_wait3A_1475 = tpu.memref_squeeze %dma_wait3A_1474 : memref<1x128xi32, #tpu.memory_space<vmem>> -> memref<128xi32, #tpu.memory_space<vmem>>
        %dma_wait3A_1476 = arith.constant 0 : i32
        %dma_wait3A_1477 = tpu.memref_slice %arg2[%dma_wait3A_1464, %add3A, %dma_wait3A_1465, %dma_wait3A_1476] : memref<25x32x8x128xi32, #tpu.memory_space<hbm>> -> memref<1x1x1x128xi32, #tpu.memory_space<hbm>>
        %dma_wait3A_1478 = tpu.memref_squeeze %dma_wait3A_1477 : memref<1x1x1x128xi32, #tpu.memory_space<hbm>> -> memref<128xi32, #tpu.memory_space<hbm>>
        tpu.wait_dma2 semaphore(%arg13 : memref<!tpu.dma_semaphore, #tpu.memory_space<semaphore_mem>>) src(%dma_wait3A_1478 : memref<128xi32, #tpu.memory_space<hbm>>) dst(%dma_wait3A_1475 : memref<128xi32, #tpu.memory_space<vmem>>)
        %dma_start3A_1479 = arith.constant 2 : i32
        %dma_start3A_1480 = arith.constant 2 : i32
        %dma_start3A_1481 = arith.constant 0 : i32
        %dma_start3A_1482 = arith.constant 0 : i32
        %dma_start3A_1483 = tpu.memref_slice %arg7[%dma_start3A_1480, %dma_start3A_1481, %dma_start3A_1482] : memref<4x128x128xf32, #tpu.memory_space<vmem>> -> memref<1x128x128xf32, #tpu.memory_space<vmem>>
        %dma_start3A_1484 = tpu.memref_squeeze %dma_start3A_1483 : memref<1x128x128xf32, #tpu.memory_space<vmem>> -> memref<128x128xf32, #tpu.memory_space<vmem>>
        %dma_start3A_1485 = arith.constant 0 : i32
        %dma_start3A_1486 = arith.constant 0 : i32
        %dma_start3A_1487 = tpu.memref_slice %dma_start3A_1484[%dma_start3A_1485, %dma_start3A_1486] : memref<128x128xf32, #tpu.memory_space<vmem>> -> memref<32x128xf32, #tpu.memory_space<vmem>>
        %dma_start3A_1488 = arith.constant 0 : i32
        %dma_start3A_1489 = tpu.memref_slice %arg6[%dma_start3A_1479, %dma_start3A_1488] : memref<4x128xi32, #tpu.memory_space<vmem>> -> memref<1x128xi32, #tpu.memory_space<vmem>>
        %dma_start3A_1490 = tpu.memref_squeeze %dma_start3A_1489 : memref<1x128xi32, #tpu.memory_space<vmem>> -> memref<128xi32, #tpu.memory_space<vmem>>
        %dma_start3A_1491 = arith.constant 0 : i32
        %dma_start3A_1492 = tpu.memref_slice %dma_start3A_1490[%dma_start3A_1491] : memref<128xi32, #tpu.memory_space<vmem>> -> memref<32xi32, #tpu.memory_space<vmem>>
        %dma_start3A_1493 = arith.constant 0 : i32
        %dma_start3A_1494 = arith.constant 0 : i32
        %dma_start3A_1495 = tpu.memref_slice %arg3[%dma_start3A_1493, %dma_start3A_1494] : memref<1000000x128xf32, #tpu.memory_space<hbm>> -> memref<1000000x128xf32, #tpu.memory_space<hbm>>
        tpu.enqueue_indirect_dma source(%dma_start3A_1495 : memref<1000000x128xf32, #tpu.memory_space<hbm>>) target(%dma_start3A_1487 : memref<32x128xf32, #tpu.memory_space<vmem>>) offsets(%dma_start3A_1492 : memref<32xi32, #tpu.memory_space<vmem>>) semaphore(%arg17 : memref<!tpu.dma_semaphore, #tpu.memory_space<semaphore_mem>>)
        %dma_start3A_1496 = arith.constant 2 : i32
        %dma_start3A_1497 = arith.constant 2 : i32
        %dma_start3A_1498 = arith.constant 0 : i32
        %dma_start3A_1499 = arith.constant 0 : i32
        %dma_start3A_1500 = tpu.memref_slice %arg7[%dma_start3A_1497, %dma_start3A_1498, %dma_start3A_1499] : memref<4x128x128xf32, #tpu.memory_space<vmem>> -> memref<1x128x128xf32, #tpu.memory_space<vmem>>
        %dma_start3A_1501 = tpu.memref_squeeze %dma_start3A_1500 : memref<1x128x128xf32, #tpu.memory_space<vmem>> -> memref<128x128xf32, #tpu.memory_space<vmem>>
        %dma_start3A_1502 = arith.constant 32 : i32
        %dma_start3A_1503 = arith.constant 0 : i32
        %dma_start3A_1504 = tpu.memref_slice %dma_start3A_1501[%dma_start3A_1502, %dma_start3A_1503] : memref<128x128xf32, #tpu.memory_space<vmem>> -> memref<32x128xf32, #tpu.memory_space<vmem>>
        %dma_start3A_1505 = arith.constant 0 : i32
        %dma_start3A_1506 = tpu.memref_slice %arg6[%dma_start3A_1496, %dma_start3A_1505] : memref<4x128xi32, #tpu.memory_space<vmem>> -> memref<1x128xi32, #tpu.memory_space<vmem>>
        %dma_start3A_1507 = tpu.memref_squeeze %dma_start3A_1506 : memref<1x128xi32, #tpu.memory_space<vmem>> -> memref<128xi32, #tpu.memory_space<vmem>>
        %dma_start3A_1508 = arith.constant 32 : i32
        %dma_start3A_1509 = tpu.memref_slice %dma_start3A_1507[%dma_start3A_1508] : memref<128xi32, #tpu.memory_space<vmem>> -> memref<32xi32, #tpu.memory_space<vmem>>
        %dma_start3A_1510 = arith.constant 0 : i32
        %dma_start3A_1511 = arith.constant 0 : i32
        %dma_start3A_1512 = tpu.memref_slice %arg3[%dma_start3A_1510, %dma_start3A_1511] : memref<1000000x128xf32, #tpu.memory_space<hbm>> -> memref<1000000x128xf32, #tpu.memory_space<hbm>>
        tpu.enqueue_indirect_dma source(%dma_start3A_1512 : memref<1000000x128xf32, #tpu.memory_space<hbm>>) target(%dma_start3A_1504 : memref<32x128xf32, #tpu.memory_space<vmem>>) offsets(%dma_start3A_1509 : memref<32xi32, #tpu.memory_space<vmem>>) semaphore(%arg17 : memref<!tpu.dma_semaphore, #tpu.memory_space<semaphore_mem>>)
        %dma_start3A_1513 = arith.constant 2 : i32
        %dma_start3A_1514 = arith.constant 2 : i32
        %dma_start3A_1515 = arith.constant 0 : i32
        %dma_start3A_1516 = arith.constant 0 : i32
        %dma_start3A_1517 = tpu.memref_slice %arg7[%dma_start3A_1514, %dma_start3A_1515, %dma_start3A_1516] : memref<4x128x128xf32, #tpu.memory_space<vmem>> -> memref<1x128x128xf32, #tpu.memory_space<vmem>>
        %dma_start3A_1518 = tpu.memref_squeeze %dma_start3A_1517 : memref<1x128x128xf32, #tpu.memory_space<vmem>> -> memref<128x128xf32, #tpu.memory_space<vmem>>
        %dma_start3A_1519 = arith.constant 64 : i32
        %dma_start3A_1520 = arith.constant 0 : i32
        %dma_start3A_1521 = tpu.memref_slice %dma_start3A_1518[%dma_start3A_1519, %dma_start3A_1520] : memref<128x128xf32, #tpu.memory_space<vmem>> -> memref<32x128xf32, #tpu.memory_space<vmem>>
        %dma_start3A_1522 = arith.constant 0 : i32
        %dma_start3A_1523 = tpu.memref_slice %arg6[%dma_start3A_1513, %dma_start3A_1522] : memref<4x128xi32, #tpu.memory_space<vmem>> -> memref<1x128xi32, #tpu.memory_space<vmem>>
        %dma_start3A_1524 = tpu.memref_squeeze %dma_start3A_1523 : memref<1x128xi32, #tpu.memory_space<vmem>> -> memref<128xi32, #tpu.memory_space<vmem>>
        %dma_start3A_1525 = arith.constant 64 : i32
        %dma_start3A_1526 = tpu.memref_slice %dma_start3A_1524[%dma_start3A_1525] : memref<128xi32, #tpu.memory_space<vmem>> -> memref<32xi32, #tpu.memory_space<vmem>>
        %dma_start3A_1527 = arith.constant 0 : i32
        %dma_start3A_1528 = arith.constant 0 : i32
        %dma_start3A_1529 = tpu.memref_slice %arg3[%dma_start3A_1527, %dma_start3A_1528] : memref<1000000x128xf32, #tpu.memory_space<hbm>> -> memref<1000000x128xf32, #tpu.memory_space<hbm>>
        tpu.enqueue_indirect_dma source(%dma_start3A_1529 : memref<1000000x128xf32, #tpu.memory_space<hbm>>) target(%dma_start3A_1521 : memref<32x128xf32, #tpu.memory_space<vmem>>) offsets(%dma_start3A_1526 : memref<32xi32, #tpu.memory_space<vmem>>) semaphore(%arg17 : memref<!tpu.dma_semaphore, #tpu.memory_space<semaphore_mem>>)
        %dma_start3A_1530 = arith.constant 2 : i32
        %dma_start3A_1531 = arith.constant 2 : i32
        %dma_start3A_1532 = arith.constant 0 : i32
        %dma_start3A_1533 = arith.constant 0 : i32
        %dma_start3A_1534 = tpu.memref_slice %arg7[%dma_start3A_1531, %dma_start3A_1532, %dma_start3A_1533] : memref<4x128x128xf32, #tpu.memory_space<vmem>> -> memref<1x128x128xf32, #tpu.memory_space<vmem>>
        %dma_start3A_1535 = tpu.memref_squeeze %dma_start3A_1534 : memref<1x128x128xf32, #tpu.memory_space<vmem>> -> memref<128x128xf32, #tpu.memory_space<vmem>>
        %dma_start3A_1536 = arith.constant 96 : i32
        %dma_start3A_1537 = arith.constant 0 : i32
        %dma_start3A_1538 = tpu.memref_slice %dma_start3A_1535[%dma_start3A_1536, %dma_start3A_1537] : memref<128x128xf32, #tpu.memory_space<vmem>> -> memref<32x128xf32, #tpu.memory_space<vmem>>
        %dma_start3A_1539 = arith.constant 0 : i32
        %dma_start3A_1540 = tpu.memref_slice %arg6[%dma_start3A_1530, %dma_start3A_1539] : memref<4x128xi32, #tpu.memory_space<vmem>> -> memref<1x128xi32, #tpu.memory_space<vmem>>
        %dma_start3A_1541 = tpu.memref_squeeze %dma_start3A_1540 : memref<1x128xi32, #tpu.memory_space<vmem>> -> memref<128xi32, #tpu.memory_space<vmem>>
        %dma_start3A_1542 = arith.constant 96 : i32
        %dma_start3A_1543 = tpu.memref_slice %dma_start3A_1541[%dma_start3A_1542] : memref<128xi32, #tpu.memory_space<vmem>> -> memref<32xi32, #tpu.memory_space<vmem>>
        %dma_start3A_1544 = arith.constant 0 : i32
        %dma_start3A_1545 = arith.constant 0 : i32
        %dma_start3A_1546 = tpu.memref_slice %arg3[%dma_start3A_1544, %dma_start3A_1545] : memref<1000000x128xf32, #tpu.memory_space<hbm>> -> memref<1000000x128xf32, #tpu.memory_space<hbm>>
        tpu.enqueue_indirect_dma source(%dma_start3A_1546 : memref<1000000x128xf32, #tpu.memory_space<hbm>>) target(%dma_start3A_1538 : memref<32x128xf32, #tpu.memory_space<vmem>>) offsets(%dma_start3A_1543 : memref<32xi32, #tpu.memory_space<vmem>>) semaphore(%arg17 : memref<!tpu.dma_semaphore, #tpu.memory_space<semaphore_mem>>)
      } else {
      }
      %ge3A = arith.constant 4 : i32
      %ge3A_309 = arith.cmpi sge, %add3A_294, %ge3A : i32
      %convert_element_type3A_310 = arith.extui %ge3A_309 : i1 to i32
      %cond3A_311 = arith.constant 0 : i32
      %cond3A_312 = arith.cmpi ne, %convert_element_type3A_310, %cond3A_311 : i32
      scf.if %cond3A_312 {
        %mul3A_1464 = arith.constant 128 : i32
        %mul3A_1465 = arith.muli %add3A, %mul3A_1464 : i32
        %dma_wait3A_1466 = arith.constant 0 : i32
        %dma_wait3A_1467 = arith.constant 0 : i32
        %dma_wait3A_1468 = arith.constant 0 : i32
        %dma_wait3A_1469 = arith.constant 0 : i32
        %dma_wait3A_1470 = tpu.memref_slice %arg8[%dma_wait3A_1466, %dma_wait3A_1468, %dma_wait3A_1469] : memref<4x64x128xf32, #tpu.memory_space<vmem>> -> memref<1x64x128xf32, #tpu.memory_space<vmem>>
        %dma_wait3A_1471 = tpu.memref_squeeze %dma_wait3A_1470 : memref<1x64x128xf32, #tpu.memory_space<vmem>> -> memref<64x128xf32, #tpu.memory_space<vmem>>
        %dma_wait3A_1472 = arith.constant 0 : i32
        %dma_wait3A_1473 = tpu.memref_slice %arg5[%dma_wait3A_1467, %dma_wait3A_1472, %mul3A_1465] : memref<200x64x4096xf32, #tpu.memory_space<hbm>> -> memref<1x64x128xf32, #tpu.memory_space<hbm>>
        %dma_wait3A_1474 = tpu.memref_squeeze %dma_wait3A_1473 : memref<1x64x128xf32, #tpu.memory_space<hbm>> -> memref<64x128xf32, #tpu.memory_space<hbm>>
        %dma_wait3A_1475 = arith.constant 0 : i32
        %dma_wait3A_1476 = tpu.memref_slice %arg5[%dma_wait3A_1467, %dma_wait3A_1475, %mul3A_1465] : memref<200x64x4096xf32, #tpu.memory_space<hbm>> -> memref<1x64x128xf32, #tpu.memory_space<hbm>>
        %dma_wait3A_1477 = tpu.memref_squeeze %dma_wait3A_1476 : memref<1x64x128xf32, #tpu.memory_space<hbm>> -> memref<64x128xf32, #tpu.memory_space<hbm>>
        %dma_wait3A_1478 = arith.constant 0 : i32
        %dma_wait3A_1479 = arith.constant 0 : i32
        %dma_wait3A_1480 = tpu.memref_slice %arg8[%dma_wait3A_1466, %dma_wait3A_1478, %dma_wait3A_1479] : memref<4x64x128xf32, #tpu.memory_space<vmem>> -> memref<1x64x128xf32, #tpu.memory_space<vmem>>
        %dma_wait3A_1481 = tpu.memref_squeeze %dma_wait3A_1480 : memref<1x64x128xf32, #tpu.memory_space<vmem>> -> memref<64x128xf32, #tpu.memory_space<vmem>>
        tpu.wait_dma2 semaphore(%arg19 : memref<!tpu.dma_semaphore, #tpu.memory_space<semaphore_mem>>) src(%dma_wait3A_1481 : memref<64x128xf32, #tpu.memory_space<vmem>>) dst(%dma_wait3A_1477 : memref<64x128xf32, #tpu.memory_space<hbm>>)
      } else {
      }
      %dma_wait3A_313 = arith.constant 0 : i32
      %dma_wait3A_314 = arith.constant 0 : i32
      %dma_wait3A_315 = arith.constant 0 : i32
      %dma_wait3A_316 = arith.constant 0 : i32
      %dma_wait3A_317 = tpu.memref_slice %arg7[%dma_wait3A_314, %dma_wait3A_315, %dma_wait3A_316] : memref<4x128x128xf32, #tpu.memory_space<vmem>> -> memref<1x128x128xf32, #tpu.memory_space<vmem>>
      %dma_wait3A_318 = tpu.memref_squeeze %dma_wait3A_317 : memref<1x128x128xf32, #tpu.memory_space<vmem>> -> memref<128x128xf32, #tpu.memory_space<vmem>>
      %dma_wait3A_319 = arith.constant 0 : i32
      %dma_wait3A_320 = arith.constant 0 : i32
      %dma_wait3A_321 = tpu.memref_slice %dma_wait3A_318[%dma_wait3A_319, %dma_wait3A_320] : memref<128x128xf32, #tpu.memory_space<vmem>> -> memref<32x128xf32, #tpu.memory_space<vmem>>
      %dma_wait3A_322 = arith.constant 0 : i32
      %dma_wait3A_323 = tpu.memref_slice %arg6[%dma_wait3A_313, %dma_wait3A_322] : memref<4x128xi32, #tpu.memory_space<vmem>> -> memref<1x128xi32, #tpu.memory_space<vmem>>
      %dma_wait3A_324 = tpu.memref_squeeze %dma_wait3A_323 : memref<1x128xi32, #tpu.memory_space<vmem>> -> memref<128xi32, #tpu.memory_space<vmem>>
      %dma_wait3A_325 = arith.constant 0 : i32
      %dma_wait3A_326 = tpu.memref_slice %dma_wait3A_324[%dma_wait3A_325] : memref<128xi32, #tpu.memory_space<vmem>> -> memref<32xi32, #tpu.memory_space<vmem>>
      %dma_wait3A_327 = arith.constant 0 : i32
      %dma_wait3A_328 = arith.constant 0 : i32
      %dma_wait3A_329 = tpu.memref_slice %arg3[%dma_wait3A_327, %dma_wait3A_328] : memref<1000000x128xf32, #tpu.memory_space<hbm>> -> memref<1000000x128xf32, #tpu.memory_space<hbm>>
      tpu.wait_indirect_dma semaphore(%arg15 : memref<!tpu.dma_semaphore, #tpu.memory_space<semaphore_mem>>) src(%dma_wait3A_329 : memref<1000000x128xf32, #tpu.memory_space<hbm>>) dst(%dma_wait3A_321 : memref<32x128xf32, #tpu.memory_space<vmem>>)
      %dma_wait3A_330 = arith.constant 0 : i32
      %dma_wait3A_331 = arith.constant 0 : i32
      %dma_wait3A_332 = arith.constant 0 : i32
      %dma_wait3A_333 = arith.constant 0 : i32
      %dma_wait3A_334 = tpu.memref_slice %arg7[%dma_wait3A_331, %dma_wait3A_332, %dma_wait3A_333] : memref<4x128x128xf32, #tpu.memory_space<vmem>> -> memref<1x128x128xf32, #tpu.memory_space<vmem>>
      %dma_wait3A_335 = tpu.memref_squeeze %dma_wait3A_334 : memref<1x128x128xf32, #tpu.memory_space<vmem>> -> memref<128x128xf32, #tpu.memory_space<vmem>>
      %dma_wait3A_336 = arith.constant 32 : i32
      %dma_wait3A_337 = arith.constant 0 : i32
      %dma_wait3A_338 = tpu.memref_slice %dma_wait3A_335[%dma_wait3A_336, %dma_wait3A_337] : memref<128x128xf32, #tpu.memory_space<vmem>> -> memref<32x128xf32, #tpu.memory_space<vmem>>
      %dma_wait3A_339 = arith.constant 0 : i32
      %dma_wait3A_340 = tpu.memref_slice %arg6[%dma_wait3A_330, %dma_wait3A_339] : memref<4x128xi32, #tpu.memory_space<vmem>> -> memref<1x128xi32, #tpu.memory_space<vmem>>
      %dma_wait3A_341 = tpu.memref_squeeze %dma_wait3A_340 : memref<1x128xi32, #tpu.memory_space<vmem>> -> memref<128xi32, #tpu.memory_space<vmem>>
      %dma_wait3A_342 = arith.constant 32 : i32
      %dma_wait3A_343 = tpu.memref_slice %dma_wait3A_341[%dma_wait3A_342] : memref<128xi32, #tpu.memory_space<vmem>> -> memref<32xi32, #tpu.memory_space<vmem>>
      %dma_wait3A_344 = arith.constant 0 : i32
      %dma_wait3A_345 = arith.constant 0 : i32
      %dma_wait3A_346 = tpu.memref_slice %arg3[%dma_wait3A_344, %dma_wait3A_345] : memref<1000000x128xf32, #tpu.memory_space<hbm>> -> memref<1000000x128xf32, #tpu.memory_space<hbm>>
      tpu.wait_indirect_dma semaphore(%arg15 : memref<!tpu.dma_semaphore, #tpu.memory_space<semaphore_mem>>) src(%dma_wait3A_346 : memref<1000000x128xf32, #tpu.memory_space<hbm>>) dst(%dma_wait3A_338 : memref<32x128xf32, #tpu.memory_space<vmem>>)
      %dma_wait3A_347 = arith.constant 0 : i32
      %dma_wait3A_348 = arith.constant 0 : i32
      %dma_wait3A_349 = arith.constant 0 : i32
      %dma_wait3A_350 = arith.constant 0 : i32
      %dma_wait3A_351 = tpu.memref_slice %arg7[%dma_wait3A_348, %dma_wait3A_349, %dma_wait3A_350] : memref<4x128x128xf32, #tpu.memory_space<vmem>> -> memref<1x128x128xf32, #tpu.memory_space<vmem>>
      %dma_wait3A_352 = tpu.memref_squeeze %dma_wait3A_351 : memref<1x128x128xf32, #tpu.memory_space<vmem>> -> memref<128x128xf32, #tpu.memory_space<vmem>>
      %dma_wait3A_353 = arith.constant 64 : i32
      %dma_wait3A_354 = arith.constant 0 : i32
      %dma_wait3A_355 = tpu.memref_slice %dma_wait3A_352[%dma_wait3A_353, %dma_wait3A_354] : memref<128x128xf32, #tpu.memory_space<vmem>> -> memref<32x128xf32, #tpu.memory_space<vmem>>
      %dma_wait3A_356 = arith.constant 0 : i32
      %dma_wait3A_357 = tpu.memref_slice %arg6[%dma_wait3A_347, %dma_wait3A_356] : memref<4x128xi32, #tpu.memory_space<vmem>> -> memref<1x128xi32, #tpu.memory_space<vmem>>
      %dma_wait3A_358 = tpu.memref_squeeze %dma_wait3A_357 : memref<1x128xi32, #tpu.memory_space<vmem>> -> memref<128xi32, #tpu.memory_space<vmem>>
      %dma_wait3A_359 = arith.constant 64 : i32
      %dma_wait3A_360 = tpu.memref_slice %dma_wait3A_358[%dma_wait3A_359] : memref<128xi32, #tpu.memory_space<vmem>> -> memref<32xi32, #tpu.memory_space<vmem>>
      %dma_wait3A_361 = arith.constant 0 : i32
      %dma_wait3A_362 = arith.constant 0 : i32
      %dma_wait3A_363 = tpu.memref_slice %arg3[%dma_wait3A_361, %dma_wait3A_362] : memref<1000000x128xf32, #tpu.memory_space<hbm>> -> memref<1000000x128xf32, #tpu.memory_space<hbm>>
      tpu.wait_indirect_dma semaphore(%arg15 : memref<!tpu.dma_semaphore, #tpu.memory_space<semaphore_mem>>) src(%dma_wait3A_363 : memref<1000000x128xf32, #tpu.memory_space<hbm>>) dst(%dma_wait3A_355 : memref<32x128xf32, #tpu.memory_space<vmem>>)
      %dma_wait3A_364 = arith.constant 0 : i32
      %dma_wait3A_365 = arith.constant 0 : i32
      %dma_wait3A_366 = arith.constant 0 : i32
      %dma_wait3A_367 = arith.constant 0 : i32
      %dma_wait3A_368 = tpu.memref_slice %arg7[%dma_wait3A_365, %dma_wait3A_366, %dma_wait3A_367] : memref<4x128x128xf32, #tpu.memory_space<vmem>> -> memref<1x128x128xf32, #tpu.memory_space<vmem>>
      %dma_wait3A_369 = tpu.memref_squeeze %dma_wait3A_368 : memref<1x128x128xf32, #tpu.memory_space<vmem>> -> memref<128x128xf32, #tpu.memory_space<vmem>>
      %dma_wait3A_370 = arith.constant 96 : i32
      %dma_wait3A_371 = arith.constant 0 : i32
      %dma_wait3A_372 = tpu.memref_slice %dma_wait3A_369[%dma_wait3A_370, %dma_wait3A_371] : memref<128x128xf32, #tpu.memory_space<vmem>> -> memref<32x128xf32, #tpu.memory_space<vmem>>
      %dma_wait3A_373 = arith.constant 0 : i32
      %dma_wait3A_374 = tpu.memref_slice %arg6[%dma_wait3A_364, %dma_wait3A_373] : memref<4x128xi32, #tpu.memory_space<vmem>> -> memref<1x128xi32, #tpu.memory_space<vmem>>
      %dma_wait3A_375 = tpu.memref_squeeze %dma_wait3A_374 : memref<1x128xi32, #tpu.memory_space<vmem>> -> memref<128xi32, #tpu.memory_space<vmem>>
      %dma_wait3A_376 = arith.constant 96 : i32
      %dma_wait3A_377 = tpu.memref_slice %dma_wait3A_375[%dma_wait3A_376] : memref<128xi32, #tpu.memory_space<vmem>> -> memref<32xi32, #tpu.memory_space<vmem>>
      %dma_wait3A_378 = arith.constant 0 : i32
      %dma_wait3A_379 = arith.constant 0 : i32
      %dma_wait3A_380 = tpu.memref_slice %arg3[%dma_wait3A_378, %dma_wait3A_379] : memref<1000000x128xf32, #tpu.memory_space<hbm>> -> memref<1000000x128xf32, #tpu.memory_space<hbm>>
      tpu.wait_indirect_dma semaphore(%arg15 : memref<!tpu.dma_semaphore, #tpu.memory_space<semaphore_mem>>) src(%dma_wait3A_380 : memref<1000000x128xf32, #tpu.memory_space<hbm>>) dst(%dma_wait3A_372 : memref<32x128xf32, #tpu.memory_space<vmem>>)
      %mul3A_381 = arith.constant 64 : i32
      %mul3A_382 = arith.muli %add3A_294, %mul3A_381 : i32
      %add3A_383 = arith.constant 0 : i32
      %add3A_384 = arith.addi %mul3A_382, %add3A_383 : i32
      %get3A = arith.index_cast %add3A_384 : i32 to index
      %get3A_385 = tpu.vector_load %arg9[%get3A] {strides = array<i32>} : memref<12800xf32, #tpu.memory_space<vmem>>, vector<16xf32>,
      %add3A_386 = arith.constant 16 : i32
      %add3A_387 = arith.addi %mul3A_382, %add3A_386 : i32
      %get3A_388 = arith.index_cast %add3A_387 : i32 to index
      %get3A_389 = tpu.vector_load %arg9[%get3A_388] {strides = array<i32>} : memref<12800xf32, #tpu.memory_space<vmem>>, vector<16xf32>,
      %add3A_390 = arith.constant 32 : i32
      %add3A_391 = arith.addi %mul3A_382, %add3A_390 : i32
      %get3A_392 = arith.index_cast %add3A_391 : i32 to index
      %get3A_393 = tpu.vector_load %arg9[%get3A_392] {strides = array<i32>} : memref<12800xf32, #tpu.memory_space<vmem>>, vector<16xf32>,
      %add3A_394 = arith.constant 48 : i32
      %add3A_395 = arith.addi %mul3A_382, %add3A_394 : i32
      %get3A_396 = arith.index_cast %add3A_395 : i32 to index
      %get3A_397 = tpu.vector_load %arg9[%get3A_396] {strides = array<i32>} : memref<12800xf32, #tpu.memory_space<vmem>>, vector<16xf32>,
      %add3A_398 = arith.constant 0 : i32
      %add3A_399 = vector.broadcast %add3A_398 : i32 to vector<16xi32>
      %add3A_400 = arith.addi %mul3A_3, %add3A_399 : vector<16xi32>
      %add3A_401 = arith.constant 2064 : i32
      %add3A_402 = vector.broadcast %add3A_401 : i32 to vector<16xi32>
      %add3A_403 = arith.addi %mul3A_3, %add3A_402 : vector<16xi32>
      %add3A_404 = arith.constant 4128 : i32
      %add3A_405 = vector.broadcast %add3A_404 : i32 to vector<16xi32>
      %add3A_406 = arith.addi %mul3A_3, %add3A_405 : vector<16xi32>
      %add3A_407 = arith.constant 6192 : i32
      %add3A_408 = vector.broadcast %add3A_407 : i32 to vector<16xi32>
      %add3A_409 = arith.addi %mul3A_3, %add3A_408 : vector<16xi32>
      %scan3A_410 = arith.constant 0 : i32
      %scan3A_411 = arith.constant 128 : i32
      %scan3A_412 = arith.addi %scan3A_410, %scan3A_411 : i32
      %scan3A_413 = arith.constant 4 : i32
      scf.for %scan3A_1464 = %scan3A_410 to %scan3A_412 step %scan3A_413  : i32 {
        %get3A_1465 = arith.constant 0 : i32
        %get3A_1466 = arith.index_cast %get3A_1465 : i32 to index
        %get3A_1467 = arith.index_cast %scan3A_1464 : i32 to index
        %get3A_1468 = arith.constant 0 : index
        %get3A_1469 = tpu.vector_load %arg7[%get3A_1466, %get3A_1467, %get3A_1468] {strides = array<i32>} : memref<4x128x128xf32, #tpu.memory_space<vmem>>, vector<16xf32>,
        %get3A_1470 = arith.constant 0 : i32
        %get3A_1471 = arith.index_cast %get3A_1470 : i32 to index
        %get3A_1472 = arith.index_cast %scan3A_1464 : i32 to index
        %get3A_1473 = arith.constant 16 : index
        %get3A_1474 = tpu.vector_load %arg7[%get3A_1471, %get3A_1472, %get3A_1473] {strides = array<i32>} : memref<4x128x128xf32, #tpu.memory_space<vmem>>, vector<16xf32>,
        %get3A_1475 = arith.constant 0 : i32
        %get3A_1476 = arith.index_cast %get3A_1475 : i32 to index
        %get3A_1477 = arith.index_cast %scan3A_1464 : i32 to index
        %get3A_1478 = arith.constant 32 : index
        %get3A_1479 = tpu.vector_load %arg7[%get3A_1476, %get3A_1477, %get3A_1478] {strides = array<i32>} : memref<4x128x128xf32, #tpu.memory_space<vmem>>, vector<16xf32>,
        %get3A_1480 = arith.constant 0 : i32
        %get3A_1481 = arith.index_cast %get3A_1480 : i32 to index
        %get3A_1482 = arith.index_cast %scan3A_1464 : i32 to index
        %get3A_1483 = arith.constant 48 : index
        %get3A_1484 = tpu.vector_load %arg7[%get3A_1481, %get3A_1482, %get3A_1483] {strides = array<i32>} : memref<4x128x128xf32, #tpu.memory_space<vmem>>, vector<16xf32>,
        %add3A_1485 = vector.broadcast %scan3A_1464 : i32 to vector<16xi32>
        %add3A_1486 = arith.addi %add3A_400, %add3A_1485 : vector<16xi32>
        %add3A_1487 = vector.broadcast %scan3A_1464 : i32 to vector<16xi32>
        %add3A_1488 = arith.addi %add3A_403, %add3A_1487 : vector<16xi32>
        %add3A_1489 = vector.broadcast %scan3A_1464 : i32 to vector<16xi32>
        %add3A_1490 = arith.addi %add3A_406, %add3A_1489 : vector<16xi32>
        %add3A_1491 = vector.broadcast %scan3A_1464 : i32 to vector<16xi32>
        %add3A_1492 = arith.addi %add3A_409, %add3A_1491 : vector<16xi32>
        %add3A_1493 = arith.addf %get3A_1469, %get3A_385 : vector<16xf32>
        %add3A_1494 = arith.addf %get3A_1474, %get3A_389 : vector<16xf32>
        %add3A_1495 = arith.addf %get3A_1479, %get3A_393 : vector<16xf32>
        %add3A_1496 = arith.addf %get3A_1484, %get3A_397 : vector<16xf32>
        tpu.vector_store_idx %arg10[%add3A_1486], %add3A_1493 : memref<8256xf32, #tpu.memory_space<vmem>>[vector<16xi32>], vector<16xf32>,
        tpu.vector_store_idx %arg10[%add3A_1488], %add3A_1494 : memref<8256xf32, #tpu.memory_space<vmem>>[vector<16xi32>], vector<16xf32>,
        tpu.vector_store_idx %arg10[%add3A_1490], %add3A_1495 : memref<8256xf32, #tpu.memory_space<vmem>>[vector<16xi32>], vector<16xf32>,
        tpu.vector_store_idx %arg10[%add3A_1492], %add3A_1496 : memref<8256xf32, #tpu.memory_space<vmem>>[vector<16xi32>], vector<16xf32>,
        %scan3A_1497 = arith.constant 1 : i32
        %scan3A_1498 = arith.addi %scan3A_1464, %scan3A_1497 : i32
        %get3A_1499 = arith.constant 0 : i32
        %get3A_1500 = arith.index_cast %get3A_1499 : i32 to index
        %get3A_1501 = arith.index_cast %scan3A_1498 : i32 to index
        %get3A_1502 = arith.constant 0 : index
        %get3A_1503 = tpu.vector_load %arg7[%get3A_1500, %get3A_1501, %get3A_1502] {strides = array<i32>} : memref<4x128x128xf32, #tpu.memory_space<vmem>>, vector<16xf32>,
        %get3A_1504 = arith.constant 0 : i32
        %get3A_1505 = arith.index_cast %get3A_1504 : i32 to index
        %get3A_1506 = arith.index_cast %scan3A_1498 : i32 to index
        %get3A_1507 = arith.constant 16 : index
        %get3A_1508 = tpu.vector_load %arg7[%get3A_1505, %get3A_1506, %get3A_1507] {strides = array<i32>} : memref<4x128x128xf32, #tpu.memory_space<vmem>>, vector<16xf32>,
        %get3A_1509 = arith.constant 0 : i32
        %get3A_1510 = arith.index_cast %get3A_1509 : i32 to index
        %get3A_1511 = arith.index_cast %scan3A_1498 : i32 to index
        %get3A_1512 = arith.constant 32 : index
        %get3A_1513 = tpu.vector_load %arg7[%get3A_1510, %get3A_1511, %get3A_1512] {strides = array<i32>} : memref<4x128x128xf32, #tpu.memory_space<vmem>>, vector<16xf32>,
        %get3A_1514 = arith.constant 0 : i32
        %get3A_1515 = arith.index_cast %get3A_1514 : i32 to index
        %get3A_1516 = arith.index_cast %scan3A_1498 : i32 to index
        %get3A_1517 = arith.constant 48 : index
        %get3A_1518 = tpu.vector_load %arg7[%get3A_1515, %get3A_1516, %get3A_1517] {strides = array<i32>} : memref<4x128x128xf32, #tpu.memory_space<vmem>>, vector<16xf32>,
        %add3A_1519 = vector.broadcast %scan3A_1498 : i32 to vector<16xi32>
        %add3A_1520 = arith.addi %add3A_400, %add3A_1519 : vector<16xi32>
        %add3A_1521 = vector.broadcast %scan3A_1498 : i32 to vector<16xi32>
        %add3A_1522 = arith.addi %add3A_403, %add3A_1521 : vector<16xi32>
        %add3A_1523 = vector.broadcast %scan3A_1498 : i32 to vector<16xi32>
        %add3A_1524 = arith.addi %add3A_406, %add3A_1523 : vector<16xi32>
        %add3A_1525 = vector.broadcast %scan3A_1498 : i32 to vector<16xi32>
        %add3A_1526 = arith.addi %add3A_409, %add3A_1525 : vector<16xi32>
        %add3A_1527 = arith.addf %get3A_1503, %get3A_385 : vector<16xf32>
        %add3A_1528 = arith.addf %get3A_1508, %get3A_389 : vector<16xf32>
        %add3A_1529 = arith.addf %get3A_1513, %get3A_393 : vector<16xf32>
        %add3A_1530 = arith.addf %get3A_1518, %get3A_397 : vector<16xf32>
        tpu.vector_store_idx %arg10[%add3A_1520], %add3A_1527 : memref<8256xf32, #tpu.memory_space<vmem>>[vector<16xi32>], vector<16xf32>,
        tpu.vector_store_idx %arg10[%add3A_1522], %add3A_1528 : memref<8256xf32, #tpu.memory_space<vmem>>[vector<16xi32>], vector<16xf32>,
        tpu.vector_store_idx %arg10[%add3A_1524], %add3A_1529 : memref<8256xf32, #tpu.memory_space<vmem>>[vector<16xi32>], vector<16xf32>,
        tpu.vector_store_idx %arg10[%add3A_1526], %add3A_1530 : memref<8256xf32, #tpu.memory_space<vmem>>[vector<16xi32>], vector<16xf32>,
        %scan3A_1531 = arith.constant 2 : i32
        %scan3A_1532 = arith.addi %scan3A_1464, %scan3A_1531 : i32
        %get3A_1533 = arith.constant 0 : i32
        %get3A_1534 = arith.index_cast %get3A_1533 : i32 to index
        %get3A_1535 = arith.index_cast %scan3A_1532 : i32 to index
        %get3A_1536 = arith.constant 0 : index
        %get3A_1537 = tpu.vector_load %arg7[%get3A_1534, %get3A_1535, %get3A_1536] {strides = array<i32>} : memref<4x128x128xf32, #tpu.memory_space<vmem>>, vector<16xf32>,
        %get3A_1538 = arith.constant 0 : i32
        %get3A_1539 = arith.index_cast %get3A_1538 : i32 to index
        %get3A_1540 = arith.index_cast %scan3A_1532 : i32 to index
        %get3A_1541 = arith.constant 16 : index
        %get3A_1542 = tpu.vector_load %arg7[%get3A_1539, %get3A_1540, %get3A_1541] {strides = array<i32>} : memref<4x128x128xf32, #tpu.memory_space<vmem>>, vector<16xf32>,
        %get3A_1543 = arith.constant 0 : i32
        %get3A_1544 = arith.index_cast %get3A_1543 : i32 to index
        %get3A_1545 = arith.index_cast %scan3A_1532 : i32 to index
        %get3A_1546 = arith.constant 32 : index
        %get3A_1547 = tpu.vector_load %arg7[%get3A_1544, %get3A_1545, %get3A_1546] {strides = array<i32>} : memref<4x128x128xf32, #tpu.memory_space<vmem>>, vector<16xf32>,
        %get3A_1548 = arith.constant 0 : i32
        %get3A_1549 = arith.index_cast %get3A_1548 : i32 to index
        %get3A_1550 = arith.index_cast %scan3A_1532 : i32 to index
        %get3A_1551 = arith.constant 48 : index
        %get3A_1552 = tpu.vector_load %arg7[%get3A_1549, %get3A_1550, %get3A_1551] {strides = array<i32>} : memref<4x128x128xf32, #tpu.memory_space<vmem>>, vector<16xf32>,
        %add3A_1553 = vector.broadcast %scan3A_1532 : i32 to vector<16xi32>
        %add3A_1554 = arith.addi %add3A_400, %add3A_1553 : vector<16xi32>
        %add3A_1555 = vector.broadcast %scan3A_1532 : i32 to vector<16xi32>
        %add3A_1556 = arith.addi %add3A_403, %add3A_1555 : vector<16xi32>
        %add3A_1557 = vector.broadcast %scan3A_1532 : i32 to vector<16xi32>
        %add3A_1558 = arith.addi %add3A_406, %add3A_1557 : vector<16xi32>
        %add3A_1559 = vector.broadcast %scan3A_1532 : i32 to vector<16xi32>
        %add3A_1560 = arith.addi %add3A_409, %add3A_1559 : vector<16xi32>
        %add3A_1561 = arith.addf %get3A_1537, %get3A_385 : vector<16xf32>
        %add3A_1562 = arith.addf %get3A_1542, %get3A_389 : vector<16xf32>
        %add3A_1563 = arith.addf %get3A_1547, %get3A_393 : vector<16xf32>
        %add3A_1564 = arith.addf %get3A_1552, %get3A_397 : vector<16xf32>
        tpu.vector_store_idx %arg10[%add3A_1554], %add3A_1561 : memref<8256xf32, #tpu.memory_space<vmem>>[vector<16xi32>], vector<16xf32>,
        tpu.vector_store_idx %arg10[%add3A_1556], %add3A_1562 : memref<8256xf32, #tpu.memory_space<vmem>>[vector<16xi32>], vector<16xf32>,
        tpu.vector_store_idx %arg10[%add3A_1558], %add3A_1563 : memref<8256xf32, #tpu.memory_space<vmem>>[vector<16xi32>], vector<16xf32>,
        tpu.vector_store_idx %arg10[%add3A_1560], %add3A_1564 : memref<8256xf32, #tpu.memory_space<vmem>>[vector<16xi32>], vector<16xf32>,
        %scan3A_1565 = arith.constant 3 : i32
        %scan3A_1566 = arith.addi %scan3A_1464, %scan3A_1565 : i32
        %get3A_1567 = arith.constant 0 : i32
        %get3A_1568 = arith.index_cast %get3A_1567 : i32 to index
        %get3A_1569 = arith.index_cast %scan3A_1566 : i32 to index
        %get3A_1570 = arith.constant 0 : index
        %get3A_1571 = tpu.vector_load %arg7[%get3A_1568, %get3A_1569, %get3A_1570] {strides = array<i32>} : memref<4x128x128xf32, #tpu.memory_space<vmem>>, vector<16xf32>,
        %get3A_1572 = arith.constant 0 : i32
        %get3A_1573 = arith.index_cast %get3A_1572 : i32 to index
        %get3A_1574 = arith.index_cast %scan3A_1566 : i32 to index
        %get3A_1575 = arith.constant 16 : index
        %get3A_1576 = tpu.vector_load %arg7[%get3A_1573, %get3A_1574, %get3A_1575] {strides = array<i32>} : memref<4x128x128xf32, #tpu.memory_space<vmem>>, vector<16xf32>,
        %get3A_1577 = arith.constant 0 : i32
        %get3A_1578 = arith.index_cast %get3A_1577 : i32 to index
        %get3A_1579 = arith.index_cast %scan3A_1566 : i32 to index
        %get3A_1580 = arith.constant 32 : index
        %get3A_1581 = tpu.vector_load %arg7[%get3A_1578, %get3A_1579, %get3A_1580] {strides = array<i32>} : memref<4x128x128xf32, #tpu.memory_space<vmem>>, vector<16xf32>,
        %get3A_1582 = arith.constant 0 : i32
        %get3A_1583 = arith.index_cast %get3A_1582 : i32 to index
        %get3A_1584 = arith.index_cast %scan3A_1566 : i32 to index
        %get3A_1585 = arith.constant 48 : index
        %get3A_1586 = tpu.vector_load %arg7[%get3A_1583, %get3A_1584, %get3A_1585] {strides = array<i32>} : memref<4x128x128xf32, #tpu.memory_space<vmem>>, vector<16xf32>,
        %add3A_1587 = vector.broadcast %scan3A_1566 : i32 to vector<16xi32>
        %add3A_1588 = arith.addi %add3A_400, %add3A_1587 : vector<16xi32>
        %add3A_1589 = vector.broadcast %scan3A_1566 : i32 to vector<16xi32>
        %add3A_1590 = arith.addi %add3A_403, %add3A_1589 : vector<16xi32>
        %add3A_1591 = vector.broadcast %scan3A_1566 : i32 to vector<16xi32>
        %add3A_1592 = arith.addi %add3A_406, %add3A_1591 : vector<16xi32>
        %add3A_1593 = vector.broadcast %scan3A_1566 : i32 to vector<16xi32>
        %add3A_1594 = arith.addi %add3A_409, %add3A_1593 : vector<16xi32>
        %add3A_1595 = arith.addf %get3A_1571, %get3A_385 : vector<16xf32>
        %add3A_1596 = arith.addf %get3A_1576, %get3A_389 : vector<16xf32>
        %add3A_1597 = arith.addf %get3A_1581, %get3A_393 : vector<16xf32>
        %add3A_1598 = arith.addf %get3A_1586, %get3A_397 : vector<16xf32>
        tpu.vector_store_idx %arg10[%add3A_1588], %add3A_1595 : memref<8256xf32, #tpu.memory_space<vmem>>[vector<16xi32>], vector<16xf32>,
        tpu.vector_store_idx %arg10[%add3A_1590], %add3A_1596 : memref<8256xf32, #tpu.memory_space<vmem>>[vector<16xi32>], vector<16xf32>,
        tpu.vector_store_idx %arg10[%add3A_1592], %add3A_1597 : memref<8256xf32, #tpu.memory_space<vmem>>[vector<16xi32>], vector<16xf32>,
        tpu.vector_store_idx %arg10[%add3A_1594], %add3A_1598 : memref<8256xf32, #tpu.memory_space<vmem>>[vector<16xi32>], vector<16xf32>,
      }
      %scan3A_414 = arith.constant 128 : i32
      %get3A_415 = arith.constant 0 : index
      %get3A_416 = tpu.vector_load %arg10[%get3A_415] {strides = array<i32>} : memref<8256xf32, #tpu.memory_space<vmem>>, vector<16xf32>,
      %get3A_417 = arith.constant 16 : index
      %get3A_418 = tpu.vector_load %arg10[%get3A_417] {strides = array<i32>} : memref<8256xf32, #tpu.memory_space<vmem>>, vector<16xf32>,
      %get3A_419 = arith.constant 32 : index
      %get3A_420 = tpu.vector_load %arg10[%get3A_419] {strides = array<i32>} : memref<8256xf32, #tpu.memory_space<vmem>>, vector<16xf32>,
      %get3A_421 = arith.constant 48 : index
      %get3A_422 = tpu.vector_load %arg10[%get3A_421] {strides = array<i32>} : memref<8256xf32, #tpu.memory_space<vmem>>, vector<16xf32>,
      %get3A_423 = arith.constant 64 : index
      %get3A_424 = tpu.vector_load %arg10[%get3A_423] {strides = array<i32>} : memref<8256xf32, #tpu.memory_space<vmem>>, vector<16xf32>,
      %get3A_425 = arith.constant 80 : index
      %get3A_426 = tpu.vector_load %arg10[%get3A_425] {strides = array<i32>} : memref<8256xf32, #tpu.memory_space<vmem>>, vector<16xf32>,
      %get3A_427 = arith.constant 96 : index
      %get3A_428 = tpu.vector_load %arg10[%get3A_427] {strides = array<i32>} : memref<8256xf32, #tpu.memory_space<vmem>>, vector<16xf32>,
      %get3A_429 = arith.constant 112 : index
      %get3A_430 = tpu.vector_load %arg10[%get3A_429] {strides = array<i32>} : memref<8256xf32, #tpu.memory_space<vmem>>, vector<16xf32>,
      %scan3A_431 = arith.constant 0 : i32
      %scan3A_432 = arith.constant 62 : i32
      %scan3A_433 = arith.addi %scan3A_431, %scan3A_432 : i32
      %scan3A_434 = arith.constant 2 : i32
      %scan3A_435:8 = scf.for %scan3A_1464 = %scan3A_431 to %scan3A_433 step %scan3A_434 iter_args(%scan3A_1465 = %get3A_416, %scan3A_1466 = %get3A_418, %scan3A_1467 = %get3A_420, %scan3A_1468 = %get3A_422, %scan3A_1469 = %get3A_424, %scan3A_1470 = %get3A_426, %scan3A_1471 = %get3A_428, %scan3A_1472 = %get3A_430) -> (vector<16xf32>, vector<16xf32>, vector<16xf32>, vector<16xf32>, vector<16xf32>, vector<16xf32>, vector<16xf32>, vector<16xf32>)  : i32 {
        %swap3A_1473 = arith.constant 0 : i32
        %swap3A_1474 = arith.index_cast %swap3A_1473 : i32 to index
        %swap3A_1475 = arith.index_cast %scan3A_1464 : i32 to index
        %swap3A_1476 = arith.constant 0 : index
        %swap3A_1477 = tpu.vector_load %arg8[%swap3A_1474, %swap3A_1475, %swap3A_1476] {strides = array<i32>} : memref<4x64x128xf32, #tpu.memory_space<vmem>>, vector<16xf32>,
        tpu.vector_store %arg8[%swap3A_1474, %swap3A_1475, %swap3A_1476], %scan3A_1465 {strides = array<i32>} : memref<4x64x128xf32, #tpu.memory_space<vmem>>, vector<16xf32>,
        %swap3A_1478 = arith.constant 0 : i32
        %swap3A_1479 = arith.index_cast %swap3A_1478 : i32 to index
        %swap3A_1480 = arith.index_cast %scan3A_1464 : i32 to index
        %swap3A_1481 = arith.constant 16 : index
        %swap3A_1482 = tpu.vector_load %arg8[%swap3A_1479, %swap3A_1480, %swap3A_1481] {strides = array<i32>} : memref<4x64x128xf32, #tpu.memory_space<vmem>>, vector<16xf32>,
        tpu.vector_store %arg8[%swap3A_1479, %swap3A_1480, %swap3A_1481], %scan3A_1466 {strides = array<i32>} : memref<4x64x128xf32, #tpu.memory_space<vmem>>, vector<16xf32>,
        %swap3A_1483 = arith.constant 0 : i32
        %swap3A_1484 = arith.index_cast %swap3A_1483 : i32 to index
        %swap3A_1485 = arith.index_cast %scan3A_1464 : i32 to index
        %swap3A_1486 = arith.constant 32 : index
        %swap3A_1487 = tpu.vector_load %arg8[%swap3A_1484, %swap3A_1485, %swap3A_1486] {strides = array<i32>} : memref<4x64x128xf32, #tpu.memory_space<vmem>>, vector<16xf32>,
        tpu.vector_store %arg8[%swap3A_1484, %swap3A_1485, %swap3A_1486], %scan3A_1467 {strides = array<i32>} : memref<4x64x128xf32, #tpu.memory_space<vmem>>, vector<16xf32>,
        %swap3A_1488 = arith.constant 0 : i32
        %swap3A_1489 = arith.index_cast %swap3A_1488 : i32 to index
        %swap3A_1490 = arith.index_cast %scan3A_1464 : i32 to index
        %swap3A_1491 = arith.constant 48 : index
        %swap3A_1492 = tpu.vector_load %arg8[%swap3A_1489, %swap3A_1490, %swap3A_1491] {strides = array<i32>} : memref<4x64x128xf32, #tpu.memory_space<vmem>>, vector<16xf32>,
        tpu.vector_store %arg8[%swap3A_1489, %swap3A_1490, %swap3A_1491], %scan3A_1468 {strides = array<i32>} : memref<4x64x128xf32, #tpu.memory_space<vmem>>, vector<16xf32>,
        %swap3A_1493 = arith.constant 0 : i32
        %swap3A_1494 = arith.index_cast %swap3A_1493 : i32 to index
        %swap3A_1495 = arith.index_cast %scan3A_1464 : i32 to index
        %swap3A_1496 = arith.constant 64 : index
        %swap3A_1497 = tpu.vector_load %arg8[%swap3A_1494, %swap3A_1495, %swap3A_1496] {strides = array<i32>} : memref<4x64x128xf32, #tpu.memory_space<vmem>>, vector<16xf32>,
        tpu.vector_store %arg8[%swap3A_1494, %swap3A_1495, %swap3A_1496], %scan3A_1469 {strides = array<i32>} : memref<4x64x128xf32, #tpu.memory_space<vmem>>, vector<16xf32>,
        %swap3A_1498 = arith.constant 0 : i32
        %swap3A_1499 = arith.index_cast %swap3A_1498 : i32 to index
        %swap3A_1500 = arith.index_cast %scan3A_1464 : i32 to index
        %swap3A_1501 = arith.constant 80 : index
        %swap3A_1502 = tpu.vector_load %arg8[%swap3A_1499, %swap3A_1500, %swap3A_1501] {strides = array<i32>} : memref<4x64x128xf32, #tpu.memory_space<vmem>>, vector<16xf32>,
        tpu.vector_store %arg8[%swap3A_1499, %swap3A_1500, %swap3A_1501], %scan3A_1470 {strides = array<i32>} : memref<4x64x128xf32, #tpu.memory_space<vmem>>, vector<16xf32>,
        %swap3A_1503 = arith.constant 0 : i32
        %swap3A_1504 = arith.index_cast %swap3A_1503 : i32 to index
        %swap3A_1505 = arith.index_cast %scan3A_1464 : i32 to index
        %swap3A_1506 = arith.constant 96 : index
        %swap3A_1507 = tpu.vector_load %arg8[%swap3A_1504, %swap3A_1505, %swap3A_1506] {strides = array<i32>} : memref<4x64x128xf32, #tpu.memory_space<vmem>>, vector<16xf32>,
        tpu.vector_store %arg8[%swap3A_1504, %swap3A_1505, %swap3A_1506], %scan3A_1471 {strides = array<i32>} : memref<4x64x128xf32, #tpu.memory_space<vmem>>, vector<16xf32>,
        %swap3A_1508 = arith.constant 0 : i32
        %swap3A_1509 = arith.index_cast %swap3A_1508 : i32 to index
        %swap3A_1510 = arith.index_cast %scan3A_1464 : i32 to index
        %swap3A_1511 = arith.constant 112 : index
        %swap3A_1512 = tpu.vector_load %arg8[%swap3A_1509, %swap3A_1510, %swap3A_1511] {strides = array<i32>} : memref<4x64x128xf32, #tpu.memory_space<vmem>>, vector<16xf32>,
        tpu.vector_store %arg8[%swap3A_1509, %swap3A_1510, %swap3A_1511], %scan3A_1472 {strides = array<i32>} : memref<4x64x128xf32, #tpu.memory_space<vmem>>, vector<16xf32>,
        %add3A_1513 = arith.constant 1 : i32
        %add3A_1514 = arith.addi %scan3A_1464, %add3A_1513 : i32
        %mul3A_1515 = arith.constant 129 : i32
        %mul3A_1516 = arith.muli %add3A_1514, %mul3A_1515 : i32
        %add3A_1517 = arith.constant 0 : i32
        %add3A_1518 = arith.addi %mul3A_1516, %add3A_1517 : i32
        %get3A_1519 = arith.index_cast %add3A_1518 : i32 to index
        %get3A_1520 = tpu.vector_load %arg10[%get3A_1519] {strides = array<i32>} : memref<8256xf32, #tpu.memory_space<vmem>>, vector<16xf32>,
        %add3A_1521 = arith.constant 16 : i32
        %add3A_1522 = arith.addi %mul3A_1516, %add3A_1521 : i32
        %get3A_1523 = arith.index_cast %add3A_1522 : i32 to index
        %get3A_1524 = tpu.vector_load %arg10[%get3A_1523] {strides = array<i32>} : memref<8256xf32, #tpu.memory_space<vmem>>, vector<16xf32>,
        %add3A_1525 = arith.constant 32 : i32
        %add3A_1526 = arith.addi %mul3A_1516, %add3A_1525 : i32
        %get3A_1527 = arith.index_cast %add3A_1526 : i32 to index
        %get3A_1528 = tpu.vector_load %arg10[%get3A_1527] {strides = array<i32>} : memref<8256xf32, #tpu.memory_space<vmem>>, vector<16xf32>,
        %add3A_1529 = arith.constant 48 : i32
        %add3A_1530 = arith.addi %mul3A_1516, %add3A_1529 : i32
        %get3A_1531 = arith.index_cast %add3A_1530 : i32 to index
        %get3A_1532 = tpu.vector_load %arg10[%get3A_1531] {strides = array<i32>} : memref<8256xf32, #tpu.memory_space<vmem>>, vector<16xf32>,
        %add3A_1533 = arith.constant 64 : i32
        %add3A_1534 = arith.addi %mul3A_1516, %add3A_1533 : i32
        %get3A_1535 = arith.index_cast %add3A_1534 : i32 to index
        %get3A_1536 = tpu.vector_load %arg10[%get3A_1535] {strides = array<i32>} : memref<8256xf32, #tpu.memory_space<vmem>>, vector<16xf32>,
        %add3A_1537 = arith.constant 80 : i32
        %add3A_1538 = arith.addi %mul3A_1516, %add3A_1537 : i32
        %get3A_1539 = arith.index_cast %add3A_1538 : i32 to index
        %get3A_1540 = tpu.vector_load %arg10[%get3A_1539] {strides = array<i32>} : memref<8256xf32, #tpu.memory_space<vmem>>, vector<16xf32>,
        %add3A_1541 = arith.constant 96 : i32
        %add3A_1542 = arith.addi %mul3A_1516, %add3A_1541 : i32
        %get3A_1543 = arith.index_cast %add3A_1542 : i32 to index
        %get3A_1544 = tpu.vector_load %arg10[%get3A_1543] {strides = array<i32>} : memref<8256xf32, #tpu.memory_space<vmem>>, vector<16xf32>,
        %add3A_1545 = arith.constant 112 : i32
        %add3A_1546 = arith.addi %mul3A_1516, %add3A_1545 : i32
        %get3A_1547 = arith.index_cast %add3A_1546 : i32 to index
        %get3A_1548 = tpu.vector_load %arg10[%get3A_1547] {strides = array<i32>} : memref<8256xf32, #tpu.memory_space<vmem>>, vector<16xf32>,
        %scan3A_1549 = arith.constant 1 : i32
        %scan3A_1550 = arith.addi %scan3A_1464, %scan3A_1549 : i32
        %swap3A_1551 = arith.constant 0 : i32
        %swap3A_1552 = arith.index_cast %swap3A_1551 : i32 to index
        %swap3A_1553 = arith.index_cast %scan3A_1550 : i32 to index
        %swap3A_1554 = arith.constant 0 : index
        %swap3A_1555 = tpu.vector_load %arg8[%swap3A_1552, %swap3A_1553, %swap3A_1554] {strides = array<i32>} : memref<4x64x128xf32, #tpu.memory_space<vmem>>, vector<16xf32>,
        tpu.vector_store %arg8[%swap3A_1552, %swap3A_1553, %swap3A_1554], %get3A_1520 {strides = array<i32>} : memref<4x64x128xf32, #tpu.memory_space<vmem>>, vector<16xf32>,
        %swap3A_1556 = arith.constant 0 : i32
        %swap3A_1557 = arith.index_cast %swap3A_1556 : i32 to index
        %swap3A_1558 = arith.index_cast %scan3A_1550 : i32 to index
        %swap3A_1559 = arith.constant 16 : index
        %swap3A_1560 = tpu.vector_load %arg8[%swap3A_1557, %swap3A_1558, %swap3A_1559] {strides = array<i32>} : memref<4x64x128xf32, #tpu.memory_space<vmem>>, vector<16xf32>,
        tpu.vector_store %arg8[%swap3A_1557, %swap3A_1558, %swap3A_1559], %get3A_1524 {strides = array<i32>} : memref<4x64x128xf32, #tpu.memory_space<vmem>>, vector<16xf32>,
        %swap3A_1561 = arith.constant 0 : i32
        %swap3A_1562 = arith.index_cast %swap3A_1561 : i32 to index
        %swap3A_1563 = arith.index_cast %scan3A_1550 : i32 to index
        %swap3A_1564 = arith.constant 32 : index
        %swap3A_1565 = tpu.vector_load %arg8[%swap3A_1562, %swap3A_1563, %swap3A_1564] {strides = array<i32>} : memref<4x64x128xf32, #tpu.memory_space<vmem>>, vector<16xf32>,
        tpu.vector_store %arg8[%swap3A_1562, %swap3A_1563, %swap3A_1564], %get3A_1528 {strides = array<i32>} : memref<4x64x128xf32, #tpu.memory_space<vmem>>, vector<16xf32>,
        %swap3A_1566 = arith.constant 0 : i32
        %swap3A_1567 = arith.index_cast %swap3A_1566 : i32 to index
        %swap3A_1568 = arith.index_cast %scan3A_1550 : i32 to index
        %swap3A_1569 = arith.constant 48 : index
        %swap3A_1570 = tpu.vector_load %arg8[%swap3A_1567, %swap3A_1568, %swap3A_1569] {strides = array<i32>} : memref<4x64x128xf32, #tpu.memory_space<vmem>>, vector<16xf32>,
        tpu.vector_store %arg8[%swap3A_1567, %swap3A_1568, %swap3A_1569], %get3A_1532 {strides = array<i32>} : memref<4x64x128xf32, #tpu.memory_space<vmem>>, vector<16xf32>,
        %swap3A_1571 = arith.constant 0 : i32
        %swap3A_1572 = arith.index_cast %swap3A_1571 : i32 to index
        %swap3A_1573 = arith.index_cast %scan3A_1550 : i32 to index
        %swap3A_1574 = arith.constant 64 : index
        %swap3A_1575 = tpu.vector_load %arg8[%swap3A_1572, %swap3A_1573, %swap3A_1574] {strides = array<i32>} : memref<4x64x128xf32, #tpu.memory_space<vmem>>, vector<16xf32>,
        tpu.vector_store %arg8[%swap3A_1572, %swap3A_1573, %swap3A_1574], %get3A_1536 {strides = array<i32>} : memref<4x64x128xf32, #tpu.memory_space<vmem>>, vector<16xf32>,
        %swap3A_1576 = arith.constant 0 : i32
        %swap3A_1577 = arith.index_cast %swap3A_1576 : i32 to index
        %swap3A_1578 = arith.index_cast %scan3A_1550 : i32 to index
        %swap3A_1579 = arith.constant 80 : index
        %swap3A_1580 = tpu.vector_load %arg8[%swap3A_1577, %swap3A_1578, %swap3A_1579] {strides = array<i32>} : memref<4x64x128xf32, #tpu.memory_space<vmem>>, vector<16xf32>,
        tpu.vector_store %arg8[%swap3A_1577, %swap3A_1578, %swap3A_1579], %get3A_1540 {strides = array<i32>} : memref<4x64x128xf32, #tpu.memory_space<vmem>>, vector<16xf32>,
        %swap3A_1581 = arith.constant 0 : i32
        %swap3A_1582 = arith.index_cast %swap3A_1581 : i32 to index
        %swap3A_1583 = arith.index_cast %scan3A_1550 : i32 to index
        %swap3A_1584 = arith.constant 96 : index
        %swap3A_1585 = tpu.vector_load %arg8[%swap3A_1582, %swap3A_1583, %swap3A_1584] {strides = array<i32>} : memref<4x64x128xf32, #tpu.memory_space<vmem>>, vector<16xf32>,
        tpu.vector_store %arg8[%swap3A_1582, %swap3A_1583, %swap3A_1584], %get3A_1544 {strides = array<i32>} : memref<4x64x128xf32, #tpu.memory_space<vmem>>, vector<16xf32>,
        %swap3A_1586 = arith.constant 0 : i32
        %swap3A_1587 = arith.index_cast %swap3A_1586 : i32 to index
        %swap3A_1588 = arith.index_cast %scan3A_1550 : i32 to index
        %swap3A_1589 = arith.constant 112 : index
        %swap3A_1590 = tpu.vector_load %arg8[%swap3A_1587, %swap3A_1588, %swap3A_1589] {strides = array<i32>} : memref<4x64x128xf32, #tpu.memory_space<vmem>>, vector<16xf32>,
        tpu.vector_store %arg8[%swap3A_1587, %swap3A_1588, %swap3A_1589], %get3A_1548 {strides = array<i32>} : memref<4x64x128xf32, #tpu.memory_space<vmem>>, vector<16xf32>,
        %add3A_1591 = arith.constant 1 : i32
        %add3A_1592 = arith.addi %scan3A_1550, %add3A_1591 : i32
        %mul3A_1593 = arith.constant 129 : i32
        %mul3A_1594 = arith.muli %add3A_1592, %mul3A_1593 : i32
        %add3A_1595 = arith.constant 0 : i32
        %add3A_1596 = arith.addi %mul3A_1594, %add3A_1595 : i32
        %get3A_1597 = arith.index_cast %add3A_1596 : i32 to index
        %get3A_1598 = tpu.vector_load %arg10[%get3A_1597] {strides = array<i32>} : memref<8256xf32, #tpu.memory_space<vmem>>, vector<16xf32>,
        %add3A_1599 = arith.constant 16 : i32
        %add3A_1600 = arith.addi %mul3A_1594, %add3A_1599 : i32
        %get3A_1601 = arith.index_cast %add3A_1600 : i32 to index
        %get3A_1602 = tpu.vector_load %arg10[%get3A_1601] {strides = array<i32>} : memref<8256xf32, #tpu.memory_space<vmem>>, vector<16xf32>,
        %add3A_1603 = arith.constant 32 : i32
        %add3A_1604 = arith.addi %mul3A_1594, %add3A_1603 : i32
        %get3A_1605 = arith.index_cast %add3A_1604 : i32 to index
        %get3A_1606 = tpu.vector_load %arg10[%get3A_1605] {strides = array<i32>} : memref<8256xf32, #tpu.memory_space<vmem>>, vector<16xf32>,
        %add3A_1607 = arith.constant 48 : i32
        %add3A_1608 = arith.addi %mul3A_1594, %add3A_1607 : i32
        %get3A_1609 = arith.index_cast %add3A_1608 : i32 to index
        %get3A_1610 = tpu.vector_load %arg10[%get3A_1609] {strides = array<i32>} : memref<8256xf32, #tpu.memory_space<vmem>>, vector<16xf32>,
        %add3A_1611 = arith.constant 64 : i32
        %add3A_1612 = arith.addi %mul3A_1594, %add3A_1611 : i32
        %get3A_1613 = arith.index_cast %add3A_1612 : i32 to index
        %get3A_1614 = tpu.vector_load %arg10[%get3A_1613] {strides = array<i32>} : memref<8256xf32, #tpu.memory_space<vmem>>, vector<16xf32>,
        %add3A_1615 = arith.constant 80 : i32
        %add3A_1616 = arith.addi %mul3A_1594, %add3A_1615 : i32
        %get3A_1617 = arith.index_cast %add3A_1616 : i32 to index
        %get3A_1618 = tpu.vector_load %arg10[%get3A_1617] {strides = array<i32>} : memref<8256xf32, #tpu.memory_space<vmem>>, vector<16xf32>,
        %add3A_1619 = arith.constant 96 : i32
        %add3A_1620 = arith.addi %mul3A_1594, %add3A_1619 : i32
        %get3A_1621 = arith.index_cast %add3A_1620 : i32 to index
        %get3A_1622 = tpu.vector_load %arg10[%get3A_1621] {strides = array<i32>} : memref<8256xf32, #tpu.memory_space<vmem>>, vector<16xf32>,
        %add3A_1623 = arith.constant 112 : i32
        %add3A_1624 = arith.addi %mul3A_1594, %add3A_1623 : i32
        %get3A_1625 = arith.index_cast %add3A_1624 : i32 to index
        %get3A_1626 = tpu.vector_load %arg10[%get3A_1625] {strides = array<i32>} : memref<8256xf32, #tpu.memory_space<vmem>>, vector<16xf32>,
        scf.yield %get3A_1598, %get3A_1602, %get3A_1606, %get3A_1610, %get3A_1614, %get3A_1618, %get3A_1622, %get3A_1626 : vector<16xf32>, vector<16xf32>, vector<16xf32>, vector<16xf32>, vector<16xf32>, vector<16xf32>, vector<16xf32>, vector<16xf32>
      }
      %scan3A_436 = arith.constant 62 : i32
      %scan3A_437 = arith.addi %scan3A_431, %scan3A_436 : i32
      %swap3A = arith.constant 0 : i32
      %swap3A_438 = arith.index_cast %swap3A : i32 to index
      %swap3A_439 = arith.index_cast %scan3A_437 : i32 to index
      %swap3A_440 = arith.constant 0 : index
      %swap3A_441 = tpu.vector_load %arg8[%swap3A_438, %swap3A_439, %swap3A_440] {strides = array<i32>} : memref<4x64x128xf32, #tpu.memory_space<vmem>>, vector<16xf32>,
      tpu.vector_store %arg8[%swap3A_438, %swap3A_439, %swap3A_440], %scan3A_435#0 {strides = array<i32>} : memref<4x64x128xf32, #tpu.memory_space<vmem>>, vector<16xf32>,
      %swap3A_442 = arith.constant 0 : i32
      %swap3A_443 = arith.index_cast %swap3A_442 : i32 to index
      %swap3A_444 = arith.index_cast %scan3A_437 : i32 to index
      %swap3A_445 = arith.constant 16 : index
      %swap3A_446 = tpu.vector_load %arg8[%swap3A_443, %swap3A_444, %swap3A_445] {strides = array<i32>} : memref<4x64x128xf32, #tpu.memory_space<vmem>>, vector<16xf32>,
      tpu.vector_store %arg8[%swap3A_443, %swap3A_444, %swap3A_445], %scan3A_435#1 {strides = array<i32>} : memref<4x64x128xf32, #tpu.memory_space<vmem>>, vector<16xf32>,
      %swap3A_447 = arith.constant 0 : i32
      %swap3A_448 = arith.index_cast %swap3A_447 : i32 to index
      %swap3A_449 = arith.index_cast %scan3A_437 : i32 to index
      %swap3A_450 = arith.constant 32 : index
      %swap3A_451 = tpu.vector_load %arg8[%swap3A_448, %swap3A_449, %swap3A_450] {strides = array<i32>} : memref<4x64x128xf32, #tpu.memory_space<vmem>>, vector<16xf32>,
      tpu.vector_store %arg8[%swap3A_448, %swap3A_449, %swap3A_450], %scan3A_435#2 {strides = array<i32>} : memref<4x64x128xf32, #tpu.memory_space<vmem>>, vector<16xf32>,
      %swap3A_452 = arith.constant 0 : i32
      %swap3A_453 = arith.index_cast %swap3A_452 : i32 to index
      %swap3A_454 = arith.index_cast %scan3A_437 : i32 to index
      %swap3A_455 = arith.constant 48 : index
      %swap3A_456 = tpu.vector_load %arg8[%swap3A_453, %swap3A_454, %swap3A_455] {strides = array<i32>} : memref<4x64x128xf32, #tpu.memory_space<vmem>>, vector<16xf32>,
      tpu.vector_store %arg8[%swap3A_453, %swap3A_454, %swap3A_455], %scan3A_435#3 {strides = array<i32>} : memref<4x64x128xf32, #tpu.memory_space<vmem>>, vector<16xf32>,
      %swap3A_457 = arith.constant 0 : i32
      %swap3A_458 = arith.index_cast %swap3A_457 : i32 to index
      %swap3A_459 = arith.index_cast %scan3A_437 : i32 to index
      %swap3A_460 = arith.constant 64 : index
      %swap3A_461 = tpu.vector_load %arg8[%swap3A_458, %swap3A_459, %swap3A_460] {strides = array<i32>} : memref<4x64x128xf32, #tpu.memory_space<vmem>>, vector<16xf32>,
      tpu.vector_store %arg8[%swap3A_458, %swap3A_459, %swap3A_460], %scan3A_435#4 {strides = array<i32>} : memref<4x64x128xf32, #tpu.memory_space<vmem>>, vector<16xf32>,
      %swap3A_462 = arith.constant 0 : i32
      %swap3A_463 = arith.index_cast %swap3A_462 : i32 to index
      %swap3A_464 = arith.index_cast %scan3A_437 : i32 to index
      %swap3A_465 = arith.constant 80 : index
      %swap3A_466 = tpu.vector_load %arg8[%swap3A_463, %swap3A_464, %swap3A_465] {strides = array<i32>} : memref<4x64x128xf32, #tpu.memory_space<vmem>>, vector<16xf32>,
      tpu.vector_store %arg8[%swap3A_463, %swap3A_464, %swap3A_465], %scan3A_435#5 {strides = array<i32>} : memref<4x64x128xf32, #tpu.memory_space<vmem>>, vector<16xf32>,
      %swap3A_467 = arith.constant 0 : i32
      %swap3A_468 = arith.index_cast %swap3A_467 : i32 to index
      %swap3A_469 = arith.index_cast %scan3A_437 : i32 to index
      %swap3A_470 = arith.constant 96 : index
      %swap3A_471 = tpu.vector_load %arg8[%swap3A_468, %swap3A_469, %swap3A_470] {strides = array<i32>} : memref<4x64x128xf32, #tpu.memory_space<vmem>>, vector<16xf32>,
      tpu.vector_store %arg8[%swap3A_468, %swap3A_469, %swap3A_470], %scan3A_435#6 {strides = array<i32>} : memref<4x64x128xf32, #tpu.memory_space<vmem>>, vector<16xf32>,
      %swap3A_472 = arith.constant 0 : i32
      %swap3A_473 = arith.index_cast %swap3A_472 : i32 to index
      %swap3A_474 = arith.index_cast %scan3A_437 : i32 to index
      %swap3A_475 = arith.constant 112 : index
      %swap3A_476 = tpu.vector_load %arg8[%swap3A_473, %swap3A_474, %swap3A_475] {strides = array<i32>} : memref<4x64x128xf32, #tpu.memory_space<vmem>>, vector<16xf32>,
      tpu.vector_store %arg8[%swap3A_473, %swap3A_474, %swap3A_475], %scan3A_435#7 {strides = array<i32>} : memref<4x64x128xf32, #tpu.memory_space<vmem>>, vector<16xf32>,
      %add3A_477 = arith.constant 1 : i32
      %add3A_478 = arith.addi %scan3A_437, %add3A_477 : i32
      %mul3A_479 = arith.constant 129 : i32
      %mul3A_480 = arith.muli %add3A_478, %mul3A_479 : i32
      %add3A_481 = arith.constant 0 : i32
      %add3A_482 = arith.addi %mul3A_480, %add3A_481 : i32
      %get3A_483 = arith.index_cast %add3A_482 : i32 to index
      %get3A_484 = tpu.vector_load %arg10[%get3A_483] {strides = array<i32>} : memref<8256xf32, #tpu.memory_space<vmem>>, vector<16xf32>,
      %add3A_485 = arith.constant 16 : i32
      %add3A_486 = arith.addi %mul3A_480, %add3A_485 : i32
      %get3A_487 = arith.index_cast %add3A_486 : i32 to index
      %get3A_488 = tpu.vector_load %arg10[%get3A_487] {strides = array<i32>} : memref<8256xf32, #tpu.memory_space<vmem>>, vector<16xf32>,
      %add3A_489 = arith.constant 32 : i32
      %add3A_490 = arith.addi %mul3A_480, %add3A_489 : i32
      %get3A_491 = arith.index_cast %add3A_490 : i32 to index
      %get3A_492 = tpu.vector_load %arg10[%get3A_491] {strides = array<i32>} : memref<8256xf32, #tpu.memory_space<vmem>>, vector<16xf32>,
      %add3A_493 = arith.constant 48 : i32
      %add3A_494 = arith.addi %mul3A_480, %add3A_493 : i32
      %get3A_495 = arith.index_cast %add3A_494 : i32 to index
      %get3A_496 = tpu.vector_load %arg10[%get3A_495] {strides = array<i32>} : memref<8256xf32, #tpu.memory_space<vmem>>, vector<16xf32>,
      %add3A_497 = arith.constant 64 : i32
      %add3A_498 = arith.addi %mul3A_480, %add3A_497 : i32
      %get3A_499 = arith.index_cast %add3A_498 : i32 to index
      %get3A_500 = tpu.vector_load %arg10[%get3A_499] {strides = array<i32>} : memref<8256xf32, #tpu.memory_space<vmem>>, vector<16xf32>,
      %add3A_501 = arith.constant 80 : i32
      %add3A_502 = arith.addi %mul3A_480, %add3A_501 : i32
      %get3A_503 = arith.index_cast %add3A_502 : i32 to index
      %get3A_504 = tpu.vector_load %arg10[%get3A_503] {strides = array<i32>} : memref<8256xf32, #tpu.memory_space<vmem>>, vector<16xf32>,
      %add3A_505 = arith.constant 96 : i32
      %add3A_506 = arith.addi %mul3A_480, %add3A_505 : i32
      %get3A_507 = arith.index_cast %add3A_506 : i32 to index
      %get3A_508 = tpu.vector_load %arg10[%get3A_507] {strides = array<i32>} : memref<8256xf32, #tpu.memory_space<vmem>>, vector<16xf32>,
      %add3A_509 = arith.constant 112 : i32
      %add3A_510 = arith.addi %mul3A_480, %add3A_509 : i32
      %get3A_511 = arith.index_cast %add3A_510 : i32 to index
      %get3A_512 = tpu.vector_load %arg10[%get3A_511] {strides = array<i32>} : memref<8256xf32, #tpu.memory_space<vmem>>, vector<16xf32>,
      %scan3A_513 = arith.constant 63 : i32
      %swap3A_514 = arith.constant 0 : i32
      %swap3A_515 = arith.constant 63 : i32
      %swap3A_516 = arith.index_cast %swap3A_514 : i32 to index
      %swap3A_517 = arith.index_cast %swap3A_515 : i32 to index
      %swap3A_518 = arith.constant 0 : index
      %swap3A_519 = tpu.vector_load %arg8[%swap3A_516, %swap3A_517, %swap3A_518] {strides = array<i32>} : memref<4x64x128xf32, #tpu.memory_space<vmem>>, vector<16xf32>,
      tpu.vector_store %arg8[%swap3A_516, %swap3A_517, %swap3A_518], %get3A_484 {strides = array<i32>} : memref<4x64x128xf32, #tpu.memory_space<vmem>>, vector<16xf32>,
      %swap3A_520 = arith.constant 0 : i32
      %swap3A_521 = arith.constant 63 : i32
      %swap3A_522 = arith.index_cast %swap3A_520 : i32 to index
      %swap3A_523 = arith.index_cast %swap3A_521 : i32 to index
      %swap3A_524 = arith.constant 16 : index
      %swap3A_525 = tpu.vector_load %arg8[%swap3A_522, %swap3A_523, %swap3A_524] {strides = array<i32>} : memref<4x64x128xf32, #tpu.memory_space<vmem>>, vector<16xf32>,
      tpu.vector_store %arg8[%swap3A_522, %swap3A_523, %swap3A_524], %get3A_488 {strides = array<i32>} : memref<4x64x128xf32, #tpu.memory_space<vmem>>, vector<16xf32>,
      %swap3A_526 = arith.constant 0 : i32
      %swap3A_527 = arith.constant 63 : i32
      %swap3A_528 = arith.index_cast %swap3A_526 : i32 to index
      %swap3A_529 = arith.index_cast %swap3A_527 : i32 to index
      %swap3A_530 = arith.constant 32 : index
      %swap3A_531 = tpu.vector_load %arg8[%swap3A_528, %swap3A_529, %swap3A_530] {strides = array<i32>} : memref<4x64x128xf32, #tpu.memory_space<vmem>>, vector<16xf32>,
      tpu.vector_store %arg8[%swap3A_528, %swap3A_529, %swap3A_530], %get3A_492 {strides = array<i32>} : memref<4x64x128xf32, #tpu.memory_space<vmem>>, vector<16xf32>,
      %swap3A_532 = arith.constant 0 : i32
      %swap3A_533 = arith.constant 63 : i32
      %swap3A_534 = arith.index_cast %swap3A_532 : i32 to index
      %swap3A_535 = arith.index_cast %swap3A_533 : i32 to index
      %swap3A_536 = arith.constant 48 : index
      %swap3A_537 = tpu.vector_load %arg8[%swap3A_534, %swap3A_535, %swap3A_536] {strides = array<i32>} : memref<4x64x128xf32, #tpu.memory_space<vmem>>, vector<16xf32>,
      tpu.vector_store %arg8[%swap3A_534, %swap3A_535, %swap3A_536], %get3A_496 {strides = array<i32>} : memref<4x64x128xf32, #tpu.memory_space<vmem>>, vector<16xf32>,
      %swap3A_538 = arith.constant 0 : i32
      %swap3A_539 = arith.constant 63 : i32
      %swap3A_540 = arith.index_cast %swap3A_538 : i32 to index
      %swap3A_541 = arith.index_cast %swap3A_539 : i32 to index
      %swap3A_542 = arith.constant 64 : index
      %swap3A_543 = tpu.vector_load %arg8[%swap3A_540, %swap3A_541, %swap3A_542] {strides = array<i32>} : memref<4x64x128xf32, #tpu.memory_space<vmem>>, vector<16xf32>,
      tpu.vector_store %arg8[%swap3A_540, %swap3A_541, %swap3A_542], %get3A_500 {strides = array<i32>} : memref<4x64x128xf32, #tpu.memory_space<vmem>>, vector<16xf32>,
      %swap3A_544 = arith.constant 0 : i32
      %swap3A_545 = arith.constant 63 : i32
      %swap3A_546 = arith.index_cast %swap3A_544 : i32 to index
      %swap3A_547 = arith.index_cast %swap3A_545 : i32 to index
      %swap3A_548 = arith.constant 80 : index
      %swap3A_549 = tpu.vector_load %arg8[%swap3A_546, %swap3A_547, %swap3A_548] {strides = array<i32>} : memref<4x64x128xf32, #tpu.memory_space<vmem>>, vector<16xf32>,
      tpu.vector_store %arg8[%swap3A_546, %swap3A_547, %swap3A_548], %get3A_504 {strides = array<i32>} : memref<4x64x128xf32, #tpu.memory_space<vmem>>, vector<16xf32>,
      %swap3A_550 = arith.constant 0 : i32
      %swap3A_551 = arith.constant 63 : i32
      %swap3A_552 = arith.index_cast %swap3A_550 : i32 to index
      %swap3A_553 = arith.index_cast %swap3A_551 : i32 to index
      %swap3A_554 = arith.constant 96 : index
      %swap3A_555 = tpu.vector_load %arg8[%swap3A_552, %swap3A_553, %swap3A_554] {strides = array<i32>} : memref<4x64x128xf32, #tpu.memory_space<vmem>>, vector<16xf32>,
      tpu.vector_store %arg8[%swap3A_552, %swap3A_553, %swap3A_554], %get3A_508 {strides = array<i32>} : memref<4x64x128xf32, #tpu.memory_space<vmem>>, vector<16xf32>,
      %swap3A_556 = arith.constant 0 : i32
      %swap3A_557 = arith.constant 63 : i32
      %swap3A_558 = arith.index_cast %swap3A_556 : i32 to index
      %swap3A_559 = arith.index_cast %swap3A_557 : i32 to index
      %swap3A_560 = arith.constant 112 : index
      %swap3A_561 = tpu.vector_load %arg8[%swap3A_558, %swap3A_559, %swap3A_560] {strides = array<i32>} : memref<4x64x128xf32, #tpu.memory_space<vmem>>, vector<16xf32>,
      tpu.vector_store %arg8[%swap3A_558, %swap3A_559, %swap3A_560], %get3A_512 {strides = array<i32>} : memref<4x64x128xf32, #tpu.memory_space<vmem>>, vector<16xf32>,
      %mul3A_562 = arith.constant 128 : i32
      %mul3A_563 = arith.muli %add3A, %mul3A_562 : i32
      %dma_start3A_564 = arith.constant 0 : i32
      %dma_start3A_565 = arith.constant 0 : i32
      %dma_start3A_566 = arith.constant 0 : i32
      %dma_start3A_567 = tpu.memref_slice %arg8[%dma_start3A_564, %dma_start3A_565, %dma_start3A_566] : memref<4x64x128xf32, #tpu.memory_space<vmem>> -> memref<1x64x128xf32, #tpu.memory_space<vmem>>
      %dma_start3A_568 = tpu.memref_squeeze %dma_start3A_567 : memref<1x64x128xf32, #tpu.memory_space<vmem>> -> memref<64x128xf32, #tpu.memory_space<vmem>>
      %dma_start3A_569 = arith.constant 0 : i32
      %dma_start3A_570 = tpu.memref_slice %arg5[%add3A_294, %dma_start3A_569, %mul3A_563] : memref<200x64x4096xf32, #tpu.memory_space<hbm>> -> memref<1x64x128xf32, #tpu.memory_space<hbm>>
      %dma_start3A_571 = tpu.memref_squeeze %dma_start3A_570 : memref<1x64x128xf32, #tpu.memory_space<hbm>> -> memref<64x128xf32, #tpu.memory_space<hbm>>
      %dma_start3A_572 = arith.constant 0 : i32
      %dma_start3A_573 = tpu.memref_slice %arg5[%add3A_294, %dma_start3A_572, %mul3A_563] : memref<200x64x4096xf32, #tpu.memory_space<hbm>> -> memref<1x64x128xf32, #tpu.memory_space<hbm>>
      %dma_start3A_574 = tpu.memref_squeeze %dma_start3A_573 : memref<1x64x128xf32, #tpu.memory_space<hbm>> -> memref<64x128xf32, #tpu.memory_space<hbm>>
      %dma_start3A_575 = arith.constant 0 : i32
      %dma_start3A_576 = arith.constant 0 : i32
      %dma_start3A_577 = tpu.memref_slice %arg8[%dma_start3A_564, %dma_start3A_575, %dma_start3A_576] : memref<4x64x128xf32, #tpu.memory_space<vmem>> -> memref<1x64x128xf32, #tpu.memory_space<vmem>>
      %dma_start3A_578 = tpu.memref_squeeze %dma_start3A_577 : memref<1x64x128xf32, #tpu.memory_space<vmem>> -> memref<64x128xf32, #tpu.memory_space<vmem>>
      tpu.enqueue_dma source(%dma_start3A_578 : memref<64x128xf32, #tpu.memory_space<vmem>>) target(%dma_start3A_574 : memref<64x128xf32, #tpu.memory_space<hbm>>) target_semaphore(%arg19 : memref<!tpu.dma_semaphore, #tpu.memory_space<semaphore_mem>>)
      %mul3A_579 = arith.constant 4 : i32
      %mul3A_580 = arith.muli %mul3A_579, %scan3A_290 : i32
      %add3A_581 = arith.constant 1 : i32
      %add3A_582 = arith.addi %mul3A_580, %add3A_581 : i32
      %add3A_583 = arith.constant 4 : i32
      %add3A_584 = arith.addi %add3A_582, %add3A_583 : i32
      %sub3A_585 = arith.constant 1 : i32
      %sub3A_586 = arith.subi %add3A_584, %sub3A_585 : i32
      %lt3A_587 = arith.constant 200 : i32
      %lt3A_588 = arith.cmpi slt, %sub3A_586, %lt3A_587 : i32
      %convert_element_type3A_589 = arith.extui %lt3A_588 : i1 to i32
      %cond3A_590 = arith.constant 0 : i32
      %cond3A_591 = arith.cmpi ne, %convert_element_type3A_589, %cond3A_590 : i32
      scf.if %cond3A_591 {
        %add3A_1464 = arith.constant 4 : i32
        %add3A_1465 = arith.addi %add3A_582, %add3A_1464 : i32
        %sub3A_1466 = arith.constant 1 : i32
        %sub3A_1467 = arith.subi %add3A_1465, %sub3A_1466 : i32
        %jit3A = arith.constant 8 : i32
        %div3A = arith.divsi %sub3A_1467, %jit3A : i32
        %sign3A = arith.constant 0 : i32
        %sign3A_1468 = arith.cmpi sgt, %sub3A_1467, %sign3A : i32
        %sign3A_1469 = arith.extui %sign3A_1468 : i1 to i32
        %sign3A_1470 = arith.constant 0 : i32
        %sign3A_1471 = arith.cmpi slt, %sub3A_1467, %sign3A_1470 : i32
        %sign3A_1472 = arith.extui %sign3A_1471 : i1 to i32
        %sign3A_1473 = arith.subi %sign3A_1469, %sign3A_1472 : i32
        %sign3A_1474 = arith.constant 0 : i32
        %sign3A_1475 = arith.cmpi sgt, %jit3A, %sign3A_1474 : i32
        %sign3A_1476 = arith.extui %sign3A_1475 : i1 to i32
        %sign3A_1477 = arith.constant 0 : i32
        %sign3A_1478 = arith.cmpi slt, %jit3A, %sign3A_1477 : i32
        %sign3A_1479 = arith.extui %sign3A_1478 : i1 to i32
        %sign3A_1480 = arith.subi %sign3A_1476, %sign3A_1479 : i32
        %ne3A = arith.cmpi ne, %sign3A_1473, %sign3A_1480 : i32
        %rem3A = arith.remsi %sub3A_1467, %jit3A : i32
        %ne3A_1481 = arith.constant 0 : i32
        %ne3A_1482 = arith.cmpi ne, %rem3A, %ne3A_1481 : i32
        %and3A = arith.andi %ne3A, %ne3A_1482 : i1
        %sub3A_1483 = arith.constant 1 : i32
        %sub3A_1484 = arith.subi %div3A, %sub3A_1483 : i32
        %select_n3A = arith.select %and3A, %sub3A_1484, %div3A : i32
        %jit3A_1485 = arith.constant 8 : i32
        %eq3A = arith.constant 0 : i32
        %eq3A_1486 = arith.cmpi eq, %jit3A_1485, %eq3A : i32
        %jit3A_1487 = arith.constant 1 : i32
        %select_n3A_1488 = arith.select %eq3A_1486, %jit3A_1487, %jit3A_1485 : i32
        %rem3A_1489 = arith.remsi %sub3A_1467, %select_n3A_1488 : i32
        %ne3A_1490 = arith.constant 0 : i32
        %ne3A_1491 = arith.cmpi ne, %rem3A_1489, %ne3A_1490 : i32
        %lt3A_1492 = arith.constant 0 : i32
        %lt3A_1493 = arith.cmpi slt, %rem3A_1489, %lt3A_1492 : i32
        %lt3A_1494 = arith.constant 0 : i32
        %lt3A_1495 = arith.cmpi slt, %select_n3A_1488, %lt3A_1494 : i32
        %ne3A_1496 = arith.xori %lt3A_1493, %lt3A_1495 : i1
        %and3A_1497 = arith.andi %ne3A_1496, %ne3A_1491 : i1
        %add3A_1498 = arith.addi %rem3A_1489, %select_n3A_1488 : i32
        %select_n3A_1499 = arith.select %and3A_1497, %add3A_1498, %rem3A_1489 : i32
        %dma_start3A_1500 = arith.constant 0 : i32
        %dma_start3A_1501 = arith.constant 0 : i32
        %dma_start3A_1502 = tpu.memref_slice %arg6[%dma_start3A_1500, %dma_start3A_1501] : memref<4x128xi32, #tpu.memory_space<vmem>> -> memref<1x128xi32, #tpu.memory_space<vmem>>
        %dma_start3A_1503 = tpu.memref_squeeze %dma_start3A_1502 : memref<1x128xi32, #tpu.memory_space<vmem>> -> memref<128xi32, #tpu.memory_space<vmem>>
        %dma_start3A_1504 = arith.constant 0 : i32
        %dma_start3A_1505 = tpu.memref_slice %arg2[%select_n3A, %add3A, %select_n3A_1499, %dma_start3A_1504] : memref<25x32x8x128xi32, #tpu.memory_space<hbm>> -> memref<1x1x1x128xi32, #tpu.memory_space<hbm>>
        %dma_start3A_1506 = tpu.memref_squeeze %dma_start3A_1505 : memref<1x1x1x128xi32, #tpu.memory_space<hbm>> -> memref<128xi32, #tpu.memory_space<hbm>>
        %dma_start3A_1507 = arith.constant 0 : i32
        %dma_start3A_1508 = tpu.memref_slice %arg6[%dma_start3A_1500, %dma_start3A_1507] : memref<4x128xi32, #tpu.memory_space<vmem>> -> memref<1x128xi32, #tpu.memory_space<vmem>>
        %dma_start3A_1509 = tpu.memref_squeeze %dma_start3A_1508 : memref<1x128xi32, #tpu.memory_space<vmem>> -> memref<128xi32, #tpu.memory_space<vmem>>
        %dma_start3A_1510 = arith.constant 0 : i32
        %dma_start3A_1511 = tpu.memref_slice %arg2[%select_n3A, %add3A, %select_n3A_1499, %dma_start3A_1510] : memref<25x32x8x128xi32, #tpu.memory_space<hbm>> -> memref<1x1x1x128xi32, #tpu.memory_space<hbm>>
        %dma_start3A_1512 = tpu.memref_squeeze %dma_start3A_1511 : memref<1x1x1x128xi32, #tpu.memory_space<hbm>> -> memref<128xi32, #tpu.memory_space<hbm>>
        tpu.enqueue_dma source(%dma_start3A_1512 : memref<128xi32, #tpu.memory_space<hbm>>) target(%dma_start3A_1509 : memref<128xi32, #tpu.memory_space<vmem>>) target_semaphore(%arg11 : memref<!tpu.dma_semaphore, #tpu.memory_space<semaphore_mem>>)
      } else {
      }
      %add3A_592 = arith.constant 4 : i32
      %add3A_593 = arith.addi %add3A_582, %add3A_592 : i32
      %sub3A_594 = arith.constant 2 : i32
      %sub3A_595 = arith.subi %add3A_593, %sub3A_594 : i32
      %lt3A_596 = arith.constant 200 : i32
      %lt3A_597 = arith.cmpi slt, %sub3A_595, %lt3A_596 : i32
      %convert_element_type3A_598 = arith.extui %lt3A_597 : i1 to i32
      %cond3A_599 = arith.constant 0 : i32
      %cond3A_600 = arith.cmpi ne, %convert_element_type3A_598, %cond3A_599 : i32
      scf.if %cond3A_600 {
        %dma_wait3A_1464 = arith.constant 0 : i32
        %dma_wait3A_1465 = arith.constant 0 : i32
        %dma_wait3A_1466 = arith.constant 3 : i32
        %dma_wait3A_1467 = arith.constant 0 : i32
        %dma_wait3A_1468 = tpu.memref_slice %arg6[%dma_wait3A_1466, %dma_wait3A_1467] : memref<4x128xi32, #tpu.memory_space<vmem>> -> memref<1x128xi32, #tpu.memory_space<vmem>>
        %dma_wait3A_1469 = tpu.memref_squeeze %dma_wait3A_1468 : memref<1x128xi32, #tpu.memory_space<vmem>> -> memref<128xi32, #tpu.memory_space<vmem>>
        %dma_wait3A_1470 = arith.constant 0 : i32
        %dma_wait3A_1471 = tpu.memref_slice %arg2[%dma_wait3A_1464, %add3A, %dma_wait3A_1465, %dma_wait3A_1470] : memref<25x32x8x128xi32, #tpu.memory_space<hbm>> -> memref<1x1x1x128xi32, #tpu.memory_space<hbm>>
        %dma_wait3A_1472 = tpu.memref_squeeze %dma_wait3A_1471 : memref<1x1x1x128xi32, #tpu.memory_space<hbm>> -> memref<128xi32, #tpu.memory_space<hbm>>
        %dma_wait3A_1473 = arith.constant 0 : i32
        %dma_wait3A_1474 = tpu.memref_slice %arg6[%dma_wait3A_1466, %dma_wait3A_1473] : memref<4x128xi32, #tpu.memory_space<vmem>> -> memref<1x128xi32, #tpu.memory_space<vmem>>
        %dma_wait3A_1475 = tpu.memref_squeeze %dma_wait3A_1474 : memref<1x128xi32, #tpu.memory_space<vmem>> -> memref<128xi32, #tpu.memory_space<vmem>>
        %dma_wait3A_1476 = arith.constant 0 : i32
        %dma_wait3A_1477 = tpu.memref_slice %arg2[%dma_wait3A_1464, %add3A, %dma_wait3A_1465, %dma_wait3A_1476] : memref<25x32x8x128xi32, #tpu.memory_space<hbm>> -> memref<1x1x1x128xi32, #tpu.memory_space<hbm>>
        %dma_wait3A_1478 = tpu.memref_squeeze %dma_wait3A_1477 : memref<1x1x1x128xi32, #tpu.memory_space<hbm>> -> memref<128xi32, #tpu.memory_space<hbm>>
        tpu.wait_dma2 semaphore(%arg14 : memref<!tpu.dma_semaphore, #tpu.memory_space<semaphore_mem>>) src(%dma_wait3A_1478 : memref<128xi32, #tpu.memory_space<hbm>>) dst(%dma_wait3A_1475 : memref<128xi32, #tpu.memory_space<vmem>>)
        %dma_start3A_1479 = arith.constant 3 : i32
        %dma_start3A_1480 = arith.constant 3 : i32
        %dma_start3A_1481 = arith.constant 0 : i32
        %dma_start3A_1482 = arith.constant 0 : i32
        %dma_start3A_1483 = tpu.memref_slice %arg7[%dma_start3A_1480, %dma_start3A_1481, %dma_start3A_1482] : memref<4x128x128xf32, #tpu.memory_space<vmem>> -> memref<1x128x128xf32, #tpu.memory_space<vmem>>
        %dma_start3A_1484 = tpu.memref_squeeze %dma_start3A_1483 : memref<1x128x128xf32, #tpu.memory_space<vmem>> -> memref<128x128xf32, #tpu.memory_space<vmem>>
        %dma_start3A_1485 = arith.constant 0 : i32
        %dma_start3A_1486 = arith.constant 0 : i32
        %dma_start3A_1487 = tpu.memref_slice %dma_start3A_1484[%dma_start3A_1485, %dma_start3A_1486] : memref<128x128xf32, #tpu.memory_space<vmem>> -> memref<32x128xf32, #tpu.memory_space<vmem>>
        %dma_start3A_1488 = arith.constant 0 : i32
        %dma_start3A_1489 = tpu.memref_slice %arg6[%dma_start3A_1479, %dma_start3A_1488] : memref<4x128xi32, #tpu.memory_space<vmem>> -> memref<1x128xi32, #tpu.memory_space<vmem>>
        %dma_start3A_1490 = tpu.memref_squeeze %dma_start3A_1489 : memref<1x128xi32, #tpu.memory_space<vmem>> -> memref<128xi32, #tpu.memory_space<vmem>>
        %dma_start3A_1491 = arith.constant 0 : i32
        %dma_start3A_1492 = tpu.memref_slice %dma_start3A_1490[%dma_start3A_1491] : memref<128xi32, #tpu.memory_space<vmem>> -> memref<32xi32, #tpu.memory_space<vmem>>
        %dma_start3A_1493 = arith.constant 0 : i32
        %dma_start3A_1494 = arith.constant 0 : i32
        %dma_start3A_1495 = tpu.memref_slice %arg3[%dma_start3A_1493, %dma_start3A_1494] : memref<1000000x128xf32, #tpu.memory_space<hbm>> -> memref<1000000x128xf32, #tpu.memory_space<hbm>>
        tpu.enqueue_indirect_dma source(%dma_start3A_1495 : memref<1000000x128xf32, #tpu.memory_space<hbm>>) target(%dma_start3A_1487 : memref<32x128xf32, #tpu.memory_space<vmem>>) offsets(%dma_start3A_1492 : memref<32xi32, #tpu.memory_space<vmem>>) semaphore(%arg18 : memref<!tpu.dma_semaphore, #tpu.memory_space<semaphore_mem>>)
        %dma_start3A_1496 = arith.constant 3 : i32
        %dma_start3A_1497 = arith.constant 3 : i32
        %dma_start3A_1498 = arith.constant 0 : i32
        %dma_start3A_1499 = arith.constant 0 : i32
        %dma_start3A_1500 = tpu.memref_slice %arg7[%dma_start3A_1497, %dma_start3A_1498, %dma_start3A_1499] : memref<4x128x128xf32, #tpu.memory_space<vmem>> -> memref<1x128x128xf32, #tpu.memory_space<vmem>>
        %dma_start3A_1501 = tpu.memref_squeeze %dma_start3A_1500 : memref<1x128x128xf32, #tpu.memory_space<vmem>> -> memref<128x128xf32, #tpu.memory_space<vmem>>
        %dma_start3A_1502 = arith.constant 32 : i32
        %dma_start3A_1503 = arith.constant 0 : i32
        %dma_start3A_1504 = tpu.memref_slice %dma_start3A_1501[%dma_start3A_1502, %dma_start3A_1503] : memref<128x128xf32, #tpu.memory_space<vmem>> -> memref<32x128xf32, #tpu.memory_space<vmem>>
        %dma_start3A_1505 = arith.constant 0 : i32
        %dma_start3A_1506 = tpu.memref_slice %arg6[%dma_start3A_1496, %dma_start3A_1505] : memref<4x128xi32, #tpu.memory_space<vmem>> -> memref<1x128xi32, #tpu.memory_space<vmem>>
        %dma_start3A_1507 = tpu.memref_squeeze %dma_start3A_1506 : memref<1x128xi32, #tpu.memory_space<vmem>> -> memref<128xi32, #tpu.memory_space<vmem>>
        %dma_start3A_1508 = arith.constant 32 : i32
        %dma_start3A_1509 = tpu.memref_slice %dma_start3A_1507[%dma_start3A_1508] : memref<128xi32, #tpu.memory_space<vmem>> -> memref<32xi32, #tpu.memory_space<vmem>>
        %dma_start3A_1510 = arith.constant 0 : i32
        %dma_start3A_1511 = arith.constant 0 : i32
        %dma_start3A_1512 = tpu.memref_slice %arg3[%dma_start3A_1510, %dma_start3A_1511] : memref<1000000x128xf32, #tpu.memory_space<hbm>> -> memref<1000000x128xf32, #tpu.memory_space<hbm>>
        tpu.enqueue_indirect_dma source(%dma_start3A_1512 : memref<1000000x128xf32, #tpu.memory_space<hbm>>) target(%dma_start3A_1504 : memref<32x128xf32, #tpu.memory_space<vmem>>) offsets(%dma_start3A_1509 : memref<32xi32, #tpu.memory_space<vmem>>) semaphore(%arg18 : memref<!tpu.dma_semaphore, #tpu.memory_space<semaphore_mem>>)
        %dma_start3A_1513 = arith.constant 3 : i32
        %dma_start3A_1514 = arith.constant 3 : i32
        %dma_start3A_1515 = arith.constant 0 : i32
        %dma_start3A_1516 = arith.constant 0 : i32
        %dma_start3A_1517 = tpu.memref_slice %arg7[%dma_start3A_1514, %dma_start3A_1515, %dma_start3A_1516] : memref<4x128x128xf32, #tpu.memory_space<vmem>> -> memref<1x128x128xf32, #tpu.memory_space<vmem>>
        %dma_start3A_1518 = tpu.memref_squeeze %dma_start3A_1517 : memref<1x128x128xf32, #tpu.memory_space<vmem>> -> memref<128x128xf32, #tpu.memory_space<vmem>>
        %dma_start3A_1519 = arith.constant 64 : i32
        %dma_start3A_1520 = arith.constant 0 : i32
        %dma_start3A_1521 = tpu.memref_slice %dma_start3A_1518[%dma_start3A_1519, %dma_start3A_1520] : memref<128x128xf32, #tpu.memory_space<vmem>> -> memref<32x128xf32, #tpu.memory_space<vmem>>
        %dma_start3A_1522 = arith.constant 0 : i32
        %dma_start3A_1523 = tpu.memref_slice %arg6[%dma_start3A_1513, %dma_start3A_1522] : memref<4x128xi32, #tpu.memory_space<vmem>> -> memref<1x128xi32, #tpu.memory_space<vmem>>
        %dma_start3A_1524 = tpu.memref_squeeze %dma_start3A_1523 : memref<1x128xi32, #tpu.memory_space<vmem>> -> memref<128xi32, #tpu.memory_space<vmem>>
        %dma_start3A_1525 = arith.constant 64 : i32
        %dma_start3A_1526 = tpu.memref_slice %dma_start3A_1524[%dma_start3A_1525] : memref<128xi32, #tpu.memory_space<vmem>> -> memref<32xi32, #tpu.memory_space<vmem>>
        %dma_start3A_1527 = arith.constant 0 : i32
        %dma_start3A_1528 = arith.constant 0 : i32
        %dma_start3A_1529 = tpu.memref_slice %arg3[%dma_start3A_1527, %dma_start3A_1528] : memref<1000000x128xf32, #tpu.memory_space<hbm>> -> memref<1000000x128xf32, #tpu.memory_space<hbm>>
        tpu.enqueue_indirect_dma source(%dma_start3A_1529 : memref<1000000x128xf32, #tpu.memory_space<hbm>>) target(%dma_start3A_1521 : memref<32x128xf32, #tpu.memory_space<vmem>>) offsets(%dma_start3A_1526 : memref<32xi32, #tpu.memory_space<vmem>>) semaphore(%arg18 : memref<!tpu.dma_semaphore, #tpu.memory_space<semaphore_mem>>)
        %dma_start3A_1530 = arith.constant 3 : i32
        %dma_start3A_1531 = arith.constant 3 : i32
        %dma_start3A_1532 = arith.constant 0 : i32
        %dma_start3A_1533 = arith.constant 0 : i32
        %dma_start3A_1534 = tpu.memref_slice %arg7[%dma_start3A_1531, %dma_start3A_1532, %dma_start3A_1533] : memref<4x128x128xf32, #tpu.memory_space<vmem>> -> memref<1x128x128xf32, #tpu.memory_space<vmem>>
        %dma_start3A_1535 = tpu.memref_squeeze %dma_start3A_1534 : memref<1x128x128xf32, #tpu.memory_space<vmem>> -> memref<128x128xf32, #tpu.memory_space<vmem>>
        %dma_start3A_1536 = arith.constant 96 : i32
        %dma_start3A_1537 = arith.constant 0 : i32
        %dma_start3A_1538 = tpu.memref_slice %dma_start3A_1535[%dma_start3A_1536, %dma_start3A_1537] : memref<128x128xf32, #tpu.memory_space<vmem>> -> memref<32x128xf32, #tpu.memory_space<vmem>>
        %dma_start3A_1539 = arith.constant 0 : i32
        %dma_start3A_1540 = tpu.memref_slice %arg6[%dma_start3A_1530, %dma_start3A_1539] : memref<4x128xi32, #tpu.memory_space<vmem>> -> memref<1x128xi32, #tpu.memory_space<vmem>>
        %dma_start3A_1541 = tpu.memref_squeeze %dma_start3A_1540 : memref<1x128xi32, #tpu.memory_space<vmem>> -> memref<128xi32, #tpu.memory_space<vmem>>
        %dma_start3A_1542 = arith.constant 96 : i32
        %dma_start3A_1543 = tpu.memref_slice %dma_start3A_1541[%dma_start3A_1542] : memref<128xi32, #tpu.memory_space<vmem>> -> memref<32xi32, #tpu.memory_space<vmem>>
        %dma_start3A_1544 = arith.constant 0 : i32
        %dma_start3A_1545 = arith.constant 0 : i32
        %dma_start3A_1546 = tpu.memref_slice %arg3[%dma_start3A_1544, %dma_start3A_1545] : memref<1000000x128xf32, #tpu.memory_space<hbm>> -> memref<1000000x128xf32, #tpu.memory_space<hbm>>
        tpu.enqueue_indirect_dma source(%dma_start3A_1546 : memref<1000000x128xf32, #tpu.memory_space<hbm>>) target(%dma_start3A_1538 : memref<32x128xf32, #tpu.memory_space<vmem>>) offsets(%dma_start3A_1543 : memref<32xi32, #tpu.memory_space<vmem>>) semaphore(%arg18 : memref<!tpu.dma_semaphore, #tpu.memory_space<semaphore_mem>>)
      } else {
      }
      %ge3A_601 = arith.constant 4 : i32
      %ge3A_602 = arith.cmpi sge, %add3A_582, %ge3A_601 : i32
      %convert_element_type3A_603 = arith.extui %ge3A_602 : i1 to i32
      %cond3A_604 = arith.constant 0 : i32
      %cond3A_605 = arith.cmpi ne, %convert_element_type3A_603, %cond3A_604 : i32
      scf.if %cond3A_605 {
        %mul3A_1464 = arith.constant 128 : i32
        %mul3A_1465 = arith.muli %add3A, %mul3A_1464 : i32
        %dma_wait3A_1466 = arith.constant 1 : i32
        %dma_wait3A_1467 = arith.constant 0 : i32
        %dma_wait3A_1468 = arith.constant 0 : i32
        %dma_wait3A_1469 = arith.constant 0 : i32
        %dma_wait3A_1470 = tpu.memref_slice %arg8[%dma_wait3A_1466, %dma_wait3A_1468, %dma_wait3A_1469] : memref<4x64x128xf32, #tpu.memory_space<vmem>> -> memref<1x64x128xf32, #tpu.memory_space<vmem>>
        %dma_wait3A_1471 = tpu.memref_squeeze %dma_wait3A_1470 : memref<1x64x128xf32, #tpu.memory_space<vmem>> -> memref<64x128xf32, #tpu.memory_space<vmem>>
        %dma_wait3A_1472 = arith.constant 0 : i32
        %dma_wait3A_1473 = tpu.memref_slice %arg5[%dma_wait3A_1467, %dma_wait3A_1472, %mul3A_1465] : memref<200x64x4096xf32, #tpu.memory_space<hbm>> -> memref<1x64x128xf32, #tpu.memory_space<hbm>>
        %dma_wait3A_1474 = tpu.memref_squeeze %dma_wait3A_1473 : memref<1x64x128xf32, #tpu.memory_space<hbm>> -> memref<64x128xf32, #tpu.memory_space<hbm>>
        %dma_wait3A_1475 = arith.constant 0 : i32
        %dma_wait3A_1476 = tpu.memref_slice %arg5[%dma_wait3A_1467, %dma_wait3A_1475, %mul3A_1465] : memref<200x64x4096xf32, #tpu.memory_space<hbm>> -> memref<1x64x128xf32, #tpu.memory_space<hbm>>
        %dma_wait3A_1477 = tpu.memref_squeeze %dma_wait3A_1476 : memref<1x64x128xf32, #tpu.memory_space<hbm>> -> memref<64x128xf32, #tpu.memory_space<hbm>>
        %dma_wait3A_1478 = arith.constant 0 : i32
        %dma_wait3A_1479 = arith.constant 0 : i32
        %dma_wait3A_1480 = tpu.memref_slice %arg8[%dma_wait3A_1466, %dma_wait3A_1478, %dma_wait3A_1479] : memref<4x64x128xf32, #tpu.memory_space<vmem>> -> memref<1x64x128xf32, #tpu.memory_space<vmem>>
        %dma_wait3A_1481 = tpu.memref_squeeze %dma_wait3A_1480 : memref<1x64x128xf32, #tpu.memory_space<vmem>> -> memref<64x128xf32, #tpu.memory_space<vmem>>
        tpu.wait_dma2 semaphore(%arg20 : memref<!tpu.dma_semaphore, #tpu.memory_space<semaphore_mem>>) src(%dma_wait3A_1481 : memref<64x128xf32, #tpu.memory_space<vmem>>) dst(%dma_wait3A_1477 : memref<64x128xf32, #tpu.memory_space<hbm>>)
      } else {
      }
      %dma_wait3A_606 = arith.constant 1 : i32
      %dma_wait3A_607 = arith.constant 1 : i32
      %dma_wait3A_608 = arith.constant 0 : i32
      %dma_wait3A_609 = arith.constant 0 : i32
      %dma_wait3A_610 = tpu.memref_slice %arg7[%dma_wait3A_607, %dma_wait3A_608, %dma_wait3A_609] : memref<4x128x128xf32, #tpu.memory_space<vmem>> -> memref<1x128x128xf32, #tpu.memory_space<vmem>>
      %dma_wait3A_611 = tpu.memref_squeeze %dma_wait3A_610 : memref<1x128x128xf32, #tpu.memory_space<vmem>> -> memref<128x128xf32, #tpu.memory_space<vmem>>
      %dma_wait3A_612 = arith.constant 0 : i32
      %dma_wait3A_613 = arith.constant 0 : i32
      %dma_wait3A_614 = tpu.memref_slice %dma_wait3A_611[%dma_wait3A_612, %dma_wait3A_613] : memref<128x128xf32, #tpu.memory_space<vmem>> -> memref<32x128xf32, #tpu.memory_space<vmem>>
      %dma_wait3A_615 = arith.constant 0 : i32
      %dma_wait3A_616 = tpu.memref_slice %arg6[%dma_wait3A_606, %dma_wait3A_615] : memref<4x128xi32, #tpu.memory_space<vmem>> -> memref<1x128xi32, #tpu.memory_space<vmem>>
      %dma_wait3A_617 = tpu.memref_squeeze %dma_wait3A_616 : memref<1x128xi32, #tpu.memory_space<vmem>> -> memref<128xi32, #tpu.memory_space<vmem>>
      %dma_wait3A_618 = arith.constant 0 : i32
      %dma_wait3A_619 = tpu.memref_slice %dma_wait3A_617[%dma_wait3A_618] : memref<128xi32, #tpu.memory_space<vmem>> -> memref<32xi32, #tpu.memory_space<vmem>>
      %dma_wait3A_620 = arith.constant 0 : i32
      %dma_wait3A_621 = arith.constant 0 : i32
      %dma_wait3A_622 = tpu.memref_slice %arg3[%dma_wait3A_620, %dma_wait3A_621] : memref<1000000x128xf32, #tpu.memory_space<hbm>> -> memref<1000000x128xf32, #tpu.memory_space<hbm>>
      tpu.wait_indirect_dma semaphore(%arg16 : memref<!tpu.dma_semaphore, #tpu.memory_space<semaphore_mem>>) src(%dma_wait3A_622 : memref<1000000x128xf32, #tpu.memory_space<hbm>>) dst(%dma_wait3A_614 : memref<32x128xf32, #tpu.memory_space<vmem>>)
      %dma_wait3A_623 = arith.constant 1 : i32
      %dma_wait3A_624 = arith.constant 1 : i32
      %dma_wait3A_625 = arith.constant 0 : i32
      %dma_wait3A_626 = arith.constant 0 : i32
      %dma_wait3A_627 = tpu.memref_slice %arg7[%dma_wait3A_624, %dma_wait3A_625, %dma_wait3A_626] : memref<4x128x128xf32, #tpu.memory_space<vmem>> -> memref<1x128x128xf32, #tpu.memory_space<vmem>>
      %dma_wait3A_628 = tpu.memref_squeeze %dma_wait3A_627 : memref<1x128x128xf32, #tpu.memory_space<vmem>> -> memref<128x128xf32, #tpu.memory_space<vmem>>
      %dma_wait3A_629 = arith.constant 32 : i32
      %dma_wait3A_630 = arith.constant 0 : i32
      %dma_wait3A_631 = tpu.memref_slice %dma_wait3A_628[%dma_wait3A_629, %dma_wait3A_630] : memref<128x128xf32, #tpu.memory_space<vmem>> -> memref<32x128xf32, #tpu.memory_space<vmem>>
      %dma_wait3A_632 = arith.constant 0 : i32
      %dma_wait3A_633 = tpu.memref_slice %arg6[%dma_wait3A_623, %dma_wait3A_632] : memref<4x128xi32, #tpu.memory_space<vmem>> -> memref<1x128xi32, #tpu.memory_space<vmem>>
      %dma_wait3A_634 = tpu.memref_squeeze %dma_wait3A_633 : memref<1x128xi32, #tpu.memory_space<vmem>> -> memref<128xi32, #tpu.memory_space<vmem>>
      %dma_wait3A_635 = arith.constant 32 : i32
      %dma_wait3A_636 = tpu.memref_slice %dma_wait3A_634[%dma_wait3A_635] : memref<128xi32, #tpu.memory_space<vmem>> -> memref<32xi32, #tpu.memory_space<vmem>>
      %dma_wait3A_637 = arith.constant 0 : i32
      %dma_wait3A_638 = arith.constant 0 : i32
      %dma_wait3A_639 = tpu.memref_slice %arg3[%dma_wait3A_637, %dma_wait3A_638] : memref<1000000x128xf32, #tpu.memory_space<hbm>> -> memref<1000000x128xf32, #tpu.memory_space<hbm>>
      tpu.wait_indirect_dma semaphore(%arg16 : memref<!tpu.dma_semaphore, #tpu.memory_space<semaphore_mem>>) src(%dma_wait3A_639 : memref<1000000x128xf32, #tpu.memory_space<hbm>>) dst(%dma_wait3A_631 : memref<32x128xf32, #tpu.memory_space<vmem>>)
      %dma_wait3A_640 = arith.constant 1 : i32
      %dma_wait3A_641 = arith.constant 1 : i32
      %dma_wait3A_642 = arith.constant 0 : i32
      %dma_wait3A_643 = arith.constant 0 : i32
      %dma_wait3A_644 = tpu.memref_slice %arg7[%dma_wait3A_641, %dma_wait3A_642, %dma_wait3A_643] : memref<4x128x128xf32, #tpu.memory_space<vmem>> -> memref<1x128x128xf32, #tpu.memory_space<vmem>>
      %dma_wait3A_645 = tpu.memref_squeeze %dma_wait3A_644 : memref<1x128x128xf32, #tpu.memory_space<vmem>> -> memref<128x128xf32, #tpu.memory_space<vmem>>
      %dma_wait3A_646 = arith.constant 64 : i32
      %dma_wait3A_647 = arith.constant 0 : i32
      %dma_wait3A_648 = tpu.memref_slice %dma_wait3A_645[%dma_wait3A_646, %dma_wait3A_647] : memref<128x128xf32, #tpu.memory_space<vmem>> -> memref<32x128xf32, #tpu.memory_space<vmem>>
      %dma_wait3A_649 = arith.constant 0 : i32
      %dma_wait3A_650 = tpu.memref_slice %arg6[%dma_wait3A_640, %dma_wait3A_649] : memref<4x128xi32, #tpu.memory_space<vmem>> -> memref<1x128xi32, #tpu.memory_space<vmem>>
      %dma_wait3A_651 = tpu.memref_squeeze %dma_wait3A_650 : memref<1x128xi32, #tpu.memory_space<vmem>> -> memref<128xi32, #tpu.memory_space<vmem>>
      %dma_wait3A_652 = arith.constant 64 : i32
      %dma_wait3A_653 = tpu.memref_slice %dma_wait3A_651[%dma_wait3A_652] : memref<128xi32, #tpu.memory_space<vmem>> -> memref<32xi32, #tpu.memory_space<vmem>>
      %dma_wait3A_654 = arith.constant 0 : i32
      %dma_wait3A_655 = arith.constant 0 : i32
      %dma_wait3A_656 = tpu.memref_slice %arg3[%dma_wait3A_654, %dma_wait3A_655] : memref<1000000x128xf32, #tpu.memory_space<hbm>> -> memref<1000000x128xf32, #tpu.memory_space<hbm>>
      tpu.wait_indirect_dma semaphore(%arg16 : memref<!tpu.dma_semaphore, #tpu.memory_space<semaphore_mem>>) src(%dma_wait3A_656 : memref<1000000x128xf32, #tpu.memory_space<hbm>>) dst(%dma_wait3A_648 : memref<32x128xf32, #tpu.memory_space<vmem>>)
      %dma_wait3A_657 = arith.constant 1 : i32
      %dma_wait3A_658 = arith.constant 1 : i32
      %dma_wait3A_659 = arith.constant 0 : i32
      %dma_wait3A_660 = arith.constant 0 : i32
      %dma_wait3A_661 = tpu.memref_slice %arg7[%dma_wait3A_658, %dma_wait3A_659, %dma_wait3A_660] : memref<4x128x128xf32, #tpu.memory_space<vmem>> -> memref<1x128x128xf32, #tpu.memory_space<vmem>>
      %dma_wait3A_662 = tpu.memref_squeeze %dma_wait3A_661 : memref<1x128x128xf32, #tpu.memory_space<vmem>> -> memref<128x128xf32, #tpu.memory_space<vmem>>
      %dma_wait3A_663 = arith.constant 96 : i32
      %dma_wait3A_664 = arith.constant 0 : i32
      %dma_wait3A_665 = tpu.memref_slice %dma_wait3A_662[%dma_wait3A_663, %dma_wait3A_664] : memref<128x128xf32, #tpu.memory_space<vmem>> -> memref<32x128xf32, #tpu.memory_space<vmem>>
      %dma_wait3A_666 = arith.constant 0 : i32
      %dma_wait3A_667 = tpu.memref_slice %arg6[%dma_wait3A_657, %dma_wait3A_666] : memref<4x128xi32, #tpu.memory_space<vmem>> -> memref<1x128xi32, #tpu.memory_space<vmem>>
      %dma_wait3A_668 = tpu.memref_squeeze %dma_wait3A_667 : memref<1x128xi32, #tpu.memory_space<vmem>> -> memref<128xi32, #tpu.memory_space<vmem>>
      %dma_wait3A_669 = arith.constant 96 : i32
      %dma_wait3A_670 = tpu.memref_slice %dma_wait3A_668[%dma_wait3A_669] : memref<128xi32, #tpu.memory_space<vmem>> -> memref<32xi32, #tpu.memory_space<vmem>>
      %dma_wait3A_671 = arith.constant 0 : i32
      %dma_wait3A_672 = arith.constant 0 : i32
      %dma_wait3A_673 = tpu.memref_slice %arg3[%dma_wait3A_671, %dma_wait3A_672] : memref<1000000x128xf32, #tpu.memory_space<hbm>> -> memref<1000000x128xf32, #tpu.memory_space<hbm>>
      tpu.wait_indirect_dma semaphore(%arg16 : memref<!tpu.dma_semaphore, #tpu.memory_space<semaphore_mem>>) src(%dma_wait3A_673 : memref<1000000x128xf32, #tpu.memory_space<hbm>>) dst(%dma_wait3A_665 : memref<32x128xf32, #tpu.memory_space<vmem>>)
      %mul3A_674 = arith.constant 64 : i32
      %mul3A_675 = arith.muli %add3A_582, %mul3A_674 : i32
      %add3A_676 = arith.constant 0 : i32
      %add3A_677 = arith.addi %mul3A_675, %add3A_676 : i32
      %get3A_678 = arith.index_cast %add3A_677 : i32 to index
      %get3A_679 = tpu.vector_load %arg9[%get3A_678] {strides = array<i32>} : memref<12800xf32, #tpu.memory_space<vmem>>, vector<16xf32>,
      %add3A_680 = arith.constant 16 : i32
      %add3A_681 = arith.addi %mul3A_675, %add3A_680 : i32
      %get3A_682 = arith.index_cast %add3A_681 : i32 to index
      %get3A_683 = tpu.vector_load %arg9[%get3A_682] {strides = array<i32>} : memref<12800xf32, #tpu.memory_space<vmem>>, vector<16xf32>,
      %add3A_684 = arith.constant 32 : i32
      %add3A_685 = arith.addi %mul3A_675, %add3A_684 : i32
      %get3A_686 = arith.index_cast %add3A_685 : i32 to index
      %get3A_687 = tpu.vector_load %arg9[%get3A_686] {strides = array<i32>} : memref<12800xf32, #tpu.memory_space<vmem>>, vector<16xf32>,
      %add3A_688 = arith.constant 48 : i32
      %add3A_689 = arith.addi %mul3A_675, %add3A_688 : i32
      %get3A_690 = arith.index_cast %add3A_689 : i32 to index
      %get3A_691 = tpu.vector_load %arg9[%get3A_690] {strides = array<i32>} : memref<12800xf32, #tpu.memory_space<vmem>>, vector<16xf32>,
      %add3A_692 = arith.constant 0 : i32
      %add3A_693 = vector.broadcast %add3A_692 : i32 to vector<16xi32>
      %add3A_694 = arith.addi %mul3A_3, %add3A_693 : vector<16xi32>
      %add3A_695 = arith.constant 2064 : i32
      %add3A_696 = vector.broadcast %add3A_695 : i32 to vector<16xi32>
      %add3A_697 = arith.addi %mul3A_3, %add3A_696 : vector<16xi32>
      %add3A_698 = arith.constant 4128 : i32
      %add3A_699 = vector.broadcast %add3A_698 : i32 to vector<16xi32>
      %add3A_700 = arith.addi %mul3A_3, %add3A_699 : vector<16xi32>
      %add3A_701 = arith.constant 6192 : i32
      %add3A_702 = vector.broadcast %add3A_701 : i32 to vector<16xi32>
      %add3A_703 = arith.addi %mul3A_3, %add3A_702 : vector<16xi32>
      %scan3A_704 = arith.constant 0 : i32
      %scan3A_705 = arith.constant 128 : i32
      %scan3A_706 = arith.addi %scan3A_704, %scan3A_705 : i32
      %scan3A_707 = arith.constant 4 : i32
      scf.for %scan3A_1464 = %scan3A_704 to %scan3A_706 step %scan3A_707  : i32 {
        %get3A_1465 = arith.constant 1 : i32
        %get3A_1466 = arith.index_cast %get3A_1465 : i32 to index
        %get3A_1467 = arith.index_cast %scan3A_1464 : i32 to index
        %get3A_1468 = arith.constant 0 : index
        %get3A_1469 = tpu.vector_load %arg7[%get3A_1466, %get3A_1467, %get3A_1468] {strides = array<i32>} : memref<4x128x128xf32, #tpu.memory_space<vmem>>, vector<16xf32>,
        %get3A_1470 = arith.constant 1 : i32
        %get3A_1471 = arith.index_cast %get3A_1470 : i32 to index
        %get3A_1472 = arith.index_cast %scan3A_1464 : i32 to index
        %get3A_1473 = arith.constant 16 : index
        %get3A_1474 = tpu.vector_load %arg7[%get3A_1471, %get3A_1472, %get3A_1473] {strides = array<i32>} : memref<4x128x128xf32, #tpu.memory_space<vmem>>, vector<16xf32>,
        %get3A_1475 = arith.constant 1 : i32
        %get3A_1476 = arith.index_cast %get3A_1475 : i32 to index
        %get3A_1477 = arith.index_cast %scan3A_1464 : i32 to index
        %get3A_1478 = arith.constant 32 : index
        %get3A_1479 = tpu.vector_load %arg7[%get3A_1476, %get3A_1477, %get3A_1478] {strides = array<i32>} : memref<4x128x128xf32, #tpu.memory_space<vmem>>, vector<16xf32>,
        %get3A_1480 = arith.constant 1 : i32
        %get3A_1481 = arith.index_cast %get3A_1480 : i32 to index
        %get3A_1482 = arith.index_cast %scan3A_1464 : i32 to index
        %get3A_1483 = arith.constant 48 : index
        %get3A_1484 = tpu.vector_load %arg7[%get3A_1481, %get3A_1482, %get3A_1483] {strides = array<i32>} : memref<4x128x128xf32, #tpu.memory_space<vmem>>, vector<16xf32>,
        %add3A_1485 = vector.broadcast %scan3A_1464 : i32 to vector<16xi32>
        %add3A_1486 = arith.addi %add3A_694, %add3A_1485 : vector<16xi32>
        %add3A_1487 = vector.broadcast %scan3A_1464 : i32 to vector<16xi32>
        %add3A_1488 = arith.addi %add3A_697, %add3A_1487 : vector<16xi32>
        %add3A_1489 = vector.broadcast %scan3A_1464 : i32 to vector<16xi32>
        %add3A_1490 = arith.addi %add3A_700, %add3A_1489 : vector<16xi32>
        %add3A_1491 = vector.broadcast %scan3A_1464 : i32 to vector<16xi32>
        %add3A_1492 = arith.addi %add3A_703, %add3A_1491 : vector<16xi32>
        %add3A_1493 = arith.addf %get3A_1469, %get3A_679 : vector<16xf32>
        %add3A_1494 = arith.addf %get3A_1474, %get3A_683 : vector<16xf32>
        %add3A_1495 = arith.addf %get3A_1479, %get3A_687 : vector<16xf32>
        %add3A_1496 = arith.addf %get3A_1484, %get3A_691 : vector<16xf32>
        tpu.vector_store_idx %arg10[%add3A_1486], %add3A_1493 : memref<8256xf32, #tpu.memory_space<vmem>>[vector<16xi32>], vector<16xf32>,
        tpu.vector_store_idx %arg10[%add3A_1488], %add3A_1494 : memref<8256xf32, #tpu.memory_space<vmem>>[vector<16xi32>], vector<16xf32>,
        tpu.vector_store_idx %arg10[%add3A_1490], %add3A_1495 : memref<8256xf32, #tpu.memory_space<vmem>>[vector<16xi32>], vector<16xf32>,
        tpu.vector_store_idx %arg10[%add3A_1492], %add3A_1496 : memref<8256xf32, #tpu.memory_space<vmem>>[vector<16xi32>], vector<16xf32>,
        %scan3A_1497 = arith.constant 1 : i32
        %scan3A_1498 = arith.addi %scan3A_1464, %scan3A_1497 : i32
        %get3A_1499 = arith.constant 1 : i32
        %get3A_1500 = arith.index_cast %get3A_1499 : i32 to index
        %get3A_1501 = arith.index_cast %scan3A_1498 : i32 to index
        %get3A_1502 = arith.constant 0 : index
        %get3A_1503 = tpu.vector_load %arg7[%get3A_1500, %get3A_1501, %get3A_1502] {strides = array<i32>} : memref<4x128x128xf32, #tpu.memory_space<vmem>>, vector<16xf32>,
        %get3A_1504 = arith.constant 1 : i32
        %get3A_1505 = arith.index_cast %get3A_1504 : i32 to index
        %get3A_1506 = arith.index_cast %scan3A_1498 : i32 to index
        %get3A_1507 = arith.constant 16 : index
        %get3A_1508 = tpu.vector_load %arg7[%get3A_1505, %get3A_1506, %get3A_1507] {strides = array<i32>} : memref<4x128x128xf32, #tpu.memory_space<vmem>>, vector<16xf32>,
        %get3A_1509 = arith.constant 1 : i32
        %get3A_1510 = arith.index_cast %get3A_1509 : i32 to index
        %get3A_1511 = arith.index_cast %scan3A_1498 : i32 to index
        %get3A_1512 = arith.constant 32 : index
        %get3A_1513 = tpu.vector_load %arg7[%get3A_1510, %get3A_1511, %get3A_1512] {strides = array<i32>} : memref<4x128x128xf32, #tpu.memory_space<vmem>>, vector<16xf32>,
        %get3A_1514 = arith.constant 1 : i32
        %get3A_1515 = arith.index_cast %get3A_1514 : i32 to index
        %get3A_1516 = arith.index_cast %scan3A_1498 : i32 to index
        %get3A_1517 = arith.constant 48 : index
        %get3A_1518 = tpu.vector_load %arg7[%get3A_1515, %get3A_1516, %get3A_1517] {strides = array<i32>} : memref<4x128x128xf32, #tpu.memory_space<vmem>>, vector<16xf32>,
        %add3A_1519 = vector.broadcast %scan3A_1498 : i32 to vector<16xi32>
        %add3A_1520 = arith.addi %add3A_694, %add3A_1519 : vector<16xi32>
        %add3A_1521 = vector.broadcast %scan3A_1498 : i32 to vector<16xi32>
        %add3A_1522 = arith.addi %add3A_697, %add3A_1521 : vector<16xi32>
        %add3A_1523 = vector.broadcast %scan3A_1498 : i32 to vector<16xi32>
        %add3A_1524 = arith.addi %add3A_700, %add3A_1523 : vector<16xi32>
        %add3A_1525 = vector.broadcast %scan3A_1498 : i32 to vector<16xi32>
        %add3A_1526 = arith.addi %add3A_703, %add3A_1525 : vector<16xi32>
        %add3A_1527 = arith.addf %get3A_1503, %get3A_679 : vector<16xf32>
        %add3A_1528 = arith.addf %get3A_1508, %get3A_683 : vector<16xf32>
        %add3A_1529 = arith.addf %get3A_1513, %get3A_687 : vector<16xf32>
        %add3A_1530 = arith.addf %get3A_1518, %get3A_691 : vector<16xf32>
        tpu.vector_store_idx %arg10[%add3A_1520], %add3A_1527 : memref<8256xf32, #tpu.memory_space<vmem>>[vector<16xi32>], vector<16xf32>,
        tpu.vector_store_idx %arg10[%add3A_1522], %add3A_1528 : memref<8256xf32, #tpu.memory_space<vmem>>[vector<16xi32>], vector<16xf32>,
        tpu.vector_store_idx %arg10[%add3A_1524], %add3A_1529 : memref<8256xf32, #tpu.memory_space<vmem>>[vector<16xi32>], vector<16xf32>,
        tpu.vector_store_idx %arg10[%add3A_1526], %add3A_1530 : memref<8256xf32, #tpu.memory_space<vmem>>[vector<16xi32>], vector<16xf32>,
        %scan3A_1531 = arith.constant 2 : i32
        %scan3A_1532 = arith.addi %scan3A_1464, %scan3A_1531 : i32
        %get3A_1533 = arith.constant 1 : i32
        %get3A_1534 = arith.index_cast %get3A_1533 : i32 to index
        %get3A_1535 = arith.index_cast %scan3A_1532 : i32 to index
        %get3A_1536 = arith.constant 0 : index
        %get3A_1537 = tpu.vector_load %arg7[%get3A_1534, %get3A_1535, %get3A_1536] {strides = array<i32>} : memref<4x128x128xf32, #tpu.memory_space<vmem>>, vector<16xf32>,
        %get3A_1538 = arith.constant 1 : i32
        %get3A_1539 = arith.index_cast %get3A_1538 : i32 to index
        %get3A_1540 = arith.index_cast %scan3A_1532 : i32 to index
        %get3A_1541 = arith.constant 16 : index
        %get3A_1542 = tpu.vector_load %arg7[%get3A_1539, %get3A_1540, %get3A_1541] {strides = array<i32>} : memref<4x128x128xf32, #tpu.memory_space<vmem>>, vector<16xf32>,
        %get3A_1543 = arith.constant 1 : i32
        %get3A_1544 = arith.index_cast %get3A_1543 : i32 to index
        %get3A_1545 = arith.index_cast %scan3A_1532 : i32 to index
        %get3A_1546 = arith.constant 32 : index
        %get3A_1547 = tpu.vector_load %arg7[%get3A_1544, %get3A_1545, %get3A_1546] {strides = array<i32>} : memref<4x128x128xf32, #tpu.memory_space<vmem>>, vector<16xf32>,
        %get3A_1548 = arith.constant 1 : i32
        %get3A_1549 = arith.index_cast %get3A_1548 : i32 to index
        %get3A_1550 = arith.index_cast %scan3A_1532 : i32 to index
        %get3A_1551 = arith.constant 48 : index
        %get3A_1552 = tpu.vector_load %arg7[%get3A_1549, %get3A_1550, %get3A_1551] {strides = array<i32>} : memref<4x128x128xf32, #tpu.memory_space<vmem>>, vector<16xf32>,
        %add3A_1553 = vector.broadcast %scan3A_1532 : i32 to vector<16xi32>
        %add3A_1554 = arith.addi %add3A_694, %add3A_1553 : vector<16xi32>
        %add3A_1555 = vector.broadcast %scan3A_1532 : i32 to vector<16xi32>
        %add3A_1556 = arith.addi %add3A_697, %add3A_1555 : vector<16xi32>
        %add3A_1557 = vector.broadcast %scan3A_1532 : i32 to vector<16xi32>
        %add3A_1558 = arith.addi %add3A_700, %add3A_1557 : vector<16xi32>
        %add3A_1559 = vector.broadcast %scan3A_1532 : i32 to vector<16xi32>
        %add3A_1560 = arith.addi %add3A_703, %add3A_1559 : vector<16xi32>
        %add3A_1561 = arith.addf %get3A_1537, %get3A_679 : vector<16xf32>
        %add3A_1562 = arith.addf %get3A_1542, %get3A_683 : vector<16xf32>
        %add3A_1563 = arith.addf %get3A_1547, %get3A_687 : vector<16xf32>
        %add3A_1564 = arith.addf %get3A_1552, %get3A_691 : vector<16xf32>
        tpu.vector_store_idx %arg10[%add3A_1554], %add3A_1561 : memref<8256xf32, #tpu.memory_space<vmem>>[vector<16xi32>], vector<16xf32>,
        tpu.vector_store_idx %arg10[%add3A_1556], %add3A_1562 : memref<8256xf32, #tpu.memory_space<vmem>>[vector<16xi32>], vector<16xf32>,
        tpu.vector_store_idx %arg10[%add3A_1558], %add3A_1563 : memref<8256xf32, #tpu.memory_space<vmem>>[vector<16xi32>], vector<16xf32>,
        tpu.vector_store_idx %arg10[%add3A_1560], %add3A_1564 : memref<8256xf32, #tpu.memory_space<vmem>>[vector<16xi32>], vector<16xf32>,
        %scan3A_1565 = arith.constant 3 : i32
        %scan3A_1566 = arith.addi %scan3A_1464, %scan3A_1565 : i32
        %get3A_1567 = arith.constant 1 : i32
        %get3A_1568 = arith.index_cast %get3A_1567 : i32 to index
        %get3A_1569 = arith.index_cast %scan3A_1566 : i32 to index
        %get3A_1570 = arith.constant 0 : index
        %get3A_1571 = tpu.vector_load %arg7[%get3A_1568, %get3A_1569, %get3A_1570] {strides = array<i32>} : memref<4x128x128xf32, #tpu.memory_space<vmem>>, vector<16xf32>,
        %get3A_1572 = arith.constant 1 : i32
        %get3A_1573 = arith.index_cast %get3A_1572 : i32 to index
        %get3A_1574 = arith.index_cast %scan3A_1566 : i32 to index
        %get3A_1575 = arith.constant 16 : index
        %get3A_1576 = tpu.vector_load %arg7[%get3A_1573, %get3A_1574, %get3A_1575] {strides = array<i32>} : memref<4x128x128xf32, #tpu.memory_space<vmem>>, vector<16xf32>,
        %get3A_1577 = arith.constant 1 : i32
        %get3A_1578 = arith.index_cast %get3A_1577 : i32 to index
        %get3A_1579 = arith.index_cast %scan3A_1566 : i32 to index
        %get3A_1580 = arith.constant 32 : index
        %get3A_1581 = tpu.vector_load %arg7[%get3A_1578, %get3A_1579, %get3A_1580] {strides = array<i32>} : memref<4x128x128xf32, #tpu.memory_space<vmem>>, vector<16xf32>,
        %get3A_1582 = arith.constant 1 : i32
        %get3A_1583 = arith.index_cast %get3A_1582 : i32 to index
        %get3A_1584 = arith.index_cast %scan3A_1566 : i32 to index
        %get3A_1585 = arith.constant 48 : index
        %get3A_1586 = tpu.vector_load %arg7[%get3A_1583, %get3A_1584, %get3A_1585] {strides = array<i32>} : memref<4x128x128xf32, #tpu.memory_space<vmem>>, vector<16xf32>,
        %add3A_1587 = vector.broadcast %scan3A_1566 : i32 to vector<16xi32>
        %add3A_1588 = arith.addi %add3A_694, %add3A_1587 : vector<16xi32>
        %add3A_1589 = vector.broadcast %scan3A_1566 : i32 to vector<16xi32>
        %add3A_1590 = arith.addi %add3A_697, %add3A_1589 : vector<16xi32>
        %add3A_1591 = vector.broadcast %scan3A_1566 : i32 to vector<16xi32>
        %add3A_1592 = arith.addi %add3A_700, %add3A_1591 : vector<16xi32>
        %add3A_1593 = vector.broadcast %scan3A_1566 : i32 to vector<16xi32>
        %add3A_1594 = arith.addi %add3A_703, %add3A_1593 : vector<16xi32>
        %add3A_1595 = arith.addf %get3A_1571, %get3A_679 : vector<16xf32>
        %add3A_1596 = arith.addf %get3A_1576, %get3A_683 : vector<16xf32>
        %add3A_1597 = arith.addf %get3A_1581, %get3A_687 : vector<16xf32>
        %add3A_1598 = arith.addf %get3A_1586, %get3A_691 : vector<16xf32>
        tpu.vector_store_idx %arg10[%add3A_1588], %add3A_1595 : memref<8256xf32, #tpu.memory_space<vmem>>[vector<16xi32>], vector<16xf32>,
        tpu.vector_store_idx %arg10[%add3A_1590], %add3A_1596 : memref<8256xf32, #tpu.memory_space<vmem>>[vector<16xi32>], vector<16xf32>,
        tpu.vector_store_idx %arg10[%add3A_1592], %add3A_1597 : memref<8256xf32, #tpu.memory_space<vmem>>[vector<16xi32>], vector<16xf32>,
        tpu.vector_store_idx %arg10[%add3A_1594], %add3A_1598 : memref<8256xf32, #tpu.memory_space<vmem>>[vector<16xi32>], vector<16xf32>,
      }
      %scan3A_708 = arith.constant 128 : i32
      %get3A_709 = arith.constant 0 : index
      %get3A_710 = tpu.vector_load %arg10[%get3A_709] {strides = array<i32>} : memref<8256xf32, #tpu.memory_space<vmem>>, vector<16xf32>,
      %get3A_711 = arith.constant 16 : index
      %get3A_712 = tpu.vector_load %arg10[%get3A_711] {strides = array<i32>} : memref<8256xf32, #tpu.memory_space<vmem>>, vector<16xf32>,
      %get3A_713 = arith.constant 32 : index
      %get3A_714 = tpu.vector_load %arg10[%get3A_713] {strides = array<i32>} : memref<8256xf32, #tpu.memory_space<vmem>>, vector<16xf32>,
      %get3A_715 = arith.constant 48 : index
      %get3A_716 = tpu.vector_load %arg10[%get3A_715] {strides = array<i32>} : memref<8256xf32, #tpu.memory_space<vmem>>, vector<16xf32>,
      %get3A_717 = arith.constant 64 : index
      %get3A_718 = tpu.vector_load %arg10[%get3A_717] {strides = array<i32>} : memref<8256xf32, #tpu.memory_space<vmem>>, vector<16xf32>,
      %get3A_719 = arith.constant 80 : index
      %get3A_720 = tpu.vector_load %arg10[%get3A_719] {strides = array<i32>} : memref<8256xf32, #tpu.memory_space<vmem>>, vector<16xf32>,
      %get3A_721 = arith.constant 96 : index
      %get3A_722 = tpu.vector_load %arg10[%get3A_721] {strides = array<i32>} : memref<8256xf32, #tpu.memory_space<vmem>>, vector<16xf32>,
      %get3A_723 = arith.constant 112 : index
      %get3A_724 = tpu.vector_load %arg10[%get3A_723] {strides = array<i32>} : memref<8256xf32, #tpu.memory_space<vmem>>, vector<16xf32>,
      %scan3A_725 = arith.constant 0 : i32
      %scan3A_726 = arith.constant 62 : i32
      %scan3A_727 = arith.addi %scan3A_725, %scan3A_726 : i32
      %scan3A_728 = arith.constant 2 : i32
      %scan3A_729:8 = scf.for %scan3A_1464 = %scan3A_725 to %scan3A_727 step %scan3A_728 iter_args(%scan3A_1465 = %get3A_710, %scan3A_1466 = %get3A_712, %scan3A_1467 = %get3A_714, %scan3A_1468 = %get3A_716, %scan3A_1469 = %get3A_718, %scan3A_1470 = %get3A_720, %scan3A_1471 = %get3A_722, %scan3A_1472 = %get3A_724) -> (vector<16xf32>, vector<16xf32>, vector<16xf32>, vector<16xf32>, vector<16xf32>, vector<16xf32>, vector<16xf32>, vector<16xf32>)  : i32 {
        %swap3A_1473 = arith.constant 1 : i32
        %swap3A_1474 = arith.index_cast %swap3A_1473 : i32 to index
        %swap3A_1475 = arith.index_cast %scan3A_1464 : i32 to index
        %swap3A_1476 = arith.constant 0 : index
        %swap3A_1477 = tpu.vector_load %arg8[%swap3A_1474, %swap3A_1475, %swap3A_1476] {strides = array<i32>} : memref<4x64x128xf32, #tpu.memory_space<vmem>>, vector<16xf32>,
        tpu.vector_store %arg8[%swap3A_1474, %swap3A_1475, %swap3A_1476], %scan3A_1465 {strides = array<i32>} : memref<4x64x128xf32, #tpu.memory_space<vmem>>, vector<16xf32>,
        %swap3A_1478 = arith.constant 1 : i32
        %swap3A_1479 = arith.index_cast %swap3A_1478 : i32 to index
        %swap3A_1480 = arith.index_cast %scan3A_1464 : i32 to index
        %swap3A_1481 = arith.constant 16 : index
        %swap3A_1482 = tpu.vector_load %arg8[%swap3A_1479, %swap3A_1480, %swap3A_1481] {strides = array<i32>} : memref<4x64x128xf32, #tpu.memory_space<vmem>>, vector<16xf32>,
        tpu.vector_store %arg8[%swap3A_1479, %swap3A_1480, %swap3A_1481], %scan3A_1466 {strides = array<i32>} : memref<4x64x128xf32, #tpu.memory_space<vmem>>, vector<16xf32>,
        %swap3A_1483 = arith.constant 1 : i32
        %swap3A_1484 = arith.index_cast %swap3A_1483 : i32 to index
        %swap3A_1485 = arith.index_cast %scan3A_1464 : i32 to index
        %swap3A_1486 = arith.constant 32 : index
        %swap3A_1487 = tpu.vector_load %arg8[%swap3A_1484, %swap3A_1485, %swap3A_1486] {strides = array<i32>} : memref<4x64x128xf32, #tpu.memory_space<vmem>>, vector<16xf32>,
        tpu.vector_store %arg8[%swap3A_1484, %swap3A_1485, %swap3A_1486], %scan3A_1467 {strides = array<i32>} : memref<4x64x128xf32, #tpu.memory_space<vmem>>, vector<16xf32>,
        %swap3A_1488 = arith.constant 1 : i32
        %swap3A_1489 = arith.index_cast %swap3A_1488 : i32 to index
        %swap3A_1490 = arith.index_cast %scan3A_1464 : i32 to index
        %swap3A_1491 = arith.constant 48 : index
        %swap3A_1492 = tpu.vector_load %arg8[%swap3A_1489, %swap3A_1490, %swap3A_1491] {strides = array<i32>} : memref<4x64x128xf32, #tpu.memory_space<vmem>>, vector<16xf32>,
        tpu.vector_store %arg8[%swap3A_1489, %swap3A_1490, %swap3A_1491], %scan3A_1468 {strides = array<i32>} : memref<4x64x128xf32, #tpu.memory_space<vmem>>, vector<16xf32>,
        %swap3A_1493 = arith.constant 1 : i32
        %swap3A_1494 = arith.index_cast %swap3A_1493 : i32 to index
        %swap3A_1495 = arith.index_cast %scan3A_1464 : i32 to index
        %swap3A_1496 = arith.constant 64 : index
        %swap3A_1497 = tpu.vector_load %arg8[%swap3A_1494, %swap3A_1495, %swap3A_1496] {strides = array<i32>} : memref<4x64x128xf32, #tpu.memory_space<vmem>>, vector<16xf32>,
        tpu.vector_store %arg8[%swap3A_1494, %swap3A_1495, %swap3A_1496], %scan3A_1469 {strides = array<i32>} : memref<4x64x128xf32, #tpu.memory_space<vmem>>, vector<16xf32>,
        %swap3A_1498 = arith.constant 1 : i32
        %swap3A_1499 = arith.index_cast %swap3A_1498 : i32 to index
        %swap3A_1500 = arith.index_cast %scan3A_1464 : i32 to index
        %swap3A_1501 = arith.constant 80 : index
        %swap3A_1502 = tpu.vector_load %arg8[%swap3A_1499, %swap3A_1500, %swap3A_1501] {strides = array<i32>} : memref<4x64x128xf32, #tpu.memory_space<vmem>>, vector<16xf32>,
        tpu.vector_store %arg8[%swap3A_1499, %swap3A_1500, %swap3A_1501], %scan3A_1470 {strides = array<i32>} : memref<4x64x128xf32, #tpu.memory_space<vmem>>, vector<16xf32>,
        %swap3A_1503 = arith.constant 1 : i32
        %swap3A_1504 = arith.index_cast %swap3A_1503 : i32 to index
        %swap3A_1505 = arith.index_cast %scan3A_1464 : i32 to index
        %swap3A_1506 = arith.constant 96 : index
        %swap3A_1507 = tpu.vector_load %arg8[%swap3A_1504, %swap3A_1505, %swap3A_1506] {strides = array<i32>} : memref<4x64x128xf32, #tpu.memory_space<vmem>>, vector<16xf32>,
        tpu.vector_store %arg8[%swap3A_1504, %swap3A_1505, %swap3A_1506], %scan3A_1471 {strides = array<i32>} : memref<4x64x128xf32, #tpu.memory_space<vmem>>, vector<16xf32>,
        %swap3A_1508 = arith.constant 1 : i32
        %swap3A_1509 = arith.index_cast %swap3A_1508 : i32 to index
        %swap3A_1510 = arith.index_cast %scan3A_1464 : i32 to index
        %swap3A_1511 = arith.constant 112 : index
        %swap3A_1512 = tpu.vector_load %arg8[%swap3A_1509, %swap3A_1510, %swap3A_1511] {strides = array<i32>} : memref<4x64x128xf32, #tpu.memory_space<vmem>>, vector<16xf32>,
        tpu.vector_store %arg8[%swap3A_1509, %swap3A_1510, %swap3A_1511], %scan3A_1472 {strides = array<i32>} : memref<4x64x128xf32, #tpu.memory_space<vmem>>, vector<16xf32>,
        %add3A_1513 = arith.constant 1 : i32
        %add3A_1514 = arith.addi %scan3A_1464, %add3A_1513 : i32
        %mul3A_1515 = arith.constant 129 : i32
        %mul3A_1516 = arith.muli %add3A_1514, %mul3A_1515 : i32
        %add3A_1517 = arith.constant 0 : i32
        %add3A_1518 = arith.addi %mul3A_1516, %add3A_1517 : i32
        %get3A_1519 = arith.index_cast %add3A_1518 : i32 to index
        %get3A_1520 = tpu.vector_load %arg10[%get3A_1519] {strides = array<i32>} : memref<8256xf32, #tpu.memory_space<vmem>>, vector<16xf32>,
        %add3A_1521 = arith.constant 16 : i32
        %add3A_1522 = arith.addi %mul3A_1516, %add3A_1521 : i32
        %get3A_1523 = arith.index_cast %add3A_1522 : i32 to index
        %get3A_1524 = tpu.vector_load %arg10[%get3A_1523] {strides = array<i32>} : memref<8256xf32, #tpu.memory_space<vmem>>, vector<16xf32>,
        %add3A_1525 = arith.constant 32 : i32
        %add3A_1526 = arith.addi %mul3A_1516, %add3A_1525 : i32
        %get3A_1527 = arith.index_cast %add3A_1526 : i32 to index
        %get3A_1528 = tpu.vector_load %arg10[%get3A_1527] {strides = array<i32>} : memref<8256xf32, #tpu.memory_space<vmem>>, vector<16xf32>,
        %add3A_1529 = arith.constant 48 : i32
        %add3A_1530 = arith.addi %mul3A_1516, %add3A_1529 : i32
        %get3A_1531 = arith.index_cast %add3A_1530 : i32 to index
        %get3A_1532 = tpu.vector_load %arg10[%get3A_1531] {strides = array<i32>} : memref<8256xf32, #tpu.memory_space<vmem>>, vector<16xf32>,
        %add3A_1533 = arith.constant 64 : i32
        %add3A_1534 = arith.addi %mul3A_1516, %add3A_1533 : i32
        %get3A_1535 = arith.index_cast %add3A_1534 : i32 to index
        %get3A_1536 = tpu.vector_load %arg10[%get3A_1535] {strides = array<i32>} : memref<8256xf32, #tpu.memory_space<vmem>>, vector<16xf32>,
        %add3A_1537 = arith.constant 80 : i32
        %add3A_1538 = arith.addi %mul3A_1516, %add3A_1537 : i32
        %get3A_1539 = arith.index_cast %add3A_1538 : i32 to index
        %get3A_1540 = tpu.vector_load %arg10[%get3A_1539] {strides = array<i32>} : memref<8256xf32, #tpu.memory_space<vmem>>, vector<16xf32>,
        %add3A_1541 = arith.constant 96 : i32
        %add3A_1542 = arith.addi %mul3A_1516, %add3A_1541 : i32
        %get3A_1543 = arith.index_cast %add3A_1542 : i32 to index
        %get3A_1544 = tpu.vector_load %arg10[%get3A_1543] {strides = array<i32>} : memref<8256xf32, #tpu.memory_space<vmem>>, vector<16xf32>,
        %add3A_1545 = arith.constant 112 : i32
        %add3A_1546 = arith.addi %mul3A_1516, %add3A_1545 : i32
        %get3A_1547 = arith.index_cast %add3A_1546 : i32 to index
        %get3A_1548 = tpu.vector_load %arg10[%get3A_1547] {strides = array<i32>} : memref<8256xf32, #tpu.memory_space<vmem>>, vector<16xf32>,
        %scan3A_1549 = arith.constant 1 : i32
        %scan3A_1550 = arith.addi %scan3A_1464, %scan3A_1549 : i32
        %swap3A_1551 = arith.constant 1 : i32
        %swap3A_1552 = arith.index_cast %swap3A_1551 : i32 to index
        %swap3A_1553 = arith.index_cast %scan3A_1550 : i32 to index
        %swap3A_1554 = arith.constant 0 : index
        %swap3A_1555 = tpu.vector_load %arg8[%swap3A_1552, %swap3A_1553, %swap3A_1554] {strides = array<i32>} : memref<4x64x128xf32, #tpu.memory_space<vmem>>, vector<16xf32>,
        tpu.vector_store %arg8[%swap3A_1552, %swap3A_1553, %swap3A_1554], %get3A_1520 {strides = array<i32>} : memref<4x64x128xf32, #tpu.memory_space<vmem>>, vector<16xf32>,
        %swap3A_1556 = arith.constant 1 : i32
        %swap3A_1557 = arith.index_cast %swap3A_1556 : i32 to index
        %swap3A_1558 = arith.index_cast %scan3A_1550 : i32 to index
        %swap3A_1559 = arith.constant 16 : index
        %swap3A_1560 = tpu.vector_load %arg8[%swap3A_1557, %swap3A_1558, %swap3A_1559] {strides = array<i32>} : memref<4x64x128xf32, #tpu.memory_space<vmem>>, vector<16xf32>,
        tpu.vector_store %arg8[%swap3A_1557, %swap3A_1558, %swap3A_1559], %get3A_1524 {strides = array<i32>} : memref<4x64x128xf32, #tpu.memory_space<vmem>>, vector<16xf32>,
        %swap3A_1561 = arith.constant 1 : i32
        %swap3A_1562 = arith.index_cast %swap3A_1561 : i32 to index
        %swap3A_1563 = arith.index_cast %scan3A_1550 : i32 to index
        %swap3A_1564 = arith.constant 32 : index
        %swap3A_1565 = tpu.vector_load %arg8[%swap3A_1562, %swap3A_1563, %swap3A_1564] {strides = array<i32>} : memref<4x64x128xf32, #tpu.memory_space<vmem>>, vector<16xf32>,
        tpu.vector_store %arg8[%swap3A_1562, %swap3A_1563, %swap3A_1564], %get3A_1528 {strides = array<i32>} : memref<4x64x128xf32, #tpu.memory_space<vmem>>, vector<16xf32>,
        %swap3A_1566 = arith.constant 1 : i32
        %swap3A_1567 = arith.index_cast %swap3A_1566 : i32 to index
        %swap3A_1568 = arith.index_cast %scan3A_1550 : i32 to index
        %swap3A_1569 = arith.constant 48 : index
        %swap3A_1570 = tpu.vector_load %arg8[%swap3A_1567, %swap3A_1568, %swap3A_1569] {strides = array<i32>} : memref<4x64x128xf32, #tpu.memory_space<vmem>>, vector<16xf32>,
        tpu.vector_store %arg8[%swap3A_1567, %swap3A_1568, %swap3A_1569], %get3A_1532 {strides = array<i32>} : memref<4x64x128xf32, #tpu.memory_space<vmem>>, vector<16xf32>,
        %swap3A_1571 = arith.constant 1 : i32
        %swap3A_1572 = arith.index_cast %swap3A_1571 : i32 to index
        %swap3A_1573 = arith.index_cast %scan3A_1550 : i32 to index
        %swap3A_1574 = arith.constant 64 : index
        %swap3A_1575 = tpu.vector_load %arg8[%swap3A_1572, %swap3A_1573, %swap3A_1574] {strides = array<i32>} : memref<4x64x128xf32, #tpu.memory_space<vmem>>, vector<16xf32>,
        tpu.vector_store %arg8[%swap3A_1572, %swap3A_1573, %swap3A_1574], %get3A_1536 {strides = array<i32>} : memref<4x64x128xf32, #tpu.memory_space<vmem>>, vector<16xf32>,
        %swap3A_1576 = arith.constant 1 : i32
        %swap3A_1577 = arith.index_cast %swap3A_1576 : i32 to index
        %swap3A_1578 = arith.index_cast %scan3A_1550 : i32 to index
        %swap3A_1579 = arith.constant 80 : index
        %swap3A_1580 = tpu.vector_load %arg8[%swap3A_1577, %swap3A_1578, %swap3A_1579] {strides = array<i32>} : memref<4x64x128xf32, #tpu.memory_space<vmem>>, vector<16xf32>,
        tpu.vector_store %arg8[%swap3A_1577, %swap3A_1578, %swap3A_1579], %get3A_1540 {strides = array<i32>} : memref<4x64x128xf32, #tpu.memory_space<vmem>>, vector<16xf32>,
        %swap3A_1581 = arith.constant 1 : i32
        %swap3A_1582 = arith.index_cast %swap3A_1581 : i32 to index
        %swap3A_1583 = arith.index_cast %scan3A_1550 : i32 to index
        %swap3A_1584 = arith.constant 96 : index
        %swap3A_1585 = tpu.vector_load %arg8[%swap3A_1582, %swap3A_1583, %swap3A_1584] {strides = array<i32>} : memref<4x64x128xf32, #tpu.memory_space<vmem>>, vector<16xf32>,
        tpu.vector_store %arg8[%swap3A_1582, %swap3A_1583, %swap3A_1584], %get3A_1544 {strides = array<i32>} : memref<4x64x128xf32, #tpu.memory_space<vmem>>, vector<16xf32>,
        %swap3A_1586 = arith.constant 1 : i32
        %swap3A_1587 = arith.index_cast %swap3A_1586 : i32 to index
        %swap3A_1588 = arith.index_cast %scan3A_1550 : i32 to index
        %swap3A_1589 = arith.constant 112 : index
        %swap3A_1590 = tpu.vector_load %arg8[%swap3A_1587, %swap3A_1588, %swap3A_1589] {strides = array<i32>} : memref<4x64x128xf32, #tpu.memory_space<vmem>>, vector<16xf32>,
        tpu.vector_store %arg8[%swap3A_1587, %swap3A_1588, %swap3A_1589], %get3A_1548 {strides = array<i32>} : memref<4x64x128xf32, #tpu.memory_space<vmem>>, vector<16xf32>,
        %add3A_1591 = arith.constant 1 : i32
        %add3A_1592 = arith.addi %scan3A_1550, %add3A_1591 : i32
        %mul3A_1593 = arith.constant 129 : i32
        %mul3A_1594 = arith.muli %add3A_1592, %mul3A_1593 : i32
        %add3A_1595 = arith.constant 0 : i32
        %add3A_1596 = arith.addi %mul3A_1594, %add3A_1595 : i32
        %get3A_1597 = arith.index_cast %add3A_1596 : i32 to index
        %get3A_1598 = tpu.vector_load %arg10[%get3A_1597] {strides = array<i32>} : memref<8256xf32, #tpu.memory_space<vmem>>, vector<16xf32>,
        %add3A_1599 = arith.constant 16 : i32
        %add3A_1600 = arith.addi %mul3A_1594, %add3A_1599 : i32
        %get3A_1601 = arith.index_cast %add3A_1600 : i32 to index
        %get3A_1602 = tpu.vector_load %arg10[%get3A_1601] {strides = array<i32>} : memref<8256xf32, #tpu.memory_space<vmem>>, vector<16xf32>,
        %add3A_1603 = arith.constant 32 : i32
        %add3A_1604 = arith.addi %mul3A_1594, %add3A_1603 : i32
        %get3A_1605 = arith.index_cast %add3A_1604 : i32 to index
        %get3A_1606 = tpu.vector_load %arg10[%get3A_1605] {strides = array<i32>} : memref<8256xf32, #tpu.memory_space<vmem>>, vector<16xf32>,
        %add3A_1607 = arith.constant 48 : i32
        %add3A_1608 = arith.addi %mul3A_1594, %add3A_1607 : i32
        %get3A_1609 = arith.index_cast %add3A_1608 : i32 to index
        %get3A_1610 = tpu.vector_load %arg10[%get3A_1609] {strides = array<i32>} : memref<8256xf32, #tpu.memory_space<vmem>>, vector<16xf32>,
        %add3A_1611 = arith.constant 64 : i32
        %add3A_1612 = arith.addi %mul3A_1594, %add3A_1611 : i32
        %get3A_1613 = arith.index_cast %add3A_1612 : i32 to index
        %get3A_1614 = tpu.vector_load %arg10[%get3A_1613] {strides = array<i32>} : memref<8256xf32, #tpu.memory_space<vmem>>, vector<16xf32>,
        %add3A_1615 = arith.constant 80 : i32
        %add3A_1616 = arith.addi %mul3A_1594, %add3A_1615 : i32
        %get3A_1617 = arith.index_cast %add3A_1616 : i32 to index
        %get3A_1618 = tpu.vector_load %arg10[%get3A_1617] {strides = array<i32>} : memref<8256xf32, #tpu.memory_space<vmem>>, vector<16xf32>,
        %add3A_1619 = arith.constant 96 : i32
        %add3A_1620 = arith.addi %mul3A_1594, %add3A_1619 : i32
        %get3A_1621 = arith.index_cast %add3A_1620 : i32 to index
        %get3A_1622 = tpu.vector_load %arg10[%get3A_1621] {strides = array<i32>} : memref<8256xf32, #tpu.memory_space<vmem>>, vector<16xf32>,
        %add3A_1623 = arith.constant 112 : i32
        %add3A_1624 = arith.addi %mul3A_1594, %add3A_1623 : i32
        %get3A_1625 = arith.index_cast %add3A_1624 : i32 to index
        %get3A_1626 = tpu.vector_load %arg10[%get3A_1625] {strides = array<i32>} : memref<8256xf32, #tpu.memory_space<vmem>>, vector<16xf32>,
        scf.yield %get3A_1598, %get3A_1602, %get3A_1606, %get3A_1610, %get3A_1614, %get3A_1618, %get3A_1622, %get3A_1626 : vector<16xf32>, vector<16xf32>, vector<16xf32>, vector<16xf32>, vector<16xf32>, vector<16xf32>, vector<16xf32>, vector<16xf32>
      }
      %scan3A_730 = arith.constant 62 : i32
      %scan3A_731 = arith.addi %scan3A_725, %scan3A_730 : i32
      %swap3A_732 = arith.constant 1 : i32
      %swap3A_733 = arith.index_cast %swap3A_732 : i32 to index
      %swap3A_734 = arith.index_cast %scan3A_731 : i32 to index
      %swap3A_735 = arith.constant 0 : index
      %swap3A_736 = tpu.vector_load %arg8[%swap3A_733, %swap3A_734, %swap3A_735] {strides = array<i32>} : memref<4x64x128xf32, #tpu.memory_space<vmem>>, vector<16xf32>,
      tpu.vector_store %arg8[%swap3A_733, %swap3A_734, %swap3A_735], %scan3A_729#0 {strides = array<i32>} : memref<4x64x128xf32, #tpu.memory_space<vmem>>, vector<16xf32>,
      %swap3A_737 = arith.constant 1 : i32
      %swap3A_738 = arith.index_cast %swap3A_737 : i32 to index
      %swap3A_739 = arith.index_cast %scan3A_731 : i32 to index
      %swap3A_740 = arith.constant 16 : index
      %swap3A_741 = tpu.vector_load %arg8[%swap3A_738, %swap3A_739, %swap3A_740] {strides = array<i32>} : memref<4x64x128xf32, #tpu.memory_space<vmem>>, vector<16xf32>,
      tpu.vector_store %arg8[%swap3A_738, %swap3A_739, %swap3A_740], %scan3A_729#1 {strides = array<i32>} : memref<4x64x128xf32, #tpu.memory_space<vmem>>, vector<16xf32>,
      %swap3A_742 = arith.constant 1 : i32
      %swap3A_743 = arith.index_cast %swap3A_742 : i32 to index
      %swap3A_744 = arith.index_cast %scan3A_731 : i32 to index
      %swap3A_745 = arith.constant 32 : index
      %swap3A_746 = tpu.vector_load %arg8[%swap3A_743, %swap3A_744, %swap3A_745] {strides = array<i32>} : memref<4x64x128xf32, #tpu.memory_space<vmem>>, vector<16xf32>,
      tpu.vector_store %arg8[%swap3A_743, %swap3A_744, %swap3A_745], %scan3A_729#2 {strides = array<i32>} : memref<4x64x128xf32, #tpu.memory_space<vmem>>, vector<16xf32>,
      %swap3A_747 = arith.constant 1 : i32
      %swap3A_748 = arith.index_cast %swap3A_747 : i32 to index
      %swap3A_749 = arith.index_cast %scan3A_731 : i32 to index
      %swap3A_750 = arith.constant 48 : index
      %swap3A_751 = tpu.vector_load %arg8[%swap3A_748, %swap3A_749, %swap3A_750] {strides = array<i32>} : memref<4x64x128xf32, #tpu.memory_space<vmem>>, vector<16xf32>,
      tpu.vector_store %arg8[%swap3A_748, %swap3A_749, %swap3A_750], %scan3A_729#3 {strides = array<i32>} : memref<4x64x128xf32, #tpu.memory_space<vmem>>, vector<16xf32>,
      %swap3A_752 = arith.constant 1 : i32
      %swap3A_753 = arith.index_cast %swap3A_752 : i32 to index
      %swap3A_754 = arith.index_cast %scan3A_731 : i32 to index
      %swap3A_755 = arith.constant 64 : index
      %swap3A_756 = tpu.vector_load %arg8[%swap3A_753, %swap3A_754, %swap3A_755] {strides = array<i32>} : memref<4x64x128xf32, #tpu.memory_space<vmem>>, vector<16xf32>,
      tpu.vector_store %arg8[%swap3A_753, %swap3A_754, %swap3A_755], %scan3A_729#4 {strides = array<i32>} : memref<4x64x128xf32, #tpu.memory_space<vmem>>, vector<16xf32>,
      %swap3A_757 = arith.constant 1 : i32
      %swap3A_758 = arith.index_cast %swap3A_757 : i32 to index
      %swap3A_759 = arith.index_cast %scan3A_731 : i32 to index
      %swap3A_760 = arith.constant 80 : index
      %swap3A_761 = tpu.vector_load %arg8[%swap3A_758, %swap3A_759, %swap3A_760] {strides = array<i32>} : memref<4x64x128xf32, #tpu.memory_space<vmem>>, vector<16xf32>,
      tpu.vector_store %arg8[%swap3A_758, %swap3A_759, %swap3A_760], %scan3A_729#5 {strides = array<i32>} : memref<4x64x128xf32, #tpu.memory_space<vmem>>, vector<16xf32>,
      %swap3A_762 = arith.constant 1 : i32
      %swap3A_763 = arith.index_cast %swap3A_762 : i32 to index
      %swap3A_764 = arith.index_cast %scan3A_731 : i32 to index
      %swap3A_765 = arith.constant 96 : index
      %swap3A_766 = tpu.vector_load %arg8[%swap3A_763, %swap3A_764, %swap3A_765] {strides = array<i32>} : memref<4x64x128xf32, #tpu.memory_space<vmem>>, vector<16xf32>,
      tpu.vector_store %arg8[%swap3A_763, %swap3A_764, %swap3A_765], %scan3A_729#6 {strides = array<i32>} : memref<4x64x128xf32, #tpu.memory_space<vmem>>, vector<16xf32>,
      %swap3A_767 = arith.constant 1 : i32
      %swap3A_768 = arith.index_cast %swap3A_767 : i32 to index
      %swap3A_769 = arith.index_cast %scan3A_731 : i32 to index
      %swap3A_770 = arith.constant 112 : index
      %swap3A_771 = tpu.vector_load %arg8[%swap3A_768, %swap3A_769, %swap3A_770] {strides = array<i32>} : memref<4x64x128xf32, #tpu.memory_space<vmem>>, vector<16xf32>,
      tpu.vector_store %arg8[%swap3A_768, %swap3A_769, %swap3A_770], %scan3A_729#7 {strides = array<i32>} : memref<4x64x128xf32, #tpu.memory_space<vmem>>, vector<16xf32>,
      %add3A_772 = arith.constant 1 : i32
      %add3A_773 = arith.addi %scan3A_731, %add3A_772 : i32
      %mul3A_774 = arith.constant 129 : i32
      %mul3A_775 = arith.muli %add3A_773, %mul3A_774 : i32
      %add3A_776 = arith.constant 0 : i32
      %add3A_777 = arith.addi %mul3A_775, %add3A_776 : i32
      %get3A_778 = arith.index_cast %add3A_777 : i32 to index
      %get3A_779 = tpu.vector_load %arg10[%get3A_778] {strides = array<i32>} : memref<8256xf32, #tpu.memory_space<vmem>>, vector<16xf32>,
      %add3A_780 = arith.constant 16 : i32
      %add3A_781 = arith.addi %mul3A_775, %add3A_780 : i32
      %get3A_782 = arith.index_cast %add3A_781 : i32 to index
      %get3A_783 = tpu.vector_load %arg10[%get3A_782] {strides = array<i32>} : memref<8256xf32, #tpu.memory_space<vmem>>, vector<16xf32>,
      %add3A_784 = arith.constant 32 : i32
      %add3A_785 = arith.addi %mul3A_775, %add3A_784 : i32
      %get3A_786 = arith.index_cast %add3A_785 : i32 to index
      %get3A_787 = tpu.vector_load %arg10[%get3A_786] {strides = array<i32>} : memref<8256xf32, #tpu.memory_space<vmem>>, vector<16xf32>,
      %add3A_788 = arith.constant 48 : i32
      %add3A_789 = arith.addi %mul3A_775, %add3A_788 : i32
      %get3A_790 = arith.index_cast %add3A_789 : i32 to index
      %get3A_791 = tpu.vector_load %arg10[%get3A_790] {strides = array<i32>} : memref<8256xf32, #tpu.memory_space<vmem>>, vector<16xf32>,
      %add3A_792 = arith.constant 64 : i32
      %add3A_793 = arith.addi %mul3A_775, %add3A_792 : i32
      %get3A_794 = arith.index_cast %add3A_793 : i32 to index
      %get3A_795 = tpu.vector_load %arg10[%get3A_794] {strides = array<i32>} : memref<8256xf32, #tpu.memory_space<vmem>>, vector<16xf32>,
      %add3A_796 = arith.constant 80 : i32
      %add3A_797 = arith.addi %mul3A_775, %add3A_796 : i32
      %get3A_798 = arith.index_cast %add3A_797 : i32 to index
      %get3A_799 = tpu.vector_load %arg10[%get3A_798] {strides = array<i32>} : memref<8256xf32, #tpu.memory_space<vmem>>, vector<16xf32>,
      %add3A_800 = arith.constant 96 : i32
      %add3A_801 = arith.addi %mul3A_775, %add3A_800 : i32
      %get3A_802 = arith.index_cast %add3A_801 : i32 to index
      %get3A_803 = tpu.vector_load %arg10[%get3A_802] {strides = array<i32>} : memref<8256xf32, #tpu.memory_space<vmem>>, vector<16xf32>,
      %add3A_804 = arith.constant 112 : i32
      %add3A_805 = arith.addi %mul3A_775, %add3A_804 : i32
      %get3A_806 = arith.index_cast %add3A_805 : i32 to index
      %get3A_807 = tpu.vector_load %arg10[%get3A_806] {strides = array<i32>} : memref<8256xf32, #tpu.memory_space<vmem>>, vector<16xf32>,
      %scan3A_808 = arith.constant 63 : i32
      %swap3A_809 = arith.constant 1 : i32
      %swap3A_810 = arith.constant 63 : i32
      %swap3A_811 = arith.index_cast %swap3A_809 : i32 to index
      %swap3A_812 = arith.index_cast %swap3A_810 : i32 to index
      %swap3A_813 = arith.constant 0 : index
      %swap3A_814 = tpu.vector_load %arg8[%swap3A_811, %swap3A_812, %swap3A_813] {strides = array<i32>} : memref<4x64x128xf32, #tpu.memory_space<vmem>>, vector<16xf32>,
      tpu.vector_store %arg8[%swap3A_811, %swap3A_812, %swap3A_813], %get3A_779 {strides = array<i32>} : memref<4x64x128xf32, #tpu.memory_space<vmem>>, vector<16xf32>,
      %swap3A_815 = arith.constant 1 : i32
      %swap3A_816 = arith.constant 63 : i32
      %swap3A_817 = arith.index_cast %swap3A_815 : i32 to index
      %swap3A_818 = arith.index_cast %swap3A_816 : i32 to index
      %swap3A_819 = arith.constant 16 : index
      %swap3A_820 = tpu.vector_load %arg8[%swap3A_817, %swap3A_818, %swap3A_819] {strides = array<i32>} : memref<4x64x128xf32, #tpu.memory_space<vmem>>, vector<16xf32>,
      tpu.vector_store %arg8[%swap3A_817, %swap3A_818, %swap3A_819], %get3A_783 {strides = array<i32>} : memref<4x64x128xf32, #tpu.memory_space<vmem>>, vector<16xf32>,
      %swap3A_821 = arith.constant 1 : i32
      %swap3A_822 = arith.constant 63 : i32
      %swap3A_823 = arith.index_cast %swap3A_821 : i32 to index
      %swap3A_824 = arith.index_cast %swap3A_822 : i32 to index
      %swap3A_825 = arith.constant 32 : index
      %swap3A_826 = tpu.vector_load %arg8[%swap3A_823, %swap3A_824, %swap3A_825] {strides = array<i32>} : memref<4x64x128xf32, #tpu.memory_space<vmem>>, vector<16xf32>,
      tpu.vector_store %arg8[%swap3A_823, %swap3A_824, %swap3A_825], %get3A_787 {strides = array<i32>} : memref<4x64x128xf32, #tpu.memory_space<vmem>>, vector<16xf32>,
      %swap3A_827 = arith.constant 1 : i32
      %swap3A_828 = arith.constant 63 : i32
      %swap3A_829 = arith.index_cast %swap3A_827 : i32 to index
      %swap3A_830 = arith.index_cast %swap3A_828 : i32 to index
      %swap3A_831 = arith.constant 48 : index
      %swap3A_832 = tpu.vector_load %arg8[%swap3A_829, %swap3A_830, %swap3A_831] {strides = array<i32>} : memref<4x64x128xf32, #tpu.memory_space<vmem>>, vector<16xf32>,
      tpu.vector_store %arg8[%swap3A_829, %swap3A_830, %swap3A_831], %get3A_791 {strides = array<i32>} : memref<4x64x128xf32, #tpu.memory_space<vmem>>, vector<16xf32>,
      %swap3A_833 = arith.constant 1 : i32
      %swap3A_834 = arith.constant 63 : i32
      %swap3A_835 = arith.index_cast %swap3A_833 : i32 to index
      %swap3A_836 = arith.index_cast %swap3A_834 : i32 to index
      %swap3A_837 = arith.constant 64 : index
      %swap3A_838 = tpu.vector_load %arg8[%swap3A_835, %swap3A_836, %swap3A_837] {strides = array<i32>} : memref<4x64x128xf32, #tpu.memory_space<vmem>>, vector<16xf32>,
      tpu.vector_store %arg8[%swap3A_835, %swap3A_836, %swap3A_837], %get3A_795 {strides = array<i32>} : memref<4x64x128xf32, #tpu.memory_space<vmem>>, vector<16xf32>,
      %swap3A_839 = arith.constant 1 : i32
      %swap3A_840 = arith.constant 63 : i32
      %swap3A_841 = arith.index_cast %swap3A_839 : i32 to index
      %swap3A_842 = arith.index_cast %swap3A_840 : i32 to index
      %swap3A_843 = arith.constant 80 : index
      %swap3A_844 = tpu.vector_load %arg8[%swap3A_841, %swap3A_842, %swap3A_843] {strides = array<i32>} : memref<4x64x128xf32, #tpu.memory_space<vmem>>, vector<16xf32>,
      tpu.vector_store %arg8[%swap3A_841, %swap3A_842, %swap3A_843], %get3A_799 {strides = array<i32>} : memref<4x64x128xf32, #tpu.memory_space<vmem>>, vector<16xf32>,
      %swap3A_845 = arith.constant 1 : i32
      %swap3A_846 = arith.constant 63 : i32
      %swap3A_847 = arith.index_cast %swap3A_845 : i32 to index
      %swap3A_848 = arith.index_cast %swap3A_846 : i32 to index
      %swap3A_849 = arith.constant 96 : index
      %swap3A_850 = tpu.vector_load %arg8[%swap3A_847, %swap3A_848, %swap3A_849] {strides = array<i32>} : memref<4x64x128xf32, #tpu.memory_space<vmem>>, vector<16xf32>,
      tpu.vector_store %arg8[%swap3A_847, %swap3A_848, %swap3A_849], %get3A_803 {strides = array<i32>} : memref<4x64x128xf32, #tpu.memory_space<vmem>>, vector<16xf32>,
      %swap3A_851 = arith.constant 1 : i32
      %swap3A_852 = arith.constant 63 : i32
      %swap3A_853 = arith.index_cast %swap3A_851 : i32 to index
      %swap3A_854 = arith.index_cast %swap3A_852 : i32 to index
      %swap3A_855 = arith.constant 112 : index
      %swap3A_856 = tpu.vector_load %arg8[%swap3A_853, %swap3A_854, %swap3A_855] {strides = array<i32>} : memref<4x64x128xf32, #tpu.memory_space<vmem>>, vector<16xf32>,
      tpu.vector_store %arg8[%swap3A_853, %swap3A_854, %swap3A_855], %get3A_807 {strides = array<i32>} : memref<4x64x128xf32, #tpu.memory_space<vmem>>, vector<16xf32>,
      %mul3A_857 = arith.constant 128 : i32
      %mul3A_858 = arith.muli %add3A, %mul3A_857 : i32
      %dma_start3A_859 = arith.constant 1 : i32
      %dma_start3A_860 = arith.constant 0 : i32
      %dma_start3A_861 = arith.constant 0 : i32
      %dma_start3A_862 = tpu.memref_slice %arg8[%dma_start3A_859, %dma_start3A_860, %dma_start3A_861] : memref<4x64x128xf32, #tpu.memory_space<vmem>> -> memref<1x64x128xf32, #tpu.memory_space<vmem>>
      %dma_start3A_863 = tpu.memref_squeeze %dma_start3A_862 : memref<1x64x128xf32, #tpu.memory_space<vmem>> -> memref<64x128xf32, #tpu.memory_space<vmem>>
      %dma_start3A_864 = arith.constant 0 : i32
      %dma_start3A_865 = tpu.memref_slice %arg5[%add3A_582, %dma_start3A_864, %mul3A_858] : memref<200x64x4096xf32, #tpu.memory_space<hbm>> -> memref<1x64x128xf32, #tpu.memory_space<hbm>>
      %dma_start3A_866 = tpu.memref_squeeze %dma_start3A_865 : memref<1x64x128xf32, #tpu.memory_space<hbm>> -> memref<64x128xf32, #tpu.memory_space<hbm>>
      %dma_start3A_867 = arith.constant 0 : i32
      %dma_start3A_868 = tpu.memref_slice %arg5[%add3A_582, %dma_start3A_867, %mul3A_858] : memref<200x64x4096xf32, #tpu.memory_space<hbm>> -> memref<1x64x128xf32, #tpu.memory_space<hbm>>
      %dma_start3A_869 = tpu.memref_squeeze %dma_start3A_868 : memref<1x64x128xf32, #tpu.memory_space<hbm>> -> memref<64x128xf32, #tpu.memory_space<hbm>>
      %dma_start3A_870 = arith.constant 0 : i32
      %dma_start3A_871 = arith.constant 0 : i32
      %dma_start3A_872 = tpu.memref_slice %arg8[%dma_start3A_859, %dma_start3A_870, %dma_start3A_871] : memref<4x64x128xf32, #tpu.memory_space<vmem>> -> memref<1x64x128xf32, #tpu.memory_space<vmem>>
      %dma_start3A_873 = tpu.memref_squeeze %dma_start3A_872 : memref<1x64x128xf32, #tpu.memory_space<vmem>> -> memref<64x128xf32, #tpu.memory_space<vmem>>
      tpu.enqueue_dma source(%dma_start3A_873 : memref<64x128xf32, #tpu.memory_space<vmem>>) target(%dma_start3A_869 : memref<64x128xf32, #tpu.memory_space<hbm>>) target_semaphore(%arg20 : memref<!tpu.dma_semaphore, #tpu.memory_space<semaphore_mem>>)
      %mul3A_874 = arith.constant 4 : i32
      %mul3A_875 = arith.muli %mul3A_874, %scan3A_290 : i32
      %add3A_876 = arith.constant 2 : i32
      %add3A_877 = arith.addi %mul3A_875, %add3A_876 : i32
      %add3A_878 = arith.constant 4 : i32
      %add3A_879 = arith.addi %add3A_877, %add3A_878 : i32
      %sub3A_880 = arith.constant 1 : i32
      %sub3A_881 = arith.subi %add3A_879, %sub3A_880 : i32
      %lt3A_882 = arith.constant 200 : i32
      %lt3A_883 = arith.cmpi slt, %sub3A_881, %lt3A_882 : i32
      %convert_element_type3A_884 = arith.extui %lt3A_883 : i1 to i32
      %cond3A_885 = arith.constant 0 : i32
      %cond3A_886 = arith.cmpi ne, %convert_element_type3A_884, %cond3A_885 : i32
      scf.if %cond3A_886 {
        %add3A_1464 = arith.constant 4 : i32
        %add3A_1465 = arith.addi %add3A_877, %add3A_1464 : i32
        %sub3A_1466 = arith.constant 1 : i32
        %sub3A_1467 = arith.subi %add3A_1465, %sub3A_1466 : i32
        %jit3A = arith.constant 8 : i32
        %div3A = arith.divsi %sub3A_1467, %jit3A : i32
        %sign3A = arith.constant 0 : i32
        %sign3A_1468 = arith.cmpi sgt, %sub3A_1467, %sign3A : i32
        %sign3A_1469 = arith.extui %sign3A_1468 : i1 to i32
        %sign3A_1470 = arith.constant 0 : i32
        %sign3A_1471 = arith.cmpi slt, %sub3A_1467, %sign3A_1470 : i32
        %sign3A_1472 = arith.extui %sign3A_1471 : i1 to i32
        %sign3A_1473 = arith.subi %sign3A_1469, %sign3A_1472 : i32
        %sign3A_1474 = arith.constant 0 : i32
        %sign3A_1475 = arith.cmpi sgt, %jit3A, %sign3A_1474 : i32
        %sign3A_1476 = arith.extui %sign3A_1475 : i1 to i32
        %sign3A_1477 = arith.constant 0 : i32
        %sign3A_1478 = arith.cmpi slt, %jit3A, %sign3A_1477 : i32
        %sign3A_1479 = arith.extui %sign3A_1478 : i1 to i32
        %sign3A_1480 = arith.subi %sign3A_1476, %sign3A_1479 : i32
        %ne3A = arith.cmpi ne, %sign3A_1473, %sign3A_1480 : i32
        %rem3A = arith.remsi %sub3A_1467, %jit3A : i32
        %ne3A_1481 = arith.constant 0 : i32
        %ne3A_1482 = arith.cmpi ne, %rem3A, %ne3A_1481 : i32
        %and3A = arith.andi %ne3A, %ne3A_1482 : i1
        %sub3A_1483 = arith.constant 1 : i32
        %sub3A_1484 = arith.subi %div3A, %sub3A_1483 : i32
        %select_n3A = arith.select %and3A, %sub3A_1484, %div3A : i32
        %jit3A_1485 = arith.constant 8 : i32
        %eq3A = arith.constant 0 : i32
        %eq3A_1486 = arith.cmpi eq, %jit3A_1485, %eq3A : i32
        %jit3A_1487 = arith.constant 1 : i32
        %select_n3A_1488 = arith.select %eq3A_1486, %jit3A_1487, %jit3A_1485 : i32
        %rem3A_1489 = arith.remsi %sub3A_1467, %select_n3A_1488 : i32
        %ne3A_1490 = arith.constant 0 : i32
        %ne3A_1491 = arith.cmpi ne, %rem3A_1489, %ne3A_1490 : i32
        %lt3A_1492 = arith.constant 0 : i32
        %lt3A_1493 = arith.cmpi slt, %rem3A_1489, %lt3A_1492 : i32
        %lt3A_1494 = arith.constant 0 : i32
        %lt3A_1495 = arith.cmpi slt, %select_n3A_1488, %lt3A_1494 : i32
        %ne3A_1496 = arith.xori %lt3A_1493, %lt3A_1495 : i1
        %and3A_1497 = arith.andi %ne3A_1496, %ne3A_1491 : i1
        %add3A_1498 = arith.addi %rem3A_1489, %select_n3A_1488 : i32
        %select_n3A_1499 = arith.select %and3A_1497, %add3A_1498, %rem3A_1489 : i32
        %dma_start3A_1500 = arith.constant 1 : i32
        %dma_start3A_1501 = arith.constant 0 : i32
        %dma_start3A_1502 = tpu.memref_slice %arg6[%dma_start3A_1500, %dma_start3A_1501] : memref<4x128xi32, #tpu.memory_space<vmem>> -> memref<1x128xi32, #tpu.memory_space<vmem>>
        %dma_start3A_1503 = tpu.memref_squeeze %dma_start3A_1502 : memref<1x128xi32, #tpu.memory_space<vmem>> -> memref<128xi32, #tpu.memory_space<vmem>>
        %dma_start3A_1504 = arith.constant 0 : i32
        %dma_start3A_1505 = tpu.memref_slice %arg2[%select_n3A, %add3A, %select_n3A_1499, %dma_start3A_1504] : memref<25x32x8x128xi32, #tpu.memory_space<hbm>> -> memref<1x1x1x128xi32, #tpu.memory_space<hbm>>
        %dma_start3A_1506 = tpu.memref_squeeze %dma_start3A_1505 : memref<1x1x1x128xi32, #tpu.memory_space<hbm>> -> memref<128xi32, #tpu.memory_space<hbm>>
        %dma_start3A_1507 = arith.constant 0 : i32
        %dma_start3A_1508 = tpu.memref_slice %arg6[%dma_start3A_1500, %dma_start3A_1507] : memref<4x128xi32, #tpu.memory_space<vmem>> -> memref<1x128xi32, #tpu.memory_space<vmem>>
        %dma_start3A_1509 = tpu.memref_squeeze %dma_start3A_1508 : memref<1x128xi32, #tpu.memory_space<vmem>> -> memref<128xi32, #tpu.memory_space<vmem>>
        %dma_start3A_1510 = arith.constant 0 : i32
        %dma_start3A_1511 = tpu.memref_slice %arg2[%select_n3A, %add3A, %select_n3A_1499, %dma_start3A_1510] : memref<25x32x8x128xi32, #tpu.memory_space<hbm>> -> memref<1x1x1x128xi32, #tpu.memory_space<hbm>>
        %dma_start3A_1512 = tpu.memref_squeeze %dma_start3A_1511 : memref<1x1x1x128xi32, #tpu.memory_space<hbm>> -> memref<128xi32, #tpu.memory_space<hbm>>
        tpu.enqueue_dma source(%dma_start3A_1512 : memref<128xi32, #tpu.memory_space<hbm>>) target(%dma_start3A_1509 : memref<128xi32, #tpu.memory_space<vmem>>) target_semaphore(%arg12 : memref<!tpu.dma_semaphore, #tpu.memory_space<semaphore_mem>>)
      } else {
      }
      %add3A_887 = arith.constant 4 : i32
      %add3A_888 = arith.addi %add3A_877, %add3A_887 : i32
      %sub3A_889 = arith.constant 2 : i32
      %sub3A_890 = arith.subi %add3A_888, %sub3A_889 : i32
      %lt3A_891 = arith.constant 200 : i32
      %lt3A_892 = arith.cmpi slt, %sub3A_890, %lt3A_891 : i32
      %convert_element_type3A_893 = arith.extui %lt3A_892 : i1 to i32
      %cond3A_894 = arith.constant 0 : i32
      %cond3A_895 = arith.cmpi ne, %convert_element_type3A_893, %cond3A_894 : i32
      scf.if %cond3A_895 {
        %dma_wait3A_1464 = arith.constant 0 : i32
        %dma_wait3A_1465 = arith.constant 0 : i32
        %dma_wait3A_1466 = arith.constant 0 : i32
        %dma_wait3A_1467 = arith.constant 0 : i32
        %dma_wait3A_1468 = tpu.memref_slice %arg6[%dma_wait3A_1466, %dma_wait3A_1467] : memref<4x128xi32, #tpu.memory_space<vmem>> -> memref<1x128xi32, #tpu.memory_space<vmem>>
        %dma_wait3A_1469 = tpu.memref_squeeze %dma_wait3A_1468 : memref<1x128xi32, #tpu.memory_space<vmem>> -> memref<128xi32, #tpu.memory_space<vmem>>
        %dma_wait3A_1470 = arith.constant 0 : i32
        %dma_wait3A_1471 = tpu.memref_slice %arg2[%dma_wait3A_1464, %add3A, %dma_wait3A_1465, %dma_wait3A_1470] : memref<25x32x8x128xi32, #tpu.memory_space<hbm>> -> memref<1x1x1x128xi32, #tpu.memory_space<hbm>>
        %dma_wait3A_1472 = tpu.memref_squeeze %dma_wait3A_1471 : memref<1x1x1x128xi32, #tpu.memory_space<hbm>> -> memref<128xi32, #tpu.memory_space<hbm>>
        %dma_wait3A_1473 = arith.constant 0 : i32
        %dma_wait3A_1474 = tpu.memref_slice %arg6[%dma_wait3A_1466, %dma_wait3A_1473] : memref<4x128xi32, #tpu.memory_space<vmem>> -> memref<1x128xi32, #tpu.memory_space<vmem>>
        %dma_wait3A_1475 = tpu.memref_squeeze %dma_wait3A_1474 : memref<1x128xi32, #tpu.memory_space<vmem>> -> memref<128xi32, #tpu.memory_space<vmem>>
        %dma_wait3A_1476 = arith.constant 0 : i32
        %dma_wait3A_1477 = tpu.memref_slice %arg2[%dma_wait3A_1464, %add3A, %dma_wait3A_1465, %dma_wait3A_1476] : memref<25x32x8x128xi32, #tpu.memory_space<hbm>> -> memref<1x1x1x128xi32, #tpu.memory_space<hbm>>
        %dma_wait3A_1478 = tpu.memref_squeeze %dma_wait3A_1477 : memref<1x1x1x128xi32, #tpu.memory_space<hbm>> -> memref<128xi32, #tpu.memory_space<hbm>>
        tpu.wait_dma2 semaphore(%arg11 : memref<!tpu.dma_semaphore, #tpu.memory_space<semaphore_mem>>) src(%dma_wait3A_1478 : memref<128xi32, #tpu.memory_space<hbm>>) dst(%dma_wait3A_1475 : memref<128xi32, #tpu.memory_space<vmem>>)
        %dma_start3A_1479 = arith.constant 0 : i32
        %dma_start3A_1480 = arith.constant 0 : i32
        %dma_start3A_1481 = arith.constant 0 : i32
        %dma_start3A_1482 = arith.constant 0 : i32
        %dma_start3A_1483 = tpu.memref_slice %arg7[%dma_start3A_1480, %dma_start3A_1481, %dma_start3A_1482] : memref<4x128x128xf32, #tpu.memory_space<vmem>> -> memref<1x128x128xf32, #tpu.memory_space<vmem>>
        %dma_start3A_1484 = tpu.memref_squeeze %dma_start3A_1483 : memref<1x128x128xf32, #tpu.memory_space<vmem>> -> memref<128x128xf32, #tpu.memory_space<vmem>>
        %dma_start3A_1485 = arith.constant 0 : i32
        %dma_start3A_1486 = arith.constant 0 : i32
        %dma_start3A_1487 = tpu.memref_slice %dma_start3A_1484[%dma_start3A_1485, %dma_start3A_1486] : memref<128x128xf32, #tpu.memory_space<vmem>> -> memref<32x128xf32, #tpu.memory_space<vmem>>
        %dma_start3A_1488 = arith.constant 0 : i32
        %dma_start3A_1489 = tpu.memref_slice %arg6[%dma_start3A_1479, %dma_start3A_1488] : memref<4x128xi32, #tpu.memory_space<vmem>> -> memref<1x128xi32, #tpu.memory_space<vmem>>
        %dma_start3A_1490 = tpu.memref_squeeze %dma_start3A_1489 : memref<1x128xi32, #tpu.memory_space<vmem>> -> memref<128xi32, #tpu.memory_space<vmem>>
        %dma_start3A_1491 = arith.constant 0 : i32
        %dma_start3A_1492 = tpu.memref_slice %dma_start3A_1490[%dma_start3A_1491] : memref<128xi32, #tpu.memory_space<vmem>> -> memref<32xi32, #tpu.memory_space<vmem>>
        %dma_start3A_1493 = arith.constant 0 : i32
        %dma_start3A_1494 = arith.constant 0 : i32
        %dma_start3A_1495 = tpu.memref_slice %arg3[%dma_start3A_1493, %dma_start3A_1494] : memref<1000000x128xf32, #tpu.memory_space<hbm>> -> memref<1000000x128xf32, #tpu.memory_space<hbm>>
        tpu.enqueue_indirect_dma source(%dma_start3A_1495 : memref<1000000x128xf32, #tpu.memory_space<hbm>>) target(%dma_start3A_1487 : memref<32x128xf32, #tpu.memory_space<vmem>>) offsets(%dma_start3A_1492 : memref<32xi32, #tpu.memory_space<vmem>>) semaphore(%arg15 : memref<!tpu.dma_semaphore, #tpu.memory_space<semaphore_mem>>)
        %dma_start3A_1496 = arith.constant 0 : i32
        %dma_start3A_1497 = arith.constant 0 : i32
        %dma_start3A_1498 = arith.constant 0 : i32
        %dma_start3A_1499 = arith.constant 0 : i32
        %dma_start3A_1500 = tpu.memref_slice %arg7[%dma_start3A_1497, %dma_start3A_1498, %dma_start3A_1499] : memref<4x128x128xf32, #tpu.memory_space<vmem>> -> memref<1x128x128xf32, #tpu.memory_space<vmem>>
        %dma_start3A_1501 = tpu.memref_squeeze %dma_start3A_1500 : memref<1x128x128xf32, #tpu.memory_space<vmem>> -> memref<128x128xf32, #tpu.memory_space<vmem>>
        %dma_start3A_1502 = arith.constant 32 : i32
        %dma_start3A_1503 = arith.constant 0 : i32
        %dma_start3A_1504 = tpu.memref_slice %dma_start3A_1501[%dma_start3A_1502, %dma_start3A_1503] : memref<128x128xf32, #tpu.memory_space<vmem>> -> memref<32x128xf32, #tpu.memory_space<vmem>>
        %dma_start3A_1505 = arith.constant 0 : i32
        %dma_start3A_1506 = tpu.memref_slice %arg6[%dma_start3A_1496, %dma_start3A_1505] : memref<4x128xi32, #tpu.memory_space<vmem>> -> memref<1x128xi32, #tpu.memory_space<vmem>>
        %dma_start3A_1507 = tpu.memref_squeeze %dma_start3A_1506 : memref<1x128xi32, #tpu.memory_space<vmem>> -> memref<128xi32, #tpu.memory_space<vmem>>
        %dma_start3A_1508 = arith.constant 32 : i32
        %dma_start3A_1509 = tpu.memref_slice %dma_start3A_1507[%dma_start3A_1508] : memref<128xi32, #tpu.memory_space<vmem>> -> memref<32xi32, #tpu.memory_space<vmem>>
        %dma_start3A_1510 = arith.constant 0 : i32
        %dma_start3A_1511 = arith.constant 0 : i32
        %dma_start3A_1512 = tpu.memref_slice %arg3[%dma_start3A_1510, %dma_start3A_1511] : memref<1000000x128xf32, #tpu.memory_space<hbm>> -> memref<1000000x128xf32, #tpu.memory_space<hbm>>
        tpu.enqueue_indirect_dma source(%dma_start3A_1512 : memref<1000000x128xf32, #tpu.memory_space<hbm>>) target(%dma_start3A_1504 : memref<32x128xf32, #tpu.memory_space<vmem>>) offsets(%dma_start3A_1509 : memref<32xi32, #tpu.memory_space<vmem>>) semaphore(%arg15 : memref<!tpu.dma_semaphore, #tpu.memory_space<semaphore_mem>>)
        %dma_start3A_1513 = arith.constant 0 : i32
        %dma_start3A_1514 = arith.constant 0 : i32
        %dma_start3A_1515 = arith.constant 0 : i32
        %dma_start3A_1516 = arith.constant 0 : i32
        %dma_start3A_1517 = tpu.memref_slice %arg7[%dma_start3A_1514, %dma_start3A_1515, %dma_start3A_1516] : memref<4x128x128xf32, #tpu.memory_space<vmem>> -> memref<1x128x128xf32, #tpu.memory_space<vmem>>
        %dma_start3A_1518 = tpu.memref_squeeze %dma_start3A_1517 : memref<1x128x128xf32, #tpu.memory_space<vmem>> -> memref<128x128xf32, #tpu.memory_space<vmem>>
        %dma_start3A_1519 = arith.constant 64 : i32
        %dma_start3A_1520 = arith.constant 0 : i32
        %dma_start3A_1521 = tpu.memref_slice %dma_start3A_1518[%dma_start3A_1519, %dma_start3A_1520] : memref<128x128xf32, #tpu.memory_space<vmem>> -> memref<32x128xf32, #tpu.memory_space<vmem>>
        %dma_start3A_1522 = arith.constant 0 : i32
        %dma_start3A_1523 = tpu.memref_slice %arg6[%dma_start3A_1513, %dma_start3A_1522] : memref<4x128xi32, #tpu.memory_space<vmem>> -> memref<1x128xi32, #tpu.memory_space<vmem>>
        %dma_start3A_1524 = tpu.memref_squeeze %dma_start3A_1523 : memref<1x128xi32, #tpu.memory_space<vmem>> -> memref<128xi32, #tpu.memory_space<vmem>>
        %dma_start3A_1525 = arith.constant 64 : i32
        %dma_start3A_1526 = tpu.memref_slice %dma_start3A_1524[%dma_start3A_1525] : memref<128xi32, #tpu.memory_space<vmem>> -> memref<32xi32, #tpu.memory_space<vmem>>
        %dma_start3A_1527 = arith.constant 0 : i32
        %dma_start3A_1528 = arith.constant 0 : i32
        %dma_start3A_1529 = tpu.memref_slice %arg3[%dma_start3A_1527, %dma_start3A_1528] : memref<1000000x128xf32, #tpu.memory_space<hbm>> -> memref<1000000x128xf32, #tpu.memory_space<hbm>>
        tpu.enqueue_indirect_dma source(%dma_start3A_1529 : memref<1000000x128xf32, #tpu.memory_space<hbm>>) target(%dma_start3A_1521 : memref<32x128xf32, #tpu.memory_space<vmem>>) offsets(%dma_start3A_1526 : memref<32xi32, #tpu.memory_space<vmem>>) semaphore(%arg15 : memref<!tpu.dma_semaphore, #tpu.memory_space<semaphore_mem>>)
        %dma_start3A_1530 = arith.constant 0 : i32
        %dma_start3A_1531 = arith.constant 0 : i32
        %dma_start3A_1532 = arith.constant 0 : i32
        %dma_start3A_1533 = arith.constant 0 : i32
        %dma_start3A_1534 = tpu.memref_slice %arg7[%dma_start3A_1531, %dma_start3A_1532, %dma_start3A_1533] : memref<4x128x128xf32, #tpu.memory_space<vmem>> -> memref<1x128x128xf32, #tpu.memory_space<vmem>>
        %dma_start3A_1535 = tpu.memref_squeeze %dma_start3A_1534 : memref<1x128x128xf32, #tpu.memory_space<vmem>> -> memref<128x128xf32, #tpu.memory_space<vmem>>
        %dma_start3A_1536 = arith.constant 96 : i32
        %dma_start3A_1537 = arith.constant 0 : i32
        %dma_start3A_1538 = tpu.memref_slice %dma_start3A_1535[%dma_start3A_1536, %dma_start3A_1537] : memref<128x128xf32, #tpu.memory_space<vmem>> -> memref<32x128xf32, #tpu.memory_space<vmem>>
        %dma_start3A_1539 = arith.constant 0 : i32
        %dma_start3A_1540 = tpu.memref_slice %arg6[%dma_start3A_1530, %dma_start3A_1539] : memref<4x128xi32, #tpu.memory_space<vmem>> -> memref<1x128xi32, #tpu.memory_space<vmem>>
        %dma_start3A_1541 = tpu.memref_squeeze %dma_start3A_1540 : memref<1x128xi32, #tpu.memory_space<vmem>> -> memref<128xi32, #tpu.memory_space<vmem>>
        %dma_start3A_1542 = arith.constant 96 : i32
        %dma_start3A_1543 = tpu.memref_slice %dma_start3A_1541[%dma_start3A_1542] : memref<128xi32, #tpu.memory_space<vmem>> -> memref<32xi32, #tpu.memory_space<vmem>>
        %dma_start3A_1544 = arith.constant 0 : i32
        %dma_start3A_1545 = arith.constant 0 : i32
        %dma_start3A_1546 = tpu.memref_slice %arg3[%dma_start3A_1544, %dma_start3A_1545] : memref<1000000x128xf32, #tpu.memory_space<hbm>> -> memref<1000000x128xf32, #tpu.memory_space<hbm>>
        tpu.enqueue_indirect_dma source(%dma_start3A_1546 : memref<1000000x128xf32, #tpu.memory_space<hbm>>) target(%dma_start3A_1538 : memref<32x128xf32, #tpu.memory_space<vmem>>) offsets(%dma_start3A_1543 : memref<32xi32, #tpu.memory_space<vmem>>) semaphore(%arg15 : memref<!tpu.dma_semaphore, #tpu.memory_space<semaphore_mem>>)
      } else {
      }
      %ge3A_896 = arith.constant 4 : i32
      %ge3A_897 = arith.cmpi sge, %add3A_877, %ge3A_896 : i32
      %convert_element_type3A_898 = arith.extui %ge3A_897 : i1 to i32
      %cond3A_899 = arith.constant 0 : i32
      %cond3A_900 = arith.cmpi ne, %convert_element_type3A_898, %cond3A_899 : i32
      scf.if %cond3A_900 {
        %mul3A_1464 = arith.constant 128 : i32
        %mul3A_1465 = arith.muli %add3A, %mul3A_1464 : i32
        %dma_wait3A_1466 = arith.constant 2 : i32
        %dma_wait3A_1467 = arith.constant 0 : i32
        %dma_wait3A_1468 = arith.constant 0 : i32
        %dma_wait3A_1469 = arith.constant 0 : i32
        %dma_wait3A_1470 = tpu.memref_slice %arg8[%dma_wait3A_1466, %dma_wait3A_1468, %dma_wait3A_1469] : memref<4x64x128xf32, #tpu.memory_space<vmem>> -> memref<1x64x128xf32, #tpu.memory_space<vmem>>
        %dma_wait3A_1471 = tpu.memref_squeeze %dma_wait3A_1470 : memref<1x64x128xf32, #tpu.memory_space<vmem>> -> memref<64x128xf32, #tpu.memory_space<vmem>>
        %dma_wait3A_1472 = arith.constant 0 : i32
        %dma_wait3A_1473 = tpu.memref_slice %arg5[%dma_wait3A_1467, %dma_wait3A_1472, %mul3A_1465] : memref<200x64x4096xf32, #tpu.memory_space<hbm>> -> memref<1x64x128xf32, #tpu.memory_space<hbm>>
        %dma_wait3A_1474 = tpu.memref_squeeze %dma_wait3A_1473 : memref<1x64x128xf32, #tpu.memory_space<hbm>> -> memref<64x128xf32, #tpu.memory_space<hbm>>
        %dma_wait3A_1475 = arith.constant 0 : i32
        %dma_wait3A_1476 = tpu.memref_slice %arg5[%dma_wait3A_1467, %dma_wait3A_1475, %mul3A_1465] : memref<200x64x4096xf32, #tpu.memory_space<hbm>> -> memref<1x64x128xf32, #tpu.memory_space<hbm>>
        %dma_wait3A_1477 = tpu.memref_squeeze %dma_wait3A_1476 : memref<1x64x128xf32, #tpu.memory_space<hbm>> -> memref<64x128xf32, #tpu.memory_space<hbm>>
        %dma_wait3A_1478 = arith.constant 0 : i32
        %dma_wait3A_1479 = arith.constant 0 : i32
        %dma_wait3A_1480 = tpu.memref_slice %arg8[%dma_wait3A_1466, %dma_wait3A_1478, %dma_wait3A_1479] : memref<4x64x128xf32, #tpu.memory_space<vmem>> -> memref<1x64x128xf32, #tpu.memory_space<vmem>>
        %dma_wait3A_1481 = tpu.memref_squeeze %dma_wait3A_1480 : memref<1x64x128xf32, #tpu.memory_space<vmem>> -> memref<64x128xf32, #tpu.memory_space<vmem>>
        tpu.wait_dma2 semaphore(%arg21 : memref<!tpu.dma_semaphore, #tpu.memory_space<semaphore_mem>>) src(%dma_wait3A_1481 : memref<64x128xf32, #tpu.memory_space<vmem>>) dst(%dma_wait3A_1477 : memref<64x128xf32, #tpu.memory_space<hbm>>)
      } else {
      }
      %dma_wait3A_901 = arith.constant 2 : i32
      %dma_wait3A_902 = arith.constant 2 : i32
      %dma_wait3A_903 = arith.constant 0 : i32
      %dma_wait3A_904 = arith.constant 0 : i32
      %dma_wait3A_905 = tpu.memref_slice %arg7[%dma_wait3A_902, %dma_wait3A_903, %dma_wait3A_904] : memref<4x128x128xf32, #tpu.memory_space<vmem>> -> memref<1x128x128xf32, #tpu.memory_space<vmem>>
      %dma_wait3A_906 = tpu.memref_squeeze %dma_wait3A_905 : memref<1x128x128xf32, #tpu.memory_space<vmem>> -> memref<128x128xf32, #tpu.memory_space<vmem>>
      %dma_wait3A_907 = arith.constant 0 : i32
      %dma_wait3A_908 = arith.constant 0 : i32
      %dma_wait3A_909 = tpu.memref_slice %dma_wait3A_906[%dma_wait3A_907, %dma_wait3A_908] : memref<128x128xf32, #tpu.memory_space<vmem>> -> memref<32x128xf32, #tpu.memory_space<vmem>>
      %dma_wait3A_910 = arith.constant 0 : i32
      %dma_wait3A_911 = tpu.memref_slice %arg6[%dma_wait3A_901, %dma_wait3A_910] : memref<4x128xi32, #tpu.memory_space<vmem>> -> memref<1x128xi32, #tpu.memory_space<vmem>>
      %dma_wait3A_912 = tpu.memref_squeeze %dma_wait3A_911 : memref<1x128xi32, #tpu.memory_space<vmem>> -> memref<128xi32, #tpu.memory_space<vmem>>
      %dma_wait3A_913 = arith.constant 0 : i32
      %dma_wait3A_914 = tpu.memref_slice %dma_wait3A_912[%dma_wait3A_913] : memref<128xi32, #tpu.memory_space<vmem>> -> memref<32xi32, #tpu.memory_space<vmem>>
      %dma_wait3A_915 = arith.constant 0 : i32
      %dma_wait3A_916 = arith.constant 0 : i32
      %dma_wait3A_917 = tpu.memref_slice %arg3[%dma_wait3A_915, %dma_wait3A_916] : memref<1000000x128xf32, #tpu.memory_space<hbm>> -> memref<1000000x128xf32, #tpu.memory_space<hbm>>
      tpu.wait_indirect_dma semaphore(%arg17 : memref<!tpu.dma_semaphore, #tpu.memory_space<semaphore_mem>>) src(%dma_wait3A_917 : memref<1000000x128xf32, #tpu.memory_space<hbm>>) dst(%dma_wait3A_909 : memref<32x128xf32, #tpu.memory_space<vmem>>)
      %dma_wait3A_918 = arith.constant 2 : i32
      %dma_wait3A_919 = arith.constant 2 : i32
      %dma_wait3A_920 = arith.constant 0 : i32
      %dma_wait3A_921 = arith.constant 0 : i32
      %dma_wait3A_922 = tpu.memref_slice %arg7[%dma_wait3A_919, %dma_wait3A_920, %dma_wait3A_921] : memref<4x128x128xf32, #tpu.memory_space<vmem>> -> memref<1x128x128xf32, #tpu.memory_space<vmem>>
      %dma_wait3A_923 = tpu.memref_squeeze %dma_wait3A_922 : memref<1x128x128xf32, #tpu.memory_space<vmem>> -> memref<128x128xf32, #tpu.memory_space<vmem>>
      %dma_wait3A_924 = arith.constant 32 : i32
      %dma_wait3A_925 = arith.constant 0 : i32
      %dma_wait3A_926 = tpu.memref_slice %dma_wait3A_923[%dma_wait3A_924, %dma_wait3A_925] : memref<128x128xf32, #tpu.memory_space<vmem>> -> memref<32x128xf32, #tpu.memory_space<vmem>>
      %dma_wait3A_927 = arith.constant 0 : i32
      %dma_wait3A_928 = tpu.memref_slice %arg6[%dma_wait3A_918, %dma_wait3A_927] : memref<4x128xi32, #tpu.memory_space<vmem>> -> memref<1x128xi32, #tpu.memory_space<vmem>>
      %dma_wait3A_929 = tpu.memref_squeeze %dma_wait3A_928 : memref<1x128xi32, #tpu.memory_space<vmem>> -> memref<128xi32, #tpu.memory_space<vmem>>
      %dma_wait3A_930 = arith.constant 32 : i32
      %dma_wait3A_931 = tpu.memref_slice %dma_wait3A_929[%dma_wait3A_930] : memref<128xi32, #tpu.memory_space<vmem>> -> memref<32xi32, #tpu.memory_space<vmem>>
      %dma_wait3A_932 = arith.constant 0 : i32
      %dma_wait3A_933 = arith.constant 0 : i32
      %dma_wait3A_934 = tpu.memref_slice %arg3[%dma_wait3A_932, %dma_wait3A_933] : memref<1000000x128xf32, #tpu.memory_space<hbm>> -> memref<1000000x128xf32, #tpu.memory_space<hbm>>
      tpu.wait_indirect_dma semaphore(%arg17 : memref<!tpu.dma_semaphore, #tpu.memory_space<semaphore_mem>>) src(%dma_wait3A_934 : memref<1000000x128xf32, #tpu.memory_space<hbm>>) dst(%dma_wait3A_926 : memref<32x128xf32, #tpu.memory_space<vmem>>)
      %dma_wait3A_935 = arith.constant 2 : i32
      %dma_wait3A_936 = arith.constant 2 : i32
      %dma_wait3A_937 = arith.constant 0 : i32
      %dma_wait3A_938 = arith.constant 0 : i32
      %dma_wait3A_939 = tpu.memref_slice %arg7[%dma_wait3A_936, %dma_wait3A_937, %dma_wait3A_938] : memref<4x128x128xf32, #tpu.memory_space<vmem>> -> memref<1x128x128xf32, #tpu.memory_space<vmem>>
      %dma_wait3A_940 = tpu.memref_squeeze %dma_wait3A_939 : memref<1x128x128xf32, #tpu.memory_space<vmem>> -> memref<128x128xf32, #tpu.memory_space<vmem>>
      %dma_wait3A_941 = arith.constant 64 : i32
      %dma_wait3A_942 = arith.constant 0 : i32
      %dma_wait3A_943 = tpu.memref_slice %dma_wait3A_940[%dma_wait3A_941, %dma_wait3A_942] : memref<128x128xf32, #tpu.memory_space<vmem>> -> memref<32x128xf32, #tpu.memory_space<vmem>>
      %dma_wait3A_944 = arith.constant 0 : i32
      %dma_wait3A_945 = tpu.memref_slice %arg6[%dma_wait3A_935, %dma_wait3A_944] : memref<4x128xi32, #tpu.memory_space<vmem>> -> memref<1x128xi32, #tpu.memory_space<vmem>>
      %dma_wait3A_946 = tpu.memref_squeeze %dma_wait3A_945 : memref<1x128xi32, #tpu.memory_space<vmem>> -> memref<128xi32, #tpu.memory_space<vmem>>
      %dma_wait3A_947 = arith.constant 64 : i32
      %dma_wait3A_948 = tpu.memref_slice %dma_wait3A_946[%dma_wait3A_947] : memref<128xi32, #tpu.memory_space<vmem>> -> memref<32xi32, #tpu.memory_space<vmem>>
      %dma_wait3A_949 = arith.constant 0 : i32
      %dma_wait3A_950 = arith.constant 0 : i32
      %dma_wait3A_951 = tpu.memref_slice %arg3[%dma_wait3A_949, %dma_wait3A_950] : memref<1000000x128xf32, #tpu.memory_space<hbm>> -> memref<1000000x128xf32, #tpu.memory_space<hbm>>
      tpu.wait_indirect_dma semaphore(%arg17 : memref<!tpu.dma_semaphore, #tpu.memory_space<semaphore_mem>>) src(%dma_wait3A_951 : memref<1000000x128xf32, #tpu.memory_space<hbm>>) dst(%dma_wait3A_943 : memref<32x128xf32, #tpu.memory_space<vmem>>)
      %dma_wait3A_952 = arith.constant 2 : i32
      %dma_wait3A_953 = arith.constant 2 : i32
      %dma_wait3A_954 = arith.constant 0 : i32
      %dma_wait3A_955 = arith.constant 0 : i32
      %dma_wait3A_956 = tpu.memref_slice %arg7[%dma_wait3A_953, %dma_wait3A_954, %dma_wait3A_955] : memref<4x128x128xf32, #tpu.memory_space<vmem>> -> memref<1x128x128xf32, #tpu.memory_space<vmem>>
      %dma_wait3A_957 = tpu.memref_squeeze %dma_wait3A_956 : memref<1x128x128xf32, #tpu.memory_space<vmem>> -> memref<128x128xf32, #tpu.memory_space<vmem>>
      %dma_wait3A_958 = arith.constant 96 : i32
      %dma_wait3A_959 = arith.constant 0 : i32
      %dma_wait3A_960 = tpu.memref_slice %dma_wait3A_957[%dma_wait3A_958, %dma_wait3A_959] : memref<128x128xf32, #tpu.memory_space<vmem>> -> memref<32x128xf32, #tpu.memory_space<vmem>>
      %dma_wait3A_961 = arith.constant 0 : i32
      %dma_wait3A_962 = tpu.memref_slice %arg6[%dma_wait3A_952, %dma_wait3A_961] : memref<4x128xi32, #tpu.memory_space<vmem>> -> memref<1x128xi32, #tpu.memory_space<vmem>>
      %dma_wait3A_963 = tpu.memref_squeeze %dma_wait3A_962 : memref<1x128xi32, #tpu.memory_space<vmem>> -> memref<128xi32, #tpu.memory_space<vmem>>
      %dma_wait3A_964 = arith.constant 96 : i32
      %dma_wait3A_965 = tpu.memref_slice %dma_wait3A_963[%dma_wait3A_964] : memref<128xi32, #tpu.memory_space<vmem>> -> memref<32xi32, #tpu.memory_space<vmem>>
      %dma_wait3A_966 = arith.constant 0 : i32
      %dma_wait3A_967 = arith.constant 0 : i32
      %dma_wait3A_968 = tpu.memref_slice %arg3[%dma_wait3A_966, %dma_wait3A_967] : memref<1000000x128xf32, #tpu.memory_space<hbm>> -> memref<1000000x128xf32, #tpu.memory_space<hbm>>
      tpu.wait_indirect_dma semaphore(%arg17 : memref<!tpu.dma_semaphore, #tpu.memory_space<semaphore_mem>>) src(%dma_wait3A_968 : memref<1000000x128xf32, #tpu.memory_space<hbm>>) dst(%dma_wait3A_960 : memref<32x128xf32, #tpu.memory_space<vmem>>)
      %mul3A_969 = arith.constant 64 : i32
      %mul3A_970 = arith.muli %add3A_877, %mul3A_969 : i32
      %add3A_971 = arith.constant 0 : i32
      %add3A_972 = arith.addi %mul3A_970, %add3A_971 : i32
      %get3A_973 = arith.index_cast %add3A_972 : i32 to index
      %get3A_974 = tpu.vector_load %arg9[%get3A_973] {strides = array<i32>} : memref<12800xf32, #tpu.memory_space<vmem>>, vector<16xf32>,
      %add3A_975 = arith.constant 16 : i32
      %add3A_976 = arith.addi %mul3A_970, %add3A_975 : i32
      %get3A_977 = arith.index_cast %add3A_976 : i32 to index
      %get3A_978 = tpu.vector_load %arg9[%get3A_977] {strides = array<i32>} : memref<12800xf32, #tpu.memory_space<vmem>>, vector<16xf32>,
      %add3A_979 = arith.constant 32 : i32
      %add3A_980 = arith.addi %mul3A_970, %add3A_979 : i32
      %get3A_981 = arith.index_cast %add3A_980 : i32 to index
      %get3A_982 = tpu.vector_load %arg9[%get3A_981] {strides = array<i32>} : memref<12800xf32, #tpu.memory_space<vmem>>, vector<16xf32>,
      %add3A_983 = arith.constant 48 : i32
      %add3A_984 = arith.addi %mul3A_970, %add3A_983 : i32
      %get3A_985 = arith.index_cast %add3A_984 : i32 to index
      %get3A_986 = tpu.vector_load %arg9[%get3A_985] {strides = array<i32>} : memref<12800xf32, #tpu.memory_space<vmem>>, vector<16xf32>,
      %add3A_987 = arith.constant 0 : i32
      %add3A_988 = vector.broadcast %add3A_987 : i32 to vector<16xi32>
      %add3A_989 = arith.addi %mul3A_3, %add3A_988 : vector<16xi32>
      %add3A_990 = arith.constant 2064 : i32
      %add3A_991 = vector.broadcast %add3A_990 : i32 to vector<16xi32>
      %add3A_992 = arith.addi %mul3A_3, %add3A_991 : vector<16xi32>
      %add3A_993 = arith.constant 4128 : i32
      %add3A_994 = vector.broadcast %add3A_993 : i32 to vector<16xi32>
      %add3A_995 = arith.addi %mul3A_3, %add3A_994 : vector<16xi32>
      %add3A_996 = arith.constant 6192 : i32
      %add3A_997 = vector.broadcast %add3A_996 : i32 to vector<16xi32>
      %add3A_998 = arith.addi %mul3A_3, %add3A_997 : vector<16xi32>
      %scan3A_999 = arith.constant 0 : i32
      %scan3A_1000 = arith.constant 128 : i32
      %scan3A_1001 = arith.addi %scan3A_999, %scan3A_1000 : i32
      %scan3A_1002 = arith.constant 4 : i32
      scf.for %scan3A_1464 = %scan3A_999 to %scan3A_1001 step %scan3A_1002  : i32 {
        %get3A_1465 = arith.constant 2 : i32
        %get3A_1466 = arith.index_cast %get3A_1465 : i32 to index
        %get3A_1467 = arith.index_cast %scan3A_1464 : i32 to index
        %get3A_1468 = arith.constant 0 : index
        %get3A_1469 = tpu.vector_load %arg7[%get3A_1466, %get3A_1467, %get3A_1468] {strides = array<i32>} : memref<4x128x128xf32, #tpu.memory_space<vmem>>, vector<16xf32>,
        %get3A_1470 = arith.constant 2 : i32
        %get3A_1471 = arith.index_cast %get3A_1470 : i32 to index
        %get3A_1472 = arith.index_cast %scan3A_1464 : i32 to index
        %get3A_1473 = arith.constant 16 : index
        %get3A_1474 = tpu.vector_load %arg7[%get3A_1471, %get3A_1472, %get3A_1473] {strides = array<i32>} : memref<4x128x128xf32, #tpu.memory_space<vmem>>, vector<16xf32>,
        %get3A_1475 = arith.constant 2 : i32
        %get3A_1476 = arith.index_cast %get3A_1475 : i32 to index
        %get3A_1477 = arith.index_cast %scan3A_1464 : i32 to index
        %get3A_1478 = arith.constant 32 : index
        %get3A_1479 = tpu.vector_load %arg7[%get3A_1476, %get3A_1477, %get3A_1478] {strides = array<i32>} : memref<4x128x128xf32, #tpu.memory_space<vmem>>, vector<16xf32>,
        %get3A_1480 = arith.constant 2 : i32
        %get3A_1481 = arith.index_cast %get3A_1480 : i32 to index
        %get3A_1482 = arith.index_cast %scan3A_1464 : i32 to index
        %get3A_1483 = arith.constant 48 : index
        %get3A_1484 = tpu.vector_load %arg7[%get3A_1481, %get3A_1482, %get3A_1483] {strides = array<i32>} : memref<4x128x128xf32, #tpu.memory_space<vmem>>, vector<16xf32>,
        %add3A_1485 = vector.broadcast %scan3A_1464 : i32 to vector<16xi32>
        %add3A_1486 = arith.addi %add3A_989, %add3A_1485 : vector<16xi32>
        %add3A_1487 = vector.broadcast %scan3A_1464 : i32 to vector<16xi32>
        %add3A_1488 = arith.addi %add3A_992, %add3A_1487 : vector<16xi32>
        %add3A_1489 = vector.broadcast %scan3A_1464 : i32 to vector<16xi32>
        %add3A_1490 = arith.addi %add3A_995, %add3A_1489 : vector<16xi32>
        %add3A_1491 = vector.broadcast %scan3A_1464 : i32 to vector<16xi32>
        %add3A_1492 = arith.addi %add3A_998, %add3A_1491 : vector<16xi32>
        %add3A_1493 = arith.addf %get3A_1469, %get3A_974 : vector<16xf32>
        %add3A_1494 = arith.addf %get3A_1474, %get3A_978 : vector<16xf32>
        %add3A_1495 = arith.addf %get3A_1479, %get3A_982 : vector<16xf32>
        %add3A_1496 = arith.addf %get3A_1484, %get3A_986 : vector<16xf32>
        tpu.vector_store_idx %arg10[%add3A_1486], %add3A_1493 : memref<8256xf32, #tpu.memory_space<vmem>>[vector<16xi32>], vector<16xf32>,
        tpu.vector_store_idx %arg10[%add3A_1488], %add3A_1494 : memref<8256xf32, #tpu.memory_space<vmem>>[vector<16xi32>], vector<16xf32>,
        tpu.vector_store_idx %arg10[%add3A_1490], %add3A_1495 : memref<8256xf32, #tpu.memory_space<vmem>>[vector<16xi32>], vector<16xf32>,
        tpu.vector_store_idx %arg10[%add3A_1492], %add3A_1496 : memref<8256xf32, #tpu.memory_space<vmem>>[vector<16xi32>], vector<16xf32>,
        %scan3A_1497 = arith.constant 1 : i32
        %scan3A_1498 = arith.addi %scan3A_1464, %scan3A_1497 : i32
        %get3A_1499 = arith.constant 2 : i32
        %get3A_1500 = arith.index_cast %get3A_1499 : i32 to index
        %get3A_1501 = arith.index_cast %scan3A_1498 : i32 to index
        %get3A_1502 = arith.constant 0 : index
        %get3A_1503 = tpu.vector_load %arg7[%get3A_1500, %get3A_1501, %get3A_1502] {strides = array<i32>} : memref<4x128x128xf32, #tpu.memory_space<vmem>>, vector<16xf32>,
        %get3A_1504 = arith.constant 2 : i32
        %get3A_1505 = arith.index_cast %get3A_1504 : i32 to index
        %get3A_1506 = arith.index_cast %scan3A_1498 : i32 to index
        %get3A_1507 = arith.constant 16 : index
        %get3A_1508 = tpu.vector_load %arg7[%get3A_1505, %get3A_1506, %get3A_1507] {strides = array<i32>} : memref<4x128x128xf32, #tpu.memory_space<vmem>>, vector<16xf32>,
        %get3A_1509 = arith.constant 2 : i32
        %get3A_1510 = arith.index_cast %get3A_1509 : i32 to index
        %get3A_1511 = arith.index_cast %scan3A_1498 : i32 to index
        %get3A_1512 = arith.constant 32 : index
        %get3A_1513 = tpu.vector_load %arg7[%get3A_1510, %get3A_1511, %get3A_1512] {strides = array<i32>} : memref<4x128x128xf32, #tpu.memory_space<vmem>>, vector<16xf32>,
        %get3A_1514 = arith.constant 2 : i32
        %get3A_1515 = arith.index_cast %get3A_1514 : i32 to index
        %get3A_1516 = arith.index_cast %scan3A_1498 : i32 to index
        %get3A_1517 = arith.constant 48 : index
        %get3A_1518 = tpu.vector_load %arg7[%get3A_1515, %get3A_1516, %get3A_1517] {strides = array<i32>} : memref<4x128x128xf32, #tpu.memory_space<vmem>>, vector<16xf32>,
        %add3A_1519 = vector.broadcast %scan3A_1498 : i32 to vector<16xi32>
        %add3A_1520 = arith.addi %add3A_989, %add3A_1519 : vector<16xi32>
        %add3A_1521 = vector.broadcast %scan3A_1498 : i32 to vector<16xi32>
        %add3A_1522 = arith.addi %add3A_992, %add3A_1521 : vector<16xi32>
        %add3A_1523 = vector.broadcast %scan3A_1498 : i32 to vector<16xi32>
        %add3A_1524 = arith.addi %add3A_995, %add3A_1523 : vector<16xi32>
        %add3A_1525 = vector.broadcast %scan3A_1498 : i32 to vector<16xi32>
        %add3A_1526 = arith.addi %add3A_998, %add3A_1525 : vector<16xi32>
        %add3A_1527 = arith.addf %get3A_1503, %get3A_974 : vector<16xf32>
        %add3A_1528 = arith.addf %get3A_1508, %get3A_978 : vector<16xf32>
        %add3A_1529 = arith.addf %get3A_1513, %get3A_982 : vector<16xf32>
        %add3A_1530 = arith.addf %get3A_1518, %get3A_986 : vector<16xf32>
        tpu.vector_store_idx %arg10[%add3A_1520], %add3A_1527 : memref<8256xf32, #tpu.memory_space<vmem>>[vector<16xi32>], vector<16xf32>,
        tpu.vector_store_idx %arg10[%add3A_1522], %add3A_1528 : memref<8256xf32, #tpu.memory_space<vmem>>[vector<16xi32>], vector<16xf32>,
        tpu.vector_store_idx %arg10[%add3A_1524], %add3A_1529 : memref<8256xf32, #tpu.memory_space<vmem>>[vector<16xi32>], vector<16xf32>,
        tpu.vector_store_idx %arg10[%add3A_1526], %add3A_1530 : memref<8256xf32, #tpu.memory_space<vmem>>[vector<16xi32>], vector<16xf32>,
        %scan3A_1531 = arith.constant 2 : i32
        %scan3A_1532 = arith.addi %scan3A_1464, %scan3A_1531 : i32
        %get3A_1533 = arith.constant 2 : i32
        %get3A_1534 = arith.index_cast %get3A_1533 : i32 to index
        %get3A_1535 = arith.index_cast %scan3A_1532 : i32 to index
        %get3A_1536 = arith.constant 0 : index
        %get3A_1537 = tpu.vector_load %arg7[%get3A_1534, %get3A_1535, %get3A_1536] {strides = array<i32>} : memref<4x128x128xf32, #tpu.memory_space<vmem>>, vector<16xf32>,
        %get3A_1538 = arith.constant 2 : i32
        %get3A_1539 = arith.index_cast %get3A_1538 : i32 to index
        %get3A_1540 = arith.index_cast %scan3A_1532 : i32 to index
        %get3A_1541 = arith.constant 16 : index
        %get3A_1542 = tpu.vector_load %arg7[%get3A_1539, %get3A_1540, %get3A_1541] {strides = array<i32>} : memref<4x128x128xf32, #tpu.memory_space<vmem>>, vector<16xf32>,
        %get3A_1543 = arith.constant 2 : i32
        %get3A_1544 = arith.index_cast %get3A_1543 : i32 to index
        %get3A_1545 = arith.index_cast %scan3A_1532 : i32 to index
        %get3A_1546 = arith.constant 32 : index
        %get3A_1547 = tpu.vector_load %arg7[%get3A_1544, %get3A_1545, %get3A_1546] {strides = array<i32>} : memref<4x128x128xf32, #tpu.memory_space<vmem>>, vector<16xf32>,
        %get3A_1548 = arith.constant 2 : i32
        %get3A_1549 = arith.index_cast %get3A_1548 : i32 to index
        %get3A_1550 = arith.index_cast %scan3A_1532 : i32 to index
        %get3A_1551 = arith.constant 48 : index
        %get3A_1552 = tpu.vector_load %arg7[%get3A_1549, %get3A_1550, %get3A_1551] {strides = array<i32>} : memref<4x128x128xf32, #tpu.memory_space<vmem>>, vector<16xf32>,
        %add3A_1553 = vector.broadcast %scan3A_1532 : i32 to vector<16xi32>
        %add3A_1554 = arith.addi %add3A_989, %add3A_1553 : vector<16xi32>
        %add3A_1555 = vector.broadcast %scan3A_1532 : i32 to vector<16xi32>
        %add3A_1556 = arith.addi %add3A_992, %add3A_1555 : vector<16xi32>
        %add3A_1557 = vector.broadcast %scan3A_1532 : i32 to vector<16xi32>
        %add3A_1558 = arith.addi %add3A_995, %add3A_1557 : vector<16xi32>
        %add3A_1559 = vector.broadcast %scan3A_1532 : i32 to vector<16xi32>
        %add3A_1560 = arith.addi %add3A_998, %add3A_1559 : vector<16xi32>
        %add3A_1561 = arith.addf %get3A_1537, %get3A_974 : vector<16xf32>
        %add3A_1562 = arith.addf %get3A_1542, %get3A_978 : vector<16xf32>
        %add3A_1563 = arith.addf %get3A_1547, %get3A_982 : vector<16xf32>
        %add3A_1564 = arith.addf %get3A_1552, %get3A_986 : vector<16xf32>
        tpu.vector_store_idx %arg10[%add3A_1554], %add3A_1561 : memref<8256xf32, #tpu.memory_space<vmem>>[vector<16xi32>], vector<16xf32>,
        tpu.vector_store_idx %arg10[%add3A_1556], %add3A_1562 : memref<8256xf32, #tpu.memory_space<vmem>>[vector<16xi32>], vector<16xf32>,
        tpu.vector_store_idx %arg10[%add3A_1558], %add3A_1563 : memref<8256xf32, #tpu.memory_space<vmem>>[vector<16xi32>], vector<16xf32>,
        tpu.vector_store_idx %arg10[%add3A_1560], %add3A_1564 : memref<8256xf32, #tpu.memory_space<vmem>>[vector<16xi32>], vector<16xf32>,
        %scan3A_1565 = arith.constant 3 : i32
        %scan3A_1566 = arith.addi %scan3A_1464, %scan3A_1565 : i32
        %get3A_1567 = arith.constant 2 : i32
        %get3A_1568 = arith.index_cast %get3A_1567 : i32 to index
        %get3A_1569 = arith.index_cast %scan3A_1566 : i32 to index
        %get3A_1570 = arith.constant 0 : index
        %get3A_1571 = tpu.vector_load %arg7[%get3A_1568, %get3A_1569, %get3A_1570] {strides = array<i32>} : memref<4x128x128xf32, #tpu.memory_space<vmem>>, vector<16xf32>,
        %get3A_1572 = arith.constant 2 : i32
        %get3A_1573 = arith.index_cast %get3A_1572 : i32 to index
        %get3A_1574 = arith.index_cast %scan3A_1566 : i32 to index
        %get3A_1575 = arith.constant 16 : index
        %get3A_1576 = tpu.vector_load %arg7[%get3A_1573, %get3A_1574, %get3A_1575] {strides = array<i32>} : memref<4x128x128xf32, #tpu.memory_space<vmem>>, vector<16xf32>,
        %get3A_1577 = arith.constant 2 : i32
        %get3A_1578 = arith.index_cast %get3A_1577 : i32 to index
        %get3A_1579 = arith.index_cast %scan3A_1566 : i32 to index
        %get3A_1580 = arith.constant 32 : index
        %get3A_1581 = tpu.vector_load %arg7[%get3A_1578, %get3A_1579, %get3A_1580] {strides = array<i32>} : memref<4x128x128xf32, #tpu.memory_space<vmem>>, vector<16xf32>,
        %get3A_1582 = arith.constant 2 : i32
        %get3A_1583 = arith.index_cast %get3A_1582 : i32 to index
        %get3A_1584 = arith.index_cast %scan3A_1566 : i32 to index
        %get3A_1585 = arith.constant 48 : index
        %get3A_1586 = tpu.vector_load %arg7[%get3A_1583, %get3A_1584, %get3A_1585] {strides = array<i32>} : memref<4x128x128xf32, #tpu.memory_space<vmem>>, vector<16xf32>,
        %add3A_1587 = vector.broadcast %scan3A_1566 : i32 to vector<16xi32>
        %add3A_1588 = arith.addi %add3A_989, %add3A_1587 : vector<16xi32>
        %add3A_1589 = vector.broadcast %scan3A_1566 : i32 to vector<16xi32>
        %add3A_1590 = arith.addi %add3A_992, %add3A_1589 : vector<16xi32>
        %add3A_1591 = vector.broadcast %scan3A_1566 : i32 to vector<16xi32>
        %add3A_1592 = arith.addi %add3A_995, %add3A_1591 : vector<16xi32>
        %add3A_1593 = vector.broadcast %scan3A_1566 : i32 to vector<16xi32>
        %add3A_1594 = arith.addi %add3A_998, %add3A_1593 : vector<16xi32>
        %add3A_1595 = arith.addf %get3A_1571, %get3A_974 : vector<16xf32>
        %add3A_1596 = arith.addf %get3A_1576, %get3A_978 : vector<16xf32>
        %add3A_1597 = arith.addf %get3A_1581, %get3A_982 : vector<16xf32>
        %add3A_1598 = arith.addf %get3A_1586, %get3A_986 : vector<16xf32>
        tpu.vector_store_idx %arg10[%add3A_1588], %add3A_1595 : memref<8256xf32, #tpu.memory_space<vmem>>[vector<16xi32>], vector<16xf32>,
        tpu.vector_store_idx %arg10[%add3A_1590], %add3A_1596 : memref<8256xf32, #tpu.memory_space<vmem>>[vector<16xi32>], vector<16xf32>,
        tpu.vector_store_idx %arg10[%add3A_1592], %add3A_1597 : memref<8256xf32, #tpu.memory_space<vmem>>[vector<16xi32>], vector<16xf32>,
        tpu.vector_store_idx %arg10[%add3A_1594], %add3A_1598 : memref<8256xf32, #tpu.memory_space<vmem>>[vector<16xi32>], vector<16xf32>,
      }
      %scan3A_1003 = arith.constant 128 : i32
      %get3A_1004 = arith.constant 0 : index
      %get3A_1005 = tpu.vector_load %arg10[%get3A_1004] {strides = array<i32>} : memref<8256xf32, #tpu.memory_space<vmem>>, vector<16xf32>,
      %get3A_1006 = arith.constant 16 : index
      %get3A_1007 = tpu.vector_load %arg10[%get3A_1006] {strides = array<i32>} : memref<8256xf32, #tpu.memory_space<vmem>>, vector<16xf32>,
      %get3A_1008 = arith.constant 32 : index
      %get3A_1009 = tpu.vector_load %arg10[%get3A_1008] {strides = array<i32>} : memref<8256xf32, #tpu.memory_space<vmem>>, vector<16xf32>,
      %get3A_1010 = arith.constant 48 : index
      %get3A_1011 = tpu.vector_load %arg10[%get3A_1010] {strides = array<i32>} : memref<8256xf32, #tpu.memory_space<vmem>>, vector<16xf32>,
      %get3A_1012 = arith.constant 64 : index
      %get3A_1013 = tpu.vector_load %arg10[%get3A_1012] {strides = array<i32>} : memref<8256xf32, #tpu.memory_space<vmem>>, vector<16xf32>,
      %get3A_1014 = arith.constant 80 : index
      %get3A_1015 = tpu.vector_load %arg10[%get3A_1014] {strides = array<i32>} : memref<8256xf32, #tpu.memory_space<vmem>>, vector<16xf32>,
      %get3A_1016 = arith.constant 96 : index
      %get3A_1017 = tpu.vector_load %arg10[%get3A_1016] {strides = array<i32>} : memref<8256xf32, #tpu.memory_space<vmem>>, vector<16xf32>,
      %get3A_1018 = arith.constant 112 : index
      %get3A_1019 = tpu.vector_load %arg10[%get3A_1018] {strides = array<i32>} : memref<8256xf32, #tpu.memory_space<vmem>>, vector<16xf32>,
      %scan3A_1020 = arith.constant 0 : i32
      %scan3A_1021 = arith.constant 62 : i32
      %scan3A_1022 = arith.addi %scan3A_1020, %scan3A_1021 : i32
      %scan3A_1023 = arith.constant 2 : i32
      %scan3A_1024:8 = scf.for %scan3A_1464 = %scan3A_1020 to %scan3A_1022 step %scan3A_1023 iter_args(%scan3A_1465 = %get3A_1005, %scan3A_1466 = %get3A_1007, %scan3A_1467 = %get3A_1009, %scan3A_1468 = %get3A_1011, %scan3A_1469 = %get3A_1013, %scan3A_1470 = %get3A_1015, %scan3A_1471 = %get3A_1017, %scan3A_1472 = %get3A_1019) -> (vector<16xf32>, vector<16xf32>, vector<16xf32>, vector<16xf32>, vector<16xf32>, vector<16xf32>, vector<16xf32>, vector<16xf32>)  : i32 {
        %swap3A_1473 = arith.constant 2 : i32
        %swap3A_1474 = arith.index_cast %swap3A_1473 : i32 to index
        %swap3A_1475 = arith.index_cast %scan3A_1464 : i32 to index
        %swap3A_1476 = arith.constant 0 : index
        %swap3A_1477 = tpu.vector_load %arg8[%swap3A_1474, %swap3A_1475, %swap3A_1476] {strides = array<i32>} : memref<4x64x128xf32, #tpu.memory_space<vmem>>, vector<16xf32>,
        tpu.vector_store %arg8[%swap3A_1474, %swap3A_1475, %swap3A_1476], %scan3A_1465 {strides = array<i32>} : memref<4x64x128xf32, #tpu.memory_space<vmem>>, vector<16xf32>,
        %swap3A_1478 = arith.constant 2 : i32
        %swap3A_1479 = arith.index_cast %swap3A_1478 : i32 to index
        %swap3A_1480 = arith.index_cast %scan3A_1464 : i32 to index
        %swap3A_1481 = arith.constant 16 : index
        %swap3A_1482 = tpu.vector_load %arg8[%swap3A_1479, %swap3A_1480, %swap3A_1481] {strides = array<i32>} : memref<4x64x128xf32, #tpu.memory_space<vmem>>, vector<16xf32>,
        tpu.vector_store %arg8[%swap3A_1479, %swap3A_1480, %swap3A_1481], %scan3A_1466 {strides = array<i32>} : memref<4x64x128xf32, #tpu.memory_space<vmem>>, vector<16xf32>,
        %swap3A_1483 = arith.constant 2 : i32
        %swap3A_1484 = arith.index_cast %swap3A_1483 : i32 to index
        %swap3A_1485 = arith.index_cast %scan3A_1464 : i32 to index
        %swap3A_1486 = arith.constant 32 : index
        %swap3A_1487 = tpu.vector_load %arg8[%swap3A_1484, %swap3A_1485, %swap3A_1486] {strides = array<i32>} : memref<4x64x128xf32, #tpu.memory_space<vmem>>, vector<16xf32>,
        tpu.vector_store %arg8[%swap3A_1484, %swap3A_1485, %swap3A_1486], %scan3A_1467 {strides = array<i32>} : memref<4x64x128xf32, #tpu.memory_space<vmem>>, vector<16xf32>,
        %swap3A_1488 = arith.constant 2 : i32
        %swap3A_1489 = arith.index_cast %swap3A_1488 : i32 to index
        %swap3A_1490 = arith.index_cast %scan3A_1464 : i32 to index
        %swap3A_1491 = arith.constant 48 : index
        %swap3A_1492 = tpu.vector_load %arg8[%swap3A_1489, %swap3A_1490, %swap3A_1491] {strides = array<i32>} : memref<4x64x128xf32, #tpu.memory_space<vmem>>, vector<16xf32>,
        tpu.vector_store %arg8[%swap3A_1489, %swap3A_1490, %swap3A_1491], %scan3A_1468 {strides = array<i32>} : memref<4x64x128xf32, #tpu.memory_space<vmem>>, vector<16xf32>,
        %swap3A_1493 = arith.constant 2 : i32
        %swap3A_1494 = arith.index_cast %swap3A_1493 : i32 to index
        %swap3A_1495 = arith.index_cast %scan3A_1464 : i32 to index
        %swap3A_1496 = arith.constant 64 : index
        %swap3A_1497 = tpu.vector_load %arg8[%swap3A_1494, %swap3A_1495, %swap3A_1496] {strides = array<i32>} : memref<4x64x128xf32, #tpu.memory_space<vmem>>, vector<16xf32>,
        tpu.vector_store %arg8[%swap3A_1494, %swap3A_1495, %swap3A_1496], %scan3A_1469 {strides = array<i32>} : memref<4x64x128xf32, #tpu.memory_space<vmem>>, vector<16xf32>,
        %swap3A_1498 = arith.constant 2 : i32
        %swap3A_1499 = arith.index_cast %swap3A_1498 : i32 to index
        %swap3A_1500 = arith.index_cast %scan3A_1464 : i32 to index
        %swap3A_1501 = arith.constant 80 : index
        %swap3A_1502 = tpu.vector_load %arg8[%swap3A_1499, %swap3A_1500, %swap3A_1501] {strides = array<i32>} : memref<4x64x128xf32, #tpu.memory_space<vmem>>, vector<16xf32>,
        tpu.vector_store %arg8[%swap3A_1499, %swap3A_1500, %swap3A_1501], %scan3A_1470 {strides = array<i32>} : memref<4x64x128xf32, #tpu.memory_space<vmem>>, vector<16xf32>,
        %swap3A_1503 = arith.constant 2 : i32
        %swap3A_1504 = arith.index_cast %swap3A_1503 : i32 to index
        %swap3A_1505 = arith.index_cast %scan3A_1464 : i32 to index
        %swap3A_1506 = arith.constant 96 : index
        %swap3A_1507 = tpu.vector_load %arg8[%swap3A_1504, %swap3A_1505, %swap3A_1506] {strides = array<i32>} : memref<4x64x128xf32, #tpu.memory_space<vmem>>, vector<16xf32>,
        tpu.vector_store %arg8[%swap3A_1504, %swap3A_1505, %swap3A_1506], %scan3A_1471 {strides = array<i32>} : memref<4x64x128xf32, #tpu.memory_space<vmem>>, vector<16xf32>,
        %swap3A_1508 = arith.constant 2 : i32
        %swap3A_1509 = arith.index_cast %swap3A_1508 : i32 to index
        %swap3A_1510 = arith.index_cast %scan3A_1464 : i32 to index
        %swap3A_1511 = arith.constant 112 : index
        %swap3A_1512 = tpu.vector_load %arg8[%swap3A_1509, %swap3A_1510, %swap3A_1511] {strides = array<i32>} : memref<4x64x128xf32, #tpu.memory_space<vmem>>, vector<16xf32>,
        tpu.vector_store %arg8[%swap3A_1509, %swap3A_1510, %swap3A_1511], %scan3A_1472 {strides = array<i32>} : memref<4x64x128xf32, #tpu.memory_space<vmem>>, vector<16xf32>,
        %add3A_1513 = arith.constant 1 : i32
        %add3A_1514 = arith.addi %scan3A_1464, %add3A_1513 : i32
        %mul3A_1515 = arith.constant 129 : i32
        %mul3A_1516 = arith.muli %add3A_1514, %mul3A_1515 : i32
        %add3A_1517 = arith.constant 0 : i32
        %add3A_1518 = arith.addi %mul3A_1516, %add3A_1517 : i32
        %get3A_1519 = arith.index_cast %add3A_1518 : i32 to index
        %get3A_1520 = tpu.vector_load %arg10[%get3A_1519] {strides = array<i32>} : memref<8256xf32, #tpu.memory_space<vmem>>, vector<16xf32>,
        %add3A_1521 = arith.constant 16 : i32
        %add3A_1522 = arith.addi %mul3A_1516, %add3A_1521 : i32
        %get3A_1523 = arith.index_cast %add3A_1522 : i32 to index
        %get3A_1524 = tpu.vector_load %arg10[%get3A_1523] {strides = array<i32>} : memref<8256xf32, #tpu.memory_space<vmem>>, vector<16xf32>,
        %add3A_1525 = arith.constant 32 : i32
        %add3A_1526 = arith.addi %mul3A_1516, %add3A_1525 : i32
        %get3A_1527 = arith.index_cast %add3A_1526 : i32 to index
        %get3A_1528 = tpu.vector_load %arg10[%get3A_1527] {strides = array<i32>} : memref<8256xf32, #tpu.memory_space<vmem>>, vector<16xf32>,
        %add3A_1529 = arith.constant 48 : i32
        %add3A_1530 = arith.addi %mul3A_1516, %add3A_1529 : i32
        %get3A_1531 = arith.index_cast %add3A_1530 : i32 to index
        %get3A_1532 = tpu.vector_load %arg10[%get3A_1531] {strides = array<i32>} : memref<8256xf32, #tpu.memory_space<vmem>>, vector<16xf32>,
        %add3A_1533 = arith.constant 64 : i32
        %add3A_1534 = arith.addi %mul3A_1516, %add3A_1533 : i32
        %get3A_1535 = arith.index_cast %add3A_1534 : i32 to index
        %get3A_1536 = tpu.vector_load %arg10[%get3A_1535] {strides = array<i32>} : memref<8256xf32, #tpu.memory_space<vmem>>, vector<16xf32>,
        %add3A_1537 = arith.constant 80 : i32
        %add3A_1538 = arith.addi %mul3A_1516, %add3A_1537 : i32
        %get3A_1539 = arith.index_cast %add3A_1538 : i32 to index
        %get3A_1540 = tpu.vector_load %arg10[%get3A_1539] {strides = array<i32>} : memref<8256xf32, #tpu.memory_space<vmem>>, vector<16xf32>,
        %add3A_1541 = arith.constant 96 : i32
        %add3A_1542 = arith.addi %mul3A_1516, %add3A_1541 : i32
        %get3A_1543 = arith.index_cast %add3A_1542 : i32 to index
        %get3A_1544 = tpu.vector_load %arg10[%get3A_1543] {strides = array<i32>} : memref<8256xf32, #tpu.memory_space<vmem>>, vector<16xf32>,
        %add3A_1545 = arith.constant 112 : i32
        %add3A_1546 = arith.addi %mul3A_1516, %add3A_1545 : i32
        %get3A_1547 = arith.index_cast %add3A_1546 : i32 to index
        %get3A_1548 = tpu.vector_load %arg10[%get3A_1547] {strides = array<i32>} : memref<8256xf32, #tpu.memory_space<vmem>>, vector<16xf32>,
        %scan3A_1549 = arith.constant 1 : i32
        %scan3A_1550 = arith.addi %scan3A_1464, %scan3A_1549 : i32
        %swap3A_1551 = arith.constant 2 : i32
        %swap3A_1552 = arith.index_cast %swap3A_1551 : i32 to index
        %swap3A_1553 = arith.index_cast %scan3A_1550 : i32 to index
        %swap3A_1554 = arith.constant 0 : index
        %swap3A_1555 = tpu.vector_load %arg8[%swap3A_1552, %swap3A_1553, %swap3A_1554] {strides = array<i32>} : memref<4x64x128xf32, #tpu.memory_space<vmem>>, vector<16xf32>,
        tpu.vector_store %arg8[%swap3A_1552, %swap3A_1553, %swap3A_1554], %get3A_1520 {strides = array<i32>} : memref<4x64x128xf32, #tpu.memory_space<vmem>>, vector<16xf32>,
        %swap3A_1556 = arith.constant 2 : i32
        %swap3A_1557 = arith.index_cast %swap3A_1556 : i32 to index
        %swap3A_1558 = arith.index_cast %scan3A_1550 : i32 to index
        %swap3A_1559 = arith.constant 16 : index
        %swap3A_1560 = tpu.vector_load %arg8[%swap3A_1557, %swap3A_1558, %swap3A_1559] {strides = array<i32>} : memref<4x64x128xf32, #tpu.memory_space<vmem>>, vector<16xf32>,
        tpu.vector_store %arg8[%swap3A_1557, %swap3A_1558, %swap3A_1559], %get3A_1524 {strides = array<i32>} : memref<4x64x128xf32, #tpu.memory_space<vmem>>, vector<16xf32>,
        %swap3A_1561 = arith.constant 2 : i32
        %swap3A_1562 = arith.index_cast %swap3A_1561 : i32 to index
        %swap3A_1563 = arith.index_cast %scan3A_1550 : i32 to index
        %swap3A_1564 = arith.constant 32 : index
        %swap3A_1565 = tpu.vector_load %arg8[%swap3A_1562, %swap3A_1563, %swap3A_1564] {strides = array<i32>} : memref<4x64x128xf32, #tpu.memory_space<vmem>>, vector<16xf32>,
        tpu.vector_store %arg8[%swap3A_1562, %swap3A_1563, %swap3A_1564], %get3A_1528 {strides = array<i32>} : memref<4x64x128xf32, #tpu.memory_space<vmem>>, vector<16xf32>,
        %swap3A_1566 = arith.constant 2 : i32
        %swap3A_1567 = arith.index_cast %swap3A_1566 : i32 to index
        %swap3A_1568 = arith.index_cast %scan3A_1550 : i32 to index
        %swap3A_1569 = arith.constant 48 : index
        %swap3A_1570 = tpu.vector_load %arg8[%swap3A_1567, %swap3A_1568, %swap3A_1569] {strides = array<i32>} : memref<4x64x128xf32, #tpu.memory_space<vmem>>, vector<16xf32>,
        tpu.vector_store %arg8[%swap3A_1567, %swap3A_1568, %swap3A_1569], %get3A_1532 {strides = array<i32>} : memref<4x64x128xf32, #tpu.memory_space<vmem>>, vector<16xf32>,
        %swap3A_1571 = arith.constant 2 : i32
        %swap3A_1572 = arith.index_cast %swap3A_1571 : i32 to index
        %swap3A_1573 = arith.index_cast %scan3A_1550 : i32 to index
        %swap3A_1574 = arith.constant 64 : index
        %swap3A_1575 = tpu.vector_load %arg8[%swap3A_1572, %swap3A_1573, %swap3A_1574] {strides = array<i32>} : memref<4x64x128xf32, #tpu.memory_space<vmem>>, vector<16xf32>,
        tpu.vector_store %arg8[%swap3A_1572, %swap3A_1573, %swap3A_1574], %get3A_1536 {strides = array<i32>} : memref<4x64x128xf32, #tpu.memory_space<vmem>>, vector<16xf32>,
        %swap3A_1576 = arith.constant 2 : i32
        %swap3A_1577 = arith.index_cast %swap3A_1576 : i32 to index
        %swap3A_1578 = arith.index_cast %scan3A_1550 : i32 to index
        %swap3A_1579 = arith.constant 80 : index
        %swap3A_1580 = tpu.vector_load %arg8[%swap3A_1577, %swap3A_1578, %swap3A_1579] {strides = array<i32>} : memref<4x64x128xf32, #tpu.memory_space<vmem>>, vector<16xf32>,
        tpu.vector_store %arg8[%swap3A_1577, %swap3A_1578, %swap3A_1579], %get3A_1540 {strides = array<i32>} : memref<4x64x128xf32, #tpu.memory_space<vmem>>, vector<16xf32>,
        %swap3A_1581 = arith.constant 2 : i32
        %swap3A_1582 = arith.index_cast %swap3A_1581 : i32 to index
        %swap3A_1583 = arith.index_cast %scan3A_1550 : i32 to index
        %swap3A_1584 = arith.constant 96 : index
        %swap3A_1585 = tpu.vector_load %arg8[%swap3A_1582, %swap3A_1583, %swap3A_1584] {strides = array<i32>} : memref<4x64x128xf32, #tpu.memory_space<vmem>>, vector<16xf32>,
        tpu.vector_store %arg8[%swap3A_1582, %swap3A_1583, %swap3A_1584], %get3A_1544 {strides = array<i32>} : memref<4x64x128xf32, #tpu.memory_space<vmem>>, vector<16xf32>,
        %swap3A_1586 = arith.constant 2 : i32
        %swap3A_1587 = arith.index_cast %swap3A_1586 : i32 to index
        %swap3A_1588 = arith.index_cast %scan3A_1550 : i32 to index
        %swap3A_1589 = arith.constant 112 : index
        %swap3A_1590 = tpu.vector_load %arg8[%swap3A_1587, %swap3A_1588, %swap3A_1589] {strides = array<i32>} : memref<4x64x128xf32, #tpu.memory_space<vmem>>, vector<16xf32>,
        tpu.vector_store %arg8[%swap3A_1587, %swap3A_1588, %swap3A_1589], %get3A_1548 {strides = array<i32>} : memref<4x64x128xf32, #tpu.memory_space<vmem>>, vector<16xf32>,
        %add3A_1591 = arith.constant 1 : i32
        %add3A_1592 = arith.addi %scan3A_1550, %add3A_1591 : i32
        %mul3A_1593 = arith.constant 129 : i32
        %mul3A_1594 = arith.muli %add3A_1592, %mul3A_1593 : i32
        %add3A_1595 = arith.constant 0 : i32
        %add3A_1596 = arith.addi %mul3A_1594, %add3A_1595 : i32
        %get3A_1597 = arith.index_cast %add3A_1596 : i32 to index
        %get3A_1598 = tpu.vector_load %arg10[%get3A_1597] {strides = array<i32>} : memref<8256xf32, #tpu.memory_space<vmem>>, vector<16xf32>,
        %add3A_1599 = arith.constant 16 : i32
        %add3A_1600 = arith.addi %mul3A_1594, %add3A_1599 : i32
        %get3A_1601 = arith.index_cast %add3A_1600 : i32 to index
        %get3A_1602 = tpu.vector_load %arg10[%get3A_1601] {strides = array<i32>} : memref<8256xf32, #tpu.memory_space<vmem>>, vector<16xf32>,
        %add3A_1603 = arith.constant 32 : i32
        %add3A_1604 = arith.addi %mul3A_1594, %add3A_1603 : i32
        %get3A_1605 = arith.index_cast %add3A_1604 : i32 to index
        %get3A_1606 = tpu.vector_load %arg10[%get3A_1605] {strides = array<i32>} : memref<8256xf32, #tpu.memory_space<vmem>>, vector<16xf32>,
        %add3A_1607 = arith.constant 48 : i32
        %add3A_1608 = arith.addi %mul3A_1594, %add3A_1607 : i32
        %get3A_1609 = arith.index_cast %add3A_1608 : i32 to index
        %get3A_1610 = tpu.vector_load %arg10[%get3A_1609] {strides = array<i32>} : memref<8256xf32, #tpu.memory_space<vmem>>, vector<16xf32>,
        %add3A_1611 = arith.constant 64 : i32
        %add3A_1612 = arith.addi %mul3A_1594, %add3A_1611 : i32
        %get3A_1613 = arith.index_cast %add3A_1612 : i32 to index
        %get3A_1614 = tpu.vector_load %arg10[%get3A_1613] {strides = array<i32>} : memref<8256xf32, #tpu.memory_space<vmem>>, vector<16xf32>,
        %add3A_1615 = arith.constant 80 : i32
        %add3A_1616 = arith.addi %mul3A_1594, %add3A_1615 : i32
        %get3A_1617 = arith.index_cast %add3A_1616 : i32 to index
        %get3A_1618 = tpu.vector_load %arg10[%get3A_1617] {strides = array<i32>} : memref<8256xf32, #tpu.memory_space<vmem>>, vector<16xf32>,
        %add3A_1619 = arith.constant 96 : i32
        %add3A_1620 = arith.addi %mul3A_1594, %add3A_1619 : i32
        %get3A_1621 = arith.index_cast %add3A_1620 : i32 to index
        %get3A_1622 = tpu.vector_load %arg10[%get3A_1621] {strides = array<i32>} : memref<8256xf32, #tpu.memory_space<vmem>>, vector<16xf32>,
        %add3A_1623 = arith.constant 112 : i32
        %add3A_1624 = arith.addi %mul3A_1594, %add3A_1623 : i32
        %get3A_1625 = arith.index_cast %add3A_1624 : i32 to index
        %get3A_1626 = tpu.vector_load %arg10[%get3A_1625] {strides = array<i32>} : memref<8256xf32, #tpu.memory_space<vmem>>, vector<16xf32>,
        scf.yield %get3A_1598, %get3A_1602, %get3A_1606, %get3A_1610, %get3A_1614, %get3A_1618, %get3A_1622, %get3A_1626 : vector<16xf32>, vector<16xf32>, vector<16xf32>, vector<16xf32>, vector<16xf32>, vector<16xf32>, vector<16xf32>, vector<16xf32>
      }
      %scan3A_1025 = arith.constant 62 : i32
      %scan3A_1026 = arith.addi %scan3A_1020, %scan3A_1025 : i32
      %swap3A_1027 = arith.constant 2 : i32
      %swap3A_1028 = arith.index_cast %swap3A_1027 : i32 to index
      %swap3A_1029 = arith.index_cast %scan3A_1026 : i32 to index
      %swap3A_1030 = arith.constant 0 : index
      %swap3A_1031 = tpu.vector_load %arg8[%swap3A_1028, %swap3A_1029, %swap3A_1030] {strides = array<i32>} : memref<4x64x128xf32, #tpu.memory_space<vmem>>, vector<16xf32>,
      tpu.vector_store %arg8[%swap3A_1028, %swap3A_1029, %swap3A_1030], %scan3A_1024#0 {strides = array<i32>} : memref<4x64x128xf32, #tpu.memory_space<vmem>>, vector<16xf32>,
      %swap3A_1032 = arith.constant 2 : i32
      %swap3A_1033 = arith.index_cast %swap3A_1032 : i32 to index
      %swap3A_1034 = arith.index_cast %scan3A_1026 : i32 to index
      %swap3A_1035 = arith.constant 16 : index
      %swap3A_1036 = tpu.vector_load %arg8[%swap3A_1033, %swap3A_1034, %swap3A_1035] {strides = array<i32>} : memref<4x64x128xf32, #tpu.memory_space<vmem>>, vector<16xf32>,
      tpu.vector_store %arg8[%swap3A_1033, %swap3A_1034, %swap3A_1035], %scan3A_1024#1 {strides = array<i32>} : memref<4x64x128xf32, #tpu.memory_space<vmem>>, vector<16xf32>,
      %swap3A_1037 = arith.constant 2 : i32
      %swap3A_1038 = arith.index_cast %swap3A_1037 : i32 to index
      %swap3A_1039 = arith.index_cast %scan3A_1026 : i32 to index
      %swap3A_1040 = arith.constant 32 : index
      %swap3A_1041 = tpu.vector_load %arg8[%swap3A_1038, %swap3A_1039, %swap3A_1040] {strides = array<i32>} : memref<4x64x128xf32, #tpu.memory_space<vmem>>, vector<16xf32>,
      tpu.vector_store %arg8[%swap3A_1038, %swap3A_1039, %swap3A_1040], %scan3A_1024#2 {strides = array<i32>} : memref<4x64x128xf32, #tpu.memory_space<vmem>>, vector<16xf32>,
      %swap3A_1042 = arith.constant 2 : i32
      %swap3A_1043 = arith.index_cast %swap3A_1042 : i32 to index
      %swap3A_1044 = arith.index_cast %scan3A_1026 : i32 to index
      %swap3A_1045 = arith.constant 48 : index
      %swap3A_1046 = tpu.vector_load %arg8[%swap3A_1043, %swap3A_1044, %swap3A_1045] {strides = array<i32>} : memref<4x64x128xf32, #tpu.memory_space<vmem>>, vector<16xf32>,
      tpu.vector_store %arg8[%swap3A_1043, %swap3A_1044, %swap3A_1045], %scan3A_1024#3 {strides = array<i32>} : memref<4x64x128xf32, #tpu.memory_space<vmem>>, vector<16xf32>,
      %swap3A_1047 = arith.constant 2 : i32
      %swap3A_1048 = arith.index_cast %swap3A_1047 : i32 to index
      %swap3A_1049 = arith.index_cast %scan3A_1026 : i32 to index
      %swap3A_1050 = arith.constant 64 : index
      %swap3A_1051 = tpu.vector_load %arg8[%swap3A_1048, %swap3A_1049, %swap3A_1050] {strides = array<i32>} : memref<4x64x128xf32, #tpu.memory_space<vmem>>, vector<16xf32>,
      tpu.vector_store %arg8[%swap3A_1048, %swap3A_1049, %swap3A_1050], %scan3A_1024#4 {strides = array<i32>} : memref<4x64x128xf32, #tpu.memory_space<vmem>>, vector<16xf32>,
      %swap3A_1052 = arith.constant 2 : i32
      %swap3A_1053 = arith.index_cast %swap3A_1052 : i32 to index
      %swap3A_1054 = arith.index_cast %scan3A_1026 : i32 to index
      %swap3A_1055 = arith.constant 80 : index
      %swap3A_1056 = tpu.vector_load %arg8[%swap3A_1053, %swap3A_1054, %swap3A_1055] {strides = array<i32>} : memref<4x64x128xf32, #tpu.memory_space<vmem>>, vector<16xf32>,
      tpu.vector_store %arg8[%swap3A_1053, %swap3A_1054, %swap3A_1055], %scan3A_1024#5 {strides = array<i32>} : memref<4x64x128xf32, #tpu.memory_space<vmem>>, vector<16xf32>,
      %swap3A_1057 = arith.constant 2 : i32
      %swap3A_1058 = arith.index_cast %swap3A_1057 : i32 to index
      %swap3A_1059 = arith.index_cast %scan3A_1026 : i32 to index
      %swap3A_1060 = arith.constant 96 : index
      %swap3A_1061 = tpu.vector_load %arg8[%swap3A_1058, %swap3A_1059, %swap3A_1060] {strides = array<i32>} : memref<4x64x128xf32, #tpu.memory_space<vmem>>, vector<16xf32>,
      tpu.vector_store %arg8[%swap3A_1058, %swap3A_1059, %swap3A_1060], %scan3A_1024#6 {strides = array<i32>} : memref<4x64x128xf32, #tpu.memory_space<vmem>>, vector<16xf32>,
      %swap3A_1062 = arith.constant 2 : i32
      %swap3A_1063 = arith.index_cast %swap3A_1062 : i32 to index
      %swap3A_1064 = arith.index_cast %scan3A_1026 : i32 to index
      %swap3A_1065 = arith.constant 112 : index
      %swap3A_1066 = tpu.vector_load %arg8[%swap3A_1063, %swap3A_1064, %swap3A_1065] {strides = array<i32>} : memref<4x64x128xf32, #tpu.memory_space<vmem>>, vector<16xf32>,
      tpu.vector_store %arg8[%swap3A_1063, %swap3A_1064, %swap3A_1065], %scan3A_1024#7 {strides = array<i32>} : memref<4x64x128xf32, #tpu.memory_space<vmem>>, vector<16xf32>,
      %add3A_1067 = arith.constant 1 : i32
      %add3A_1068 = arith.addi %scan3A_1026, %add3A_1067 : i32
      %mul3A_1069 = arith.constant 129 : i32
      %mul3A_1070 = arith.muli %add3A_1068, %mul3A_1069 : i32
      %add3A_1071 = arith.constant 0 : i32
      %add3A_1072 = arith.addi %mul3A_1070, %add3A_1071 : i32
      %get3A_1073 = arith.index_cast %add3A_1072 : i32 to index
      %get3A_1074 = tpu.vector_load %arg10[%get3A_1073] {strides = array<i32>} : memref<8256xf32, #tpu.memory_space<vmem>>, vector<16xf32>,
      %add3A_1075 = arith.constant 16 : i32
      %add3A_1076 = arith.addi %mul3A_1070, %add3A_1075 : i32
      %get3A_1077 = arith.index_cast %add3A_1076 : i32 to index
      %get3A_1078 = tpu.vector_load %arg10[%get3A_1077] {strides = array<i32>} : memref<8256xf32, #tpu.memory_space<vmem>>, vector<16xf32>,
      %add3A_1079 = arith.constant 32 : i32
      %add3A_1080 = arith.addi %mul3A_1070, %add3A_1079 : i32
      %get3A_1081 = arith.index_cast %add3A_1080 : i32 to index
      %get3A_1082 = tpu.vector_load %arg10[%get3A_1081] {strides = array<i32>} : memref<8256xf32, #tpu.memory_space<vmem>>, vector<16xf32>,
      %add3A_1083 = arith.constant 48 : i32
      %add3A_1084 = arith.addi %mul3A_1070, %add3A_1083 : i32
      %get3A_1085 = arith.index_cast %add3A_1084 : i32 to index
      %get3A_1086 = tpu.vector_load %arg10[%get3A_1085] {strides = array<i32>} : memref<8256xf32, #tpu.memory_space<vmem>>, vector<16xf32>,
      %add3A_1087 = arith.constant 64 : i32
      %add3A_1088 = arith.addi %mul3A_1070, %add3A_1087 : i32
      %get3A_1089 = arith.index_cast %add3A_1088 : i32 to index
      %get3A_1090 = tpu.vector_load %arg10[%get3A_1089] {strides = array<i32>} : memref<8256xf32, #tpu.memory_space<vmem>>, vector<16xf32>,
      %add3A_1091 = arith.constant 80 : i32
      %add3A_1092 = arith.addi %mul3A_1070, %add3A_1091 : i32
      %get3A_1093 = arith.index_cast %add3A_1092 : i32 to index
      %get3A_1094 = tpu.vector_load %arg10[%get3A_1093] {strides = array<i32>} : memref<8256xf32, #tpu.memory_space<vmem>>, vector<16xf32>,
      %add3A_1095 = arith.constant 96 : i32
      %add3A_1096 = arith.addi %mul3A_1070, %add3A_1095 : i32
      %get3A_1097 = arith.index_cast %add3A_1096 : i32 to index
      %get3A_1098 = tpu.vector_load %arg10[%get3A_1097] {strides = array<i32>} : memref<8256xf32, #tpu.memory_space<vmem>>, vector<16xf32>,
      %add3A_1099 = arith.constant 112 : i32
      %add3A_1100 = arith.addi %mul3A_1070, %add3A_1099 : i32
      %get3A_1101 = arith.index_cast %add3A_1100 : i32 to index
      %get3A_1102 = tpu.vector_load %arg10[%get3A_1101] {strides = array<i32>} : memref<8256xf32, #tpu.memory_space<vmem>>, vector<16xf32>,
      %scan3A_1103 = arith.constant 63 : i32
      %swap3A_1104 = arith.constant 2 : i32
      %swap3A_1105 = arith.constant 63 : i32
      %swap3A_1106 = arith.index_cast %swap3A_1104 : i32 to index
      %swap3A_1107 = arith.index_cast %swap3A_1105 : i32 to index
      %swap3A_1108 = arith.constant 0 : index
      %swap3A_1109 = tpu.vector_load %arg8[%swap3A_1106, %swap3A_1107, %swap3A_1108] {strides = array<i32>} : memref<4x64x128xf32, #tpu.memory_space<vmem>>, vector<16xf32>,
      tpu.vector_store %arg8[%swap3A_1106, %swap3A_1107, %swap3A_1108], %get3A_1074 {strides = array<i32>} : memref<4x64x128xf32, #tpu.memory_space<vmem>>, vector<16xf32>,
      %swap3A_1110 = arith.constant 2 : i32
      %swap3A_1111 = arith.constant 63 : i32
      %swap3A_1112 = arith.index_cast %swap3A_1110 : i32 to index
      %swap3A_1113 = arith.index_cast %swap3A_1111 : i32 to index
      %swap3A_1114 = arith.constant 16 : index
      %swap3A_1115 = tpu.vector_load %arg8[%swap3A_1112, %swap3A_1113, %swap3A_1114] {strides = array<i32>} : memref<4x64x128xf32, #tpu.memory_space<vmem>>, vector<16xf32>,
      tpu.vector_store %arg8[%swap3A_1112, %swap3A_1113, %swap3A_1114], %get3A_1078 {strides = array<i32>} : memref<4x64x128xf32, #tpu.memory_space<vmem>>, vector<16xf32>,
      %swap3A_1116 = arith.constant 2 : i32
      %swap3A_1117 = arith.constant 63 : i32
      %swap3A_1118 = arith.index_cast %swap3A_1116 : i32 to index
      %swap3A_1119 = arith.index_cast %swap3A_1117 : i32 to index
      %swap3A_1120 = arith.constant 32 : index
      %swap3A_1121 = tpu.vector_load %arg8[%swap3A_1118, %swap3A_1119, %swap3A_1120] {strides = array<i32>} : memref<4x64x128xf32, #tpu.memory_space<vmem>>, vector<16xf32>,
      tpu.vector_store %arg8[%swap3A_1118, %swap3A_1119, %swap3A_1120], %get3A_1082 {strides = array<i32>} : memref<4x64x128xf32, #tpu.memory_space<vmem>>, vector<16xf32>,
      %swap3A_1122 = arith.constant 2 : i32
      %swap3A_1123 = arith.constant 63 : i32
      %swap3A_1124 = arith.index_cast %swap3A_1122 : i32 to index
      %swap3A_1125 = arith.index_cast %swap3A_1123 : i32 to index
      %swap3A_1126 = arith.constant 48 : index
      %swap3A_1127 = tpu.vector_load %arg8[%swap3A_1124, %swap3A_1125, %swap3A_1126] {strides = array<i32>} : memref<4x64x128xf32, #tpu.memory_space<vmem>>, vector<16xf32>,
      tpu.vector_store %arg8[%swap3A_1124, %swap3A_1125, %swap3A_1126], %get3A_1086 {strides = array<i32>} : memref<4x64x128xf32, #tpu.memory_space<vmem>>, vector<16xf32>,
      %swap3A_1128 = arith.constant 2 : i32
      %swap3A_1129 = arith.constant 63 : i32
      %swap3A_1130 = arith.index_cast %swap3A_1128 : i32 to index
      %swap3A_1131 = arith.index_cast %swap3A_1129 : i32 to index
      %swap3A_1132 = arith.constant 64 : index
      %swap3A_1133 = tpu.vector_load %arg8[%swap3A_1130, %swap3A_1131, %swap3A_1132] {strides = array<i32>} : memref<4x64x128xf32, #tpu.memory_space<vmem>>, vector<16xf32>,
      tpu.vector_store %arg8[%swap3A_1130, %swap3A_1131, %swap3A_1132], %get3A_1090 {strides = array<i32>} : memref<4x64x128xf32, #tpu.memory_space<vmem>>, vector<16xf32>,
      %swap3A_1134 = arith.constant 2 : i32
      %swap3A_1135 = arith.constant 63 : i32
      %swap3A_1136 = arith.index_cast %swap3A_1134 : i32 to index
      %swap3A_1137 = arith.index_cast %swap3A_1135 : i32 to index
      %swap3A_1138 = arith.constant 80 : index
      %swap3A_1139 = tpu.vector_load %arg8[%swap3A_1136, %swap3A_1137, %swap3A_1138] {strides = array<i32>} : memref<4x64x128xf32, #tpu.memory_space<vmem>>, vector<16xf32>,
      tpu.vector_store %arg8[%swap3A_1136, %swap3A_1137, %swap3A_1138], %get3A_1094 {strides = array<i32>} : memref<4x64x128xf32, #tpu.memory_space<vmem>>, vector<16xf32>,
      %swap3A_1140 = arith.constant 2 : i32
      %swap3A_1141 = arith.constant 63 : i32
      %swap3A_1142 = arith.index_cast %swap3A_1140 : i32 to index
      %swap3A_1143 = arith.index_cast %swap3A_1141 : i32 to index
      %swap3A_1144 = arith.constant 96 : index
      %swap3A_1145 = tpu.vector_load %arg8[%swap3A_1142, %swap3A_1143, %swap3A_1144] {strides = array<i32>} : memref<4x64x128xf32, #tpu.memory_space<vmem>>, vector<16xf32>,
      tpu.vector_store %arg8[%swap3A_1142, %swap3A_1143, %swap3A_1144], %get3A_1098 {strides = array<i32>} : memref<4x64x128xf32, #tpu.memory_space<vmem>>, vector<16xf32>,
      %swap3A_1146 = arith.constant 2 : i32
      %swap3A_1147 = arith.constant 63 : i32
      %swap3A_1148 = arith.index_cast %swap3A_1146 : i32 to index
      %swap3A_1149 = arith.index_cast %swap3A_1147 : i32 to index
      %swap3A_1150 = arith.constant 112 : index
      %swap3A_1151 = tpu.vector_load %arg8[%swap3A_1148, %swap3A_1149, %swap3A_1150] {strides = array<i32>} : memref<4x64x128xf32, #tpu.memory_space<vmem>>, vector<16xf32>,
      tpu.vector_store %arg8[%swap3A_1148, %swap3A_1149, %swap3A_1150], %get3A_1102 {strides = array<i32>} : memref<4x64x128xf32, #tpu.memory_space<vmem>>, vector<16xf32>,
      %mul3A_1152 = arith.constant 128 : i32
      %mul3A_1153 = arith.muli %add3A, %mul3A_1152 : i32
      %dma_start3A_1154 = arith.constant 2 : i32
      %dma_start3A_1155 = arith.constant 0 : i32
      %dma_start3A_1156 = arith.constant 0 : i32
      %dma_start3A_1157 = tpu.memref_slice %arg8[%dma_start3A_1154, %dma_start3A_1155, %dma_start3A_1156] : memref<4x64x128xf32, #tpu.memory_space<vmem>> -> memref<1x64x128xf32, #tpu.memory_space<vmem>>
      %dma_start3A_1158 = tpu.memref_squeeze %dma_start3A_1157 : memref<1x64x128xf32, #tpu.memory_space<vmem>> -> memref<64x128xf32, #tpu.memory_space<vmem>>
      %dma_start3A_1159 = arith.constant 0 : i32
      %dma_start3A_1160 = tpu.memref_slice %arg5[%add3A_877, %dma_start3A_1159, %mul3A_1153] : memref<200x64x4096xf32, #tpu.memory_space<hbm>> -> memref<1x64x128xf32, #tpu.memory_space<hbm>>
      %dma_start3A_1161 = tpu.memref_squeeze %dma_start3A_1160 : memref<1x64x128xf32, #tpu.memory_space<hbm>> -> memref<64x128xf32, #tpu.memory_space<hbm>>
      %dma_start3A_1162 = arith.constant 0 : i32
      %dma_start3A_1163 = tpu.memref_slice %arg5[%add3A_877, %dma_start3A_1162, %mul3A_1153] : memref<200x64x4096xf32, #tpu.memory_space<hbm>> -> memref<1x64x128xf32, #tpu.memory_space<hbm>>
      %dma_start3A_1164 = tpu.memref_squeeze %dma_start3A_1163 : memref<1x64x128xf32, #tpu.memory_space<hbm>> -> memref<64x128xf32, #tpu.memory_space<hbm>>
      %dma_start3A_1165 = arith.constant 0 : i32
      %dma_start3A_1166 = arith.constant 0 : i32
      %dma_start3A_1167 = tpu.memref_slice %arg8[%dma_start3A_1154, %dma_start3A_1165, %dma_start3A_1166] : memref<4x64x128xf32, #tpu.memory_space<vmem>> -> memref<1x64x128xf32, #tpu.memory_space<vmem>>
      %dma_start3A_1168 = tpu.memref_squeeze %dma_start3A_1167 : memref<1x64x128xf32, #tpu.memory_space<vmem>> -> memref<64x128xf32, #tpu.memory_space<vmem>>
      tpu.enqueue_dma source(%dma_start3A_1168 : memref<64x128xf32, #tpu.memory_space<vmem>>) target(%dma_start3A_1164 : memref<64x128xf32, #tpu.memory_space<hbm>>) target_semaphore(%arg21 : memref<!tpu.dma_semaphore, #tpu.memory_space<semaphore_mem>>)
      %mul3A_1169 = arith.constant 4 : i32
      %mul3A_1170 = arith.muli %mul3A_1169, %scan3A_290 : i32
      %add3A_1171 = arith.constant 3 : i32
      %add3A_1172 = arith.addi %mul3A_1170, %add3A_1171 : i32
      %add3A_1173 = arith.constant 4 : i32
      %add3A_1174 = arith.addi %add3A_1172, %add3A_1173 : i32
      %sub3A_1175 = arith.constant 1 : i32
      %sub3A_1176 = arith.subi %add3A_1174, %sub3A_1175 : i32
      %lt3A_1177 = arith.constant 200 : i32
      %lt3A_1178 = arith.cmpi slt, %sub3A_1176, %lt3A_1177 : i32
      %convert_element_type3A_1179 = arith.extui %lt3A_1178 : i1 to i32
      %cond3A_1180 = arith.constant 0 : i32
      %cond3A_1181 = arith.cmpi ne, %convert_element_type3A_1179, %cond3A_1180 : i32
      scf.if %cond3A_1181 {
        %add3A_1464 = arith.constant 4 : i32
        %add3A_1465 = arith.addi %add3A_1172, %add3A_1464 : i32
        %sub3A_1466 = arith.constant 1 : i32
        %sub3A_1467 = arith.subi %add3A_1465, %sub3A_1466 : i32
        %jit3A = arith.constant 8 : i32
        %div3A = arith.divsi %sub3A_1467, %jit3A : i32
        %sign3A = arith.constant 0 : i32
        %sign3A_1468 = arith.cmpi sgt, %sub3A_1467, %sign3A : i32
        %sign3A_1469 = arith.extui %sign3A_1468 : i1 to i32
        %sign3A_1470 = arith.constant 0 : i32
        %sign3A_1471 = arith.cmpi slt, %sub3A_1467, %sign3A_1470 : i32
        %sign3A_1472 = arith.extui %sign3A_1471 : i1 to i32
        %sign3A_1473 = arith.subi %sign3A_1469, %sign3A_1472 : i32
        %sign3A_1474 = arith.constant 0 : i32
        %sign3A_1475 = arith.cmpi sgt, %jit3A, %sign3A_1474 : i32
        %sign3A_1476 = arith.extui %sign3A_1475 : i1 to i32
        %sign3A_1477 = arith.constant 0 : i32
        %sign3A_1478 = arith.cmpi slt, %jit3A, %sign3A_1477 : i32
        %sign3A_1479 = arith.extui %sign3A_1478 : i1 to i32
        %sign3A_1480 = arith.subi %sign3A_1476, %sign3A_1479 : i32
        %ne3A = arith.cmpi ne, %sign3A_1473, %sign3A_1480 : i32
        %rem3A = arith.remsi %sub3A_1467, %jit3A : i32
        %ne3A_1481 = arith.constant 0 : i32
        %ne3A_1482 = arith.cmpi ne, %rem3A, %ne3A_1481 : i32
        %and3A = arith.andi %ne3A, %ne3A_1482 : i1
        %sub3A_1483 = arith.constant 1 : i32
        %sub3A_1484 = arith.subi %div3A, %sub3A_1483 : i32
        %select_n3A = arith.select %and3A, %sub3A_1484, %div3A : i32
        %jit3A_1485 = arith.constant 8 : i32
        %eq3A = arith.constant 0 : i32
        %eq3A_1486 = arith.cmpi eq, %jit3A_1485, %eq3A : i32
        %jit3A_1487 = arith.constant 1 : i32
        %select_n3A_1488 = arith.select %eq3A_1486, %jit3A_1487, %jit3A_1485 : i32
        %rem3A_1489 = arith.remsi %sub3A_1467, %select_n3A_1488 : i32
        %ne3A_1490 = arith.constant 0 : i32
        %ne3A_1491 = arith.cmpi ne, %rem3A_1489, %ne3A_1490 : i32
        %lt3A_1492 = arith.constant 0 : i32
        %lt3A_1493 = arith.cmpi slt, %rem3A_1489, %lt3A_1492 : i32
        %lt3A_1494 = arith.constant 0 : i32
        %lt3A_1495 = arith.cmpi slt, %select_n3A_1488, %lt3A_1494 : i32
        %ne3A_1496 = arith.xori %lt3A_1493, %lt3A_1495 : i1
        %and3A_1497 = arith.andi %ne3A_1496, %ne3A_1491 : i1
        %add3A_1498 = arith.addi %rem3A_1489, %select_n3A_1488 : i32
        %select_n3A_1499 = arith.select %and3A_1497, %add3A_1498, %rem3A_1489 : i32
        %dma_start3A_1500 = arith.constant 2 : i32
        %dma_start3A_1501 = arith.constant 0 : i32
        %dma_start3A_1502 = tpu.memref_slice %arg6[%dma_start3A_1500, %dma_start3A_1501] : memref<4x128xi32, #tpu.memory_space<vmem>> -> memref<1x128xi32, #tpu.memory_space<vmem>>
        %dma_start3A_1503 = tpu.memref_squeeze %dma_start3A_1502 : memref<1x128xi32, #tpu.memory_space<vmem>> -> memref<128xi32, #tpu.memory_space<vmem>>
        %dma_start3A_1504 = arith.constant 0 : i32
        %dma_start3A_1505 = tpu.memref_slice %arg2[%select_n3A, %add3A, %select_n3A_1499, %dma_start3A_1504] : memref<25x32x8x128xi32, #tpu.memory_space<hbm>> -> memref<1x1x1x128xi32, #tpu.memory_space<hbm>>
        %dma_start3A_1506 = tpu.memref_squeeze %dma_start3A_1505 : memref<1x1x1x128xi32, #tpu.memory_space<hbm>> -> memref<128xi32, #tpu.memory_space<hbm>>
        %dma_start3A_1507 = arith.constant 0 : i32
        %dma_start3A_1508 = tpu.memref_slice %arg6[%dma_start3A_1500, %dma_start3A_1507] : memref<4x128xi32, #tpu.memory_space<vmem>> -> memref<1x128xi32, #tpu.memory_space<vmem>>
        %dma_start3A_1509 = tpu.memref_squeeze %dma_start3A_1508 : memref<1x128xi32, #tpu.memory_space<vmem>> -> memref<128xi32, #tpu.memory_space<vmem>>
        %dma_start3A_1510 = arith.constant 0 : i32
        %dma_start3A_1511 = tpu.memref_slice %arg2[%select_n3A, %add3A, %select_n3A_1499, %dma_start3A_1510] : memref<25x32x8x128xi32, #tpu.memory_space<hbm>> -> memref<1x1x1x128xi32, #tpu.memory_space<hbm>>
        %dma_start3A_1512 = tpu.memref_squeeze %dma_start3A_1511 : memref<1x1x1x128xi32, #tpu.memory_space<hbm>> -> memref<128xi32, #tpu.memory_space<hbm>>
        tpu.enqueue_dma source(%dma_start3A_1512 : memref<128xi32, #tpu.memory_space<hbm>>) target(%dma_start3A_1509 : memref<128xi32, #tpu.memory_space<vmem>>) target_semaphore(%arg13 : memref<!tpu.dma_semaphore, #tpu.memory_space<semaphore_mem>>)
      } else {
      }
      %add3A_1182 = arith.constant 4 : i32
      %add3A_1183 = arith.addi %add3A_1172, %add3A_1182 : i32
      %sub3A_1184 = arith.constant 2 : i32
      %sub3A_1185 = arith.subi %add3A_1183, %sub3A_1184 : i32
      %lt3A_1186 = arith.constant 200 : i32
      %lt3A_1187 = arith.cmpi slt, %sub3A_1185, %lt3A_1186 : i32
      %convert_element_type3A_1188 = arith.extui %lt3A_1187 : i1 to i32
      %cond3A_1189 = arith.constant 0 : i32
      %cond3A_1190 = arith.cmpi ne, %convert_element_type3A_1188, %cond3A_1189 : i32
      scf.if %cond3A_1190 {
        %dma_wait3A_1464 = arith.constant 0 : i32
        %dma_wait3A_1465 = arith.constant 0 : i32
        %dma_wait3A_1466 = arith.constant 1 : i32
        %dma_wait3A_1467 = arith.constant 0 : i32
        %dma_wait3A_1468 = tpu.memref_slice %arg6[%dma_wait3A_1466, %dma_wait3A_1467] : memref<4x128xi32, #tpu.memory_space<vmem>> -> memref<1x128xi32, #tpu.memory_space<vmem>>
        %dma_wait3A_1469 = tpu.memref_squeeze %dma_wait3A_1468 : memref<1x128xi32, #tpu.memory_space<vmem>> -> memref<128xi32, #tpu.memory_space<vmem>>
        %dma_wait3A_1470 = arith.constant 0 : i32
        %dma_wait3A_1471 = tpu.memref_slice %arg2[%dma_wait3A_1464, %add3A, %dma_wait3A_1465, %dma_wait3A_1470] : memref<25x32x8x128xi32, #tpu.memory_space<hbm>> -> memref<1x1x1x128xi32, #tpu.memory_space<hbm>>
        %dma_wait3A_1472 = tpu.memref_squeeze %dma_wait3A_1471 : memref<1x1x1x128xi32, #tpu.memory_space<hbm>> -> memref<128xi32, #tpu.memory_space<hbm>>
        %dma_wait3A_1473 = arith.constant 0 : i32
        %dma_wait3A_1474 = tpu.memref_slice %arg6[%dma_wait3A_1466, %dma_wait3A_1473] : memref<4x128xi32, #tpu.memory_space<vmem>> -> memref<1x128xi32, #tpu.memory_space<vmem>>
        %dma_wait3A_1475 = tpu.memref_squeeze %dma_wait3A_1474 : memref<1x128xi32, #tpu.memory_space<vmem>> -> memref<128xi32, #tpu.memory_space<vmem>>
        %dma_wait3A_1476 = arith.constant 0 : i32
        %dma_wait3A_1477 = tpu.memref_slice %arg2[%dma_wait3A_1464, %add3A, %dma_wait3A_1465, %dma_wait3A_1476] : memref<25x32x8x128xi32, #tpu.memory_space<hbm>> -> memref<1x1x1x128xi32, #tpu.memory_space<hbm>>
        %dma_wait3A_1478 = tpu.memref_squeeze %dma_wait3A_1477 : memref<1x1x1x128xi32, #tpu.memory_space<hbm>> -> memref<128xi32, #tpu.memory_space<hbm>>
        tpu.wait_dma2 semaphore(%arg12 : memref<!tpu.dma_semaphore, #tpu.memory_space<semaphore_mem>>) src(%dma_wait3A_1478 : memref<128xi32, #tpu.memory_space<hbm>>) dst(%dma_wait3A_1475 : memref<128xi32, #tpu.memory_space<vmem>>)
        %dma_start3A_1479 = arith.constant 1 : i32
        %dma_start3A_1480 = arith.constant 1 : i32
        %dma_start3A_1481 = arith.constant 0 : i32
        %dma_start3A_1482 = arith.constant 0 : i32
        %dma_start3A_1483 = tpu.memref_slice %arg7[%dma_start3A_1480, %dma_start3A_1481, %dma_start3A_1482] : memref<4x128x128xf32, #tpu.memory_space<vmem>> -> memref<1x128x128xf32, #tpu.memory_space<vmem>>
        %dma_start3A_1484 = tpu.memref_squeeze %dma_start3A_1483 : memref<1x128x128xf32, #tpu.memory_space<vmem>> -> memref<128x128xf32, #tpu.memory_space<vmem>>
        %dma_start3A_1485 = arith.constant 0 : i32
        %dma_start3A_1486 = arith.constant 0 : i32
        %dma_start3A_1487 = tpu.memref_slice %dma_start3A_1484[%dma_start3A_1485, %dma_start3A_1486] : memref<128x128xf32, #tpu.memory_space<vmem>> -> memref<32x128xf32, #tpu.memory_space<vmem>>
        %dma_start3A_1488 = arith.constant 0 : i32
        %dma_start3A_1489 = tpu.memref_slice %arg6[%dma_start3A_1479, %dma_start3A_1488] : memref<4x128xi32, #tpu.memory_space<vmem>> -> memref<1x128xi32, #tpu.memory_space<vmem>>
        %dma_start3A_1490 = tpu.memref_squeeze %dma_start3A_1489 : memref<1x128xi32, #tpu.memory_space<vmem>> -> memref<128xi32, #tpu.memory_space<vmem>>
        %dma_start3A_1491 = arith.constant 0 : i32
        %dma_start3A_1492 = tpu.memref_slice %dma_start3A_1490[%dma_start3A_1491] : memref<128xi32, #tpu.memory_space<vmem>> -> memref<32xi32, #tpu.memory_space<vmem>>
        %dma_start3A_1493 = arith.constant 0 : i32
        %dma_start3A_1494 = arith.constant 0 : i32
        %dma_start3A_1495 = tpu.memref_slice %arg3[%dma_start3A_1493, %dma_start3A_1494] : memref<1000000x128xf32, #tpu.memory_space<hbm>> -> memref<1000000x128xf32, #tpu.memory_space<hbm>>
        tpu.enqueue_indirect_dma source(%dma_start3A_1495 : memref<1000000x128xf32, #tpu.memory_space<hbm>>) target(%dma_start3A_1487 : memref<32x128xf32, #tpu.memory_space<vmem>>) offsets(%dma_start3A_1492 : memref<32xi32, #tpu.memory_space<vmem>>) semaphore(%arg16 : memref<!tpu.dma_semaphore, #tpu.memory_space<semaphore_mem>>)
        %dma_start3A_1496 = arith.constant 1 : i32
        %dma_start3A_1497 = arith.constant 1 : i32
        %dma_start3A_1498 = arith.constant 0 : i32
        %dma_start3A_1499 = arith.constant 0 : i32
        %dma_start3A_1500 = tpu.memref_slice %arg7[%dma_start3A_1497, %dma_start3A_1498, %dma_start3A_1499] : memref<4x128x128xf32, #tpu.memory_space<vmem>> -> memref<1x128x128xf32, #tpu.memory_space<vmem>>
        %dma_start3A_1501 = tpu.memref_squeeze %dma_start3A_1500 : memref<1x128x128xf32, #tpu.memory_space<vmem>> -> memref<128x128xf32, #tpu.memory_space<vmem>>
        %dma_start3A_1502 = arith.constant 32 : i32
        %dma_start3A_1503 = arith.constant 0 : i32
        %dma_start3A_1504 = tpu.memref_slice %dma_start3A_1501[%dma_start3A_1502, %dma_start3A_1503] : memref<128x128xf32, #tpu.memory_space<vmem>> -> memref<32x128xf32, #tpu.memory_space<vmem>>
        %dma_start3A_1505 = arith.constant 0 : i32
        %dma_start3A_1506 = tpu.memref_slice %arg6[%dma_start3A_1496, %dma_start3A_1505] : memref<4x128xi32, #tpu.memory_space<vmem>> -> memref<1x128xi32, #tpu.memory_space<vmem>>
        %dma_start3A_1507 = tpu.memref_squeeze %dma_start3A_1506 : memref<1x128xi32, #tpu.memory_space<vmem>> -> memref<128xi32, #tpu.memory_space<vmem>>
        %dma_start3A_1508 = arith.constant 32 : i32
        %dma_start3A_1509 = tpu.memref_slice %dma_start3A_1507[%dma_start3A_1508] : memref<128xi32, #tpu.memory_space<vmem>> -> memref<32xi32, #tpu.memory_space<vmem>>
        %dma_start3A_1510 = arith.constant 0 : i32
        %dma_start3A_1511 = arith.constant 0 : i32
        %dma_start3A_1512 = tpu.memref_slice %arg3[%dma_start3A_1510, %dma_start3A_1511] : memref<1000000x128xf32, #tpu.memory_space<hbm>> -> memref<1000000x128xf32, #tpu.memory_space<hbm>>
        tpu.enqueue_indirect_dma source(%dma_start3A_1512 : memref<1000000x128xf32, #tpu.memory_space<hbm>>) target(%dma_start3A_1504 : memref<32x128xf32, #tpu.memory_space<vmem>>) offsets(%dma_start3A_1509 : memref<32xi32, #tpu.memory_space<vmem>>) semaphore(%arg16 : memref<!tpu.dma_semaphore, #tpu.memory_space<semaphore_mem>>)
        %dma_start3A_1513 = arith.constant 1 : i32
        %dma_start3A_1514 = arith.constant 1 : i32
        %dma_start3A_1515 = arith.constant 0 : i32
        %dma_start3A_1516 = arith.constant 0 : i32
        %dma_start3A_1517 = tpu.memref_slice %arg7[%dma_start3A_1514, %dma_start3A_1515, %dma_start3A_1516] : memref<4x128x128xf32, #tpu.memory_space<vmem>> -> memref<1x128x128xf32, #tpu.memory_space<vmem>>
        %dma_start3A_1518 = tpu.memref_squeeze %dma_start3A_1517 : memref<1x128x128xf32, #tpu.memory_space<vmem>> -> memref<128x128xf32, #tpu.memory_space<vmem>>
        %dma_start3A_1519 = arith.constant 64 : i32
        %dma_start3A_1520 = arith.constant 0 : i32
        %dma_start3A_1521 = tpu.memref_slice %dma_start3A_1518[%dma_start3A_1519, %dma_start3A_1520] : memref<128x128xf32, #tpu.memory_space<vmem>> -> memref<32x128xf32, #tpu.memory_space<vmem>>
        %dma_start3A_1522 = arith.constant 0 : i32
        %dma_start3A_1523 = tpu.memref_slice %arg6[%dma_start3A_1513, %dma_start3A_1522] : memref<4x128xi32, #tpu.memory_space<vmem>> -> memref<1x128xi32, #tpu.memory_space<vmem>>
        %dma_start3A_1524 = tpu.memref_squeeze %dma_start3A_1523 : memref<1x128xi32, #tpu.memory_space<vmem>> -> memref<128xi32, #tpu.memory_space<vmem>>
        %dma_start3A_1525 = arith.constant 64 : i32
        %dma_start3A_1526 = tpu.memref_slice %dma_start3A_1524[%dma_start3A_1525] : memref<128xi32, #tpu.memory_space<vmem>> -> memref<32xi32, #tpu.memory_space<vmem>>
        %dma_start3A_1527 = arith.constant 0 : i32
        %dma_start3A_1528 = arith.constant 0 : i32
        %dma_start3A_1529 = tpu.memref_slice %arg3[%dma_start3A_1527, %dma_start3A_1528] : memref<1000000x128xf32, #tpu.memory_space<hbm>> -> memref<1000000x128xf32, #tpu.memory_space<hbm>>
        tpu.enqueue_indirect_dma source(%dma_start3A_1529 : memref<1000000x128xf32, #tpu.memory_space<hbm>>) target(%dma_start3A_1521 : memref<32x128xf32, #tpu.memory_space<vmem>>) offsets(%dma_start3A_1526 : memref<32xi32, #tpu.memory_space<vmem>>) semaphore(%arg16 : memref<!tpu.dma_semaphore, #tpu.memory_space<semaphore_mem>>)
        %dma_start3A_1530 = arith.constant 1 : i32
        %dma_start3A_1531 = arith.constant 1 : i32
        %dma_start3A_1532 = arith.constant 0 : i32
        %dma_start3A_1533 = arith.constant 0 : i32
        %dma_start3A_1534 = tpu.memref_slice %arg7[%dma_start3A_1531, %dma_start3A_1532, %dma_start3A_1533] : memref<4x128x128xf32, #tpu.memory_space<vmem>> -> memref<1x128x128xf32, #tpu.memory_space<vmem>>
        %dma_start3A_1535 = tpu.memref_squeeze %dma_start3A_1534 : memref<1x128x128xf32, #tpu.memory_space<vmem>> -> memref<128x128xf32, #tpu.memory_space<vmem>>
        %dma_start3A_1536 = arith.constant 96 : i32
        %dma_start3A_1537 = arith.constant 0 : i32
        %dma_start3A_1538 = tpu.memref_slice %dma_start3A_1535[%dma_start3A_1536, %dma_start3A_1537] : memref<128x128xf32, #tpu.memory_space<vmem>> -> memref<32x128xf32, #tpu.memory_space<vmem>>
        %dma_start3A_1539 = arith.constant 0 : i32
        %dma_start3A_1540 = tpu.memref_slice %arg6[%dma_start3A_1530, %dma_start3A_1539] : memref<4x128xi32, #tpu.memory_space<vmem>> -> memref<1x128xi32, #tpu.memory_space<vmem>>
        %dma_start3A_1541 = tpu.memref_squeeze %dma_start3A_1540 : memref<1x128xi32, #tpu.memory_space<vmem>> -> memref<128xi32, #tpu.memory_space<vmem>>
        %dma_start3A_1542 = arith.constant 96 : i32
        %dma_start3A_1543 = tpu.memref_slice %dma_start3A_1541[%dma_start3A_1542] : memref<128xi32, #tpu.memory_space<vmem>> -> memref<32xi32, #tpu.memory_space<vmem>>
        %dma_start3A_1544 = arith.constant 0 : i32
        %dma_start3A_1545 = arith.constant 0 : i32
        %dma_start3A_1546 = tpu.memref_slice %arg3[%dma_start3A_1544, %dma_start3A_1545] : memref<1000000x128xf32, #tpu.memory_space<hbm>> -> memref<1000000x128xf32, #tpu.memory_space<hbm>>
        tpu.enqueue_indirect_dma source(%dma_start3A_1546 : memref<1000000x128xf32, #tpu.memory_space<hbm>>) target(%dma_start3A_1538 : memref<32x128xf32, #tpu.memory_space<vmem>>) offsets(%dma_start3A_1543 : memref<32xi32, #tpu.memory_space<vmem>>) semaphore(%arg16 : memref<!tpu.dma_semaphore, #tpu.memory_space<semaphore_mem>>)
      } else {
      }
      %ge3A_1191 = arith.constant 4 : i32
      %ge3A_1192 = arith.cmpi sge, %add3A_1172, %ge3A_1191 : i32
      %convert_element_type3A_1193 = arith.extui %ge3A_1192 : i1 to i32
      %cond3A_1194 = arith.constant 0 : i32
      %cond3A_1195 = arith.cmpi ne, %convert_element_type3A_1193, %cond3A_1194 : i32
      scf.if %cond3A_1195 {
        %mul3A_1464 = arith.constant 128 : i32
        %mul3A_1465 = arith.muli %add3A, %mul3A_1464 : i32
        %dma_wait3A_1466 = arith.constant 3 : i32
        %dma_wait3A_1467 = arith.constant 0 : i32
        %dma_wait3A_1468 = arith.constant 0 : i32
        %dma_wait3A_1469 = arith.constant 0 : i32
        %dma_wait3A_1470 = tpu.memref_slice %arg8[%dma_wait3A_1466, %dma_wait3A_1468, %dma_wait3A_1469] : memref<4x64x128xf32, #tpu.memory_space<vmem>> -> memref<1x64x128xf32, #tpu.memory_space<vmem>>
        %dma_wait3A_1471 = tpu.memref_squeeze %dma_wait3A_1470 : memref<1x64x128xf32, #tpu.memory_space<vmem>> -> memref<64x128xf32, #tpu.memory_space<vmem>>
        %dma_wait3A_1472 = arith.constant 0 : i32
        %dma_wait3A_1473 = tpu.memref_slice %arg5[%dma_wait3A_1467, %dma_wait3A_1472, %mul3A_1465] : memref<200x64x4096xf32, #tpu.memory_space<hbm>> -> memref<1x64x128xf32, #tpu.memory_space<hbm>>
        %dma_wait3A_1474 = tpu.memref_squeeze %dma_wait3A_1473 : memref<1x64x128xf32, #tpu.memory_space<hbm>> -> memref<64x128xf32, #tpu.memory_space<hbm>>
        %dma_wait3A_1475 = arith.constant 0 : i32
        %dma_wait3A_1476 = tpu.memref_slice %arg5[%dma_wait3A_1467, %dma_wait3A_1475, %mul3A_1465] : memref<200x64x4096xf32, #tpu.memory_space<hbm>> -> memref<1x64x128xf32, #tpu.memory_space<hbm>>
        %dma_wait3A_1477 = tpu.memref_squeeze %dma_wait3A_1476 : memref<1x64x128xf32, #tpu.memory_space<hbm>> -> memref<64x128xf32, #tpu.memory_space<hbm>>
        %dma_wait3A_1478 = arith.constant 0 : i32
        %dma_wait3A_1479 = arith.constant 0 : i32
        %dma_wait3A_1480 = tpu.memref_slice %arg8[%dma_wait3A_1466, %dma_wait3A_1478, %dma_wait3A_1479] : memref<4x64x128xf32, #tpu.memory_space<vmem>> -> memref<1x64x128xf32, #tpu.memory_space<vmem>>
        %dma_wait3A_1481 = tpu.memref_squeeze %dma_wait3A_1480 : memref<1x64x128xf32, #tpu.memory_space<vmem>> -> memref<64x128xf32, #tpu.memory_space<vmem>>
        tpu.wait_dma2 semaphore(%arg22 : memref<!tpu.dma_semaphore, #tpu.memory_space<semaphore_mem>>) src(%dma_wait3A_1481 : memref<64x128xf32, #tpu.memory_space<vmem>>) dst(%dma_wait3A_1477 : memref<64x128xf32, #tpu.memory_space<hbm>>)
      } else {
      }
      %dma_wait3A_1196 = arith.constant 3 : i32
      %dma_wait3A_1197 = arith.constant 3 : i32
      %dma_wait3A_1198 = arith.constant 0 : i32
      %dma_wait3A_1199 = arith.constant 0 : i32
      %dma_wait3A_1200 = tpu.memref_slice %arg7[%dma_wait3A_1197, %dma_wait3A_1198, %dma_wait3A_1199] : memref<4x128x128xf32, #tpu.memory_space<vmem>> -> memref<1x128x128xf32, #tpu.memory_space<vmem>>
      %dma_wait3A_1201 = tpu.memref_squeeze %dma_wait3A_1200 : memref<1x128x128xf32, #tpu.memory_space<vmem>> -> memref<128x128xf32, #tpu.memory_space<vmem>>
      %dma_wait3A_1202 = arith.constant 0 : i32
      %dma_wait3A_1203 = arith.constant 0 : i32
      %dma_wait3A_1204 = tpu.memref_slice %dma_wait3A_1201[%dma_wait3A_1202, %dma_wait3A_1203] : memref<128x128xf32, #tpu.memory_space<vmem>> -> memref<32x128xf32, #tpu.memory_space<vmem>>
      %dma_wait3A_1205 = arith.constant 0 : i32
      %dma_wait3A_1206 = tpu.memref_slice %arg6[%dma_wait3A_1196, %dma_wait3A_1205] : memref<4x128xi32, #tpu.memory_space<vmem>> -> memref<1x128xi32, #tpu.memory_space<vmem>>
      %dma_wait3A_1207 = tpu.memref_squeeze %dma_wait3A_1206 : memref<1x128xi32, #tpu.memory_space<vmem>> -> memref<128xi32, #tpu.memory_space<vmem>>
      %dma_wait3A_1208 = arith.constant 0 : i32
      %dma_wait3A_1209 = tpu.memref_slice %dma_wait3A_1207[%dma_wait3A_1208] : memref<128xi32, #tpu.memory_space<vmem>> -> memref<32xi32, #tpu.memory_space<vmem>>
      %dma_wait3A_1210 = arith.constant 0 : i32
      %dma_wait3A_1211 = arith.constant 0 : i32
      %dma_wait3A_1212 = tpu.memref_slice %arg3[%dma_wait3A_1210, %dma_wait3A_1211] : memref<1000000x128xf32, #tpu.memory_space<hbm>> -> memref<1000000x128xf32, #tpu.memory_space<hbm>>
      tpu.wait_indirect_dma semaphore(%arg18 : memref<!tpu.dma_semaphore, #tpu.memory_space<semaphore_mem>>) src(%dma_wait3A_1212 : memref<1000000x128xf32, #tpu.memory_space<hbm>>) dst(%dma_wait3A_1204 : memref<32x128xf32, #tpu.memory_space<vmem>>)
      %dma_wait3A_1213 = arith.constant 3 : i32
      %dma_wait3A_1214 = arith.constant 3 : i32
      %dma_wait3A_1215 = arith.constant 0 : i32
      %dma_wait3A_1216 = arith.constant 0 : i32
      %dma_wait3A_1217 = tpu.memref_slice %arg7[%dma_wait3A_1214, %dma_wait3A_1215, %dma_wait3A_1216] : memref<4x128x128xf32, #tpu.memory_space<vmem>> -> memref<1x128x128xf32, #tpu.memory_space<vmem>>
      %dma_wait3A_1218 = tpu.memref_squeeze %dma_wait3A_1217 : memref<1x128x128xf32, #tpu.memory_space<vmem>> -> memref<128x128xf32, #tpu.memory_space<vmem>>
      %dma_wait3A_1219 = arith.constant 32 : i32
      %dma_wait3A_1220 = arith.constant 0 : i32
      %dma_wait3A_1221 = tpu.memref_slice %dma_wait3A_1218[%dma_wait3A_1219, %dma_wait3A_1220] : memref<128x128xf32, #tpu.memory_space<vmem>> -> memref<32x128xf32, #tpu.memory_space<vmem>>
      %dma_wait3A_1222 = arith.constant 0 : i32
      %dma_wait3A_1223 = tpu.memref_slice %arg6[%dma_wait3A_1213, %dma_wait3A_1222] : memref<4x128xi32, #tpu.memory_space<vmem>> -> memref<1x128xi32, #tpu.memory_space<vmem>>
      %dma_wait3A_1224 = tpu.memref_squeeze %dma_wait3A_1223 : memref<1x128xi32, #tpu.memory_space<vmem>> -> memref<128xi32, #tpu.memory_space<vmem>>
      %dma_wait3A_1225 = arith.constant 32 : i32
      %dma_wait3A_1226 = tpu.memref_slice %dma_wait3A_1224[%dma_wait3A_1225] : memref<128xi32, #tpu.memory_space<vmem>> -> memref<32xi32, #tpu.memory_space<vmem>>
      %dma_wait3A_1227 = arith.constant 0 : i32
      %dma_wait3A_1228 = arith.constant 0 : i32
      %dma_wait3A_1229 = tpu.memref_slice %arg3[%dma_wait3A_1227, %dma_wait3A_1228] : memref<1000000x128xf32, #tpu.memory_space<hbm>> -> memref<1000000x128xf32, #tpu.memory_space<hbm>>
      tpu.wait_indirect_dma semaphore(%arg18 : memref<!tpu.dma_semaphore, #tpu.memory_space<semaphore_mem>>) src(%dma_wait3A_1229 : memref<1000000x128xf32, #tpu.memory_space<hbm>>) dst(%dma_wait3A_1221 : memref<32x128xf32, #tpu.memory_space<vmem>>)
      %dma_wait3A_1230 = arith.constant 3 : i32
      %dma_wait3A_1231 = arith.constant 3 : i32
      %dma_wait3A_1232 = arith.constant 0 : i32
      %dma_wait3A_1233 = arith.constant 0 : i32
      %dma_wait3A_1234 = tpu.memref_slice %arg7[%dma_wait3A_1231, %dma_wait3A_1232, %dma_wait3A_1233] : memref<4x128x128xf32, #tpu.memory_space<vmem>> -> memref<1x128x128xf32, #tpu.memory_space<vmem>>
      %dma_wait3A_1235 = tpu.memref_squeeze %dma_wait3A_1234 : memref<1x128x128xf32, #tpu.memory_space<vmem>> -> memref<128x128xf32, #tpu.memory_space<vmem>>
      %dma_wait3A_1236 = arith.constant 64 : i32
      %dma_wait3A_1237 = arith.constant 0 : i32
      %dma_wait3A_1238 = tpu.memref_slice %dma_wait3A_1235[%dma_wait3A_1236, %dma_wait3A_1237] : memref<128x128xf32, #tpu.memory_space<vmem>> -> memref<32x128xf32, #tpu.memory_space<vmem>>
      %dma_wait3A_1239 = arith.constant 0 : i32
      %dma_wait3A_1240 = tpu.memref_slice %arg6[%dma_wait3A_1230, %dma_wait3A_1239] : memref<4x128xi32, #tpu.memory_space<vmem>> -> memref<1x128xi32, #tpu.memory_space<vmem>>
      %dma_wait3A_1241 = tpu.memref_squeeze %dma_wait3A_1240 : memref<1x128xi32, #tpu.memory_space<vmem>> -> memref<128xi32, #tpu.memory_space<vmem>>
      %dma_wait3A_1242 = arith.constant 64 : i32
      %dma_wait3A_1243 = tpu.memref_slice %dma_wait3A_1241[%dma_wait3A_1242] : memref<128xi32, #tpu.memory_space<vmem>> -> memref<32xi32, #tpu.memory_space<vmem>>
      %dma_wait3A_1244 = arith.constant 0 : i32
      %dma_wait3A_1245 = arith.constant 0 : i32
      %dma_wait3A_1246 = tpu.memref_slice %arg3[%dma_wait3A_1244, %dma_wait3A_1245] : memref<1000000x128xf32, #tpu.memory_space<hbm>> -> memref<1000000x128xf32, #tpu.memory_space<hbm>>
      tpu.wait_indirect_dma semaphore(%arg18 : memref<!tpu.dma_semaphore, #tpu.memory_space<semaphore_mem>>) src(%dma_wait3A_1246 : memref<1000000x128xf32, #tpu.memory_space<hbm>>) dst(%dma_wait3A_1238 : memref<32x128xf32, #tpu.memory_space<vmem>>)
      %dma_wait3A_1247 = arith.constant 3 : i32
      %dma_wait3A_1248 = arith.constant 3 : i32
      %dma_wait3A_1249 = arith.constant 0 : i32
      %dma_wait3A_1250 = arith.constant 0 : i32
      %dma_wait3A_1251 = tpu.memref_slice %arg7[%dma_wait3A_1248, %dma_wait3A_1249, %dma_wait3A_1250] : memref<4x128x128xf32, #tpu.memory_space<vmem>> -> memref<1x128x128xf32, #tpu.memory_space<vmem>>
      %dma_wait3A_1252 = tpu.memref_squeeze %dma_wait3A_1251 : memref<1x128x128xf32, #tpu.memory_space<vmem>> -> memref<128x128xf32, #tpu.memory_space<vmem>>
      %dma_wait3A_1253 = arith.constant 96 : i32
      %dma_wait3A_1254 = arith.constant 0 : i32
      %dma_wait3A_1255 = tpu.memref_slice %dma_wait3A_1252[%dma_wait3A_1253, %dma_wait3A_1254] : memref<128x128xf32, #tpu.memory_space<vmem>> -> memref<32x128xf32, #tpu.memory_space<vmem>>
      %dma_wait3A_1256 = arith.constant 0 : i32
      %dma_wait3A_1257 = tpu.memref_slice %arg6[%dma_wait3A_1247, %dma_wait3A_1256] : memref<4x128xi32, #tpu.memory_space<vmem>> -> memref<1x128xi32, #tpu.memory_space<vmem>>
      %dma_wait3A_1258 = tpu.memref_squeeze %dma_wait3A_1257 : memref<1x128xi32, #tpu.memory_space<vmem>> -> memref<128xi32, #tpu.memory_space<vmem>>
      %dma_wait3A_1259 = arith.constant 96 : i32
      %dma_wait3A_1260 = tpu.memref_slice %dma_wait3A_1258[%dma_wait3A_1259] : memref<128xi32, #tpu.memory_space<vmem>> -> memref<32xi32, #tpu.memory_space<vmem>>
      %dma_wait3A_1261 = arith.constant 0 : i32
      %dma_wait3A_1262 = arith.constant 0 : i32
      %dma_wait3A_1263 = tpu.memref_slice %arg3[%dma_wait3A_1261, %dma_wait3A_1262] : memref<1000000x128xf32, #tpu.memory_space<hbm>> -> memref<1000000x128xf32, #tpu.memory_space<hbm>>
      tpu.wait_indirect_dma semaphore(%arg18 : memref<!tpu.dma_semaphore, #tpu.memory_space<semaphore_mem>>) src(%dma_wait3A_1263 : memref<1000000x128xf32, #tpu.memory_space<hbm>>) dst(%dma_wait3A_1255 : memref<32x128xf32, #tpu.memory_space<vmem>>)
      %mul3A_1264 = arith.constant 64 : i32
      %mul3A_1265 = arith.muli %add3A_1172, %mul3A_1264 : i32
      %add3A_1266 = arith.constant 0 : i32
      %add3A_1267 = arith.addi %mul3A_1265, %add3A_1266 : i32
      %get3A_1268 = arith.index_cast %add3A_1267 : i32 to index
      %get3A_1269 = tpu.vector_load %arg9[%get3A_1268] {strides = array<i32>} : memref<12800xf32, #tpu.memory_space<vmem>>, vector<16xf32>,
      %add3A_1270 = arith.constant 16 : i32
      %add3A_1271 = arith.addi %mul3A_1265, %add3A_1270 : i32
      %get3A_1272 = arith.index_cast %add3A_1271 : i32 to index
      %get3A_1273 = tpu.vector_load %arg9[%get3A_1272] {strides = array<i32>} : memref<12800xf32, #tpu.memory_space<vmem>>, vector<16xf32>,
      %add3A_1274 = arith.constant 32 : i32
      %add3A_1275 = arith.addi %mul3A_1265, %add3A_1274 : i32
      %get3A_1276 = arith.index_cast %add3A_1275 : i32 to index
      %get3A_1277 = tpu.vector_load %arg9[%get3A_1276] {strides = array<i32>} : memref<12800xf32, #tpu.memory_space<vmem>>, vector<16xf32>,
      %add3A_1278 = arith.constant 48 : i32
      %add3A_1279 = arith.addi %mul3A_1265, %add3A_1278 : i32
      %get3A_1280 = arith.index_cast %add3A_1279 : i32 to index
      %get3A_1281 = tpu.vector_load %arg9[%get3A_1280] {strides = array<i32>} : memref<12800xf32, #tpu.memory_space<vmem>>, vector<16xf32>,
      %add3A_1282 = arith.constant 0 : i32
      %add3A_1283 = vector.broadcast %add3A_1282 : i32 to vector<16xi32>
      %add3A_1284 = arith.addi %mul3A_3, %add3A_1283 : vector<16xi32>
      %add3A_1285 = arith.constant 2064 : i32
      %add3A_1286 = vector.broadcast %add3A_1285 : i32 to vector<16xi32>
      %add3A_1287 = arith.addi %mul3A_3, %add3A_1286 : vector<16xi32>
      %add3A_1288 = arith.constant 4128 : i32
      %add3A_1289 = vector.broadcast %add3A_1288 : i32 to vector<16xi32>
      %add3A_1290 = arith.addi %mul3A_3, %add3A_1289 : vector<16xi32>
      %add3A_1291 = arith.constant 6192 : i32
      %add3A_1292 = vector.broadcast %add3A_1291 : i32 to vector<16xi32>
      %add3A_1293 = arith.addi %mul3A_3, %add3A_1292 : vector<16xi32>
      %scan3A_1294 = arith.constant 0 : i32
      %scan3A_1295 = arith.constant 128 : i32
      %scan3A_1296 = arith.addi %scan3A_1294, %scan3A_1295 : i32
      %scan3A_1297 = arith.constant 4 : i32
      scf.for %scan3A_1464 = %scan3A_1294 to %scan3A_1296 step %scan3A_1297  : i32 {
        %get3A_1465 = arith.constant 3 : i32
        %get3A_1466 = arith.index_cast %get3A_1465 : i32 to index
        %get3A_1467 = arith.index_cast %scan3A_1464 : i32 to index
        %get3A_1468 = arith.constant 0 : index
        %get3A_1469 = tpu.vector_load %arg7[%get3A_1466, %get3A_1467, %get3A_1468] {strides = array<i32>} : memref<4x128x128xf32, #tpu.memory_space<vmem>>, vector<16xf32>,
        %get3A_1470 = arith.constant 3 : i32
        %get3A_1471 = arith.index_cast %get3A_1470 : i32 to index
        %get3A_1472 = arith.index_cast %scan3A_1464 : i32 to index
        %get3A_1473 = arith.constant 16 : index
        %get3A_1474 = tpu.vector_load %arg7[%get3A_1471, %get3A_1472, %get3A_1473] {strides = array<i32>} : memref<4x128x128xf32, #tpu.memory_space<vmem>>, vector<16xf32>,
        %get3A_1475 = arith.constant 3 : i32
        %get3A_1476 = arith.index_cast %get3A_1475 : i32 to index
        %get3A_1477 = arith.index_cast %scan3A_1464 : i32 to index
        %get3A_1478 = arith.constant 32 : index
        %get3A_1479 = tpu.vector_load %arg7[%get3A_1476, %get3A_1477, %get3A_1478] {strides = array<i32>} : memref<4x128x128xf32, #tpu.memory_space<vmem>>, vector<16xf32>,
        %get3A_1480 = arith.constant 3 : i32
        %get3A_1481 = arith.index_cast %get3A_1480 : i32 to index
        %get3A_1482 = arith.index_cast %scan3A_1464 : i32 to index
        %get3A_1483 = arith.constant 48 : index
        %get3A_1484 = tpu.vector_load %arg7[%get3A_1481, %get3A_1482, %get3A_1483] {strides = array<i32>} : memref<4x128x128xf32, #tpu.memory_space<vmem>>, vector<16xf32>,
        %add3A_1485 = vector.broadcast %scan3A_1464 : i32 to vector<16xi32>
        %add3A_1486 = arith.addi %add3A_1284, %add3A_1485 : vector<16xi32>
        %add3A_1487 = vector.broadcast %scan3A_1464 : i32 to vector<16xi32>
        %add3A_1488 = arith.addi %add3A_1287, %add3A_1487 : vector<16xi32>
        %add3A_1489 = vector.broadcast %scan3A_1464 : i32 to vector<16xi32>
        %add3A_1490 = arith.addi %add3A_1290, %add3A_1489 : vector<16xi32>
        %add3A_1491 = vector.broadcast %scan3A_1464 : i32 to vector<16xi32>
        %add3A_1492 = arith.addi %add3A_1293, %add3A_1491 : vector<16xi32>
        %add3A_1493 = arith.addf %get3A_1469, %get3A_1269 : vector<16xf32>
        %add3A_1494 = arith.addf %get3A_1474, %get3A_1273 : vector<16xf32>
        %add3A_1495 = arith.addf %get3A_1479, %get3A_1277 : vector<16xf32>
        %add3A_1496 = arith.addf %get3A_1484, %get3A_1281 : vector<16xf32>
        tpu.vector_store_idx %arg10[%add3A_1486], %add3A_1493 : memref<8256xf32, #tpu.memory_space<vmem>>[vector<16xi32>], vector<16xf32>,
        tpu.vector_store_idx %arg10[%add3A_1488], %add3A_1494 : memref<8256xf32, #tpu.memory_space<vmem>>[vector<16xi32>], vector<16xf32>,
        tpu.vector_store_idx %arg10[%add3A_1490], %add3A_1495 : memref<8256xf32, #tpu.memory_space<vmem>>[vector<16xi32>], vector<16xf32>,
        tpu.vector_store_idx %arg10[%add3A_1492], %add3A_1496 : memref<8256xf32, #tpu.memory_space<vmem>>[vector<16xi32>], vector<16xf32>,
        %scan3A_1497 = arith.constant 1 : i32
        %scan3A_1498 = arith.addi %scan3A_1464, %scan3A_1497 : i32
        %get3A_1499 = arith.constant 3 : i32
        %get3A_1500 = arith.index_cast %get3A_1499 : i32 to index
        %get3A_1501 = arith.index_cast %scan3A_1498 : i32 to index
        %get3A_1502 = arith.constant 0 : index
        %get3A_1503 = tpu.vector_load %arg7[%get3A_1500, %get3A_1501, %get3A_1502] {strides = array<i32>} : memref<4x128x128xf32, #tpu.memory_space<vmem>>, vector<16xf32>,
        %get3A_1504 = arith.constant 3 : i32
        %get3A_1505 = arith.index_cast %get3A_1504 : i32 to index
        %get3A_1506 = arith.index_cast %scan3A_1498 : i32 to index
        %get3A_1507 = arith.constant 16 : index
        %get3A_1508 = tpu.vector_load %arg7[%get3A_1505, %get3A_1506, %get3A_1507] {strides = array<i32>} : memref<4x128x128xf32, #tpu.memory_space<vmem>>, vector<16xf32>,
        %get3A_1509 = arith.constant 3 : i32
        %get3A_1510 = arith.index_cast %get3A_1509 : i32 to index
        %get3A_1511 = arith.index_cast %scan3A_1498 : i32 to index
        %get3A_1512 = arith.constant 32 : index
        %get3A_1513 = tpu.vector_load %arg7[%get3A_1510, %get3A_1511, %get3A_1512] {strides = array<i32>} : memref<4x128x128xf32, #tpu.memory_space<vmem>>, vector<16xf32>,
        %get3A_1514 = arith.constant 3 : i32
        %get3A_1515 = arith.index_cast %get3A_1514 : i32 to index
        %get3A_1516 = arith.index_cast %scan3A_1498 : i32 to index
        %get3A_1517 = arith.constant 48 : index
        %get3A_1518 = tpu.vector_load %arg7[%get3A_1515, %get3A_1516, %get3A_1517] {strides = array<i32>} : memref<4x128x128xf32, #tpu.memory_space<vmem>>, vector<16xf32>,
        %add3A_1519 = vector.broadcast %scan3A_1498 : i32 to vector<16xi32>
        %add3A_1520 = arith.addi %add3A_1284, %add3A_1519 : vector<16xi32>
        %add3A_1521 = vector.broadcast %scan3A_1498 : i32 to vector<16xi32>
        %add3A_1522 = arith.addi %add3A_1287, %add3A_1521 : vector<16xi32>
        %add3A_1523 = vector.broadcast %scan3A_1498 : i32 to vector<16xi32>
        %add3A_1524 = arith.addi %add3A_1290, %add3A_1523 : vector<16xi32>
        %add3A_1525 = vector.broadcast %scan3A_1498 : i32 to vector<16xi32>
        %add3A_1526 = arith.addi %add3A_1293, %add3A_1525 : vector<16xi32>
        %add3A_1527 = arith.addf %get3A_1503, %get3A_1269 : vector<16xf32>
        %add3A_1528 = arith.addf %get3A_1508, %get3A_1273 : vector<16xf32>
        %add3A_1529 = arith.addf %get3A_1513, %get3A_1277 : vector<16xf32>
        %add3A_1530 = arith.addf %get3A_1518, %get3A_1281 : vector<16xf32>
        tpu.vector_store_idx %arg10[%add3A_1520], %add3A_1527 : memref<8256xf32, #tpu.memory_space<vmem>>[vector<16xi32>], vector<16xf32>,
        tpu.vector_store_idx %arg10[%add3A_1522], %add3A_1528 : memref<8256xf32, #tpu.memory_space<vmem>>[vector<16xi32>], vector<16xf32>,
        tpu.vector_store_idx %arg10[%add3A_1524], %add3A_1529 : memref<8256xf32, #tpu.memory_space<vmem>>[vector<16xi32>], vector<16xf32>,
        tpu.vector_store_idx %arg10[%add3A_1526], %add3A_1530 : memref<8256xf32, #tpu.memory_space<vmem>>[vector<16xi32>], vector<16xf32>,
        %scan3A_1531 = arith.constant 2 : i32
        %scan3A_1532 = arith.addi %scan3A_1464, %scan3A_1531 : i32
        %get3A_1533 = arith.constant 3 : i32
        %get3A_1534 = arith.index_cast %get3A_1533 : i32 to index
        %get3A_1535 = arith.index_cast %scan3A_1532 : i32 to index
        %get3A_1536 = arith.constant 0 : index
        %get3A_1537 = tpu.vector_load %arg7[%get3A_1534, %get3A_1535, %get3A_1536] {strides = array<i32>} : memref<4x128x128xf32, #tpu.memory_space<vmem>>, vector<16xf32>,
        %get3A_1538 = arith.constant 3 : i32
        %get3A_1539 = arith.index_cast %get3A_1538 : i32 to index
        %get3A_1540 = arith.index_cast %scan3A_1532 : i32 to index
        %get3A_1541 = arith.constant 16 : index
        %get3A_1542 = tpu.vector_load %arg7[%get3A_1539, %get3A_1540, %get3A_1541] {strides = array<i32>} : memref<4x128x128xf32, #tpu.memory_space<vmem>>, vector<16xf32>,
        %get3A_1543 = arith.constant 3 : i32
        %get3A_1544 = arith.index_cast %get3A_1543 : i32 to index
        %get3A_1545 = arith.index_cast %scan3A_1532 : i32 to index
        %get3A_1546 = arith.constant 32 : index
        %get3A_1547 = tpu.vector_load %arg7[%get3A_1544, %get3A_1545, %get3A_1546] {strides = array<i32>} : memref<4x128x128xf32, #tpu.memory_space<vmem>>, vector<16xf32>,
        %get3A_1548 = arith.constant 3 : i32
        %get3A_1549 = arith.index_cast %get3A_1548 : i32 to index
        %get3A_1550 = arith.index_cast %scan3A_1532 : i32 to index
        %get3A_1551 = arith.constant 48 : index
        %get3A_1552 = tpu.vector_load %arg7[%get3A_1549, %get3A_1550, %get3A_1551] {strides = array<i32>} : memref<4x128x128xf32, #tpu.memory_space<vmem>>, vector<16xf32>,
        %add3A_1553 = vector.broadcast %scan3A_1532 : i32 to vector<16xi32>
        %add3A_1554 = arith.addi %add3A_1284, %add3A_1553 : vector<16xi32>
        %add3A_1555 = vector.broadcast %scan3A_1532 : i32 to vector<16xi32>
        %add3A_1556 = arith.addi %add3A_1287, %add3A_1555 : vector<16xi32>
        %add3A_1557 = vector.broadcast %scan3A_1532 : i32 to vector<16xi32>
        %add3A_1558 = arith.addi %add3A_1290, %add3A_1557 : vector<16xi32>
        %add3A_1559 = vector.broadcast %scan3A_1532 : i32 to vector<16xi32>
        %add3A_1560 = arith.addi %add3A_1293, %add3A_1559 : vector<16xi32>
        %add3A_1561 = arith.addf %get3A_1537, %get3A_1269 : vector<16xf32>
        %add3A_1562 = arith.addf %get3A_1542, %get3A_1273 : vector<16xf32>
        %add3A_1563 = arith.addf %get3A_1547, %get3A_1277 : vector<16xf32>
        %add3A_1564 = arith.addf %get3A_1552, %get3A_1281 : vector<16xf32>
        tpu.vector_store_idx %arg10[%add3A_1554], %add3A_1561 : memref<8256xf32, #tpu.memory_space<vmem>>[vector<16xi32>], vector<16xf32>,
        tpu.vector_store_idx %arg10[%add3A_1556], %add3A_1562 : memref<8256xf32, #tpu.memory_space<vmem>>[vector<16xi32>], vector<16xf32>,
        tpu.vector_store_idx %arg10[%add3A_1558], %add3A_1563 : memref<8256xf32, #tpu.memory_space<vmem>>[vector<16xi32>], vector<16xf32>,
        tpu.vector_store_idx %arg10[%add3A_1560], %add3A_1564 : memref<8256xf32, #tpu.memory_space<vmem>>[vector<16xi32>], vector<16xf32>,
        %scan3A_1565 = arith.constant 3 : i32
        %scan3A_1566 = arith.addi %scan3A_1464, %scan3A_1565 : i32
        %get3A_1567 = arith.constant 3 : i32
        %get3A_1568 = arith.index_cast %get3A_1567 : i32 to index
        %get3A_1569 = arith.index_cast %scan3A_1566 : i32 to index
        %get3A_1570 = arith.constant 0 : index
        %get3A_1571 = tpu.vector_load %arg7[%get3A_1568, %get3A_1569, %get3A_1570] {strides = array<i32>} : memref<4x128x128xf32, #tpu.memory_space<vmem>>, vector<16xf32>,
        %get3A_1572 = arith.constant 3 : i32
        %get3A_1573 = arith.index_cast %get3A_1572 : i32 to index
        %get3A_1574 = arith.index_cast %scan3A_1566 : i32 to index
        %get3A_1575 = arith.constant 16 : index
        %get3A_1576 = tpu.vector_load %arg7[%get3A_1573, %get3A_1574, %get3A_1575] {strides = array<i32>} : memref<4x128x128xf32, #tpu.memory_space<vmem>>, vector<16xf32>,
        %get3A_1577 = arith.constant 3 : i32
        %get3A_1578 = arith.index_cast %get3A_1577 : i32 to index
        %get3A_1579 = arith.index_cast %scan3A_1566 : i32 to index
        %get3A_1580 = arith.constant 32 : index
        %get3A_1581 = tpu.vector_load %arg7[%get3A_1578, %get3A_1579, %get3A_1580] {strides = array<i32>} : memref<4x128x128xf32, #tpu.memory_space<vmem>>, vector<16xf32>,
        %get3A_1582 = arith.constant 3 : i32
        %get3A_1583 = arith.index_cast %get3A_1582 : i32 to index
        %get3A_1584 = arith.index_cast %scan3A_1566 : i32 to index
        %get3A_1585 = arith.constant 48 : index
        %get3A_1586 = tpu.vector_load %arg7[%get3A_1583, %get3A_1584, %get3A_1585] {strides = array<i32>} : memref<4x128x128xf32, #tpu.memory_space<vmem>>, vector<16xf32>,
        %add3A_1587 = vector.broadcast %scan3A_1566 : i32 to vector<16xi32>
        %add3A_1588 = arith.addi %add3A_1284, %add3A_1587 : vector<16xi32>
        %add3A_1589 = vector.broadcast %scan3A_1566 : i32 to vector<16xi32>
        %add3A_1590 = arith.addi %add3A_1287, %add3A_1589 : vector<16xi32>
        %add3A_1591 = vector.broadcast %scan3A_1566 : i32 to vector<16xi32>
        %add3A_1592 = arith.addi %add3A_1290, %add3A_1591 : vector<16xi32>
        %add3A_1593 = vector.broadcast %scan3A_1566 : i32 to vector<16xi32>
        %add3A_1594 = arith.addi %add3A_1293, %add3A_1593 : vector<16xi32>
        %add3A_1595 = arith.addf %get3A_1571, %get3A_1269 : vector<16xf32>
        %add3A_1596 = arith.addf %get3A_1576, %get3A_1273 : vector<16xf32>
        %add3A_1597 = arith.addf %get3A_1581, %get3A_1277 : vector<16xf32>
        %add3A_1598 = arith.addf %get3A_1586, %get3A_1281 : vector<16xf32>
        tpu.vector_store_idx %arg10[%add3A_1588], %add3A_1595 : memref<8256xf32, #tpu.memory_space<vmem>>[vector<16xi32>], vector<16xf32>,
        tpu.vector_store_idx %arg10[%add3A_1590], %add3A_1596 : memref<8256xf32, #tpu.memory_space<vmem>>[vector<16xi32>], vector<16xf32>,
        tpu.vector_store_idx %arg10[%add3A_1592], %add3A_1597 : memref<8256xf32, #tpu.memory_space<vmem>>[vector<16xi32>], vector<16xf32>,
        tpu.vector_store_idx %arg10[%add3A_1594], %add3A_1598 : memref<8256xf32, #tpu.memory_space<vmem>>[vector<16xi32>], vector<16xf32>,
      }
      %scan3A_1298 = arith.constant 128 : i32
      %get3A_1299 = arith.constant 0 : index
      %get3A_1300 = tpu.vector_load %arg10[%get3A_1299] {strides = array<i32>} : memref<8256xf32, #tpu.memory_space<vmem>>, vector<16xf32>,
      %get3A_1301 = arith.constant 16 : index
      %get3A_1302 = tpu.vector_load %arg10[%get3A_1301] {strides = array<i32>} : memref<8256xf32, #tpu.memory_space<vmem>>, vector<16xf32>,
      %get3A_1303 = arith.constant 32 : index
      %get3A_1304 = tpu.vector_load %arg10[%get3A_1303] {strides = array<i32>} : memref<8256xf32, #tpu.memory_space<vmem>>, vector<16xf32>,
      %get3A_1305 = arith.constant 48 : index
      %get3A_1306 = tpu.vector_load %arg10[%get3A_1305] {strides = array<i32>} : memref<8256xf32, #tpu.memory_space<vmem>>, vector<16xf32>,
      %get3A_1307 = arith.constant 64 : index
      %get3A_1308 = tpu.vector_load %arg10[%get3A_1307] {strides = array<i32>} : memref<8256xf32, #tpu.memory_space<vmem>>, vector<16xf32>,
      %get3A_1309 = arith.constant 80 : index
      %get3A_1310 = tpu.vector_load %arg10[%get3A_1309] {strides = array<i32>} : memref<8256xf32, #tpu.memory_space<vmem>>, vector<16xf32>,
      %get3A_1311 = arith.constant 96 : index
      %get3A_1312 = tpu.vector_load %arg10[%get3A_1311] {strides = array<i32>} : memref<8256xf32, #tpu.memory_space<vmem>>, vector<16xf32>,
      %get3A_1313 = arith.constant 112 : index
      %get3A_1314 = tpu.vector_load %arg10[%get3A_1313] {strides = array<i32>} : memref<8256xf32, #tpu.memory_space<vmem>>, vector<16xf32>,
      %scan3A_1315 = arith.constant 0 : i32
      %scan3A_1316 = arith.constant 62 : i32
      %scan3A_1317 = arith.addi %scan3A_1315, %scan3A_1316 : i32
      %scan3A_1318 = arith.constant 2 : i32
      %scan3A_1319:8 = scf.for %scan3A_1464 = %scan3A_1315 to %scan3A_1317 step %scan3A_1318 iter_args(%scan3A_1465 = %get3A_1300, %scan3A_1466 = %get3A_1302, %scan3A_1467 = %get3A_1304, %scan3A_1468 = %get3A_1306, %scan3A_1469 = %get3A_1308, %scan3A_1470 = %get3A_1310, %scan3A_1471 = %get3A_1312, %scan3A_1472 = %get3A_1314) -> (vector<16xf32>, vector<16xf32>, vector<16xf32>, vector<16xf32>, vector<16xf32>, vector<16xf32>, vector<16xf32>, vector<16xf32>)  : i32 {
        %swap3A_1473 = arith.constant 3 : i32
        %swap3A_1474 = arith.index_cast %swap3A_1473 : i32 to index
        %swap3A_1475 = arith.index_cast %scan3A_1464 : i32 to index
        %swap3A_1476 = arith.constant 0 : index
        %swap3A_1477 = tpu.vector_load %arg8[%swap3A_1474, %swap3A_1475, %swap3A_1476] {strides = array<i32>} : memref<4x64x128xf32, #tpu.memory_space<vmem>>, vector<16xf32>,
        tpu.vector_store %arg8[%swap3A_1474, %swap3A_1475, %swap3A_1476], %scan3A_1465 {strides = array<i32>} : memref<4x64x128xf32, #tpu.memory_space<vmem>>, vector<16xf32>,
        %swap3A_1478 = arith.constant 3 : i32
        %swap3A_1479 = arith.index_cast %swap3A_1478 : i32 to index
        %swap3A_1480 = arith.index_cast %scan3A_1464 : i32 to index
        %swap3A_1481 = arith.constant 16 : index
        %swap3A_1482 = tpu.vector_load %arg8[%swap3A_1479, %swap3A_1480, %swap3A_1481] {strides = array<i32>} : memref<4x64x128xf32, #tpu.memory_space<vmem>>, vector<16xf32>,
        tpu.vector_store %arg8[%swap3A_1479, %swap3A_1480, %swap3A_1481], %scan3A_1466 {strides = array<i32>} : memref<4x64x128xf32, #tpu.memory_space<vmem>>, vector<16xf32>,
        %swap3A_1483 = arith.constant 3 : i32
        %swap3A_1484 = arith.index_cast %swap3A_1483 : i32 to index
        %swap3A_1485 = arith.index_cast %scan3A_1464 : i32 to index
        %swap3A_1486 = arith.constant 32 : index
        %swap3A_1487 = tpu.vector_load %arg8[%swap3A_1484, %swap3A_1485, %swap3A_1486] {strides = array<i32>} : memref<4x64x128xf32, #tpu.memory_space<vmem>>, vector<16xf32>,
        tpu.vector_store %arg8[%swap3A_1484, %swap3A_1485, %swap3A_1486], %scan3A_1467 {strides = array<i32>} : memref<4x64x128xf32, #tpu.memory_space<vmem>>, vector<16xf32>,
        %swap3A_1488 = arith.constant 3 : i32
        %swap3A_1489 = arith.index_cast %swap3A_1488 : i32 to index
        %swap3A_1490 = arith.index_cast %scan3A_1464 : i32 to index
        %swap3A_1491 = arith.constant 48 : index
        %swap3A_1492 = tpu.vector_load %arg8[%swap3A_1489, %swap3A_1490, %swap3A_1491] {strides = array<i32>} : memref<4x64x128xf32, #tpu.memory_space<vmem>>, vector<16xf32>,
        tpu.vector_store %arg8[%swap3A_1489, %swap3A_1490, %swap3A_1491], %scan3A_1468 {strides = array<i32>} : memref<4x64x128xf32, #tpu.memory_space<vmem>>, vector<16xf32>,
        %swap3A_1493 = arith.constant 3 : i32
        %swap3A_1494 = arith.index_cast %swap3A_1493 : i32 to index
        %swap3A_1495 = arith.index_cast %scan3A_1464 : i32 to index
        %swap3A_1496 = arith.constant 64 : index
        %swap3A_1497 = tpu.vector_load %arg8[%swap3A_1494, %swap3A_1495, %swap3A_1496] {strides = array<i32>} : memref<4x64x128xf32, #tpu.memory_space<vmem>>, vector<16xf32>,
        tpu.vector_store %arg8[%swap3A_1494, %swap3A_1495, %swap3A_1496], %scan3A_1469 {strides = array<i32>} : memref<4x64x128xf32, #tpu.memory_space<vmem>>, vector<16xf32>,
        %swap3A_1498 = arith.constant 3 : i32
        %swap3A_1499 = arith.index_cast %swap3A_1498 : i32 to index
        %swap3A_1500 = arith.index_cast %scan3A_1464 : i32 to index
        %swap3A_1501 = arith.constant 80 : index
        %swap3A_1502 = tpu.vector_load %arg8[%swap3A_1499, %swap3A_1500, %swap3A_1501] {strides = array<i32>} : memref<4x64x128xf32, #tpu.memory_space<vmem>>, vector<16xf32>,
        tpu.vector_store %arg8[%swap3A_1499, %swap3A_1500, %swap3A_1501], %scan3A_1470 {strides = array<i32>} : memref<4x64x128xf32, #tpu.memory_space<vmem>>, vector<16xf32>,
        %swap3A_1503 = arith.constant 3 : i32
        %swap3A_1504 = arith.index_cast %swap3A_1503 : i32 to index
        %swap3A_1505 = arith.index_cast %scan3A_1464 : i32 to index
        %swap3A_1506 = arith.constant 96 : index
        %swap3A_1507 = tpu.vector_load %arg8[%swap3A_1504, %swap3A_1505, %swap3A_1506] {strides = array<i32>} : memref<4x64x128xf32, #tpu.memory_space<vmem>>, vector<16xf32>,
        tpu.vector_store %arg8[%swap3A_1504, %swap3A_1505, %swap3A_1506], %scan3A_1471 {strides = array<i32>} : memref<4x64x128xf32, #tpu.memory_space<vmem>>, vector<16xf32>,
        %swap3A_1508 = arith.constant 3 : i32
        %swap3A_1509 = arith.index_cast %swap3A_1508 : i32 to index
        %swap3A_1510 = arith.index_cast %scan3A_1464 : i32 to index
        %swap3A_1511 = arith.constant 112 : index
        %swap3A_1512 = tpu.vector_load %arg8[%swap3A_1509, %swap3A_1510, %swap3A_1511] {strides = array<i32>} : memref<4x64x128xf32, #tpu.memory_space<vmem>>, vector<16xf32>,
        tpu.vector_store %arg8[%swap3A_1509, %swap3A_1510, %swap3A_1511], %scan3A_1472 {strides = array<i32>} : memref<4x64x128xf32, #tpu.memory_space<vmem>>, vector<16xf32>,
        %add3A_1513 = arith.constant 1 : i32
        %add3A_1514 = arith.addi %scan3A_1464, %add3A_1513 : i32
        %mul3A_1515 = arith.constant 129 : i32
        %mul3A_1516 = arith.muli %add3A_1514, %mul3A_1515 : i32
        %add3A_1517 = arith.constant 0 : i32
        %add3A_1518 = arith.addi %mul3A_1516, %add3A_1517 : i32
        %get3A_1519 = arith.index_cast %add3A_1518 : i32 to index
        %get3A_1520 = tpu.vector_load %arg10[%get3A_1519] {strides = array<i32>} : memref<8256xf32, #tpu.memory_space<vmem>>, vector<16xf32>,
        %add3A_1521 = arith.constant 16 : i32
        %add3A_1522 = arith.addi %mul3A_1516, %add3A_1521 : i32
        %get3A_1523 = arith.index_cast %add3A_1522 : i32 to index
        %get3A_1524 = tpu.vector_load %arg10[%get3A_1523] {strides = array<i32>} : memref<8256xf32, #tpu.memory_space<vmem>>, vector<16xf32>,
        %add3A_1525 = arith.constant 32 : i32
        %add3A_1526 = arith.addi %mul3A_1516, %add3A_1525 : i32
        %get3A_1527 = arith.index_cast %add3A_1526 : i32 to index
        %get3A_1528 = tpu.vector_load %arg10[%get3A_1527] {strides = array<i32>} : memref<8256xf32, #tpu.memory_space<vmem>>, vector<16xf32>,
        %add3A_1529 = arith.constant 48 : i32
        %add3A_1530 = arith.addi %mul3A_1516, %add3A_1529 : i32
        %get3A_1531 = arith.index_cast %add3A_1530 : i32 to index
        %get3A_1532 = tpu.vector_load %arg10[%get3A_1531] {strides = array<i32>} : memref<8256xf32, #tpu.memory_space<vmem>>, vector<16xf32>,
        %add3A_1533 = arith.constant 64 : i32
        %add3A_1534 = arith.addi %mul3A_1516, %add3A_1533 : i32
        %get3A_1535 = arith.index_cast %add3A_1534 : i32 to index
        %get3A_1536 = tpu.vector_load %arg10[%get3A_1535] {strides = array<i32>} : memref<8256xf32, #tpu.memory_space<vmem>>, vector<16xf32>,
        %add3A_1537 = arith.constant 80 : i32
        %add3A_1538 = arith.addi %mul3A_1516, %add3A_1537 : i32
        %get3A_1539 = arith.index_cast %add3A_1538 : i32 to index
        %get3A_1540 = tpu.vector_load %arg10[%get3A_1539] {strides = array<i32>} : memref<8256xf32, #tpu.memory_space<vmem>>, vector<16xf32>,
        %add3A_1541 = arith.constant 96 : i32
        %add3A_1542 = arith.addi %mul3A_1516, %add3A_1541 : i32
        %get3A_1543 = arith.index_cast %add3A_1542 : i32 to index
        %get3A_1544 = tpu.vector_load %arg10[%get3A_1543] {strides = array<i32>} : memref<8256xf32, #tpu.memory_space<vmem>>, vector<16xf32>,
        %add3A_1545 = arith.constant 112 : i32
        %add3A_1546 = arith.addi %mul3A_1516, %add3A_1545 : i32
        %get3A_1547 = arith.index_cast %add3A_1546 : i32 to index
        %get3A_1548 = tpu.vector_load %arg10[%get3A_1547] {strides = array<i32>} : memref<8256xf32, #tpu.memory_space<vmem>>, vector<16xf32>,
        %scan3A_1549 = arith.constant 1 : i32
        %scan3A_1550 = arith.addi %scan3A_1464, %scan3A_1549 : i32
        %swap3A_1551 = arith.constant 3 : i32
        %swap3A_1552 = arith.index_cast %swap3A_1551 : i32 to index
        %swap3A_1553 = arith.index_cast %scan3A_1550 : i32 to index
        %swap3A_1554 = arith.constant 0 : index
        %swap3A_1555 = tpu.vector_load %arg8[%swap3A_1552, %swap3A_1553, %swap3A_1554] {strides = array<i32>} : memref<4x64x128xf32, #tpu.memory_space<vmem>>, vector<16xf32>,
        tpu.vector_store %arg8[%swap3A_1552, %swap3A_1553, %swap3A_1554], %get3A_1520 {strides = array<i32>} : memref<4x64x128xf32, #tpu.memory_space<vmem>>, vector<16xf32>,
        %swap3A_1556 = arith.constant 3 : i32
        %swap3A_1557 = arith.index_cast %swap3A_1556 : i32 to index
        %swap3A_1558 = arith.index_cast %scan3A_1550 : i32 to index
        %swap3A_1559 = arith.constant 16 : index
        %swap3A_1560 = tpu.vector_load %arg8[%swap3A_1557, %swap3A_1558, %swap3A_1559] {strides = array<i32>} : memref<4x64x128xf32, #tpu.memory_space<vmem>>, vector<16xf32>,
        tpu.vector_store %arg8[%swap3A_1557, %swap3A_1558, %swap3A_1559], %get3A_1524 {strides = array<i32>} : memref<4x64x128xf32, #tpu.memory_space<vmem>>, vector<16xf32>,
        %swap3A_1561 = arith.constant 3 : i32
        %swap3A_1562 = arith.index_cast %swap3A_1561 : i32 to index
        %swap3A_1563 = arith.index_cast %scan3A_1550 : i32 to index
        %swap3A_1564 = arith.constant 32 : index
        %swap3A_1565 = tpu.vector_load %arg8[%swap3A_1562, %swap3A_1563, %swap3A_1564] {strides = array<i32>} : memref<4x64x128xf32, #tpu.memory_space<vmem>>, vector<16xf32>,
        tpu.vector_store %arg8[%swap3A_1562, %swap3A_1563, %swap3A_1564], %get3A_1528 {strides = array<i32>} : memref<4x64x128xf32, #tpu.memory_space<vmem>>, vector<16xf32>,
        %swap3A_1566 = arith.constant 3 : i32
        %swap3A_1567 = arith.index_cast %swap3A_1566 : i32 to index
        %swap3A_1568 = arith.index_cast %scan3A_1550 : i32 to index
        %swap3A_1569 = arith.constant 48 : index
        %swap3A_1570 = tpu.vector_load %arg8[%swap3A_1567, %swap3A_1568, %swap3A_1569] {strides = array<i32>} : memref<4x64x128xf32, #tpu.memory_space<vmem>>, vector<16xf32>,
        tpu.vector_store %arg8[%swap3A_1567, %swap3A_1568, %swap3A_1569], %get3A_1532 {strides = array<i32>} : memref<4x64x128xf32, #tpu.memory_space<vmem>>, vector<16xf32>,
        %swap3A_1571 = arith.constant 3 : i32
        %swap3A_1572 = arith.index_cast %swap3A_1571 : i32 to index
        %swap3A_1573 = arith.index_cast %scan3A_1550 : i32 to index
        %swap3A_1574 = arith.constant 64 : index
        %swap3A_1575 = tpu.vector_load %arg8[%swap3A_1572, %swap3A_1573, %swap3A_1574] {strides = array<i32>} : memref<4x64x128xf32, #tpu.memory_space<vmem>>, vector<16xf32>,
        tpu.vector_store %arg8[%swap3A_1572, %swap3A_1573, %swap3A_1574], %get3A_1536 {strides = array<i32>} : memref<4x64x128xf32, #tpu.memory_space<vmem>>, vector<16xf32>,
        %swap3A_1576 = arith.constant 3 : i32
        %swap3A_1577 = arith.index_cast %swap3A_1576 : i32 to index
        %swap3A_1578 = arith.index_cast %scan3A_1550 : i32 to index
        %swap3A_1579 = arith.constant 80 : index
        %swap3A_1580 = tpu.vector_load %arg8[%swap3A_1577, %swap3A_1578, %swap3A_1579] {strides = array<i32>} : memref<4x64x128xf32, #tpu.memory_space<vmem>>, vector<16xf32>,
        tpu.vector_store %arg8[%swap3A_1577, %swap3A_1578, %swap3A_1579], %get3A_1540 {strides = array<i32>} : memref<4x64x128xf32, #tpu.memory_space<vmem>>, vector<16xf32>,
        %swap3A_1581 = arith.constant 3 : i32
        %swap3A_1582 = arith.index_cast %swap3A_1581 : i32 to index
        %swap3A_1583 = arith.index_cast %scan3A_1550 : i32 to index
        %swap3A_1584 = arith.constant 96 : index
        %swap3A_1585 = tpu.vector_load %arg8[%swap3A_1582, %swap3A_1583, %swap3A_1584] {strides = array<i32>} : memref<4x64x128xf32, #tpu.memory_space<vmem>>, vector<16xf32>,
        tpu.vector_store %arg8[%swap3A_1582, %swap3A_1583, %swap3A_1584], %get3A_1544 {strides = array<i32>} : memref<4x64x128xf32, #tpu.memory_space<vmem>>, vector<16xf32>,
        %swap3A_1586 = arith.constant 3 : i32
        %swap3A_1587 = arith.index_cast %swap3A_1586 : i32 to index
        %swap3A_1588 = arith.index_cast %scan3A_1550 : i32 to index
        %swap3A_1589 = arith.constant 112 : index
        %swap3A_1590 = tpu.vector_load %arg8[%swap3A_1587, %swap3A_1588, %swap3A_1589] {strides = array<i32>} : memref<4x64x128xf32, #tpu.memory_space<vmem>>, vector<16xf32>,
        tpu.vector_store %arg8[%swap3A_1587, %swap3A_1588, %swap3A_1589], %get3A_1548 {strides = array<i32>} : memref<4x64x128xf32, #tpu.memory_space<vmem>>, vector<16xf32>,
        %add3A_1591 = arith.constant 1 : i32
        %add3A_1592 = arith.addi %scan3A_1550, %add3A_1591 : i32
        %mul3A_1593 = arith.constant 129 : i32
        %mul3A_1594 = arith.muli %add3A_1592, %mul3A_1593 : i32
        %add3A_1595 = arith.constant 0 : i32
        %add3A_1596 = arith.addi %mul3A_1594, %add3A_1595 : i32
        %get3A_1597 = arith.index_cast %add3A_1596 : i32 to index
        %get3A_1598 = tpu.vector_load %arg10[%get3A_1597] {strides = array<i32>} : memref<8256xf32, #tpu.memory_space<vmem>>, vector<16xf32>,
        %add3A_1599 = arith.constant 16 : i32
        %add3A_1600 = arith.addi %mul3A_1594, %add3A_1599 : i32
        %get3A_1601 = arith.index_cast %add3A_1600 : i32 to index
        %get3A_1602 = tpu.vector_load %arg10[%get3A_1601] {strides = array<i32>} : memref<8256xf32, #tpu.memory_space<vmem>>, vector<16xf32>,
        %add3A_1603 = arith.constant 32 : i32
        %add3A_1604 = arith.addi %mul3A_1594, %add3A_1603 : i32
        %get3A_1605 = arith.index_cast %add3A_1604 : i32 to index
        %get3A_1606 = tpu.vector_load %arg10[%get3A_1605] {strides = array<i32>} : memref<8256xf32, #tpu.memory_space<vmem>>, vector<16xf32>,
        %add3A_1607 = arith.constant 48 : i32
        %add3A_1608 = arith.addi %mul3A_1594, %add3A_1607 : i32
        %get3A_1609 = arith.index_cast %add3A_1608 : i32 to index
        %get3A_1610 = tpu.vector_load %arg10[%get3A_1609] {strides = array<i32>} : memref<8256xf32, #tpu.memory_space<vmem>>, vector<16xf32>,
        %add3A_1611 = arith.constant 64 : i32
        %add3A_1612 = arith.addi %mul3A_1594, %add3A_1611 : i32
        %get3A_1613 = arith.index_cast %add3A_1612 : i32 to index
        %get3A_1614 = tpu.vector_load %arg10[%get3A_1613] {strides = array<i32>} : memref<8256xf32, #tpu.memory_space<vmem>>, vector<16xf32>,
        %add3A_1615 = arith.constant 80 : i32
        %add3A_1616 = arith.addi %mul3A_1594, %add3A_1615 : i32
        %get3A_1617 = arith.index_cast %add3A_1616 : i32 to index
        %get3A_1618 = tpu.vector_load %arg10[%get3A_1617] {strides = array<i32>} : memref<8256xf32, #tpu.memory_space<vmem>>, vector<16xf32>,
        %add3A_1619 = arith.constant 96 : i32
        %add3A_1620 = arith.addi %mul3A_1594, %add3A_1619 : i32
        %get3A_1621 = arith.index_cast %add3A_1620 : i32 to index
        %get3A_1622 = tpu.vector_load %arg10[%get3A_1621] {strides = array<i32>} : memref<8256xf32, #tpu.memory_space<vmem>>, vector<16xf32>,
        %add3A_1623 = arith.constant 112 : i32
        %add3A_1624 = arith.addi %mul3A_1594, %add3A_1623 : i32
        %get3A_1625 = arith.index_cast %add3A_1624 : i32 to index
        %get3A_1626 = tpu.vector_load %arg10[%get3A_1625] {strides = array<i32>} : memref<8256xf32, #tpu.memory_space<vmem>>, vector<16xf32>,
        scf.yield %get3A_1598, %get3A_1602, %get3A_1606, %get3A_1610, %get3A_1614, %get3A_1618, %get3A_1622, %get3A_1626 : vector<16xf32>, vector<16xf32>, vector<16xf32>, vector<16xf32>, vector<16xf32>, vector<16xf32>, vector<16xf32>, vector<16xf32>
      }
      %scan3A_1320 = arith.constant 62 : i32
      %scan3A_1321 = arith.addi %scan3A_1315, %scan3A_1320 : i32
      %swap3A_1322 = arith.constant 3 : i32
      %swap3A_1323 = arith.index_cast %swap3A_1322 : i32 to index
      %swap3A_1324 = arith.index_cast %scan3A_1321 : i32 to index
      %swap3A_1325 = arith.constant 0 : index
      %swap3A_1326 = tpu.vector_load %arg8[%swap3A_1323, %swap3A_1324, %swap3A_1325] {strides = array<i32>} : memref<4x64x128xf32, #tpu.memory_space<vmem>>, vector<16xf32>,
      tpu.vector_store %arg8[%swap3A_1323, %swap3A_1324, %swap3A_1325], %scan3A_1319#0 {strides = array<i32>} : memref<4x64x128xf32, #tpu.memory_space<vmem>>, vector<16xf32>,
      %swap3A_1327 = arith.constant 3 : i32
      %swap3A_1328 = arith.index_cast %swap3A_1327 : i32 to index
      %swap3A_1329 = arith.index_cast %scan3A_1321 : i32 to index
      %swap3A_1330 = arith.constant 16 : index
      %swap3A_1331 = tpu.vector_load %arg8[%swap3A_1328, %swap3A_1329, %swap3A_1330] {strides = array<i32>} : memref<4x64x128xf32, #tpu.memory_space<vmem>>, vector<16xf32>,
      tpu.vector_store %arg8[%swap3A_1328, %swap3A_1329, %swap3A_1330], %scan3A_1319#1 {strides = array<i32>} : memref<4x64x128xf32, #tpu.memory_space<vmem>>, vector<16xf32>,
      %swap3A_1332 = arith.constant 3 : i32
      %swap3A_1333 = arith.index_cast %swap3A_1332 : i32 to index
      %swap3A_1334 = arith.index_cast %scan3A_1321 : i32 to index
      %swap3A_1335 = arith.constant 32 : index
      %swap3A_1336 = tpu.vector_load %arg8[%swap3A_1333, %swap3A_1334, %swap3A_1335] {strides = array<i32>} : memref<4x64x128xf32, #tpu.memory_space<vmem>>, vector<16xf32>,
      tpu.vector_store %arg8[%swap3A_1333, %swap3A_1334, %swap3A_1335], %scan3A_1319#2 {strides = array<i32>} : memref<4x64x128xf32, #tpu.memory_space<vmem>>, vector<16xf32>,
      %swap3A_1337 = arith.constant 3 : i32
      %swap3A_1338 = arith.index_cast %swap3A_1337 : i32 to index
      %swap3A_1339 = arith.index_cast %scan3A_1321 : i32 to index
      %swap3A_1340 = arith.constant 48 : index
      %swap3A_1341 = tpu.vector_load %arg8[%swap3A_1338, %swap3A_1339, %swap3A_1340] {strides = array<i32>} : memref<4x64x128xf32, #tpu.memory_space<vmem>>, vector<16xf32>,
      tpu.vector_store %arg8[%swap3A_1338, %swap3A_1339, %swap3A_1340], %scan3A_1319#3 {strides = array<i32>} : memref<4x64x128xf32, #tpu.memory_space<vmem>>, vector<16xf32>,
      %swap3A_1342 = arith.constant 3 : i32
      %swap3A_1343 = arith.index_cast %swap3A_1342 : i32 to index
      %swap3A_1344 = arith.index_cast %scan3A_1321 : i32 to index
      %swap3A_1345 = arith.constant 64 : index
      %swap3A_1346 = tpu.vector_load %arg8[%swap3A_1343, %swap3A_1344, %swap3A_1345] {strides = array<i32>} : memref<4x64x128xf32, #tpu.memory_space<vmem>>, vector<16xf32>,
      tpu.vector_store %arg8[%swap3A_1343, %swap3A_1344, %swap3A_1345], %scan3A_1319#4 {strides = array<i32>} : memref<4x64x128xf32, #tpu.memory_space<vmem>>, vector<16xf32>,
      %swap3A_1347 = arith.constant 3 : i32
      %swap3A_1348 = arith.index_cast %swap3A_1347 : i32 to index
      %swap3A_1349 = arith.index_cast %scan3A_1321 : i32 to index
      %swap3A_1350 = arith.constant 80 : index
      %swap3A_1351 = tpu.vector_load %arg8[%swap3A_1348, %swap3A_1349, %swap3A_1350] {strides = array<i32>} : memref<4x64x128xf32, #tpu.memory_space<vmem>>, vector<16xf32>,
      tpu.vector_store %arg8[%swap3A_1348, %swap3A_1349, %swap3A_1350], %scan3A_1319#5 {strides = array<i32>} : memref<4x64x128xf32, #tpu.memory_space<vmem>>, vector<16xf32>,
      %swap3A_1352 = arith.constant 3 : i32
      %swap3A_1353 = arith.index_cast %swap3A_1352 : i32 to index
      %swap3A_1354 = arith.index_cast %scan3A_1321 : i32 to index
      %swap3A_1355 = arith.constant 96 : index
      %swap3A_1356 = tpu.vector_load %arg8[%swap3A_1353, %swap3A_1354, %swap3A_1355] {strides = array<i32>} : memref<4x64x128xf32, #tpu.memory_space<vmem>>, vector<16xf32>,
      tpu.vector_store %arg8[%swap3A_1353, %swap3A_1354, %swap3A_1355], %scan3A_1319#6 {strides = array<i32>} : memref<4x64x128xf32, #tpu.memory_space<vmem>>, vector<16xf32>,
      %swap3A_1357 = arith.constant 3 : i32
      %swap3A_1358 = arith.index_cast %swap3A_1357 : i32 to index
      %swap3A_1359 = arith.index_cast %scan3A_1321 : i32 to index
      %swap3A_1360 = arith.constant 112 : index
      %swap3A_1361 = tpu.vector_load %arg8[%swap3A_1358, %swap3A_1359, %swap3A_1360] {strides = array<i32>} : memref<4x64x128xf32, #tpu.memory_space<vmem>>, vector<16xf32>,
      tpu.vector_store %arg8[%swap3A_1358, %swap3A_1359, %swap3A_1360], %scan3A_1319#7 {strides = array<i32>} : memref<4x64x128xf32, #tpu.memory_space<vmem>>, vector<16xf32>,
      %add3A_1362 = arith.constant 1 : i32
      %add3A_1363 = arith.addi %scan3A_1321, %add3A_1362 : i32
      %mul3A_1364 = arith.constant 129 : i32
      %mul3A_1365 = arith.muli %add3A_1363, %mul3A_1364 : i32
      %add3A_1366 = arith.constant 0 : i32
      %add3A_1367 = arith.addi %mul3A_1365, %add3A_1366 : i32
      %get3A_1368 = arith.index_cast %add3A_1367 : i32 to index
      %get3A_1369 = tpu.vector_load %arg10[%get3A_1368] {strides = array<i32>} : memref<8256xf32, #tpu.memory_space<vmem>>, vector<16xf32>,
      %add3A_1370 = arith.constant 16 : i32
      %add3A_1371 = arith.addi %mul3A_1365, %add3A_1370 : i32
      %get3A_1372 = arith.index_cast %add3A_1371 : i32 to index
      %get3A_1373 = tpu.vector_load %arg10[%get3A_1372] {strides = array<i32>} : memref<8256xf32, #tpu.memory_space<vmem>>, vector<16xf32>,
      %add3A_1374 = arith.constant 32 : i32
      %add3A_1375 = arith.addi %mul3A_1365, %add3A_1374 : i32
      %get3A_1376 = arith.index_cast %add3A_1375 : i32 to index
      %get3A_1377 = tpu.vector_load %arg10[%get3A_1376] {strides = array<i32>} : memref<8256xf32, #tpu.memory_space<vmem>>, vector<16xf32>,
      %add3A_1378 = arith.constant 48 : i32
      %add3A_1379 = arith.addi %mul3A_1365, %add3A_1378 : i32
      %get3A_1380 = arith.index_cast %add3A_1379 : i32 to index
      %get3A_1381 = tpu.vector_load %arg10[%get3A_1380] {strides = array<i32>} : memref<8256xf32, #tpu.memory_space<vmem>>, vector<16xf32>,
      %add3A_1382 = arith.constant 64 : i32
      %add3A_1383 = arith.addi %mul3A_1365, %add3A_1382 : i32
      %get3A_1384 = arith.index_cast %add3A_1383 : i32 to index
      %get3A_1385 = tpu.vector_load %arg10[%get3A_1384] {strides = array<i32>} : memref<8256xf32, #tpu.memory_space<vmem>>, vector<16xf32>,
      %add3A_1386 = arith.constant 80 : i32
      %add3A_1387 = arith.addi %mul3A_1365, %add3A_1386 : i32
      %get3A_1388 = arith.index_cast %add3A_1387 : i32 to index
      %get3A_1389 = tpu.vector_load %arg10[%get3A_1388] {strides = array<i32>} : memref<8256xf32, #tpu.memory_space<vmem>>, vector<16xf32>,
      %add3A_1390 = arith.constant 96 : i32
      %add3A_1391 = arith.addi %mul3A_1365, %add3A_1390 : i32
      %get3A_1392 = arith.index_cast %add3A_1391 : i32 to index
      %get3A_1393 = tpu.vector_load %arg10[%get3A_1392] {strides = array<i32>} : memref<8256xf32, #tpu.memory_space<vmem>>, vector<16xf32>,
      %add3A_1394 = arith.constant 112 : i32
      %add3A_1395 = arith.addi %mul3A_1365, %add3A_1394 : i32
      %get3A_1396 = arith.index_cast %add3A_1395 : i32 to index
      %get3A_1397 = tpu.vector_load %arg10[%get3A_1396] {strides = array<i32>} : memref<8256xf32, #tpu.memory_space<vmem>>, vector<16xf32>,
      %scan3A_1398 = arith.constant 63 : i32
      %swap3A_1399 = arith.constant 3 : i32
      %swap3A_1400 = arith.constant 63 : i32
      %swap3A_1401 = arith.index_cast %swap3A_1399 : i32 to index
      %swap3A_1402 = arith.index_cast %swap3A_1400 : i32 to index
      %swap3A_1403 = arith.constant 0 : index
      %swap3A_1404 = tpu.vector_load %arg8[%swap3A_1401, %swap3A_1402, %swap3A_1403] {strides = array<i32>} : memref<4x64x128xf32, #tpu.memory_space<vmem>>, vector<16xf32>,
      tpu.vector_store %arg8[%swap3A_1401, %swap3A_1402, %swap3A_1403], %get3A_1369 {strides = array<i32>} : memref<4x64x128xf32, #tpu.memory_space<vmem>>, vector<16xf32>,
      %swap3A_1405 = arith.constant 3 : i32
      %swap3A_1406 = arith.constant 63 : i32
      %swap3A_1407 = arith.index_cast %swap3A_1405 : i32 to index
      %swap3A_1408 = arith.index_cast %swap3A_1406 : i32 to index
      %swap3A_1409 = arith.constant 16 : index
      %swap3A_1410 = tpu.vector_load %arg8[%swap3A_1407, %swap3A_1408, %swap3A_1409] {strides = array<i32>} : memref<4x64x128xf32, #tpu.memory_space<vmem>>, vector<16xf32>,
      tpu.vector_store %arg8[%swap3A_1407, %swap3A_1408, %swap3A_1409], %get3A_1373 {strides = array<i32>} : memref<4x64x128xf32, #tpu.memory_space<vmem>>, vector<16xf32>,
      %swap3A_1411 = arith.constant 3 : i32
      %swap3A_1412 = arith.constant 63 : i32
      %swap3A_1413 = arith.index_cast %swap3A_1411 : i32 to index
      %swap3A_1414 = arith.index_cast %swap3A_1412 : i32 to index
      %swap3A_1415 = arith.constant 32 : index
      %swap3A_1416 = tpu.vector_load %arg8[%swap3A_1413, %swap3A_1414, %swap3A_1415] {strides = array<i32>} : memref<4x64x128xf32, #tpu.memory_space<vmem>>, vector<16xf32>,
      tpu.vector_store %arg8[%swap3A_1413, %swap3A_1414, %swap3A_1415], %get3A_1377 {strides = array<i32>} : memref<4x64x128xf32, #tpu.memory_space<vmem>>, vector<16xf32>,
      %swap3A_1417 = arith.constant 3 : i32
      %swap3A_1418 = arith.constant 63 : i32
      %swap3A_1419 = arith.index_cast %swap3A_1417 : i32 to index
      %swap3A_1420 = arith.index_cast %swap3A_1418 : i32 to index
      %swap3A_1421 = arith.constant 48 : index
      %swap3A_1422 = tpu.vector_load %arg8[%swap3A_1419, %swap3A_1420, %swap3A_1421] {strides = array<i32>} : memref<4x64x128xf32, #tpu.memory_space<vmem>>, vector<16xf32>,
      tpu.vector_store %arg8[%swap3A_1419, %swap3A_1420, %swap3A_1421], %get3A_1381 {strides = array<i32>} : memref<4x64x128xf32, #tpu.memory_space<vmem>>, vector<16xf32>,
      %swap3A_1423 = arith.constant 3 : i32
      %swap3A_1424 = arith.constant 63 : i32
      %swap3A_1425 = arith.index_cast %swap3A_1423 : i32 to index
      %swap3A_1426 = arith.index_cast %swap3A_1424 : i32 to index
      %swap3A_1427 = arith.constant 64 : index
      %swap3A_1428 = tpu.vector_load %arg8[%swap3A_1425, %swap3A_1426, %swap3A_1427] {strides = array<i32>} : memref<4x64x128xf32, #tpu.memory_space<vmem>>, vector<16xf32>,
      tpu.vector_store %arg8[%swap3A_1425, %swap3A_1426, %swap3A_1427], %get3A_1385 {strides = array<i32>} : memref<4x64x128xf32, #tpu.memory_space<vmem>>, vector<16xf32>,
      %swap3A_1429 = arith.constant 3 : i32
      %swap3A_1430 = arith.constant 63 : i32
      %swap3A_1431 = arith.index_cast %swap3A_1429 : i32 to index
      %swap3A_1432 = arith.index_cast %swap3A_1430 : i32 to index
      %swap3A_1433 = arith.constant 80 : index
      %swap3A_1434 = tpu.vector_load %arg8[%swap3A_1431, %swap3A_1432, %swap3A_1433] {strides = array<i32>} : memref<4x64x128xf32, #tpu.memory_space<vmem>>, vector<16xf32>,
      tpu.vector_store %arg8[%swap3A_1431, %swap3A_1432, %swap3A_1433], %get3A_1389 {strides = array<i32>} : memref<4x64x128xf32, #tpu.memory_space<vmem>>, vector<16xf32>,
      %swap3A_1435 = arith.constant 3 : i32
      %swap3A_1436 = arith.constant 63 : i32
      %swap3A_1437 = arith.index_cast %swap3A_1435 : i32 to index
      %swap3A_1438 = arith.index_cast %swap3A_1436 : i32 to index
      %swap3A_1439 = arith.constant 96 : index
      %swap3A_1440 = tpu.vector_load %arg8[%swap3A_1437, %swap3A_1438, %swap3A_1439] {strides = array<i32>} : memref<4x64x128xf32, #tpu.memory_space<vmem>>, vector<16xf32>,
      tpu.vector_store %arg8[%swap3A_1437, %swap3A_1438, %swap3A_1439], %get3A_1393 {strides = array<i32>} : memref<4x64x128xf32, #tpu.memory_space<vmem>>, vector<16xf32>,
      %swap3A_1441 = arith.constant 3 : i32
      %swap3A_1442 = arith.constant 63 : i32
      %swap3A_1443 = arith.index_cast %swap3A_1441 : i32 to index
      %swap3A_1444 = arith.index_cast %swap3A_1442 : i32 to index
      %swap3A_1445 = arith.constant 112 : index
      %swap3A_1446 = tpu.vector_load %arg8[%swap3A_1443, %swap3A_1444, %swap3A_1445] {strides = array<i32>} : memref<4x64x128xf32, #tpu.memory_space<vmem>>, vector<16xf32>,
      tpu.vector_store %arg8[%swap3A_1443, %swap3A_1444, %swap3A_1445], %get3A_1397 {strides = array<i32>} : memref<4x64x128xf32, #tpu.memory_space<vmem>>, vector<16xf32>,
      %mul3A_1447 = arith.constant 128 : i32
      %mul3A_1448 = arith.muli %add3A, %mul3A_1447 : i32
      %dma_start3A_1449 = arith.constant 3 : i32
      %dma_start3A_1450 = arith.constant 0 : i32
      %dma_start3A_1451 = arith.constant 0 : i32
      %dma_start3A_1452 = tpu.memref_slice %arg8[%dma_start3A_1449, %dma_start3A_1450, %dma_start3A_1451] : memref<4x64x128xf32, #tpu.memory_space<vmem>> -> memref<1x64x128xf32, #tpu.memory_space<vmem>>
      %dma_start3A_1453 = tpu.memref_squeeze %dma_start3A_1452 : memref<1x64x128xf32, #tpu.memory_space<vmem>> -> memref<64x128xf32, #tpu.memory_space<vmem>>
      %dma_start3A_1454 = arith.constant 0 : i32
      %dma_start3A_1455 = tpu.memref_slice %arg5[%add3A_1172, %dma_start3A_1454, %mul3A_1448] : memref<200x64x4096xf32, #tpu.memory_space<hbm>> -> memref<1x64x128xf32, #tpu.memory_space<hbm>>
      %dma_start3A_1456 = tpu.memref_squeeze %dma_start3A_1455 : memref<1x64x128xf32, #tpu.memory_space<hbm>> -> memref<64x128xf32, #tpu.memory_space<hbm>>
      %dma_start3A_1457 = arith.constant 0 : i32
      %dma_start3A_1458 = tpu.memref_slice %arg5[%add3A_1172, %dma_start3A_1457, %mul3A_1448] : memref<200x64x4096xf32, #tpu.memory_space<hbm>> -> memref<1x64x128xf32, #tpu.memory_space<hbm>>
      %dma_start3A_1459 = tpu.memref_squeeze %dma_start3A_1458 : memref<1x64x128xf32, #tpu.memory_space<hbm>> -> memref<64x128xf32, #tpu.memory_space<hbm>>
      %dma_start3A_1460 = arith.constant 0 : i32
      %dma_start3A_1461 = arith.constant 0 : i32
      %dma_start3A_1462 = tpu.memref_slice %arg8[%dma_start3A_1449, %dma_start3A_1460, %dma_start3A_1461] : memref<4x64x128xf32, #tpu.memory_space<vmem>> -> memref<1x64x128xf32, #tpu.memory_space<vmem>>
      %dma_start3A_1463 = tpu.memref_squeeze %dma_start3A_1462 : memref<1x64x128xf32, #tpu.memory_space<vmem>> -> memref<64x128xf32, #tpu.memory_space<vmem>>
      tpu.enqueue_dma source(%dma_start3A_1463 : memref<64x128xf32, #tpu.memory_space<vmem>>) target(%dma_start3A_1459 : memref<64x128xf32, #tpu.memory_space<hbm>>) target_semaphore(%arg22 : memref<!tpu.dma_semaphore, #tpu.memory_space<semaphore_mem>>)
    }
    %scan3A_217 = arith.constant 50 : i32
    %mul3A_218 = arith.constant 128 : i32
    %mul3A_219 = arith.muli %add3A, %mul3A_218 : i32
    %dma_wait3A_220 = arith.constant 0 : i32
    %dma_wait3A_221 = arith.constant 0 : i32
    %dma_wait3A_222 = arith.constant 0 : i32
    %dma_wait3A_223 = arith.constant 0 : i32
    %dma_wait3A_224 = tpu.memref_slice %arg8[%dma_wait3A_220, %dma_wait3A_222, %dma_wait3A_223] : memref<4x64x128xf32, #tpu.memory_space<vmem>> -> memref<1x64x128xf32, #tpu.memory_space<vmem>>
    %dma_wait3A_225 = tpu.memref_squeeze %dma_wait3A_224 : memref<1x64x128xf32, #tpu.memory_space<vmem>> -> memref<64x128xf32, #tpu.memory_space<vmem>>
    %dma_wait3A_226 = arith.constant 0 : i32
    %dma_wait3A_227 = tpu.memref_slice %arg5[%dma_wait3A_221, %dma_wait3A_226, %mul3A_219] : memref<200x64x4096xf32, #tpu.memory_space<hbm>> -> memref<1x64x128xf32, #tpu.memory_space<hbm>>
    %dma_wait3A_228 = tpu.memref_squeeze %dma_wait3A_227 : memref<1x64x128xf32, #tpu.memory_space<hbm>> -> memref<64x128xf32, #tpu.memory_space<hbm>>
    %dma_wait3A_229 = arith.constant 0 : i32
    %dma_wait3A_230 = tpu.memref_slice %arg5[%dma_wait3A_221, %dma_wait3A_229, %mul3A_219] : memref<200x64x4096xf32, #tpu.memory_space<hbm>> -> memref<1x64x128xf32, #tpu.memory_space<hbm>>
    %dma_wait3A_231 = tpu.memref_squeeze %dma_wait3A_230 : memref<1x64x128xf32, #tpu.memory_space<hbm>> -> memref<64x128xf32, #tpu.memory_space<hbm>>
    %dma_wait3A_232 = arith.constant 0 : i32
    %dma_wait3A_233 = arith.constant 0 : i32
    %dma_wait3A_234 = tpu.memref_slice %arg8[%dma_wait3A_220, %dma_wait3A_232, %dma_wait3A_233] : memref<4x64x128xf32, #tpu.memory_space<vmem>> -> memref<1x64x128xf32, #tpu.memory_space<vmem>>
    %dma_wait3A_235 = tpu.memref_squeeze %dma_wait3A_234 : memref<1x64x128xf32, #tpu.memory_space<vmem>> -> memref<64x128xf32, #tpu.memory_space<vmem>>
    tpu.wait_dma2 semaphore(%arg19 : memref<!tpu.dma_semaphore, #tpu.memory_space<semaphore_mem>>) src(%dma_wait3A_235 : memref<64x128xf32, #tpu.memory_space<vmem>>) dst(%dma_wait3A_231 : memref<64x128xf32, #tpu.memory_space<hbm>>)
    %mul3A_236 = arith.constant 128 : i32
    %mul3A_237 = arith.muli %add3A, %mul3A_236 : i32
    %dma_wait3A_238 = arith.constant 1 : i32
    %dma_wait3A_239 = arith.constant 0 : i32
    %dma_wait3A_240 = arith.constant 0 : i32
    %dma_wait3A_241 = arith.constant 0 : i32
    %dma_wait3A_242 = tpu.memref_slice %arg8[%dma_wait3A_238, %dma_wait3A_240, %dma_wait3A_241] : memref<4x64x128xf32, #tpu.memory_space<vmem>> -> memref<1x64x128xf32, #tpu.memory_space<vmem>>
    %dma_wait3A_243 = tpu.memref_squeeze %dma_wait3A_242 : memref<1x64x128xf32, #tpu.memory_space<vmem>> -> memref<64x128xf32, #tpu.memory_space<vmem>>
    %dma_wait3A_244 = arith.constant 0 : i32
    %dma_wait3A_245 = tpu.memref_slice %arg5[%dma_wait3A_239, %dma_wait3A_244, %mul3A_237] : memref<200x64x4096xf32, #tpu.memory_space<hbm>> -> memref<1x64x128xf32, #tpu.memory_space<hbm>>
    %dma_wait3A_246 = tpu.memref_squeeze %dma_wait3A_245 : memref<1x64x128xf32, #tpu.memory_space<hbm>> -> memref<64x128xf32, #tpu.memory_space<hbm>>
    %dma_wait3A_247 = arith.constant 0 : i32
    %dma_wait3A_248 = tpu.memref_slice %arg5[%dma_wait3A_239, %dma_wait3A_247, %mul3A_237] : memref<200x64x4096xf32, #tpu.memory_space<hbm>> -> memref<1x64x128xf32, #tpu.memory_space<hbm>>
    %dma_wait3A_249 = tpu.memref_squeeze %dma_wait3A_248 : memref<1x64x128xf32, #tpu.memory_space<hbm>> -> memref<64x128xf32, #tpu.memory_space<hbm>>
    %dma_wait3A_250 = arith.constant 0 : i32
    %dma_wait3A_251 = arith.constant 0 : i32
    %dma_wait3A_252 = tpu.memref_slice %arg8[%dma_wait3A_238, %dma_wait3A_250, %dma_wait3A_251] : memref<4x64x128xf32, #tpu.memory_space<vmem>> -> memref<1x64x128xf32, #tpu.memory_space<vmem>>
    %dma_wait3A_253 = tpu.memref_squeeze %dma_wait3A_252 : memref<1x64x128xf32, #tpu.memory_space<vmem>> -> memref<64x128xf32, #tpu.memory_space<vmem>>
    tpu.wait_dma2 semaphore(%arg20 : memref<!tpu.dma_semaphore, #tpu.memory_space<semaphore_mem>>) src(%dma_wait3A_253 : memref<64x128xf32, #tpu.memory_space<vmem>>) dst(%dma_wait3A_249 : memref<64x128xf32, #tpu.memory_space<hbm>>)
    %mul3A_254 = arith.constant 128 : i32
    %mul3A_255 = arith.muli %add3A, %mul3A_254 : i32
    %dma_wait3A_256 = arith.constant 2 : i32
    %dma_wait3A_257 = arith.constant 0 : i32
    %dma_wait3A_258 = arith.constant 0 : i32
    %dma_wait3A_259 = arith.constant 0 : i32
    %dma_wait3A_260 = tpu.memref_slice %arg8[%dma_wait3A_256, %dma_wait3A_258, %dma_wait3A_259] : memref<4x64x128xf32, #tpu.memory_space<vmem>> -> memref<1x64x128xf32, #tpu.memory_space<vmem>>
    %dma_wait3A_261 = tpu.memref_squeeze %dma_wait3A_260 : memref<1x64x128xf32, #tpu.memory_space<vmem>> -> memref<64x128xf32, #tpu.memory_space<vmem>>
    %dma_wait3A_262 = arith.constant 0 : i32
    %dma_wait3A_263 = tpu.memref_slice %arg5[%dma_wait3A_257, %dma_wait3A_262, %mul3A_255] : memref<200x64x4096xf32, #tpu.memory_space<hbm>> -> memref<1x64x128xf32, #tpu.memory_space<hbm>>
    %dma_wait3A_264 = tpu.memref_squeeze %dma_wait3A_263 : memref<1x64x128xf32, #tpu.memory_space<hbm>> -> memref<64x128xf32, #tpu.memory_space<hbm>>
    %dma_wait3A_265 = arith.constant 0 : i32
    %dma_wait3A_266 = tpu.memref_slice %arg5[%dma_wait3A_257, %dma_wait3A_265, %mul3A_255] : memref<200x64x4096xf32, #tpu.memory_space<hbm>> -> memref<1x64x128xf32, #tpu.memory_space<hbm>>
    %dma_wait3A_267 = tpu.memref_squeeze %dma_wait3A_266 : memref<1x64x128xf32, #tpu.memory_space<hbm>> -> memref<64x128xf32, #tpu.memory_space<hbm>>
    %dma_wait3A_268 = arith.constant 0 : i32
    %dma_wait3A_269 = arith.constant 0 : i32
    %dma_wait3A_270 = tpu.memref_slice %arg8[%dma_wait3A_256, %dma_wait3A_268, %dma_wait3A_269] : memref<4x64x128xf32, #tpu.memory_space<vmem>> -> memref<1x64x128xf32, #tpu.memory_space<vmem>>
    %dma_wait3A_271 = tpu.memref_squeeze %dma_wait3A_270 : memref<1x64x128xf32, #tpu.memory_space<vmem>> -> memref<64x128xf32, #tpu.memory_space<vmem>>
    tpu.wait_dma2 semaphore(%arg21 : memref<!tpu.dma_semaphore, #tpu.memory_space<semaphore_mem>>) src(%dma_wait3A_271 : memref<64x128xf32, #tpu.memory_space<vmem>>) dst(%dma_wait3A_267 : memref<64x128xf32, #tpu.memory_space<hbm>>)
    %mul3A_272 = arith.constant 128 : i32
    %mul3A_273 = arith.muli %add3A, %mul3A_272 : i32
    %dma_wait3A_274 = arith.constant 3 : i32
    %dma_wait3A_275 = arith.constant 0 : i32
    %dma_wait3A_276 = arith.constant 0 : i32
    %dma_wait3A_277 = arith.constant 0 : i32
    %dma_wait3A_278 = tpu.memref_slice %arg8[%dma_wait3A_274, %dma_wait3A_276, %dma_wait3A_277] : memref<4x64x128xf32, #tpu.memory_space<vmem>> -> memref<1x64x128xf32, #tpu.memory_space<vmem>>
    %dma_wait3A_279 = tpu.memref_squeeze %dma_wait3A_278 : memref<1x64x128xf32, #tpu.memory_space<vmem>> -> memref<64x128xf32, #tpu.memory_space<vmem>>
    %dma_wait3A_280 = arith.constant 0 : i32
    %dma_wait3A_281 = tpu.memref_slice %arg5[%dma_wait3A_275, %dma_wait3A_280, %mul3A_273] : memref<200x64x4096xf32, #tpu.memory_space<hbm>> -> memref<1x64x128xf32, #tpu.memory_space<hbm>>
    %dma_wait3A_282 = tpu.memref_squeeze %dma_wait3A_281 : memref<1x64x128xf32, #tpu.memory_space<hbm>> -> memref<64x128xf32, #tpu.memory_space<hbm>>
    %dma_wait3A_283 = arith.constant 0 : i32
    %dma_wait3A_284 = tpu.memref_slice %arg5[%dma_wait3A_275, %dma_wait3A_283, %mul3A_273] : memref<200x64x4096xf32, #tpu.memory_space<hbm>> -> memref<1x64x128xf32, #tpu.memory_space<hbm>>
    %dma_wait3A_285 = tpu.memref_squeeze %dma_wait3A_284 : memref<1x64x128xf32, #tpu.memory_space<hbm>> -> memref<64x128xf32, #tpu.memory_space<hbm>>
    %dma_wait3A_286 = arith.constant 0 : i32
    %dma_wait3A_287 = arith.constant 0 : i32
    %dma_wait3A_288 = tpu.memref_slice %arg8[%dma_wait3A_274, %dma_wait3A_286, %dma_wait3A_287] : memref<4x64x128xf32, #tpu.memory_space<vmem>> -> memref<1x64x128xf32, #tpu.memory_space<vmem>>
    %dma_wait3A_289 = tpu.memref_squeeze %dma_wait3A_288 : memref<1x64x128xf32, #tpu.memory_space<vmem>> -> memref<64x128xf32, #tpu.memory_space<vmem>>
    tpu.wait_dma2 semaphore(%arg22 : memref<!tpu.dma_semaphore, #tpu.memory_space<semaphore_mem>>) src(%dma_wait3A_289 : memref<64x128xf32, #tpu.memory_space<vmem>>) dst(%dma_wait3A_285 : memref<64x128xf32, #tpu.memory_space<hbm>>)
    return
  }
}

</mosaic_0001>

<sc_bundles>
// kernel: kernel.3.cloned.1.call-start
scs
__scs_entry_jumppad:
0x0: {  	(pc) =	sbr.rel $0x88, $3  }
0x1: {  	(tag) =	ssettag $0x0;
	lr =	simm.s32 $0x1  }
0x2: {  	[smem:$0x3F9E] =	sst lr;
	_ =	strace $0xD0000000  }
0x3: {  	_ = 	snop  }
0x4: {  	_ = 	snop  }
0x5: {  	_ = 	snop  }
0x6: {  	_ = 	snop  }
0x7: {  	_ = 	snop  }
__scs_overlays_trampoline_lowered:
0x8: {  	[smem:$0x3FAD] =	sst s0  }
0x9: {  	[smem:$0x3FAE] =	sst s1  }
0xa: {  	[smem:$0x3FAF] =	sst s2  }
0xb: {  	[smem:$0x3FB0] =	sst s3  }
0xc: {  	[smem:$0x3FB1] =	sst s4  }
0xd: {  	[smem:$0x3FB2] =	sst s5  }
0xe: {  	[smem:$0x3FB3] =	sst s6  }
0xf: {  	[smem:$0x3FB4] =	sst s7  }
0x10: {  	[smem:$0x3FB5] =	sst s8  }
0x11: {  	[smem:$0x3FB6] =	sst s9;
	s0 =	simm.s32 @!p0 $0x0  }
0x12: {  	s1 =	sld [smem:$0x3F9C];
	s0 =	simm.s32 @p0 $0x1  }
0x13: {  	[smem:$0x3FB7] =	sst s0;
	s0 =	simm.s32 @!p1 $0x0  }
0x14: {  	s2 =	sld [smem:$0x3F9B];
	s0 =	simm.s32 @p1 $0x1  }
0x15: {  	[smem:$0x3FB8] =	sst s0;
	s0 =	simm.s32 @!p2 $0x0  }
0x16: {  	s3 =	sld [smem:$0x3FDB];
	s0 =	simm.s32 @p2 $0x1  }
0x17: {  	s4 =	simm.s32 $0x1BF5;
	[smem:$0x3FBA] =	sst s0  }
0x18: {  	s0 =	sld [smem:$0x3F9D];
	_ =	swait.ge [sflag:s4], $0x0  }
0x19: {  	s7 =	sld [smem:$0x3F9E]  }
0x1a: {  	s8 =	sadd.s32 $0xFFFFE003, lr  }
0x1b: {  	s9 =	sadd.s32 $0xFFFFFEF7, lr;
	s5 =	simm.s32 $0xFFFFFFFF;
	p2 =	slt.u32 s8, $0xFFFFF086  }
0x1c: {  	p1 =	slt.u32 s9, $0xF7A;
	s5 =	simm.s32 @!p2 $0x0  }
0x1d: {  	s5 =	simm.s32 @p1 $0x1;
	p0 =	seq.s32 s7, s2  }
0x1e: {  	s7 =	smul.u32 @!p0 $0xF7A, s2;
	p2 =	seq.s32 @!p0 s5, $0x0  }
0x1f: {  	s9 =	smul.u32 $0xF7A, s1;
	s8 =	simm.s32 @!p0 $0x1BF5;
	p2 =	por !p2, p0  }
0x20: {  	[sflag:s8] =	ssyncset.s32 @!p0 $0xFFFFF086;
	s6 =	sadd.s32 @!p0 s3, s7;
	s7 =	simm.s32 @!p0 $0x108  }
0x21: {  	s3 =	sadd.s32 s3, s9;
	s6 =	sadd.s32 @!p0 $0x88, s6;
	s7 =	simm.s32 @p2 $0x1082  }
0x22: {  	[simem:s7], [sflag:s8] =	dma.local @!p0 [hbm:s6], $0xF7A  }
0x23: {  	s9 =	sor.u32 $0xD0000000, s2;
	s6 =	simm.s32 $0x108;
	_ =	swait.ge @!p0 [sflag:s8], $0x0  }
0x24: {  	s3 =	sadd.s32 $0x88, s3;
	s6 =	simm.s32 @!p1 $0x1082;
	[sflag:s4] =	ssyncset.s32 $0xFFFFF086  }
0x25: {  	[simem:s6], [sflag:s4] =	dma.local [hbm:s3], $0xF7A  }
0x26: {  	[smem:$0x3F9E] =	sst s1;
	(tag) =	ssettag s2;
	_ =	strace s9  }
0x27: {  	s1 =	sld [smem:$0x3FAE]  }
0x28: {  	s2 =	sld [smem:$0x3FAF]  }
0x29: {  	s4 =	sld [smem:$0x3FB1]  }
0x2a: {  	p0 =	seq.s32 s5, $0x0;
	s5 =	sld [smem:$0x3FB2]  }
0x2b: {  	s6 =	sld [smem:$0x3FB3]  }
0x2c: {  	s7 =	sld [smem:$0x3FB4]  }
0x2d: {  	s3 =	simm.s32 $0x108;
	s8 =	sld [smem:$0x3FB5]  }
0x2e: {  	s3 =	simm.s32 @!p0 $0x1082;
	s9 =	sld [smem:$0x3FB6]  }
0x2f: {  	lr =	sadd.s32 s0, s3;
	s0 =	sld [smem:$0x3FAD]  }
0x30: {  	s3 =	sld [smem:$0x3FB0]  }
0x31: {  	[smem:$0x3FB9] =	sst s10  }
0x32: {  	s10 =	sld [smem:$0x3FB7];
	_ =	sdelay $0x3  }
0x33: {  	p0 =	seq.s32 s10, $0x1;
	s10 =	sld [smem:$0x3FB9];
	_ =	sdelay $0x3  }
0x34: {  	[smem:$0x3FB9] =	sst s10  }
0x35: {  	s10 =	sld [smem:$0x3FB8];
	_ =	sdelay $0x3  }
0x36: {  	p1 =	seq.s32 s10, $0x1;
	s10 =	sld [smem:$0x3FB9];
	_ =	sdelay $0x3  }
0x37: {  	[smem:$0x3FB9] =	sst s10  }
0x38: {  	s10 =	sld [smem:$0x3FBA]  }
0x39: {  	_ = 	snop;
	(pc) =	sbr.ind lr, $3  }
0x3a: {  	_ = 	snop  }
0x3b: {  	_ = 	snop  }
0x3c: {  	p2 =	seq.s32 s10, $0x1;
	s10 =	sld [smem:$0x3FB9]  }
0x3d: {  	_ =	shalt  }
0x3e: {  	_ =	shalt  }
0x3f: {  	_ =	shalt  }
0x40: {  	_ =	shalt  }
0x41: {  	_ =	shalt  }
0x42: {  	_ =	shalt  }
0x43: {  	_ =	shalt  }
0x44: {  	_ =	shalt  }
0x45: {  	_ =	shalt  }
0x46: {  	_ =	shalt  }
0x47: {  	_ =	shalt  }
0x48: {  	_ =	shalt  }
0x49: {  	_ =	shalt  }
0x4a: {  	_ =	shalt  }
0x4b: {  	_ =	shalt  }
0x4c: {  	_ =	shalt  }
0x4d: {  	_ =	shalt  }
0x4e: {  	_ =	shalt  }
0x4f: {  	_ =	shalt  }
0x50: {  	_ =	shalt  }
0x51: {  	_ =	shalt  }
0x52: {  	_ =	shalt  }
0x53: {  	_ =	shalt  }
0x54: {  	_ =	shalt  }
0x55: {  	_ =	shalt  }
0x56: {  	_ =	shalt  }
0x57: {  	_ =	shalt  }
0x58: {  	_ =	shalt  }
0x59: {  	_ =	shalt  }
0x5a: {  	_ =	shalt  }
0x5b: {  	_ =	shalt  }
0x5c: {  	_ =	shalt  }
0x5d: {  	_ =	shalt  }
0x5e: {  	_ =	shalt  }
0x5f: {  	_ =	shalt  }
0x60: {  	_ =	shalt  }
0x61: {  	_ =	shalt  }
0x62: {  	_ =	shalt  }
0x63: {  	_ =	shalt  }
0x64: {  	_ =	shalt  }
0x65: {  	_ =	shalt  }
0x66: {  	_ =	shalt  }
0x67: {  	_ =	shalt  }
0x68: {  	_ =	shalt  }
0x69: {  	_ =	shalt  }
0x6a: {  	_ =	shalt  }
0x6b: {  	_ =	shalt  }
0x6c: {  	_ =	shalt  }
0x6d: {  	_ =	shalt  }
0x6e: {  	_ =	shalt  }
0x6f: {  	_ =	shalt  }
0x70: {  	_ =	shalt  }
0x71: {  	_ =	shalt  }
0x72: {  	_ =	shalt  }
0x73: {  	_ =	shalt  }
0x74: {  	_ =	shalt  }
0x75: {  	_ =	shalt  }
0x76: {  	_ =	shalt  }
0x77: {  	_ =	shalt  }
0x78: {  	_ =	shalt  }
0x79: {  	_ =	shalt  }
0x7a: {  	_ =	shalt  }
0x7b: {  	_ =	shalt  }
0x7c: {  	_ =	shalt  }
0x7d: {  	_ =	shalt  }
0x7e: {  	_ =	shalt  }
0x7f: {  	_ =	shalt  }
0x80: {  	_ =	shalt  }
0x81: {  	_ =	shalt  }
0x82: {  	_ =	shalt  }
0x83: {  	_ =	shalt  }
0x84: {  	_ =	shalt  }
0x85: {  	_ =	shalt  }
0x86: {  	_ =	shalt  }
0x87: {  	_ =	shalt  }
.Lfunc_end0:
.L_simem_size_0:
called_computation_lowered:
.L_overlay_start_0:
0x88: {  	s2 =	sld [smem:$0x3FD9]  }
0x89: {  	s3 =	sld [smem:$0x3FFE];
	_ =	sdelay $0x1  }
0x8a: {  	s1 =	srdreg.scid  }
0x8b: {  	s0 =	sand.u32 $0x1, s1  }
0x8c: {  	s17 =	sshll.u32 s0, $0xA;
	s2 =	sadd.s32 s3, s2  }
0x8d: {  	s2 =	sadd.s32 s2, s17  }
0x8e: {  	[smem:$0x3FC5] =	sst s2  }
0x8f: {  	_ = 	snop  }
0x90: {  	s2 =	sld [smem:$0x3FC9]  }
0x91: {  	s18 =	sld [smem:$0x3FD0];
	(tm) =	ssettm $0x1  }
0x92: {  	s4 =	sld [smem:$0x3FFB];
	_ =	sdelay $0x3  }
0x93: {  	_ =	strace s4  }
0x94: {  	s4 =	sld [smem:$0x3FFC];
	_ =	sdelay $0x3  }
0x95: {  	_ =	strace s4  }
0x96: {  	s4 =	sld [smem:$0x3FFD];
	_ =	sdelay $0x3  }
0x97: {  	_ =	strace s4  }
0x98: {  	_ =	strace $0x8FFFFFFF  }
0x99: {  	s19 =	sld [smem:$0x3FDB];
	_ =	sdelay $0x1  }
0x9a: {  	s5 =	simm.s32 $_scs_section_size  }
0x9b: {  	s6 =	simm.s32 $_size__tile_overlayer_lowered;
	s7 =	simm.s32 $_tile_overlayer_lowered  }
0x9c: {  	s22 =	simm.s32 $0x1BFF;
	s21 =	sshll.u32 s7, $0x1;
	s4 =	sadd.s32 s5, s19  }
0x9d: {  	s8 =	simm.s32 $0x0;
	s20 =	sshll.u32 s6, $0x1;
	s6 =	sadd.s32 s21, s4  }
0x9e: {  	[timem:s8], [sflag:s22] =	dma.local [hbm:s6], s20  }
0x9f: {  	_ =	swait.ge [sflag:s22], s20  }
0xa0: {  	s5 =	ssub.s32 $0x0, s20;
	[sflag:s22] =	ssyncset.done $0x0  }
0xa1: {  	[sflag:s22] =	ssyncadd.s32 s5;
	_ =	sdelay $0x1  }
0xa2: {  	s23 =	simm.s32 $0x1B8B  }
0xa3: {  	_ =	swait.ge [sflag:s23], $0x1  }
0xa4: {  	[sflag:s23] =	ssyncset.done $0x0  }
0xa5: {  	s25 =	simm.s32 $0x1B8E;
	s24 =	sld [smem:$0x3FFE];
	[sflag:s23] =	ssyncadd.s32 $0xFFFFFFFF  }
0xa6: {  	s26 =	simm.s32 $execute0_lowered;
	[smem:$0x3FD2] =	sst s25  }
0xa7: {  	s6 =	sshll.u32 s26, $0x1;
	_ =	strace $0x80000046;
	[dreg:$0x1] =	wrdreg $0xFFFFFFFF  }
0xa8: {  	s28 =	simm.s32 $_size_execute0_lowered;
	s4 =	sadd.s32 s4, s6;
	[dreg:$0x0] =	wrdreg $0x0  }
0xa9: {  	s6 =	sshll.u32 s28, $0x1;
	[dreg:$0x2] =	wrdreg s4  }
0xaa: {  	[dreg:$0x3] =	wrdreg s6  }
0xab: {  	[dreg:$0x4] =	wrdreg $0xC0  }
0xac: {  	_ =	task [dreg:s8], $0x5FFFF  }
0xad: {  	[dreg:$0x1] =	wrdreg $0xFFFFFFFF  }
0xae: {  	[dreg:$0x0] =	wrdreg $0x60  }
0xaf: {  	[dreg:$0x2] =	wrdreg s2  }
0xb0: {  	[dreg:$0x3] =	wrdreg s24  }
0xb1: {  	[dreg:$0x4] =	wrdreg s18  }
0xb2: {  	[dreg:$0x5] =	wrdreg $0x9  }
0xb3: {  	_ =	task.clear_ibuf [dreg:s8], $0x6FFFF;
	_ =	strace $0x90000046  }
0xb4: {  	s29 =	simm.s32 $0x9;
	_ =	strace $0x80000048  }
0xb5: {  	_ =	swait.ge [sflag:s29], $0x1  }
0xb6: {  	[sflag:s29] =	ssyncadd.s32 $0xFFFFFFFF  }
0xb7: {  	_ =	strace $0x90000048  }
0xb8: {  	_ =	sfence  }
0xb9: {  	s30 =	sld [smem:$0x0];
	_ =	sdelay $0x2  }
0xba: {  	s31 =	sshll.u32 s1, $0xD;
	s1 =	sshrl.u32 s1, $0x2  }
0xbb: {  	s3 =	sand.u32 $0x4000, s31;
	s1 =	sadd.s32 s1, s30  }
0xbc: {  	s0 =	sor.u32 s3, s0;
	s1 =	sshll.u32 s1, $0x11  }
0xbd: {  	s0 =	sor.u32 s1, s0  }
0xbe: {  	s0 =	sadd.s32 $0x8F2B, s0  }
0xbf: {  	[sflag:s0] =	ssyncadd.remote.s32 $0x1  }
0xc0: {  	_ =	sfence.sel $0xFFFF  }
0xc1: {  	[dreg:$0x0] =	wrdreg $0xFFFFFFFF;
	(pc) =	sbr.abs _section_cstart, $3  }
0xc2: {  	[dreg:$0x1] =	wrdreg $0xFFFFFFFF  }
0xc3: {  	_ =	task.clear_ibuf [dreg:s8], $0x2FFFF;
	_ =	strace $0x9FFFFFFF  }
0xc4: {  	(tm) =	ssettm $0x7FFFFFFF  }
0xc5: {  	_ =	shalt  }
tec
execute0_lowered:
.L_overlay_start_1:
0x0: {  	(tag) =	ssettag $0x1  }
0x1: {  	s1 =	rddreg [dreg:$0x0]  }
0x2: {  	s0 =	rddreg [dreg:$0x1]  }
0x3: {  	s3 =	rddreg [dreg:$0x2];
	s4 =	simm.s32 $0x0;
	s2 =	srdreg.scid  }
0x4: {  	s5 =	stileid.u32;
	s15 =	simm.s32 $0x100;
	s17 =	simm.s32 $0x20  }
0x5: {  	s12 =	simm.s32 $0x3;
	s28 =	simm.s32 $0x1B400;
	s29 =	simm.s32 $0x400  }
0x6: {  	s30 =	simm.s32 $0x8000;
	s16 =	simm.s32 $0x6;
	s18 =	simm.s32 $0x7  }
0x7: {  	s19 =	simm.s32 $0x14200;
	s20 =	simm.s32 $0x8;
	s21 =	simm.s32 $0x16200  }
0x8: {  	s22 =	simm.s32 $0xB;
	s23 =	simm.s32 $0xC;
	[smem:$0x7FF] =	sst s4  }
0x9: {  	s2 =	sand.u32 $0x1, s2;
	s5 =	sshll.u32 s5, $0x1;
	_ =	strace $0x80000047  }
0xa: {  	s6 =	ssub.s32 $0x2, s2;
	s2 =	sor.u32 s2, s5;
	s5 =	sadd.s32 $0xF43200, s0  }
0xb: {  	s0 =	sadd.s32 $0xF42A00, s0;
	s7 =	sshrl.u32 s6, $0x1;
	s8 =	sshll.u32 s2, $0x7  }
0xc: {  	[dreg:$0x4] =	wrdreg s0;
	s24 =	ssub.s32 s6, s7;
	s25 =	sadd.s32 s1, s8  }
0xd: {  	v0 =	vlaneseq.u32;
	s8 =	sshll.u32 s2, $0xA;
	s26 =	sadd.s32 $0x10, s25;
	[dreg:$0x5] =	wrdreg s25  }
0xe: {  	v0 =	vmul.u32 $0x81, v0;
	s2 =	simm.s32 $0x180;
	s31 =	sadd.s32 $0x20, s25;
	[dreg:$0x6] =	wrdreg s26  }
0xf: {  	s7 =	simm.s32 $0x0;
	s0 =	smax.u32 s24, $0x1;
	[dreg:$0x7] =	wrdreg s31  }
0x10: {  	v1 =	vadd.s32 $0x810, v0;
	v2 =	vadd.s32 $0x1020, v0;
	v3 =	vadd.s32 $0x1830, v0;
	[dreg:$0x8] =	wrdreg s0;
	s26 =	simm.s32 $0x5;
	s0 =	simm.s32 $0x4  }
.LBB2_1:
0x11: {  	[dreg:$0x9] =	wrdreg s7  }
0x12: {  	s6 =	rddreg [dreg:$0x4];
	s25 =	simm.s32 $0x18200;
	s31 =	simm.s32 $0xD  }
0x13: {  	[tilespmem:s25], [sflag:$0xD] =	stream.linear.gather [hbm4b:s6+s4], $0x3200, $0x38;
	[tilespmem:$0x1D480] =	vst v63  }
0x14: {  	_ =	swait.ge [sflag:s31], $0x3200  }
0x15: {  	[sflag:s31] =	ssyncset.done $0x0  }
0x16: {  	s7 =	rddreg [dreg:$0x5];
	[sflag:s31] =	ssyncadd.s32 $0xFFFFCE00  }
0x17: {  	[tilespmem:s4], [sflag:$0x1] =	stream.linear.gather [hbm4b:s7+s4], $0x80, $0x38;
	[tilespmem:$0x1D480] =	vst v63  }
0x18: {  	s9 =	rddreg [dreg:$0x6];
	s7 =	simm.s32 $0x80  }
0x19: {  	[tilespmem:s7], [sflag:$0x2] =	stream.linear.gather [hbm4b:s9+s4], $0x80, $0x38;
	[tilespmem:$0x1D480] =	vst v63  }
0x1a: {  	s11 =	simm.s32 $0x1;
	s10 =	rddreg [dreg:$0x7]  }
0x1b: {  	[tilespmem:s15], [sflag:$0x3] =	stream.linear.gather [hbm4b:s10+s4], $0x80, $0x38;
	[tilespmem:$0x1D480] =	vst v63  }
0x1c: {  	_ =	swait.ge [sflag:s11], $0x80  }
0x1d: {  	[sflag:s11] =	ssyncset.done $0x0  }
0x1e: {  	s13 =	simm.s32 $0x200;
	[sflag:s11] =	ssyncadd.s32 $0xFFFFFF80  }
0x1f: {  	[tilespmem:s13], [sflag:$0x5] =	stream.indirect.gather [hbm4b:s5+s17], $0x80, s4, s17, $0xb8;
	[tilespmem:$0x1D480] =	vst v63  }
0x20: {  	s14 =	simm.s32 $0x1200  }
0x21: {  	[tilespmem:s14], [sflag:$0x5] =	stream.indirect.gather [hbm4b:s5+s17], $0x80, s17, s17, $0xb8;
	[tilespmem:$0x1D480] =	vst v63  }
0x22: {  	s24 =	simm.s32 $0x40;
	s9 =	simm.s32 $0x2200  }
0x23: {  	[tilespmem:s9], [sflag:$0x5] =	stream.indirect.gather [hbm4b:s5+s17], $0x80, s24, s17, $0xb8;
	[tilespmem:$0x1D480] =	vst v63  }
0x24: {  	s25 =	simm.s32 $0x60;
	s31 =	simm.s32 $0x3200;
	s9 =	simm.s32 $0x2  }
0x25: {  	[tilespmem:s31], [sflag:$0x5] =	stream.indirect.gather [hbm4b:s5+s17], $0x80, s25, s17, $0xb8;
	[tilespmem:$0x1D480] =	vst v63  }
0x26: {  	_ =	swait.ge [sflag:s9], $0x80  }
0x27: {  	[sflag:s9] =	ssyncset.done $0x0  }
0x28: {  	s10 =	simm.s32 $0x4200;
	[sflag:s9] =	ssyncadd.s32 $0xFFFFFF80  }
0x29: {  	[tilespmem:s10], [sflag:$0x6] =	stream.indirect.gather [hbm4b:s5+s17], $0x80, s7, s17, $0xb8;
	[tilespmem:$0x1D480] =	vst v63  }
0x2a: {  	s11 =	simm.s32 $0xA0;
	s13 =	simm.s32 $0x5200  }
0x2b: {  	[tilespmem:s13], [sflag:$0x6] =	stream.indirect.gather [hbm4b:s5+s17], $0x80, s11, s17, $0xb8;
	[tilespmem:$0x1D480] =	vst v63  }
0x2c: {  	s14 =	simm.s32 $0xC0;
	s24 =	simm.s32 $0x6200  }
0x2d: {  	[tilespmem:s24], [sflag:$0x6] =	stream.indirect.gather [hbm4b:s5+s17], $0x80, s14, s17, $0xb8;
	[tilespmem:$0x1D480] =	vst v63  }
0x2e: {  	s25 =	simm.s32 $0xE0;
	s31 =	simm.s32 $0x7200  }
0x2f: {  	[tilespmem:s31], [sflag:$0x6] =	stream.indirect.gather [hbm4b:s5+s17], $0x80, s25, s17, $0xb8;
	[tilespmem:$0x1D480] =	vst v63  }
0x30: {  	s25 =	simm.s32 $0x0  }
.LBB2_2:
0x31: {  	s31 =	sshllo.u32 s25, $0x2  }
0x32: {  	s7 =	sshll.u32 s25, $0xE;
	s6 =	sshll.u32 s31, $0x7  }
0x33: {  	s7 =	sand.u32 $0xF8000, s7;
	s6 =	sand.u32 $0x380, s6  }
0x34: {  	s6 =	sor.u32 s6, s7  }
0x35: {  	s6 =	sor.u32 s8, s6  }
0x36: {  	s6 =	sshrl.u32 s6, $0x3  }
0x37: {  	s6 =	sadd.s32 s1, s6  }
0x38: {  	[tilespmem:s2], [sflag:$0x4] =	stream.linear.gather [hbm4b:s6+s4], $0x80, $0x38;
	[tilespmem:$0x1D480] =	vst v63  }
0x39: {  	_ =	swait.ge [sflag:s12], $0x80  }
0x3a: {  	[sflag:s12] =	ssyncset.done $0x0  }
0x3b: {  	s10 =	simm.s32 $0x8200;
	[sflag:s12] =	ssyncadd.s32 $0xFFFFFF80  }
0x3c: {  	[tilespmem:s10], [sflag:$0x7] =	stream.indirect.gather [hbm4b:s5+s17], $0x80, s15, s17, $0xb8;
	[tilespmem:$0x1D480] =	vst v63  }
0x3d: {  	s11 =	simm.s32 $0x120;
	s13 =	simm.s32 $0x9200  }
0x3e: {  	[tilespmem:s13], [sflag:$0x7] =	stream.indirect.gather [hbm4b:s5+s17], $0x80, s11, s17, $0xb8;
	[tilespmem:$0x1D480] =	vst v63  }
0x3f: {  	s14 =	simm.s32 $0x140;
	s24 =	simm.s32 $0xA200;
	p1 =	seq.s32 s25, $0x0  }
0x40: {  	[tilespmem:s24], [sflag:$0x7] =	stream.indirect.gather [hbm4b:s5+s17], $0x80, s14, s17, $0xb8;
	[tilespmem:$0x1D480] =	vst v63  }
0x41: {  	s9 =	simm.s32 $0xB200;
	s7 =	simm.s32 $0x160;
	s6 =	simm.s32 @!p1 $0x9  }
0x42: {  	[tilespmem:s9], [sflag:$0x7] =	stream.indirect.gather [hbm4b:s5+s17], $0x80, s7, s17, $0xb8;
	[tilespmem:$0x1D480] =	vst v63  }
0x43: {  	_ =	swait.ge @!p1 [sflag:s6], $0x2000  }
0x44: {  	[sflag:s6] =	ssyncset.done @!p1 $0x0  }
0x45: {  	[sflag:s6] =	ssyncadd.s32 @!p1 $0xFFFFE000  }
0x46: {  	_ =	swait.ge [sflag:s26], $0x1000  }
0x47: {  	[sflag:s26] =	ssyncset.done $0x0  }
0x48: {  	[sflag:s26] =	ssyncadd.s32 $0xFFFFF000  }
0x49: {  	_ =	swait.ge [sflag:s26], $0x1000  }
0x4a: {  	[sflag:s26] =	ssyncset.done $0x0  }
0x4b: {  	[sflag:s26] =	ssyncadd.s32 $0xFFFFF000  }
0x4c: {  	_ =	swait.ge [sflag:s26], $0x1000  }
0x4d: {  	[sflag:s26] =	ssyncset.done $0x0  }
0x4e: {  	[sflag:s26] =	ssyncadd.s32 $0xFFFFF000  }
0x4f: {  	_ =	swait.ge [sflag:s26], $0x1000  }
0x50: {  	s10 =	sshll.u32 s25, $0x8;
	[sflag:s26] =	ssyncset.done $0x0  }
0x51: {  	s6 =	sand.u32 $0x3FFFFF00, s10;
	[sflag:s26] =	ssyncadd.s32 $0xFFFFF000  }
0x52: {  	v4 =	vld [tilespmem:s6+$0x18200]  }
0x53: {  	v5 =	vld [tilespmem:s6+$0x18210]  }
0x54: {  	v6 =	vld [tilespmem:s6+$0x18220]  }
0x55: {  	s9 =	simm.s32 $0x300;
	v7 =	vld [tilespmem:s6+$0x18230]  }
0x56: {  	v8 =	vld [tilespmem:s9+$0xFFFFFF00]  }
0x57: {  	s11 =	simm.s32 $0x0;
	v9 =	vld [tilespmem:s9+$0xFFFFFF10]  }
0x58: {  	v11 =	vadd.s32 s11, v0;
	v10 =	vld [tilespmem:s9+$0xFFFFFF20]  }
0x59: {  	v13 =	vadd.s32 s11, v1;
	v12 =	vld [tilespmem:s9+$0xFFFFFF30]  }
0x5a: {  	v14 =	vadd.s32 s11, v2  }
0x5b: {  	v15 =	vadd.s32 s11, v3;
	v8 =	vadd.f32 v8, v4  }
0x5c: {  	v9 =	vadd.f32 v9, v5  }
0x5d: {  	v10 =	vadd.f32 v10, v6;
	[tilespmem:v11+s28+$0x0] =	vst.idx.msk $0xffff, v8  }
0x5e: {  	v8 =	vadd.f32 v12, v7;
	[tilespmem:v13+s28+$0x0] =	vst.idx.msk $0xffff, v9  }
0x5f: {  	[tilespmem:v14+s28+$0x0] =	vst.idx.msk $0xffff, v10  }
0x60: {  	[tilespmem:v15+s28+$0x0] =	vst.idx.msk $0xffff, v8  }
0x61: {  	v8 =	vld [tilespmem:s9+$0xFFFFFF80]  }
0x62: {  	s13 =	simm.s32 $0x1;
	v9 =	vld [tilespmem:s9+$0xFFFFFF90]  }
0x63: {  	v11 =	vadd.s32 s13, v0;
	v10 =	vld [tilespmem:s9+$0xFFFFFFA0]  }
0x64: {  	v55 =	vadd.s32 s13, v1;
	v54 =	vld [tilespmem:s9+$0xFFFFFFB0]  }
0x65: {  	v56 =	vadd.s32 s13, v2  }
0x66: {  	v57 =	vadd.s32 s13, v3;
	v8 =	vadd.f32 v8, v4  }
0x67: {  	v9 =	vadd.f32 v9, v5  }
0x68: {  	v10 =	vadd.f32 v10, v6;
	[tilespmem:v11+s28+$0x0] =	vst.idx.msk $0xffff, v8  }
0x69: {  	v8 =	vadd.f32 v54, v7;
	[tilespmem:v55+s28+$0x0] =	vst.idx.msk $0xffff, v9  }
0x6a: {  	[tilespmem:v56+s28+$0x0] =	vst.idx.msk $0xffff, v10  }
0x6b: {  	[tilespmem:v57+s28+$0x0] =	vst.idx.msk $0xffff, v8  }
0x6c: {  	v8 =	vld [tilespmem:s9+$0x0]  }
0x6d: {  	s14 =	simm.s32 $0x2;
	v9 =	vld [tilespmem:s9+$0x10]  }
0x6e: {  	v11 =	vadd.s32 s14, v0;
	v10 =	vld [tilespmem:s9+$0x20]  }
0x6f: {  	v59 =	vadd.s32 s14, v1;
	v58 =	vld [tilespmem:s9+$0x30]  }
0x70: {  	v60 =	vadd.s32 s14, v2  }
0x71: {  	v61 =	vadd.s32 s14, v3;
	v8 =	vadd.f32 v8, v4  }
0x72: {  	v9 =	vadd.f32 v9, v5  }
0x73: {  	v10 =	vadd.f32 v10, v6;
	[tilespmem:v11+s28+$0x0] =	vst.idx.msk $0xffff, v8  }
0x74: {  	v8 =	vadd.f32 v58, v7;
	[tilespmem:v59+s28+$0x0] =	vst.idx.msk $0xffff, v9  }
0x75: {  	[tilespmem:v60+s28+$0x0] =	vst.idx.msk $0xffff, v10  }
0x76: {  	[tilespmem:v61+s28+$0x0] =	vst.idx.msk $0xffff, v8  }
0x77: {  	v8 =	vld [tilespmem:s9+$0x80]  }
0x78: {  	s24 =	simm.s32 $0x3  }
0x79: {  	v11 =	vadd.s32 s24, v0;
	v9 =	vld [tilespmem:s9+$0x90]  }
0x7a: {  	v10 =	vld [tilespmem:s9+$0xA0]  }
0x7b: {  	v62 =	vadd.s32 s24, v1  }
0x7c: {  	v63 =	vadd.s32 s24, v2;
	v13 =	vld [tilespmem:s9+$0xB0];
	v8 =	vadd.f32 v8, v4;
	_ =	sdelay $0x1  }
0x7d: {  	v9 =	vadd.f32 v9, v5;
	[tilespmem:v11+s28+$0x0] =	vst.idx.msk $0xffff, v8;
	v8 =	vadd.s32 s24, v3  }
0x7e: {  	v10 =	vadd.f32 v10, v6  }
0x7f: {  	s14 =	sshll.u32 s25, $0x2;
	[tilespmem:v62+s28+$0x0] =	vst.idx.msk $0xffff, v9  }
0x80: {  	s10 =	simm.s32 $0x4;
	s6 =	sor.u32 $0x2, s14;
	v9 =	vadd.f32 v13, v7;
	[tilespmem:v63+s28+$0x0] =	vst.idx.msk $0xffff, v10  }
.LBB2_3:
0x81: {  	p0 =	slt.u32 s10, $0x7C  }
0x82: {  	[tilespmem:v8+s28+$0x0] =	vst.idx.msk $0xffff, v9;
	s9 =	sadd.s32 $0x200, s9;
	s11 =	smov.u32 s10;
	s10 =	sadd.s32 $0x4, s10  }
0x83: {  	v8 =	vld [tilespmem:s9+$0xFFFFFF00]  }
0x84: {  	v9 =	vld [tilespmem:s9+$0xFFFFFF10]  }
0x85: {  	v11 =	vadd.s32 s11, v0;
	v10 =	vld [tilespmem:s9+$0xFFFFFF20]  }
0x86: {  	v13 =	vadd.s32 s11, v1;
	v12 =	vld [tilespmem:s9+$0xFFFFFF30]  }
0x87: {  	v14 =	vadd.s32 s11, v2  }
0x88: {  	v15 =	vadd.s32 s11, v3;
	v8 =	vadd.f32 v8, v4  }
0x89: {  	v9 =	vadd.f32 v9, v5  }
0x8a: {  	v10 =	vadd.f32 v10, v6;
	[tilespmem:v11+s28+$0x0] =	vst.idx.msk $0xffff, v8  }
0x8b: {  	v8 =	vadd.f32 v12, v7;
	[tilespmem:v13+s28+$0x0] =	vst.idx.msk $0xffff, v9  }
0x8c: {  	[tilespmem:v14+s28+$0x0] =	vst.idx.msk $0xffff, v10  }
0x8d: {  	[tilespmem:v15+s28+$0x0] =	vst.idx.msk $0xffff, v8  }
0x8e: {  	v8 =	vld [tilespmem:s9+$0xFFFFFF80]  }
0x8f: {  	s7 =	sadd.s32 $0x1, s11;
	v9 =	vld [tilespmem:s9+$0xFFFFFF90]  }
0x90: {  	v11 =	vadd.s32 s7, v0;
	v10 =	vld [tilespmem:s9+$0xFFFFFFA0]  }
0x91: {  	v13 =	vadd.s32 s7, v1;
	v12 =	vld [tilespmem:s9+$0xFFFFFFB0]  }
0x92: {  	v14 =	vadd.s32 s7, v2  }
0x93: {  	v15 =	vadd.s32 s7, v3;
	v8 =	vadd.f32 v8, v4  }
0x94: {  	v9 =	vadd.f32 v9, v5  }
0x95: {  	v10 =	vadd.f32 v10, v6;
	[tilespmem:v11+s28+$0x0] =	vst.idx.msk $0xffff, v8  }
0x96: {  	v8 =	vadd.f32 v12, v7;
	[tilespmem:v13+s28+$0x0] =	vst.idx.msk $0xffff, v9  }
0x97: {  	[tilespmem:v14+s28+$0x0] =	vst.idx.msk $0xffff, v10  }
0x98: {  	[tilespmem:v15+s28+$0x0] =	vst.idx.msk $0xffff, v8  }
0x99: {  	v8 =	vld [tilespmem:s9+$0x0]  }
0x9a: {  	s7 =	sadd.s32 $0x2, s11;
	v9 =	vld [tilespmem:s9+$0x10]  }
0x9b: {  	v11 =	vadd.s32 s7, v0;
	v10 =	vld [tilespmem:s9+$0x20]  }
0x9c: {  	v13 =	vadd.s32 s7, v1;
	v12 =	vld [tilespmem:s9+$0x30]  }
0x9d: {  	v14 =	vadd.s32 s7, v2  }
0x9e: {  	v15 =	vadd.s32 s7, v3;
	v8 =	vadd.f32 v8, v4  }
0x9f: {  	v9 =	vadd.f32 v9, v5  }
0xa0: {  	v10 =	vadd.f32 v10, v6;
	[tilespmem:v11+s28+$0x0] =	vst.idx.msk $0xffff, v8  }
0xa1: {  	v8 =	vadd.f32 v12, v7;
	[tilespmem:v13+s28+$0x0] =	vst.idx.msk $0xffff, v9  }
0xa2: {  	[tilespmem:v14+s28+$0x0] =	vst.idx.msk $0xffff, v10  }
0xa3: {  	[tilespmem:v15+s28+$0x0] =	vst.idx.msk $0xffff, v8  }
0xa4: {  	v9 =	vld [tilespmem:s9+$0x80]  }
0xa5: {  	s7 =	sadd.s32 $0x3, s11;
	v10 =	vld [tilespmem:s9+$0x90]  }
0xa6: {  	v12 =	vadd.s32 s7, v0;
	v11 =	vld [tilespmem:s9+$0xA0]  }
0xa7: {  	v14 =	vadd.s32 s7, v1;
	v13 =	vld [tilespmem:s9+$0xB0]  }
0xa8: {  	v15 =	vadd.s32 s7, v2  }
.Ltmp0:
0xa9: {  	v8 =	vadd.s32 s7, v3;
	v9 =	vadd.f32 v9, v4;
	(pc) =	sbr.rel @p0 .LBB2_3-.Ltmp0, $4  }
0xaa: {  	v10 =	vadd.f32 v10, v5  }
0xab: {  	v11 =	vadd.f32 v11, v6;
	[tilespmem:v12+s28+$0x0] =	vst.idx.msk $0xffff, v9  }
0xac: {  	v9 =	vadd.f32 v13, v7;
	[tilespmem:v14+s28+$0x0] =	vst.idx.msk $0xffff, v10  }
0xad: {  	[tilespmem:v15+s28+$0x0] =	vst.idx.msk $0xffff, v11  }
0xae: {  	_ =	sdelay $0x3  }
0xaf: {  	[tilespmem:v8+s28+$0x0] =	vst.idx.msk $0xffff, v9  }
0xb0: {  	v4 =	vld [tilespmem:$0x1B470]  }
0xb1: {  	v5 =	vld [tilespmem:$0x1B460]  }
0xb2: {  	v6 =	vld [tilespmem:$0x1B450]  }
0xb3: {  	v7 =	vld [tilespmem:$0x1B440]  }
0xb4: {  	v8 =	vld [tilespmem:$0x1B430]  }
0xb5: {  	v9 =	vld [tilespmem:$0x1B420]  }
0xb6: {  	s10 =	simm.s32 $0x10280;
	v11 =	vld [tilespmem:$0x1B400]  }
0xb7: {  	v10 =	vld [tilespmem:$0x1B410];
	[tilespmem:s10+$0xFFFFFFF0] =	vst v4  }
0xb8: {  	[tilespmem:s10+$0xFFFFFFE0] =	vst v5  }
0xb9: {  	[tilespmem:s10+$0xFFFFFFD0] =	vst v6  }
0xba: {  	[tilespmem:s10+$0xFFFFFFB0] =	vst v8  }
0xbb: {  	[tilespmem:s10+$0xFFFFFF80] =	vst v11  }
0xbc: {  	[tilespmem:s10+$0xFFFFFFA0] =	vst v9  }
0xbd: {  	[tilespmem:s10+$0xFFFFFFC0] =	vst v7  }
0xbe: {  	s9 =	simm.s32 $0x1B4C1;
	[tilespmem:s10+$0xFFFFFF90] =	vst v10  }
0xbf: {  	v5 =	vld [tilespmem:s9+$0x30]  }
0xc0: {  	v6 =	vld [tilespmem:s9+$0x20]  }
0xc1: {  	v4 =	vld [tilespmem:s9+$0x0]  }
0xc2: {  	v7 =	vld [tilespmem:s9+$0xFFFFFFD0]  }
0xc3: {  	v8 =	vld [tilespmem:s9+$0x10]  }
0xc4: {  	s11 =	simm.s32 $0x0;
	s13 =	simm.s32 $0x1B4C1;
	s7 =	simm.s32 $0x10280;
	v9 =	vld [tilespmem:s9+$0xFFFFFFF0]  }
.LBB2_5:
0xc5: {  	s11 =	sadd.s32 $0x2, s11;
	v10 =	vld [tilespmem:s9+$0xFFFFFFE0];
	s10 =	sadd.s32 $0x100, s10;
	s13 =	sadd.s32 $0x102, s13  }
0xc6: {  	p0 =	slt.u32 s11, $0x3C;
	v11 =	vld [tilespmem:s9+$0xFFFFFFC0]  }
0xc7: {  	[tilespmem:s7+$0x70] =	vst v5  }
0xc8: {  	[tilespmem:s7+$0x60] =	vst v6  }
0xc9: {  	[tilespmem:s7+$0x10] =	vst v7  }
0xca: {  	[tilespmem:s7+$0x50] =	vst v8  }
0xcb: {  	[tilespmem:s7+$0x30] =	vst v9  }
0xcc: {  	[tilespmem:s7+$0x20] =	vst v10  }
0xcd: {  	[tilespmem:s7+$0x0] =	vst v11  }
0xce: {  	[tilespmem:s7+$0x40] =	vst v4;
	s7 =	smov.u32 s10  }
0xcf: {  	v4 =	vld [tilespmem:s9+$0xB1]  }
0xd0: {  	v5 =	vld [tilespmem:s9+$0xA1]  }
0xd1: {  	v6 =	vld [tilespmem:s9+$0x91]  }
0xd2: {  	v7 =	vld [tilespmem:s9+$0x71]  }
0xd3: {  	v8 =	vld [tilespmem:s9+$0x61]  }
0xd4: {  	v9 =	vld [tilespmem:s9+$0x41]  }
0xd5: {  	v10 =	vld [tilespmem:s9+$0x51]  }
0xd6: {  	v11 =	vld [tilespmem:s9+$0x81];
	s9 =	smov.u32 s13  }
0xd7: {  	[tilespmem:s10+$0xFFFFFFF0] =	vst v4  }
0xd8: {  	[tilespmem:s10+$0xFFFFFFE0] =	vst v5  }
0xd9: {  	[tilespmem:s10+$0xFFFFFFD0] =	vst v6  }
0xda: {  	[tilespmem:s10+$0xFFFFFFB0] =	vst v7  }
0xdb: {  	[tilespmem:s10+$0xFFFFFF80] =	vst v9  }
0xdc: {  	[tilespmem:s10+$0xFFFFFFA0] =	vst v8  }
0xdd: {  	[tilespmem:s10+$0xFFFFFFC0] =	vst v11  }
0xde: {  	[tilespmem:s10+$0xFFFFFF90] =	vst v10  }
0xdf: {  	v5 =	vld [tilespmem:s13+$0x30]  }
.Ltmp1:
0xe0: {  	v6 =	vld [tilespmem:s13+$0x20];
	(pc) =	sbr.rel @p0 .LBB2_5-.Ltmp1, $4  }
0xe1: {  	v4 =	vld [tilespmem:s13+$0x0]  }
0xe2: {  	v7 =	vld [tilespmem:s13+$0xFFFFFFD0]  }
0xe3: {  	v8 =	vld [tilespmem:s13+$0x10]  }
0xe4: {  	v9 =	vld [tilespmem:s13+$0xFFFFFFF0]  }
0xe5: {  	v10 =	vld [tilespmem:s9+$0xFFFFFFE0]  }
0xe6: {  	v11 =	vld [tilespmem:s9+$0xFFFFFFC0];
	[tilespmem:s7+$0x70] =	vst v5  }
0xe7: {  	[tilespmem:s7+$0x60] =	vst v6  }
0xe8: {  	[tilespmem:s7+$0x40] =	vst v4  }
0xe9: {  	[tilespmem:s7+$0x10] =	vst v7  }
0xea: {  	[tilespmem:s7+$0x50] =	vst v8  }
0xeb: {  	[tilespmem:s7+$0x30] =	vst v9  }
0xec: {  	[tilespmem:s7+$0x20] =	vst v10  }
0xed: {  	[tilespmem:s7+$0x0] =	vst v11  }
0xee: {  	v4 =	vld [tilespmem:s9+$0xB1]  }
0xef: {  	v5 =	vld [tilespmem:s9+$0xA1]  }
0xf0: {  	v7 =	vld [tilespmem:s9+$0x41]  }
0xf1: {  	v8 =	vld [tilespmem:s9+$0x51]  }
0xf2: {  	v9 =	vld [tilespmem:s9+$0x61]  }
0xf3: {  	v10 =	vld [tilespmem:s9+$0x71]  }
0xf4: {  	v11 =	vld [tilespmem:s9+$0x81]  }
0xf5: {  	v6 =	vld [tilespmem:s9+$0x91];
	[tilespmem:$0x12100] =	vst v7  }
0xf6: {  	[tilespmem:$0x12110] =	vst v8  }
0xf7: {  	[tilespmem:$0x12120] =	vst v9  }
0xf8: {  	[tilespmem:$0x12130] =	vst v10;
	v7 =	vld [tilespmem:$0x1D3BF]  }
0xf9: {  	[tilespmem:$0x12140] =	vst v11;
	v8 =	vld [tilespmem:$0x1D3CF]  }
0xfa: {  	[tilespmem:$0x12150] =	vst v6;
	v6 =	vld [tilespmem:$0x1D3DF]  }
0xfb: {  	[tilespmem:$0x12160] =	vst v5;
	v5 =	vld [tilespmem:$0x1D3EF]  }
0xfc: {  	[tilespmem:$0x12170] =	vst v4;
	v4 =	vld [tilespmem:$0x1D3FF]  }
0xfd: {  	v9 =	vld [tilespmem:$0x1D40F];
	[tilespmem:$0x12180] =	vst v7  }
0xfe: {  	v7 =	vld [tilespmem:$0x1D41F];
	[tilespmem:$0x12190] =	vst v8  }
0xff: {  	v8 =	vld [tilespmem:$0x1D42F];
	[tilespmem:$0x121A0] =	vst v6  }
0x100: {  	[tilespmem:$0x121B0] =	vst v5  }
0x101: {  	s13 =	sshll.u32 s25, $0x14;
	[tilespmem:$0x121C0] =	vst v4  }
0x102: {  	s7 =	sor.u32 s8, s13;
	[tilespmem:$0x121D0] =	vst v9  }
0x103: {  	s7 =	sshrl.u32 s7, $0x3;
	[tilespmem:$0x121E0] =	vst v7  }
0x104: {  	s24 =	simm.s32 $0x10200;
	p0 =	seq.s32 s25, $0x31;
	s7 =	sadd.s32 s3, s7;
	[tilespmem:$0x121F0] =	vst v8  }
0x105: {  	[hbm4b:s7+s29] =	stream.strided.scatter [tilespmem:s24], [sflag:$0x9], $0x2000, s30, s29, $0x38;
	[tilespmem:$0x1D480] =	vst v63  }
0x106: {  	s7 =	sadd.s32 @!p0 $0x4, s14  }
0x107: {  	s9 =	sshll.u32 @!p0 s7, $0x7;
	s7 =	sshll.u32 @!p0 s7, $0xC  }
0x108: {  	s9 =	sand.u32 @!p0 $0x200, s9;
	s7 =	sand.u32 @!p0 $0x1F8000, s7  }
0x109: {  	s7 =	sor.u32 @!p0 s7, s9  }
0x10a: {  	s7 =	sor.u32 @!p0 s8, s7  }
0x10b: {  	s7 =	sshrl.u32 @!p0 s7, $0x3  }
0x10c: {  	s9 =	simm.s32 @!p0 $0x0;
	s7 =	sadd.s32 @!p0 s1, s7  }
0x10d: {  	[tilespmem:s9], [sflag:$0x1] =	stream.linear.gather @!p0 [hbm4b:s7+s9], $0x80, $0x38;
	[tilespmem:$0x1D480] =	vst v63  }
0x10e: {  	_ =	swait.ge [sflag:s0], $0x80  }
0x10f: {  	[sflag:s0] =	ssyncset.done $0x0  }
0x110: {  	s9 =	simm.s32 $0xC200;
	[sflag:s0] =	ssyncadd.s32 $0xFFFFFF80  }
0x111: {  	[tilespmem:s9], [sflag:$0x8] =	stream.indirect.gather [hbm4b:s5+s17], $0x80, s2, s17, $0xb8;
	[tilespmem:$0x1D480] =	vst v63  }
0x112: {  	s10 =	simm.s32 $0x1A0;
	s11 =	simm.s32 $0xD200  }
0x113: {  	[tilespmem:s11], [sflag:$0x8] =	stream.indirect.gather [hbm4b:s5+s17], $0x80, s10, s17, $0xb8;
	[tilespmem:$0x1D480] =	vst v63  }
0x114: {  	s13 =	simm.s32 $0x1C0;
	s24 =	simm.s32 $0xE200  }
0x115: {  	[tilespmem:s24], [sflag:$0x8] =	stream.indirect.gather [hbm4b:s5+s17], $0x80, s13, s17, $0xb8;
	[tilespmem:$0x1D480] =	vst v63  }
0x116: {  	s7 =	simm.s32 @!p1 $0xA;
	s9 =	simm.s32 $0x1E0;
	s10 =	simm.s32 $0xF200  }
0x117: {  	[tilespmem:s10], [sflag:$0x8] =	stream.indirect.gather [hbm4b:s5+s17], $0x80, s9, s17, $0xb8;
	[tilespmem:$0x1D480] =	vst v63  }
0x118: {  	_ =	swait.ge @!p1 [sflag:s7], $0x2000  }
0x119: {  	[sflag:s7] =	ssyncset.done @!p1 $0x0  }
0x11a: {  	[sflag:s7] =	ssyncadd.s32 @!p1 $0xFFFFE000  }
0x11b: {  	_ =	swait.ge [sflag:s16], $0x1000  }
0x11c: {  	[sflag:s16] =	ssyncset.done $0x0  }
0x11d: {  	[sflag:s16] =	ssyncadd.s32 $0xFFFFF000  }
0x11e: {  	_ =	swait.ge [sflag:s16], $0x1000  }
0x11f: {  	[sflag:s16] =	ssyncset.done $0x0  }
0x120: {  	[sflag:s16] =	ssyncadd.s32 $0xFFFFF000  }
0x121: {  	_ =	swait.ge [sflag:s16], $0x1000  }
0x122: {  	[sflag:s16] =	ssyncset.done $0x0  }
0x123: {  	[sflag:s16] =	ssyncadd.s32 $0xFFFFF000  }
0x124: {  	_ =	swait.ge [sflag:s16], $0x1000  }
0x125: {  	s9 =	sor.u32 $0x1, s14;
	[sflag:s16] =	ssyncset.done $0x0  }
0x126: {  	s11 =	sshll.u32 s9, $0x6;
	[sflag:s16] =	ssyncadd.s32 $0xFFFFF000  }
0x127: {  	s10 =	sor.u32 $0x50, s11;
	v4 =	vld [tilespmem:s11+$0x18200]  }
0x128: {  	s13 =	sor.u32 $0x60, s11;
	v5 =	vld [tilespmem:s10+$0x18200]  }
0x129: {  	s7 =	sor.u32 $0x70, s11;
	v6 =	vld [tilespmem:s13+$0x18200]  }
0x12a: {  	v7 =	vld [tilespmem:s7+$0x18200];
	s10 =	simm.s32 $0x43B0  }
0x12b: {  	v8 =	vld [tilespmem:s10+$0xFFFFFE50]  }
0x12c: {  	s24 =	simm.s32 $0x0;
	v9 =	vld [tilespmem:s10+$0xFFFFFE60]  }
0x12d: {  	v11 =	vadd.s32 s24, v0;
	v10 =	vld [tilespmem:s10+$0xFFFFFE70]  }
0x12e: {  	v13 =	vadd.s32 s24, v1;
	v12 =	vld [tilespmem:s10+$0xFFFFFE80]  }
0x12f: {  	v14 =	vadd.s32 s24, v2  }
0x130: {  	v15 =	vadd.s32 s24, v3;
	v8 =	vadd.f32 v8, v4  }
0x131: {  	v9 =	vadd.f32 v9, v5  }
0x132: {  	v10 =	vadd.f32 v10, v6;
	[tilespmem:v11+s28+$0x0] =	vst.idx.msk $0xffff, v8  }
0x133: {  	v8 =	vadd.f32 v12, v7;
	[tilespmem:v13+s28+$0x0] =	vst.idx.msk $0xffff, v9  }
0x134: {  	[tilespmem:v14+s28+$0x0] =	vst.idx.msk $0xffff, v10  }
0x135: {  	[tilespmem:v15+s28+$0x0] =	vst.idx.msk $0xffff, v8  }
0x136: {  	v8 =	vld [tilespmem:s10+$0xFFFFFED0]  }
0x137: {  	s11 =	simm.s32 $0x1;
	v9 =	vld [tilespmem:s10+$0xFFFFFEE0]  }
0x138: {  	v11 =	vadd.s32 s11, v0;
	v10 =	vld [tilespmem:s10+$0xFFFFFEF0]  }
0x139: {  	v55 =	vadd.s32 s11, v1;
	v54 =	vld [tilespmem:s10+$0xFFFFFF00]  }
0x13a: {  	v56 =	vadd.s32 s11, v2  }
0x13b: {  	v57 =	vadd.s32 s11, v3;
	v8 =	vadd.f32 v8, v4  }
0x13c: {  	v9 =	vadd.f32 v9, v5  }
0x13d: {  	v10 =	vadd.f32 v10, v6;
	[tilespmem:v11+s28+$0x0] =	vst.idx.msk $0xffff, v8  }
0x13e: {  	v8 =	vadd.f32 v54, v7;
	[tilespmem:v55+s28+$0x0] =	vst.idx.msk $0xffff, v9  }
0x13f: {  	[tilespmem:v56+s28+$0x0] =	vst.idx.msk $0xffff, v10  }
0x140: {  	[tilespmem:v57+s28+$0x0] =	vst.idx.msk $0xffff, v8  }
0x141: {  	v8 =	vld [tilespmem:s10+$0xFFFFFF50]  }
0x142: {  	s13 =	simm.s32 $0x2;
	v9 =	vld [tilespmem:s10+$0xFFFFFF60]  }
0x143: {  	v11 =	vadd.s32 s13, v0;
	v10 =	vld [tilespmem:s10+$0xFFFFFF70]  }
0x144: {  	v59 =	vadd.s32 s13, v1;
	v58 =	vld [tilespmem:s10+$0xFFFFFF80]  }
0x145: {  	v60 =	vadd.s32 s13, v2  }
0x146: {  	v61 =	vadd.s32 s13, v3;
	v8 =	vadd.f32 v8, v4  }
0x147: {  	v9 =	vadd.f32 v9, v5  }
0x148: {  	v10 =	vadd.f32 v10, v6;
	[tilespmem:v11+s28+$0x0] =	vst.idx.msk $0xffff, v8  }
0x149: {  	v8 =	vadd.f32 v58, v7;
	[tilespmem:v59+s28+$0x0] =	vst.idx.msk $0xffff, v9  }
0x14a: {  	[tilespmem:v60+s28+$0x0] =	vst.idx.msk $0xffff, v10  }
0x14b: {  	[tilespmem:v61+s28+$0x0] =	vst.idx.msk $0xffff, v8  }
0x14c: {  	v8 =	vld [tilespmem:s10+$0xFFFFFFD0]  }
0x14d: {  	s24 =	simm.s32 $0x3  }
0x14e: {  	v11 =	vadd.s32 s24, v0;
	v9 =	vld [tilespmem:s10+$0xFFFFFFE0]  }
0x14f: {  	v10 =	vld [tilespmem:s10+$0xFFFFFFF0]  }
0x150: {  	v62 =	vadd.s32 s24, v1  }
0x151: {  	v63 =	vadd.s32 s24, v2;
	v13 =	vld [tilespmem:s10+$0x0];
	v8 =	vadd.f32 v8, v4;
	_ =	sdelay $0x1  }
0x152: {  	v9 =	vadd.f32 v9, v5;
	[tilespmem:v11+s28+$0x0] =	vst.idx.msk $0xffff, v8;
	v8 =	vadd.s32 s24, v3  }
0x153: {  	v10 =	vadd.f32 v10, v6  }
0x154: {  	[tilespmem:v62+s28+$0x0] =	vst.idx.msk $0xffff, v9  }
0x155: {  	s11 =	simm.s32 $0x4;
	v9 =	vadd.f32 v13, v7;
	[tilespmem:v63+s28+$0x0] =	vst.idx.msk $0xffff, v10  }
.LBB2_7:
0x156: {  	p1 =	slt.u32 s11, $0x7C  }
0x157: {  	[tilespmem:v8+s28+$0x0] =	vst.idx.msk $0xffff, v9;
	s10 =	sadd.s32 $0x200, s10;
	s7 =	smov.u32 s11;
	s11 =	sadd.s32 $0x4, s11  }
0x158: {  	v8 =	vld [tilespmem:s10+$0xFFFFFE50]  }
0x159: {  	v9 =	vld [tilespmem:s10+$0xFFFFFE60]  }
0x15a: {  	v11 =	vadd.s32 s7, v0;
	v10 =	vld [tilespmem:s10+$0xFFFFFE70]  }
0x15b: {  	v13 =	vadd.s32 s7, v1;
	v12 =	vld [tilespmem:s10+$0xFFFFFE80]  }
0x15c: {  	v14 =	vadd.s32 s7, v2  }
0x15d: {  	v15 =	vadd.s32 s7, v3;
	v8 =	vadd.f32 v8, v4  }
0x15e: {  	v9 =	vadd.f32 v9, v5  }
0x15f: {  	v10 =	vadd.f32 v10, v6;
	[tilespmem:v11+s28+$0x0] =	vst.idx.msk $0xffff, v8  }
0x160: {  	v8 =	vadd.f32 v12, v7;
	[tilespmem:v13+s28+$0x0] =	vst.idx.msk $0xffff, v9  }
0x161: {  	[tilespmem:v14+s28+$0x0] =	vst.idx.msk $0xffff, v10  }
0x162: {  	[tilespmem:v15+s28+$0x0] =	vst.idx.msk $0xffff, v8  }
0x163: {  	v8 =	vld [tilespmem:s10+$0xFFFFFED0]  }
0x164: {  	s13 =	sadd.s32 $0x1, s7;
	v9 =	vld [tilespmem:s10+$0xFFFFFEE0]  }
0x165: {  	v11 =	vadd.s32 s13, v0;
	v10 =	vld [tilespmem:s10+$0xFFFFFEF0]  }
0x166: {  	v13 =	vadd.s32 s13, v1;
	v12 =	vld [tilespmem:s10+$0xFFFFFF00]  }
0x167: {  	v14 =	vadd.s32 s13, v2  }
0x168: {  	v15 =	vadd.s32 s13, v3;
	v8 =	vadd.f32 v8, v4  }
0x169: {  	v9 =	vadd.f32 v9, v5  }
0x16a: {  	v10 =	vadd.f32 v10, v6;
	[tilespmem:v11+s28+$0x0] =	vst.idx.msk $0xffff, v8  }
0x16b: {  	v8 =	vadd.f32 v12, v7;
	[tilespmem:v13+s28+$0x0] =	vst.idx.msk $0xffff, v9  }
0x16c: {  	[tilespmem:v14+s28+$0x0] =	vst.idx.msk $0xffff, v10  }
0x16d: {  	[tilespmem:v15+s28+$0x0] =	vst.idx.msk $0xffff, v8  }
0x16e: {  	v8 =	vld [tilespmem:s10+$0xFFFFFF50]  }
0x16f: {  	s13 =	sadd.s32 $0x2, s7;
	v9 =	vld [tilespmem:s10+$0xFFFFFF60]  }
0x170: {  	v11 =	vadd.s32 s13, v0;
	v10 =	vld [tilespmem:s10+$0xFFFFFF70]  }
0x171: {  	v13 =	vadd.s32 s13, v1;
	v12 =	vld [tilespmem:s10+$0xFFFFFF80]  }
0x172: {  	v14 =	vadd.s32 s13, v2  }
0x173: {  	v15 =	vadd.s32 s13, v3;
	v8 =	vadd.f32 v8, v4  }
0x174: {  	v9 =	vadd.f32 v9, v5  }
0x175: {  	v10 =	vadd.f32 v10, v6;
	[tilespmem:v11+s28+$0x0] =	vst.idx.msk $0xffff, v8  }
0x176: {  	v8 =	vadd.f32 v12, v7;
	[tilespmem:v13+s28+$0x0] =	vst.idx.msk $0xffff, v9  }
0x177: {  	[tilespmem:v14+s28+$0x0] =	vst.idx.msk $0xffff, v10  }
0x178: {  	[tilespmem:v15+s28+$0x0] =	vst.idx.msk $0xffff, v8  }
0x179: {  	v9 =	vld [tilespmem:s10+$0xFFFFFFD0]  }
0x17a: {  	s7 =	sadd.s32 $0x3, s7;
	v10 =	vld [tilespmem:s10+$0xFFFFFFE0]  }
0x17b: {  	v12 =	vadd.s32 s7, v0;
	v11 =	vld [tilespmem:s10+$0xFFFFFFF0]  }
0x17c: {  	v14 =	vadd.s32 s7, v1;
	v13 =	vld [tilespmem:s10+$0x0]  }
0x17d: {  	v15 =	vadd.s32 s7, v2  }
.Ltmp2:
0x17e: {  	v8 =	vadd.s32 s7, v3;
	v9 =	vadd.f32 v9, v4;
	(pc) =	sbr.rel @p1 .LBB2_7-.Ltmp2, $4  }
0x17f: {  	v10 =	vadd.f32 v10, v5  }
0x180: {  	v11 =	vadd.f32 v11, v6;
	[tilespmem:v12+s28+$0x0] =	vst.idx.msk $0xffff, v9  }
0x181: {  	v9 =	vadd.f32 v13, v7;
	[tilespmem:v14+s28+$0x0] =	vst.idx.msk $0xffff, v10  }
0x182: {  	[tilespmem:v15+s28+$0x0] =	vst.idx.msk $0xffff, v11  }
0x183: {  	_ =	sdelay $0x3  }
0x184: {  	[tilespmem:v8+s28+$0x0] =	vst.idx.msk $0xffff, v9  }
0x185: {  	v6 =	vld [tilespmem:$0x1B470]  }
0x186: {  	v7 =	vld [tilespmem:$0x1B460]  }
0x187: {  	v8 =	vld [tilespmem:$0x1B450]  }
0x188: {  	v4 =	vld [tilespmem:$0x1B440]  }
0x189: {  	v10 =	vld [tilespmem:$0x1B430]  }
0x18a: {  	v9 =	vld [tilespmem:$0x1B420]  }
0x18b: {  	s11 =	simm.s32 $0x122F0;
	v11 =	vld [tilespmem:$0x1B400]  }
0x18c: {  	v5 =	vld [tilespmem:$0x1B410];
	[tilespmem:s11+$0xFFFFFF80] =	vst v6  }
0x18d: {  	[tilespmem:s11+$0xFFFFFF70] =	vst v7  }
0x18e: {  	[tilespmem:s11+$0xFFFFFF60] =	vst v8  }
0x18f: {  	[tilespmem:s11+$0xFFFFFF40] =	vst v10  }
0x190: {  	[tilespmem:s11+$0xFFFFFF10] =	vst v11  }
0x191: {  	[tilespmem:s11+$0xFFFFFF30] =	vst v9  }
0x192: {  	[tilespmem:s11+$0xFFFFFF50] =	vst v4  }
0x193: {  	s10 =	simm.s32 $0x1B4C1;
	[tilespmem:s11+$0xFFFFFF20] =	vst v5  }
0x194: {  	v5 =	vld [tilespmem:s10+$0x30]  }
0x195: {  	v6 =	vld [tilespmem:s10+$0x20]  }
0x196: {  	v4 =	vld [tilespmem:s10+$0x0]  }
0x197: {  	v7 =	vld [tilespmem:s10+$0xFFFFFFD0]  }
0x198: {  	v8 =	vld [tilespmem:s10+$0x10]  }
0x199: {  	s13 =	simm.s32 $0x0;
	s24 =	simm.s32 $0x1B4C1;
	s7 =	simm.s32 $0x122F0;
	v9 =	vld [tilespmem:s10+$0xFFFFFFF0]  }
.LBB2_9:
0x19a: {  	s13 =	sadd.s32 $0x2, s13;
	v10 =	vld [tilespmem:s10+$0xFFFFFFE0];
	s11 =	sadd.s32 $0x100, s11;
	s24 =	sadd.s32 $0x102, s24  }
0x19b: {  	p1 =	slt.u32 s13, $0x3C;
	v11 =	vld [tilespmem:s10+$0xFFFFFFC0]  }
0x19c: {  	[tilespmem:s7+$0x0] =	vst v5  }
0x19d: {  	[tilespmem:s7+$0xFFFFFFF0] =	vst v6  }
0x19e: {  	[tilespmem:s7+$0xFFFFFFA0] =	vst v7  }
0x19f: {  	[tilespmem:s7+$0xFFFFFFE0] =	vst v8  }
0x1a0: {  	[tilespmem:s7+$0xFFFFFFC0] =	vst v9  }
0x1a1: {  	[tilespmem:s7+$0xFFFFFFB0] =	vst v10  }
0x1a2: {  	[tilespmem:s7+$0xFFFFFF90] =	vst v11  }
0x1a3: {  	[tilespmem:s7+$0xFFFFFFD0] =	vst v4;
	s7 =	smov.u32 s11  }
0x1a4: {  	v4 =	vld [tilespmem:s10+$0xB1]  }
0x1a5: {  	v5 =	vld [tilespmem:s10+$0xA1]  }
0x1a6: {  	v6 =	vld [tilespmem:s10+$0x91]  }
0x1a7: {  	v7 =	vld [tilespmem:s10+$0x71]  }
0x1a8: {  	v8 =	vld [tilespmem:s10+$0x61]  }
0x1a9: {  	v9 =	vld [tilespmem:s10+$0x41]  }
0x1aa: {  	v10 =	vld [tilespmem:s10+$0x51]  }
0x1ab: {  	v11 =	vld [tilespmem:s10+$0x81];
	s10 =	smov.u32 s24  }
0x1ac: {  	[tilespmem:s11+$0xFFFFFF80] =	vst v4  }
0x1ad: {  	[tilespmem:s11+$0xFFFFFF70] =	vst v5  }
0x1ae: {  	[tilespmem:s11+$0xFFFFFF60] =	vst v6  }
0x1af: {  	[tilespmem:s11+$0xFFFFFF40] =	vst v7  }
0x1b0: {  	[tilespmem:s11+$0xFFFFFF10] =	vst v9  }
0x1b1: {  	[tilespmem:s11+$0xFFFFFF30] =	vst v8  }
0x1b2: {  	[tilespmem:s11+$0xFFFFFF50] =	vst v11  }
0x1b3: {  	[tilespmem:s11+$0xFFFFFF20] =	vst v10  }
0x1b4: {  	v5 =	vld [tilespmem:s24+$0x30]  }
.Ltmp3:
0x1b5: {  	v6 =	vld [tilespmem:s24+$0x20];
	(pc) =	sbr.rel @p1 .LBB2_9-.Ltmp3, $4  }
0x1b6: {  	v4 =	vld [tilespmem:s24+$0x0]  }
0x1b7: {  	v7 =	vld [tilespmem:s24+$0xFFFFFFD0]  }
0x1b8: {  	v8 =	vld [tilespmem:s24+$0x10]  }
0x1b9: {  	v9 =	vld [tilespmem:s24+$0xFFFFFFF0]  }
0x1ba: {  	v10 =	vld [tilespmem:s10+$0xFFFFFFE0]  }
0x1bb: {  	v11 =	vld [tilespmem:s10+$0xFFFFFFC0];
	[tilespmem:s7+$0x0] =	vst v5  }
0x1bc: {  	[tilespmem:s7+$0xFFFFFFF0] =	vst v6  }
0x1bd: {  	[tilespmem:s7+$0xFFFFFFD0] =	vst v4  }
0x1be: {  	[tilespmem:s7+$0xFFFFFFA0] =	vst v7  }
0x1bf: {  	[tilespmem:s7+$0xFFFFFFE0] =	vst v8  }
0x1c0: {  	[tilespmem:s7+$0xFFFFFFC0] =	vst v9  }
0x1c1: {  	[tilespmem:s7+$0xFFFFFFB0] =	vst v10  }
0x1c2: {  	[tilespmem:s7+$0xFFFFFF90] =	vst v11  }
0x1c3: {  	v4 =	vld [tilespmem:s10+$0xB1]  }
0x1c4: {  	v5 =	vld [tilespmem:s10+$0xA1]  }
0x1c5: {  	v7 =	vld [tilespmem:s10+$0x41]  }
0x1c6: {  	v8 =	vld [tilespmem:s10+$0x51]  }
0x1c7: {  	v9 =	vld [tilespmem:s10+$0x61]  }
0x1c8: {  	v10 =	vld [tilespmem:s10+$0x71]  }
0x1c9: {  	v11 =	vld [tilespmem:s10+$0x81]  }
0x1ca: {  	v6 =	vld [tilespmem:s10+$0x91];
	[tilespmem:$0x14100] =	vst v7  }
0x1cb: {  	[tilespmem:$0x14110] =	vst v8  }
0x1cc: {  	[tilespmem:$0x14120] =	vst v9  }
0x1cd: {  	[tilespmem:$0x14130] =	vst v10;
	v7 =	vld [tilespmem:$0x1D3BF]  }
0x1ce: {  	[tilespmem:$0x14140] =	vst v11;
	v8 =	vld [tilespmem:$0x1D3CF]  }
0x1cf: {  	[tilespmem:$0x14150] =	vst v6;
	v6 =	vld [tilespmem:$0x1D3DF]  }
0x1d0: {  	[tilespmem:$0x14160] =	vst v5;
	v5 =	vld [tilespmem:$0x1D3EF]  }
0x1d1: {  	[tilespmem:$0x14170] =	vst v4;
	v4 =	vld [tilespmem:$0x1D3FF]  }
0x1d2: {  	v9 =	vld [tilespmem:$0x1D40F];
	[tilespmem:$0x14180] =	vst v7  }
0x1d3: {  	v7 =	vld [tilespmem:$0x1D41F];
	[tilespmem:$0x14190] =	vst v8  }
0x1d4: {  	v8 =	vld [tilespmem:$0x1D42F];
	[tilespmem:$0x141A0] =	vst v6  }
0x1d5: {  	[tilespmem:$0x141B0] =	vst v5  }
0x1d6: {  	s13 =	sshll.u32 s9, $0x12;
	[tilespmem:$0x141C0] =	vst v4  }
0x1d7: {  	s7 =	sor.u32 s8, s13;
	[tilespmem:$0x141D0] =	vst v9  }
0x1d8: {  	s7 =	sshrl.u32 s7, $0x3;
	[tilespmem:$0x141E0] =	vst v7  }
0x1d9: {  	s24 =	simm.s32 $0x12200;
	s7 =	sadd.s32 s3, s7;
	[tilespmem:$0x141F0] =	vst v8  }
0x1da: {  	[hbm4b:s7+s29] =	stream.strided.scatter [tilespmem:s24], [sflag:$0xA], $0x2000, s30, s29, $0x38;
	[tilespmem:$0x1D480] =	vst v63  }
0x1db: {  	s7 =	sadd.s32 @!p0 $0x5, s14  }
0x1dc: {  	s9 =	sshll.u32 @!p0 s7, $0x7;
	s7 =	sshll.u32 @!p0 s7, $0xC  }
0x1dd: {  	s9 =	sand.u32 @!p0 $0x280, s9;
	s7 =	sand.u32 @!p0 $0x1F8000, s7  }
0x1de: {  	s7 =	sor.u32 @!p0 s7, s9  }
0x1df: {  	s7 =	sor.u32 @!p0 s8, s7  }
0x1e0: {  	s7 =	sshrl.u32 @!p0 s7, $0x3  }
0x1e1: {  	s10 =	simm.s32 @!p0 $0x80;
	s9 =	simm.s32 @!p0 $0x0;
	s7 =	sadd.s32 @!p0 s1, s7  }
0x1e2: {  	[tilespmem:s10], [sflag:$0x2] =	stream.linear.gather @!p0 [hbm4b:s7+s9], $0x80, $0x38;
	[tilespmem:$0x1D480] =	vst v63  }
0x1e3: {  	s7 =	simm.s32 @!p0 $0x1  }
0x1e4: {  	_ =	swait.ge @!p0 [sflag:s7], $0x80  }
0x1e5: {  	[sflag:s7] =	ssyncset.done @!p0 $0x0  }
0x1e6: {  	s10 =	simm.s32 @!p0 $0x200;
	[sflag:s7] =	ssyncadd.s32 @!p0 $0xFFFFFF80;
	s7 =	simm.s32 @!p0 $0x20  }
0x1e7: {  	[tilespmem:s10], [sflag:$0x5] =	stream.indirect.gather @!p0 [hbm4b:s5+s7], $0x80, s9, s7, $0xb8;
	[tilespmem:$0x1D480] =	vst v63  }
0x1e8: {  	s9 =	simm.s32 @!p0 $0x1200  }
0x1e9: {  	[tilespmem:s9], [sflag:$0x5] =	stream.indirect.gather @!p0 [hbm4b:s5+s7], $0x80, s7, s7, $0xb8;
	[tilespmem:$0x1D480] =	vst v63  }
0x1ea: {  	p1 =	seq.s32 @!p0 s25, $0x0;
	s10 =	simm.s32 @!p0 $0x2200;
	s9 =	simm.s32 @!p0 $0x40  }
0x1eb: {  	[tilespmem:s10], [sflag:$0x5] =	stream.indirect.gather @!p0 [hbm4b:s5+s7], $0x80, s9, s7, $0xb8;
	[tilespmem:$0x1D480] =	vst v63  }
0x1ec: {  	p1 =	por p0, !p1;
	s9 =	simm.s32 @!p0 $0x60;
	s10 =	simm.s32 @!p0 $0x3200  }
0x1ed: {  	[tilespmem:s10], [sflag:$0x5] =	stream.indirect.gather @!p0 [hbm4b:s5+s7], $0x80, s9, s7, $0xb8;
	[tilespmem:$0x1D480] =	vst v63  }
0x1ee: {  	_ =	swait.ge @p1 [sflag:s22], $0x2000  }
0x1ef: {  	[sflag:s22] =	ssyncset.done @p1 $0x0  }
0x1f0: {  	[sflag:s22] =	ssyncadd.s32 @p1 $0xFFFFE000  }
0x1f1: {  	_ =	swait.ge [sflag:s18], $0x1000  }
0x1f2: {  	[sflag:s18] =	ssyncset.done $0x0  }
0x1f3: {  	[sflag:s18] =	ssyncadd.s32 $0xFFFFF000  }
0x1f4: {  	_ =	swait.ge [sflag:s18], $0x1000  }
0x1f5: {  	[sflag:s18] =	ssyncset.done $0x0  }
0x1f6: {  	[sflag:s18] =	ssyncadd.s32 $0xFFFFF000  }
0x1f7: {  	_ =	swait.ge [sflag:s18], $0x1000  }
0x1f8: {  	[sflag:s18] =	ssyncset.done $0x0  }
0x1f9: {  	[sflag:s18] =	ssyncadd.s32 $0xFFFFF000  }
0x1fa: {  	_ =	swait.ge [sflag:s18], $0x1000  }
0x1fb: {  	s9 =	sshll.u32 s6, $0x6;
	[sflag:s18] =	ssyncset.done $0x0  }
0x1fc: {  	s7 =	sand.u32 $0x3FFFFFC0, s9;
	[sflag:s18] =	ssyncadd.s32 $0xFFFFF000  }
0x1fd: {  	v4 =	vld [tilespmem:s7+$0x18200]  }
0x1fe: {  	v5 =	vld [tilespmem:s7+$0x18210]  }
0x1ff: {  	v6 =	vld [tilespmem:s7+$0x18220]  }
0x200: {  	s9 =	simm.s32 $0x83B0;
	v7 =	vld [tilespmem:s7+$0x18230]  }
0x201: {  	v8 =	vld [tilespmem:s9+$0xFFFFFE50]  }
0x202: {  	s10 =	simm.s32 $0x0;
	v9 =	vld [tilespmem:s9+$0xFFFFFE60]  }
0x203: {  	v11 =	vadd.s32 s10, v0;
	v10 =	vld [tilespmem:s9+$0xFFFFFE70]  }
0x204: {  	v13 =	vadd.s32 s10, v1;
	v12 =	vld [tilespmem:s9+$0xFFFFFE80]  }
0x205: {  	v14 =	vadd.s32 s10, v2  }
0x206: {  	v15 =	vadd.s32 s10, v3;
	v8 =	vadd.f32 v8, v4  }
0x207: {  	v9 =	vadd.f32 v9, v5  }
0x208: {  	v10 =	vadd.f32 v10, v6;
	[tilespmem:v11+s28+$0x0] =	vst.idx.msk $0xffff, v8  }
0x209: {  	v8 =	vadd.f32 v12, v7;
	[tilespmem:v13+s28+$0x0] =	vst.idx.msk $0xffff, v9  }
0x20a: {  	[tilespmem:v14+s28+$0x0] =	vst.idx.msk $0xffff, v10  }
0x20b: {  	[tilespmem:v15+s28+$0x0] =	vst.idx.msk $0xffff, v8  }
0x20c: {  	v8 =	vld [tilespmem:s9+$0xFFFFFED0]  }
0x20d: {  	s11 =	simm.s32 $0x1;
	v9 =	vld [tilespmem:s9+$0xFFFFFEE0]  }
0x20e: {  	v11 =	vadd.s32 s11, v0;
	v10 =	vld [tilespmem:s9+$0xFFFFFEF0]  }
0x20f: {  	v55 =	vadd.s32 s11, v1;
	v54 =	vld [tilespmem:s9+$0xFFFFFF00]  }
0x210: {  	v56 =	vadd.s32 s11, v2  }
0x211: {  	v57 =	vadd.s32 s11, v3;
	v8 =	vadd.f32 v8, v4  }
0x212: {  	v9 =	vadd.f32 v9, v5  }
0x213: {  	v10 =	vadd.f32 v10, v6;
	[tilespmem:v11+s28+$0x0] =	vst.idx.msk $0xffff, v8  }
0x214: {  	v8 =	vadd.f32 v54, v7;
	[tilespmem:v55+s28+$0x0] =	vst.idx.msk $0xffff, v9  }
0x215: {  	[tilespmem:v56+s28+$0x0] =	vst.idx.msk $0xffff, v10  }
0x216: {  	[tilespmem:v57+s28+$0x0] =	vst.idx.msk $0xffff, v8  }
0x217: {  	v8 =	vld [tilespmem:s9+$0xFFFFFF50]  }
0x218: {  	s13 =	simm.s32 $0x2;
	v9 =	vld [tilespmem:s9+$0xFFFFFF60]  }
0x219: {  	v11 =	vadd.s32 s13, v0;
	v10 =	vld [tilespmem:s9+$0xFFFFFF70]  }
0x21a: {  	v59 =	vadd.s32 s13, v1;
	v58 =	vld [tilespmem:s9+$0xFFFFFF80]  }
0x21b: {  	v60 =	vadd.s32 s13, v2  }
0x21c: {  	v61 =	vadd.s32 s13, v3;
	v8 =	vadd.f32 v8, v4  }
0x21d: {  	v9 =	vadd.f32 v9, v5  }
0x21e: {  	v10 =	vadd.f32 v10, v6;
	[tilespmem:v11+s28+$0x0] =	vst.idx.msk $0xffff, v8  }
0x21f: {  	v8 =	vadd.f32 v58, v7;
	[tilespmem:v59+s28+$0x0] =	vst.idx.msk $0xffff, v9  }
0x220: {  	[tilespmem:v60+s28+$0x0] =	vst.idx.msk $0xffff, v10  }
0x221: {  	[tilespmem:v61+s28+$0x0] =	vst.idx.msk $0xffff, v8  }
0x222: {  	v8 =	vld [tilespmem:s9+$0xFFFFFFD0]  }
0x223: {  	s24 =	simm.s32 $0x3  }
0x224: {  	v11 =	vadd.s32 s24, v0;
	v9 =	vld [tilespmem:s9+$0xFFFFFFE0]  }
0x225: {  	v10 =	vld [tilespmem:s9+$0xFFFFFFF0]  }
0x226: {  	v62 =	vadd.s32 s24, v1  }
0x227: {  	v63 =	vadd.s32 s24, v2;
	v13 =	vld [tilespmem:s9+$0x0];
	v8 =	vadd.f32 v8, v4;
	_ =	sdelay $0x1  }
0x228: {  	v9 =	vadd.f32 v9, v5;
	[tilespmem:v11+s28+$0x0] =	vst.idx.msk $0xffff, v8;
	v8 =	vadd.s32 s24, v3  }
0x229: {  	v10 =	vadd.f32 v10, v6  }
0x22a: {  	[tilespmem:v62+s28+$0x0] =	vst.idx.msk $0xffff, v9  }
0x22b: {  	s10 =	simm.s32 $0x4;
	v9 =	vadd.f32 v13, v7;
	[tilespmem:v63+s28+$0x0] =	vst.idx.msk $0xffff, v10  }
.LBB2_11:
0x22c: {  	p2 =	slt.u32 s10, $0x7C  }
0x22d: {  	[tilespmem:v8+s28+$0x0] =	vst.idx.msk $0xffff, v9;
	s9 =	sadd.s32 $0x200, s9;
	s7 =	smov.u32 s10;
	s10 =	sadd.s32 $0x4, s10  }
0x22e: {  	v8 =	vld [tilespmem:s9+$0xFFFFFE50]  }
0x22f: {  	v9 =	vld [tilespmem:s9+$0xFFFFFE60]  }
0x230: {  	v11 =	vadd.s32 s7, v0;
	v10 =	vld [tilespmem:s9+$0xFFFFFE70]  }
0x231: {  	v13 =	vadd.s32 s7, v1;
	v12 =	vld [tilespmem:s9+$0xFFFFFE80]  }
0x232: {  	v14 =	vadd.s32 s7, v2  }
0x233: {  	v15 =	vadd.s32 s7, v3;
	v8 =	vadd.f32 v8, v4  }
0x234: {  	v9 =	vadd.f32 v9, v5  }
0x235: {  	v10 =	vadd.f32 v10, v6;
	[tilespmem:v11+s28+$0x0] =	vst.idx.msk $0xffff, v8  }
0x236: {  	v8 =	vadd.f32 v12, v7;
	[tilespmem:v13+s28+$0x0] =	vst.idx.msk $0xffff, v9  }
0x237: {  	[tilespmem:v14+s28+$0x0] =	vst.idx.msk $0xffff, v10  }
0x238: {  	[tilespmem:v15+s28+$0x0] =	vst.idx.msk $0xffff, v8  }
0x239: {  	v8 =	vld [tilespmem:s9+$0xFFFFFED0]  }
0x23a: {  	s11 =	sadd.s32 $0x1, s7;
	v9 =	vld [tilespmem:s9+$0xFFFFFEE0]  }
0x23b: {  	v11 =	vadd.s32 s11, v0;
	v10 =	vld [tilespmem:s9+$0xFFFFFEF0]  }
0x23c: {  	v13 =	vadd.s32 s11, v1;
	v12 =	vld [tilespmem:s9+$0xFFFFFF00]  }
0x23d: {  	v14 =	vadd.s32 s11, v2  }
0x23e: {  	v15 =	vadd.s32 s11, v3;
	v8 =	vadd.f32 v8, v4  }
0x23f: {  	v9 =	vadd.f32 v9, v5  }
0x240: {  	v10 =	vadd.f32 v10, v6;
	[tilespmem:v11+s28+$0x0] =	vst.idx.msk $0xffff, v8  }
0x241: {  	v8 =	vadd.f32 v12, v7;
	[tilespmem:v13+s28+$0x0] =	vst.idx.msk $0xffff, v9  }
0x242: {  	[tilespmem:v14+s28+$0x0] =	vst.idx.msk $0xffff, v10  }
0x243: {  	[tilespmem:v15+s28+$0x0] =	vst.idx.msk $0xffff, v8  }
0x244: {  	v8 =	vld [tilespmem:s9+$0xFFFFFF50]  }
0x245: {  	s11 =	sadd.s32 $0x2, s7;
	v9 =	vld [tilespmem:s9+$0xFFFFFF60]  }
0x246: {  	v11 =	vadd.s32 s11, v0;
	v10 =	vld [tilespmem:s9+$0xFFFFFF70]  }
0x247: {  	v13 =	vadd.s32 s11, v1;
	v12 =	vld [tilespmem:s9+$0xFFFFFF80]  }
0x248: {  	v14 =	vadd.s32 s11, v2  }
0x249: {  	v15 =	vadd.s32 s11, v3;
	v8 =	vadd.f32 v8, v4  }
0x24a: {  	v9 =	vadd.f32 v9, v5  }
0x24b: {  	v10 =	vadd.f32 v10, v6;
	[tilespmem:v11+s28+$0x0] =	vst.idx.msk $0xffff, v8  }
0x24c: {  	v8 =	vadd.f32 v12, v7;
	[tilespmem:v13+s28+$0x0] =	vst.idx.msk $0xffff, v9  }
0x24d: {  	[tilespmem:v14+s28+$0x0] =	vst.idx.msk $0xffff, v10  }
0x24e: {  	[tilespmem:v15+s28+$0x0] =	vst.idx.msk $0xffff, v8  }
0x24f: {  	v9 =	vld [tilespmem:s9+$0xFFFFFFD0]  }
0x250: {  	s7 =	sadd.s32 $0x3, s7;
	v10 =	vld [tilespmem:s9+$0xFFFFFFE0]  }
0x251: {  	v12 =	vadd.s32 s7, v0;
	v11 =	vld [tilespmem:s9+$0xFFFFFFF0]  }
0x252: {  	v14 =	vadd.s32 s7, v1;
	v13 =	vld [tilespmem:s9+$0x0]  }
0x253: {  	v15 =	vadd.s32 s7, v2  }
.Ltmp4:
0x254: {  	v8 =	vadd.s32 s7, v3;
	v9 =	vadd.f32 v9, v4;
	(pc) =	sbr.rel @p2 .LBB2_11-.Ltmp4, $4  }
0x255: {  	v10 =	vadd.f32 v10, v5  }
0x256: {  	v11 =	vadd.f32 v11, v6;
	[tilespmem:v12+s28+$0x0] =	vst.idx.msk $0xffff, v9  }
0x257: {  	v9 =	vadd.f32 v13, v7;
	[tilespmem:v14+s28+$0x0] =	vst.idx.msk $0xffff, v10  }
0x258: {  	[tilespmem:v15+s28+$0x0] =	vst.idx.msk $0xffff, v11  }
0x259: {  	_ =	sdelay $0x3  }
0x25a: {  	[tilespmem:v8+s28+$0x0] =	vst.idx.msk $0xffff, v9  }
0x25b: {  	v6 =	vld [tilespmem:$0x1B470]  }
0x25c: {  	v7 =	vld [tilespmem:$0x1B460]  }
0x25d: {  	v8 =	vld [tilespmem:$0x1B450]  }
0x25e: {  	v4 =	vld [tilespmem:$0x1B440]  }
0x25f: {  	v10 =	vld [tilespmem:$0x1B430]  }
0x260: {  	v9 =	vld [tilespmem:$0x1B420]  }
0x261: {  	s10 =	simm.s32 $0x142F0;
	v11 =	vld [tilespmem:$0x1B400]  }
0x262: {  	v5 =	vld [tilespmem:$0x1B410];
	[tilespmem:s10+$0xFFFFFF80] =	vst v6  }
0x263: {  	[tilespmem:s10+$0xFFFFFF70] =	vst v7  }
0x264: {  	[tilespmem:s10+$0xFFFFFF60] =	vst v8  }
0x265: {  	[tilespmem:s10+$0xFFFFFF40] =	vst v10  }
0x266: {  	[tilespmem:s10+$0xFFFFFF10] =	vst v11  }
0x267: {  	[tilespmem:s10+$0xFFFFFF30] =	vst v9  }
0x268: {  	[tilespmem:s10+$0xFFFFFF50] =	vst v4  }
0x269: {  	s9 =	simm.s32 $0x1B4C1;
	[tilespmem:s10+$0xFFFFFF20] =	vst v5  }
0x26a: {  	v5 =	vld [tilespmem:s9+$0x30]  }
0x26b: {  	v6 =	vld [tilespmem:s9+$0x20]  }
0x26c: {  	v4 =	vld [tilespmem:s9+$0x0]  }
0x26d: {  	v7 =	vld [tilespmem:s9+$0xFFFFFFD0]  }
0x26e: {  	v8 =	vld [tilespmem:s9+$0x10]  }
0x26f: {  	s11 =	simm.s32 $0x0;
	s13 =	simm.s32 $0x1B4C1;
	s7 =	simm.s32 $0x142F0;
	v9 =	vld [tilespmem:s9+$0xFFFFFFF0]  }
.LBB2_13:
0x270: {  	s11 =	sadd.s32 $0x2, s11;
	v10 =	vld [tilespmem:s9+$0xFFFFFFE0];
	s10 =	sadd.s32 $0x100, s10;
	s13 =	sadd.s32 $0x102, s13  }
0x271: {  	p2 =	slt.u32 s11, $0x3C;
	v11 =	vld [tilespmem:s9+$0xFFFFFFC0]  }
0x272: {  	[tilespmem:s7+$0x0] =	vst v5  }
0x273: {  	[tilespmem:s7+$0xFFFFFFF0] =	vst v6  }
0x274: {  	[tilespmem:s7+$0xFFFFFFA0] =	vst v7  }
0x275: {  	[tilespmem:s7+$0xFFFFFFE0] =	vst v8  }
0x276: {  	[tilespmem:s7+$0xFFFFFFC0] =	vst v9  }
0x277: {  	[tilespmem:s7+$0xFFFFFFB0] =	vst v10  }
0x278: {  	[tilespmem:s7+$0xFFFFFF90] =	vst v11  }
0x279: {  	[tilespmem:s7+$0xFFFFFFD0] =	vst v4;
	s7 =	smov.u32 s10  }
0x27a: {  	v4 =	vld [tilespmem:s9+$0xB1]  }
0x27b: {  	v5 =	vld [tilespmem:s9+$0xA1]  }
0x27c: {  	v6 =	vld [tilespmem:s9+$0x91]  }
0x27d: {  	v7 =	vld [tilespmem:s9+$0x71]  }
0x27e: {  	v8 =	vld [tilespmem:s9+$0x61]  }
0x27f: {  	v9 =	vld [tilespmem:s9+$0x41]  }
0x280: {  	v10 =	vld [tilespmem:s9+$0x51]  }
0x281: {  	v11 =	vld [tilespmem:s9+$0x81];
	s9 =	smov.u32 s13  }
0x282: {  	[tilespmem:s10+$0xFFFFFF80] =	vst v4  }
0x283: {  	[tilespmem:s10+$0xFFFFFF70] =	vst v5  }
0x284: {  	[tilespmem:s10+$0xFFFFFF60] =	vst v6  }
0x285: {  	[tilespmem:s10+$0xFFFFFF40] =	vst v7  }
0x286: {  	[tilespmem:s10+$0xFFFFFF10] =	vst v9  }
0x287: {  	[tilespmem:s10+$0xFFFFFF30] =	vst v8  }
0x288: {  	[tilespmem:s10+$0xFFFFFF50] =	vst v11  }
0x289: {  	[tilespmem:s10+$0xFFFFFF20] =	vst v10  }
0x28a: {  	v5 =	vld [tilespmem:s13+$0x30]  }
.Ltmp5:
0x28b: {  	v6 =	vld [tilespmem:s13+$0x20];
	(pc) =	sbr.rel @p2 .LBB2_13-.Ltmp5, $4  }
0x28c: {  	v4 =	vld [tilespmem:s13+$0x0]  }
0x28d: {  	v7 =	vld [tilespmem:s13+$0xFFFFFFD0]  }
0x28e: {  	v8 =	vld [tilespmem:s13+$0x10]  }
0x28f: {  	v9 =	vld [tilespmem:s13+$0xFFFFFFF0]  }
0x290: {  	v10 =	vld [tilespmem:s9+$0xFFFFFFE0]  }
0x291: {  	v11 =	vld [tilespmem:s9+$0xFFFFFFC0];
	[tilespmem:s7+$0x0] =	vst v5  }
0x292: {  	[tilespmem:s7+$0xFFFFFFF0] =	vst v6  }
0x293: {  	[tilespmem:s7+$0xFFFFFFD0] =	vst v4  }
0x294: {  	[tilespmem:s7+$0xFFFFFFA0] =	vst v7  }
0x295: {  	[tilespmem:s7+$0xFFFFFFE0] =	vst v8  }
0x296: {  	[tilespmem:s7+$0xFFFFFFC0] =	vst v9  }
0x297: {  	[tilespmem:s7+$0xFFFFFFB0] =	vst v10  }
0x298: {  	[tilespmem:s7+$0xFFFFFF90] =	vst v11  }
0x299: {  	v4 =	vld [tilespmem:s9+$0xB1]  }
0x29a: {  	v5 =	vld [tilespmem:s9+$0xA1]  }
0x29b: {  	v7 =	vld [tilespmem:s9+$0x41]  }
0x29c: {  	v8 =	vld [tilespmem:s9+$0x51]  }
0x29d: {  	v9 =	vld [tilespmem:s9+$0x61]  }
0x29e: {  	v10 =	vld [tilespmem:s9+$0x71]  }
0x29f: {  	v11 =	vld [tilespmem:s9+$0x81]  }
0x2a0: {  	v6 =	vld [tilespmem:s9+$0x91];
	[tilespmem:$0x16100] =	vst v7  }
0x2a1: {  	[tilespmem:$0x16110] =	vst v8  }
0x2a2: {  	[tilespmem:$0x16120] =	vst v9  }
0x2a3: {  	[tilespmem:$0x16130] =	vst v10;
	v7 =	vld [tilespmem:$0x1D3BF]  }
0x2a4: {  	[tilespmem:$0x16140] =	vst v11;
	v8 =	vld [tilespmem:$0x1D3CF]  }
0x2a5: {  	[tilespmem:$0x16150] =	vst v6;
	v6 =	vld [tilespmem:$0x1D3DF]  }
0x2a6: {  	[tilespmem:$0x16160] =	vst v5;
	v5 =	vld [tilespmem:$0x1D3EF]  }
0x2a7: {  	[tilespmem:$0x16170] =	vst v4;
	v4 =	vld [tilespmem:$0x1D3FF]  }
0x2a8: {  	v9 =	vld [tilespmem:$0x1D40F];
	[tilespmem:$0x16180] =	vst v7  }
0x2a9: {  	v7 =	vld [tilespmem:$0x1D41F];
	[tilespmem:$0x16190] =	vst v8  }
0x2aa: {  	v8 =	vld [tilespmem:$0x1D42F];
	[tilespmem:$0x161A0] =	vst v6  }
0x2ab: {  	[tilespmem:$0x161B0] =	vst v5  }
0x2ac: {  	s6 =	sshll.u32 s6, $0x12;
	[tilespmem:$0x161C0] =	vst v4  }
0x2ad: {  	s6 =	sor.u32 s8, s6;
	[tilespmem:$0x161D0] =	vst v9  }
0x2ae: {  	s6 =	sshrl.u32 s6, $0x3;
	[tilespmem:$0x161E0] =	vst v7  }
0x2af: {  	s6 =	sadd.s32 s3, s6;
	[tilespmem:$0x161F0] =	vst v8  }
0x2b0: {  	[hbm4b:s6+s29] =	stream.strided.scatter [tilespmem:s19], [sflag:$0xB], $0x2000, s30, s29, $0x38;
	[tilespmem:$0x1D480] =	vst v63  }
0x2b1: {  	s6 =	sadd.s32 @!p0 $0x6, s14  }
0x2b2: {  	s7 =	sshll.u32 @!p0 s6, $0x7;
	s6 =	sshll.u32 @!p0 s6, $0xC  }
0x2b3: {  	s7 =	sand.u32 @!p0 $0x300, s7;
	s6 =	sand.u32 @!p0 $0x1F8000, s6  }
0x2b4: {  	s6 =	sor.u32 @!p0 s6, s7  }
0x2b5: {  	s6 =	sor.u32 @!p0 s8, s6  }
0x2b6: {  	s6 =	sshrl.u32 @!p0 s6, $0x3  }
0x2b7: {  	s9 =	simm.s32 @!p0 $0x100;
	s7 =	simm.s32 @!p0 $0x0;
	s6 =	sadd.s32 @!p0 s1, s6  }
0x2b8: {  	[tilespmem:s9], [sflag:$0x3] =	stream.linear.gather @!p0 [hbm4b:s6+s7], $0x80, $0x38;
	[tilespmem:$0x1D480] =	vst v63  }
0x2b9: {  	s6 =	simm.s32 @!p0 $0x2  }
0x2ba: {  	_ =	swait.ge @!p0 [sflag:s6], $0x80  }
0x2bb: {  	s7 =	simm.s32 @!p0 $0x80;
	[sflag:s6] =	ssyncset.done @!p0 $0x0  }
0x2bc: {  	s9 =	simm.s32 @!p0 $0x4200;
	[sflag:s6] =	ssyncadd.s32 @!p0 $0xFFFFFF80;
	s6 =	simm.s32 @!p0 $0x20  }
0x2bd: {  	[tilespmem:s9], [sflag:$0x6] =	stream.indirect.gather @!p0 [hbm4b:s5+s6], $0x80, s7, s6, $0xb8;
	[tilespmem:$0x1D480] =	vst v63  }
0x2be: {  	s7 =	simm.s32 @!p0 $0xA0;
	s9 =	simm.s32 @!p0 $0x5200  }
0x2bf: {  	[tilespmem:s9], [sflag:$0x6] =	stream.indirect.gather @!p0 [hbm4b:s5+s6], $0x80, s7, s6, $0xb8;
	[tilespmem:$0x1D480] =	vst v63  }
0x2c0: {  	s7 =	simm.s32 @!p0 $0xC0;
	s9 =	simm.s32 @!p0 $0x6200  }
0x2c1: {  	[tilespmem:s9], [sflag:$0x6] =	stream.indirect.gather @!p0 [hbm4b:s5+s6], $0x80, s7, s6, $0xb8;
	[tilespmem:$0x1D480] =	vst v63  }
0x2c2: {  	s7 =	simm.s32 @!p0 $0xE0;
	s9 =	simm.s32 @!p0 $0x7200  }
0x2c3: {  	[tilespmem:s9], [sflag:$0x6] =	stream.indirect.gather @!p0 [hbm4b:s5+s6], $0x80, s7, s6, $0xb8;
	[tilespmem:$0x1D480] =	vst v63  }
0x2c4: {  	_ =	swait.ge @p1 [sflag:s23], $0x2000  }
0x2c5: {  	[sflag:s23] =	ssyncset.done @p1 $0x0  }
0x2c6: {  	[sflag:s23] =	ssyncadd.s32 @p1 $0xFFFFE000  }
0x2c7: {  	_ =	swait.ge [sflag:s20], $0x1000  }
0x2c8: {  	[sflag:s20] =	ssyncset.done $0x0  }
0x2c9: {  	[sflag:s20] =	ssyncadd.s32 $0xFFFFF000  }
0x2ca: {  	_ =	swait.ge [sflag:s20], $0x1000  }
0x2cb: {  	[sflag:s20] =	ssyncset.done $0x0  }
0x2cc: {  	[sflag:s20] =	ssyncadd.s32 $0xFFFFF000  }
0x2cd: {  	_ =	swait.ge [sflag:s20], $0x1000  }
0x2ce: {  	[sflag:s20] =	ssyncset.done $0x0  }
0x2cf: {  	[sflag:s20] =	ssyncadd.s32 $0xFFFFF000  }
0x2d0: {  	_ =	swait.ge [sflag:s20], $0x1000  }
0x2d1: {  	[sflag:s20] =	ssyncset.done $0x0  }
0x2d2: {  	s24 =	sshll.u32 s31, $0x6;
	[sflag:s20] =	ssyncadd.s32 $0xFFFFF000  }
0x2d3: {  	s9 =	sor.u32 $0x50, s24;
	v4 =	vld [tilespmem:s24+$0x18200]  }
0x2d4: {  	s10 =	sor.u32 $0x60, s24;
	v5 =	vld [tilespmem:s9+$0x18200]  }
0x2d5: {  	s6 =	sor.u32 $0x70, s24;
	v6 =	vld [tilespmem:s10+$0x18200]  }
0x2d6: {  	v7 =	vld [tilespmem:s6+$0x18200];
	s6 =	simm.s32 $0xC3B0  }
0x2d7: {  	v8 =	vld [tilespmem:s6+$0xFFFFFE50]  }
0x2d8: {  	s11 =	simm.s32 $0x0;
	v9 =	vld [tilespmem:s6+$0xFFFFFE60]  }
0x2d9: {  	v11 =	vadd.s32 s11, v0;
	v10 =	vld [tilespmem:s6+$0xFFFFFE70]  }
0x2da: {  	v13 =	vadd.s32 s11, v1;
	v12 =	vld [tilespmem:s6+$0xFFFFFE80]  }
0x2db: {  	v14 =	vadd.s32 s11, v2  }
0x2dc: {  	v15 =	vadd.s32 s11, v3;
	v8 =	vadd.f32 v8, v4  }
0x2dd: {  	v9 =	vadd.f32 v9, v5  }
0x2de: {  	v10 =	vadd.f32 v10, v6;
	[tilespmem:v11+s28+$0x0] =	vst.idx.msk $0xffff, v8  }
0x2df: {  	v8 =	vadd.f32 v12, v7;
	[tilespmem:v13+s28+$0x0] =	vst.idx.msk $0xffff, v9  }
0x2e0: {  	[tilespmem:v14+s28+$0x0] =	vst.idx.msk $0xffff, v10  }
0x2e1: {  	[tilespmem:v15+s28+$0x0] =	vst.idx.msk $0xffff, v8  }
0x2e2: {  	v8 =	vld [tilespmem:s6+$0xFFFFFED0]  }
0x2e3: {  	s13 =	simm.s32 $0x1;
	v9 =	vld [tilespmem:s6+$0xFFFFFEE0]  }
0x2e4: {  	v11 =	vadd.s32 s13, v0;
	v10 =	vld [tilespmem:s6+$0xFFFFFEF0]  }
0x2e5: {  	v55 =	vadd.s32 s13, v1;
	v54 =	vld [tilespmem:s6+$0xFFFFFF00]  }
0x2e6: {  	v56 =	vadd.s32 s13, v2  }
0x2e7: {  	v57 =	vadd.s32 s13, v3;
	v8 =	vadd.f32 v8, v4  }
0x2e8: {  	v9 =	vadd.f32 v9, v5  }
0x2e9: {  	v10 =	vadd.f32 v10, v6;
	[tilespmem:v11+s28+$0x0] =	vst.idx.msk $0xffff, v8  }
0x2ea: {  	v8 =	vadd.f32 v54, v7;
	[tilespmem:v55+s28+$0x0] =	vst.idx.msk $0xffff, v9  }
0x2eb: {  	[tilespmem:v56+s28+$0x0] =	vst.idx.msk $0xffff, v10  }
0x2ec: {  	[tilespmem:v57+s28+$0x0] =	vst.idx.msk $0xffff, v8  }
0x2ed: {  	v8 =	vld [tilespmem:s6+$0xFFFFFF50]  }
0x2ee: {  	s14 =	simm.s32 $0x2;
	v9 =	vld [tilespmem:s6+$0xFFFFFF60]  }
0x2ef: {  	v11 =	vadd.s32 s14, v0;
	v10 =	vld [tilespmem:s6+$0xFFFFFF70]  }
0x2f0: {  	v59 =	vadd.s32 s14, v1;
	v58 =	vld [tilespmem:s6+$0xFFFFFF80]  }
0x2f1: {  	v60 =	vadd.s32 s14, v2  }
0x2f2: {  	v61 =	vadd.s32 s14, v3;
	v8 =	vadd.f32 v8, v4  }
0x2f3: {  	v9 =	vadd.f32 v9, v5  }
0x2f4: {  	v10 =	vadd.f32 v10, v6;
	[tilespmem:v11+s28+$0x0] =	vst.idx.msk $0xffff, v8  }
0x2f5: {  	v8 =	vadd.f32 v58, v7;
	[tilespmem:v59+s28+$0x0] =	vst.idx.msk $0xffff, v9  }
0x2f6: {  	[tilespmem:v60+s28+$0x0] =	vst.idx.msk $0xffff, v10  }
0x2f7: {  	[tilespmem:v61+s28+$0x0] =	vst.idx.msk $0xffff, v8  }
0x2f8: {  	v8 =	vld [tilespmem:s6+$0xFFFFFFD0]  }
0x2f9: {  	s24 =	simm.s32 $0x3  }
0x2fa: {  	v11 =	vadd.s32 s24, v0;
	v9 =	vld [tilespmem:s6+$0xFFFFFFE0]  }
0x2fb: {  	v10 =	vld [tilespmem:s6+$0xFFFFFFF0]  }
0x2fc: {  	v62 =	vadd.s32 s24, v1  }
0x2fd: {  	v63 =	vadd.s32 s24, v2;
	v13 =	vld [tilespmem:s6+$0x0];
	v8 =	vadd.f32 v8, v4;
	_ =	sdelay $0x1  }
0x2fe: {  	v9 =	vadd.f32 v9, v5;
	[tilespmem:v11+s28+$0x0] =	vst.idx.msk $0xffff, v8;
	v8 =	vadd.s32 s24, v3  }
0x2ff: {  	v10 =	vadd.f32 v10, v6  }
0x300: {  	[tilespmem:v62+s28+$0x0] =	vst.idx.msk $0xffff, v9  }
0x301: {  	s9 =	simm.s32 $0x4;
	v9 =	vadd.f32 v13, v7;
	[tilespmem:v63+s28+$0x0] =	vst.idx.msk $0xffff, v10  }
.LBB2_15:
0x302: {  	p0 =	slt.u32 s9, $0x7C  }
0x303: {  	[tilespmem:v8+s28+$0x0] =	vst.idx.msk $0xffff, v9;
	s6 =	sadd.s32 $0x200, s6;
	s7 =	smov.u32 s9;
	s9 =	sadd.s32 $0x4, s9  }
0x304: {  	v8 =	vld [tilespmem:s6+$0xFFFFFE50]  }
0x305: {  	v9 =	vld [tilespmem:s6+$0xFFFFFE60]  }
0x306: {  	v11 =	vadd.s32 s7, v0;
	v10 =	vld [tilespmem:s6+$0xFFFFFE70]  }
0x307: {  	v13 =	vadd.s32 s7, v1;
	v12 =	vld [tilespmem:s6+$0xFFFFFE80]  }
0x308: {  	v14 =	vadd.s32 s7, v2  }
0x309: {  	v15 =	vadd.s32 s7, v3;
	v8 =	vadd.f32 v8, v4  }
0x30a: {  	v9 =	vadd.f32 v9, v5  }
0x30b: {  	v10 =	vadd.f32 v10, v6;
	[tilespmem:v11+s28+$0x0] =	vst.idx.msk $0xffff, v8  }
0x30c: {  	v8 =	vadd.f32 v12, v7;
	[tilespmem:v13+s28+$0x0] =	vst.idx.msk $0xffff, v9  }
0x30d: {  	[tilespmem:v14+s28+$0x0] =	vst.idx.msk $0xffff, v10  }
0x30e: {  	[tilespmem:v15+s28+$0x0] =	vst.idx.msk $0xffff, v8  }
0x30f: {  	v8 =	vld [tilespmem:s6+$0xFFFFFED0]  }
0x310: {  	s10 =	sadd.s32 $0x1, s7;
	v9 =	vld [tilespmem:s6+$0xFFFFFEE0]  }
0x311: {  	v11 =	vadd.s32 s10, v0;
	v10 =	vld [tilespmem:s6+$0xFFFFFEF0]  }
0x312: {  	v13 =	vadd.s32 s10, v1;
	v12 =	vld [tilespmem:s6+$0xFFFFFF00]  }
0x313: {  	v14 =	vadd.s32 s10, v2  }
0x314: {  	v15 =	vadd.s32 s10, v3;
	v8 =	vadd.f32 v8, v4  }
0x315: {  	v9 =	vadd.f32 v9, v5  }
0x316: {  	v10 =	vadd.f32 v10, v6;
	[tilespmem:v11+s28+$0x0] =	vst.idx.msk $0xffff, v8  }
0x317: {  	v8 =	vadd.f32 v12, v7;
	[tilespmem:v13+s28+$0x0] =	vst.idx.msk $0xffff, v9  }
0x318: {  	[tilespmem:v14+s28+$0x0] =	vst.idx.msk $0xffff, v10  }
0x319: {  	[tilespmem:v15+s28+$0x0] =	vst.idx.msk $0xffff, v8  }
0x31a: {  	v8 =	vld [tilespmem:s6+$0xFFFFFF50]  }
0x31b: {  	s10 =	sadd.s32 $0x2, s7;
	v9 =	vld [tilespmem:s6+$0xFFFFFF60]  }
0x31c: {  	v11 =	vadd.s32 s10, v0;
	v10 =	vld [tilespmem:s6+$0xFFFFFF70]  }
0x31d: {  	v13 =	vadd.s32 s10, v1;
	v12 =	vld [tilespmem:s6+$0xFFFFFF80]  }
0x31e: {  	v14 =	vadd.s32 s10, v2  }
0x31f: {  	v15 =	vadd.s32 s10, v3;
	v8 =	vadd.f32 v8, v4  }
0x320: {  	v9 =	vadd.f32 v9, v5  }
0x321: {  	v10 =	vadd.f32 v10, v6;
	[tilespmem:v11+s28+$0x0] =	vst.idx.msk $0xffff, v8  }
0x322: {  	v8 =	vadd.f32 v12, v7;
	[tilespmem:v13+s28+$0x0] =	vst.idx.msk $0xffff, v9  }
0x323: {  	[tilespmem:v14+s28+$0x0] =	vst.idx.msk $0xffff, v10  }
0x324: {  	[tilespmem:v15+s28+$0x0] =	vst.idx.msk $0xffff, v8  }
0x325: {  	v9 =	vld [tilespmem:s6+$0xFFFFFFD0]  }
0x326: {  	s7 =	sadd.s32 $0x3, s7;
	v10 =	vld [tilespmem:s6+$0xFFFFFFE0]  }
0x327: {  	v12 =	vadd.s32 s7, v0;
	v11 =	vld [tilespmem:s6+$0xFFFFFFF0]  }
0x328: {  	v14 =	vadd.s32 s7, v1;
	v13 =	vld [tilespmem:s6+$0x0]  }
0x329: {  	v15 =	vadd.s32 s7, v2  }
.Ltmp6:
0x32a: {  	v8 =	vadd.s32 s7, v3;
	v9 =	vadd.f32 v9, v4;
	(pc) =	sbr.rel @p0 .LBB2_15-.Ltmp6, $4  }
0x32b: {  	v10 =	vadd.f32 v10, v5  }
0x32c: {  	v11 =	vadd.f32 v11, v6;
	[tilespmem:v12+s28+$0x0] =	vst.idx.msk $0xffff, v9  }
0x32d: {  	v9 =	vadd.f32 v13, v7;
	[tilespmem:v14+s28+$0x0] =	vst.idx.msk $0xffff, v10  }
0x32e: {  	[tilespmem:v15+s28+$0x0] =	vst.idx.msk $0xffff, v11  }
0x32f: {  	_ =	sdelay $0x3  }
0x330: {  	[tilespmem:v8+s28+$0x0] =	vst.idx.msk $0xffff, v9  }
0x331: {  	v6 =	vld [tilespmem:$0x1B470]  }
0x332: {  	v7 =	vld [tilespmem:$0x1B460]  }
0x333: {  	v8 =	vld [tilespmem:$0x1B450]  }
0x334: {  	v4 =	vld [tilespmem:$0x1B440]  }
0x335: {  	v10 =	vld [tilespmem:$0x1B430]  }
0x336: {  	v9 =	vld [tilespmem:$0x1B420]  }
0x337: {  	s9 =	simm.s32 $0x162F0;
	v11 =	vld [tilespmem:$0x1B400]  }
0x338: {  	v5 =	vld [tilespmem:$0x1B410];
	[tilespmem:s9+$0xFFFFFF80] =	vst v6  }
0x339: {  	[tilespmem:s9+$0xFFFFFF70] =	vst v7  }
0x33a: {  	[tilespmem:s9+$0xFFFFFF60] =	vst v8  }
0x33b: {  	[tilespmem:s9+$0xFFFFFF40] =	vst v10  }
0x33c: {  	[tilespmem:s9+$0xFFFFFF10] =	vst v11  }
0x33d: {  	[tilespmem:s9+$0xFFFFFF30] =	vst v9  }
0x33e: {  	[tilespmem:s9+$0xFFFFFF50] =	vst v4  }
0x33f: {  	s6 =	simm.s32 $0x1B4C1;
	[tilespmem:s9+$0xFFFFFF20] =	vst v5  }
0x340: {  	v5 =	vld [tilespmem:s6+$0x30]  }
0x341: {  	v6 =	vld [tilespmem:s6+$0x20]  }
0x342: {  	v4 =	vld [tilespmem:s6+$0x0]  }
0x343: {  	v7 =	vld [tilespmem:s6+$0xFFFFFFD0]  }
0x344: {  	v8 =	vld [tilespmem:s6+$0x10]  }
0x345: {  	s10 =	simm.s32 $0x0;
	s11 =	simm.s32 $0x1B4C1;
	s7 =	simm.s32 $0x162F0;
	v9 =	vld [tilespmem:s6+$0xFFFFFFF0]  }
.LBB2_17:
0x346: {  	s10 =	sadd.s32 $0x2, s10;
	v10 =	vld [tilespmem:s6+$0xFFFFFFE0];
	s9 =	sadd.s32 $0x100, s9;
	s11 =	sadd.s32 $0x102, s11  }
0x347: {  	p0 =	slt.u32 s10, $0x3C;
	v11 =	vld [tilespmem:s6+$0xFFFFFFC0]  }
0x348: {  	[tilespmem:s7+$0x0] =	vst v5  }
0x349: {  	[tilespmem:s7+$0xFFFFFFF0] =	vst v6  }
0x34a: {  	[tilespmem:s7+$0xFFFFFFA0] =	vst v7  }
0x34b: {  	[tilespmem:s7+$0xFFFFFFE0] =	vst v8  }
0x34c: {  	[tilespmem:s7+$0xFFFFFFC0] =	vst v9  }
0x34d: {  	[tilespmem:s7+$0xFFFFFFB0] =	vst v10  }
0x34e: {  	[tilespmem:s7+$0xFFFFFF90] =	vst v11  }
0x34f: {  	[tilespmem:s7+$0xFFFFFFD0] =	vst v4;
	s7 =	smov.u32 s9  }
0x350: {  	v4 =	vld [tilespmem:s6+$0xB1]  }
0x351: {  	v5 =	vld [tilespmem:s6+$0xA1]  }
0x352: {  	v6 =	vld [tilespmem:s6+$0x91]  }
0x353: {  	v7 =	vld [tilespmem:s6+$0x71]  }
0x354: {  	v8 =	vld [tilespmem:s6+$0x61]  }
0x355: {  	v9 =	vld [tilespmem:s6+$0x41]  }
0x356: {  	v10 =	vld [tilespmem:s6+$0x51]  }
0x357: {  	v11 =	vld [tilespmem:s6+$0x81];
	s6 =	smov.u32 s11  }
0x358: {  	[tilespmem:s9+$0xFFFFFF80] =	vst v4  }
0x359: {  	[tilespmem:s9+$0xFFFFFF70] =	vst v5  }
0x35a: {  	[tilespmem:s9+$0xFFFFFF60] =	vst v6  }
0x35b: {  	[tilespmem:s9+$0xFFFFFF40] =	vst v7  }
0x35c: {  	[tilespmem:s9+$0xFFFFFF10] =	vst v9  }
0x35d: {  	[tilespmem:s9+$0xFFFFFF30] =	vst v8  }
0x35e: {  	[tilespmem:s9+$0xFFFFFF50] =	vst v11  }
0x35f: {  	[tilespmem:s9+$0xFFFFFF20] =	vst v10  }
0x360: {  	v5 =	vld [tilespmem:s11+$0x30]  }
.Ltmp7:
0x361: {  	v6 =	vld [tilespmem:s11+$0x20];
	(pc) =	sbr.rel @p0 .LBB2_17-.Ltmp7, $4  }
0x362: {  	v4 =	vld [tilespmem:s11+$0x0]  }
0x363: {  	v7 =	vld [tilespmem:s11+$0xFFFFFFD0]  }
0x364: {  	v8 =	vld [tilespmem:s11+$0x10]  }
0x365: {  	v9 =	vld [tilespmem:s11+$0xFFFFFFF0]  }
0x366: {  	v10 =	vld [tilespmem:s6+$0xFFFFFFE0]  }
0x367: {  	v11 =	vld [tilespmem:s6+$0xFFFFFFC0];
	[tilespmem:s7+$0x0] =	vst v5  }
0x368: {  	[tilespmem:s7+$0xFFFFFFF0] =	vst v6  }
0x369: {  	[tilespmem:s7+$0xFFFFFFD0] =	vst v4  }
0x36a: {  	[tilespmem:s7+$0xFFFFFFA0] =	vst v7  }
0x36b: {  	[tilespmem:s7+$0xFFFFFFE0] =	vst v8  }
0x36c: {  	[tilespmem:s7+$0xFFFFFFC0] =	vst v9  }
0x36d: {  	[tilespmem:s7+$0xFFFFFFB0] =	vst v10  }
0x36e: {  	[tilespmem:s7+$0xFFFFFF90] =	vst v11  }
0x36f: {  	v4 =	vld [tilespmem:s6+$0xB1]  }
0x370: {  	v5 =	vld [tilespmem:s6+$0xA1]  }
0x371: {  	v7 =	vld [tilespmem:s6+$0x41]  }
0x372: {  	v8 =	vld [tilespmem:s6+$0x51]  }
0x373: {  	v9 =	vld [tilespmem:s6+$0x61]  }
0x374: {  	v10 =	vld [tilespmem:s6+$0x71]  }
0x375: {  	v11 =	vld [tilespmem:s6+$0x81]  }
0x376: {  	v6 =	vld [tilespmem:s6+$0x91];
	[tilespmem:$0x18100] =	vst v7  }
0x377: {  	[tilespmem:$0x18110] =	vst v8  }
0x378: {  	[tilespmem:$0x18120] =	vst v9  }
0x379: {  	v58 =	vld [tilespmem:$0x1D3BF];
	[tilespmem:$0x18130] =	vst v10  }
0x37a: {  	v59 =	vld [tilespmem:$0x1D3CF];
	[tilespmem:$0x18140] =	vst v11  }
0x37b: {  	v60 =	vld [tilespmem:$0x1D3DF];
	[tilespmem:$0x18150] =	vst v6  }
0x37c: {  	v61 =	vld [tilespmem:$0x1D40F];
	[tilespmem:$0x18160] =	vst v5  }
0x37d: {  	v62 =	vld [tilespmem:$0x1D41F];
	[tilespmem:$0x18170] =	vst v4  }
0x37e: {  	v63 =	vld [tilespmem:$0x1D42F];
	[tilespmem:$0x18180] =	vst v58  }
0x37f: {  	v5 =	vld [tilespmem:$0x1D3EF];
	[tilespmem:$0x18190] =	vst v59  }
0x380: {  	s25 =	sadd.s32 $0x1, s25;
	v4 =	vld [tilespmem:$0x1D3FF];
	[tilespmem:$0x181A0] =	vst v60  }
0x381: {  	p0 =	sne.s32 s25, $0x32;
	[tilespmem:$0x181D0] =	vst v61  }
.Ltmp8:
0x382: {  	s31 =	sshll.u32 s31, $0x12;
	[tilespmem:$0x181E0] =	vst v62;
	(pc) =	sbr.rel @p0 .LBB2_2-.Ltmp8, $4  }
0x383: {  	s6 =	sor.u32 s8, s31;
	[tilespmem:$0x181F0] =	vst v63  }
0x384: {  	s6 =	sshrl.u32 s6, $0x3;
	[tilespmem:$0x181B0] =	vst v5  }
0x385: {  	s6 =	sadd.s32 s3, s6;
	[tilespmem:$0x181C0] =	vst v4  }
0x386: {  	[hbm4b:s6+s29] =	stream.strided.scatter [tilespmem:s21], [sflag:$0xC], $0x2000, s30, s29, $0x38;
	[tilespmem:$0x1D480] =	vst v63  }
0x387: {  	s6 =	simm.s32 $0x9  }
0x388: {  	_ =	swait.ge [sflag:s6], $0x2000  }
0x389: {  	[sflag:s6] =	ssyncset.done $0x0  }
0x38a: {  	s25 =	simm.s32 $0xA;
	[sflag:s6] =	ssyncadd.s32 $0xFFFFE000  }
0x38b: {  	_ =	swait.ge [sflag:s25], $0x2000  }
0x38c: {  	[sflag:s25] =	ssyncset.done $0x0  }
0x38d: {  	[sflag:s25] =	ssyncadd.s32 $0xFFFFE000  }
0x38e: {  	_ =	swait.ge [sflag:s22], $0x2000  }
0x38f: {  	[sflag:s22] =	ssyncset.done $0x0  }
0x390: {  	[sflag:s22] =	ssyncadd.s32 $0xFFFFE000  }
0x391: {  	_ =	swait.ge [sflag:s23], $0x2000  }
0x392: {  	s7 =	rddreg [dreg:$0x9]  }
0x393: {  	s31 =	rddreg [dreg:$0x8];
	s7 =	sadd.s32 $0x1, s7  }
0x394: {  	p0 =	sne.s32 s7, s31  }
.Ltmp9:
0x395: {  	_ = 	snop;
	(pc) =	sbr.rel @p0 .LBB2_1-.Ltmp9, $3  }
0x396: {  	_ =	sdelay $0x1  }
0x397: {  	[sflag:s23] =	ssyncset.done $0x0  }
0x398: {  	[sflag:s23] =	ssyncadd.s32 $0xFFFFE000  }
0x399: {  	_ =	sfence.sel $0x180000  }
0x39a: {  	[bflag:$0x0] =	sbarrier.arrive $0xFFFF  }
0x39b: {  	_ =	strace $0x90000047  }
0x39c: {  	s0 =	stileid.u32;
	[bflag:$0x2] =	sbarrier.arrive $0xFFFF  }
0x39d: {  	p0 =	sne.s32 s0, $0x0;
	s0 =	rddreg [dreg:$0x3]  }
0x39e: {  	s0 =	sadd.s32 @!p0 $0x100000, s0  }
0x39f: {  	[sflag:s0] =	ssyncadd.tile.s32 @!p0 $0x1;
	_ =	shalt  }
.Lfunc_end2:
_tile_overlayer_lowered:
.L_overlay_start_2:
0x3a0: {  	(tag) =	ssettag $0x2  }
0x3a1: {  	s0 =	rddreg [dreg:$0x0];
	s2 =	stileid.u32  }
0x3a2: {  	s1 =	rddreg [dreg:$0x1];
	p0 =	sne.s32 s2, $0x0  }
0x3a3: {  	s3 =	rddreg [dreg:$0x2];
	[bflag:$0x3] =	sbarrier.arrive $0xFFFF;
	s2 =	simm.s32 @!p0 $0x1C0D  }
0x3a4: {  	[timem:s3], [sflag:s2] =	dma.local @!p0 [hbm:s0], s1  }
0x3a5: {  	s0 =	simm.s32 @!p0 $0xD  }
0x3a6: {  	_ =	swait.ge @!p0 [sflag:s0], s1  }
0x3a7: {  	s1 =	ssub.s32 @!p0 $0x0, s1;
	[sflag:s0] =	ssyncset.done @!p0 $0x0  }
0x3a8: {  	[sflag:s0] =	ssyncadd.s32 @!p0 s1  }
0x3a9: {  	[bflag:$0x3] =	sbarrier.arrive $0xFFFF  }
0x3aa: {  	_ =	shalt  }

</sc_bundles>
